<compile_context>
chip_gen: v7x
topology: tpu7x:2x2x1
jax: 0.10.2.dev20260603
libtpu: 0.0.44.dev20260713+nightly
codegen_flags: <defaults>
</compile_context>

<pallas_src>
import dataclasses
import functools

import jax
import jax.numpy as jnp
from jax import lax
from jax.experimental import pallas as pl
from jax.experimental.pallas import tpu as pltpu
from jax.experimental.pallas import tpu_sc as plsc

B = 1024
D = 64
S = 8
L = 16
NC = 2
NS = 16
NW = NC * NS
BPW = B // NW
NP = BPW * S
CH = 32
NCH = NP // CH


def _sc_gather_pool(user_idx, item_idx, item_emb, user_emb, adj_item, adj_adam):
    mesh = plsc.VectorSubcoreMesh(core_axis_name="c", subcore_axis_name="s")
    out_type = (
        jax.ShapeDtypeStruct((B, D), jnp.float32),
        jax.ShapeDtypeStruct((B, D), jnp.float32),
        jax.ShapeDtypeStruct((B * S, D), jnp.float32),
        jax.ShapeDtypeStruct((B * S,), jnp.float32),
        jax.ShapeDtypeStruct((B * S, D), jnp.float32),
        jax.ShapeDtypeStruct((B * S * S,), jnp.float32),
    )
    scratch = [
        pltpu.VMEM((BPW,), jnp.int32),
        pltpu.VMEM((BPW,), jnp.int32),
        pltpu.VMEM((BPW, D), jnp.float32),
        pltpu.VMEM((BPW, D), jnp.float32),
        pltpu.VMEM((BPW, S), jnp.int32),
        pltpu.VMEM((BPW * S,), jnp.int32),
        pltpu.VMEM((BPW, S), jnp.float32),
        pltpu.VMEM((BPW * S,), jnp.float32),
        pltpu.VMEM((NP, S), jnp.int32),
        pltpu.VMEM((NP * S,), jnp.int32),
        pltpu.VMEM((NP, S), jnp.float32),
        pltpu.VMEM((NP * S,), jnp.float32),
        pltpu.VMEM((NP, D), jnp.float32),
        pltpu.VMEM((CH * S, D), jnp.float32),
        pltpu.VMEM((CH * S, D), jnp.float32),
        pltpu.VMEM((NP, D), jnp.float32),
        pltpu.SemaphoreType.DMA,
        pltpu.SemaphoreType.DMA,
        pltpu.SemaphoreType.DMA,
        pltpu.SemaphoreType.DMA,
        pltpu.SemaphoreType.DMA,
    ]

    cp = pltpu.CompilerParams(needs_layout_passes=False,
                              use_tc_tiling_on_sc=False)

    @functools.partial(pl.kernel, mesh=mesh, out_type=out_type,
                       scratch_types=scratch, compiler_params=cp)
    def k(uidx_h, iidx_h, item_h, user_h, adji_h, adja_h,
          u_o, iv0_o, iv1_o, ew1_o, acc2_o, ew2_o,
          uidx, iidx, urows, iv0rows, e1, e1f, a1, ew1f,
          e2, e2f, a2, ew2f, iv1rows, ivb0, ivb1, accb,
          sem_u, sem_i0, sem_iv1, sem_a, sem_b):
        wid = lax.axis_index("s") * NC + lax.axis_index("c")
        base = wid * BPW
        lane = lax.iota(jnp.int32, L)
        lrow = lane // S
        lcol = lane % S

        pltpu.sync_copy(uidx_h.at[pl.ds(base, BPW)], uidx)
        pltpu.sync_copy(iidx_h.at[pl.ds(base, BPW)], iidx)
        cp_u = pltpu.async_copy(user_h.at[uidx], urows, sem_u)
        cp_i0 = pltpu.async_copy(item_h.at[iidx], iv0rows, sem_i0)
        pltpu.sync_copy(adji_h.at[iidx], e1)
        pltpu.sync_copy(adja_h.at[iidx], a1)

        @pl.loop(0, (BPW * S) // L)
        def _(i):
            r = 2 * i + lrow
            e1f[pl.ds(i * L, L)] = plsc.load_gather(e1, [r, lcol])
            ew1f[pl.ds(i * L, L)] = jnp.exp(plsc.load_gather(a1, [r, lcol]))

        cp_iv1 = pltpu.async_copy(item_h.at[e1f], iv1rows, sem_iv1)
        pltpu.sync_copy(adji_h.at[e1f], e2)
        pltpu.sync_copy(adja_h.at[e1f], a2)

        @pl.loop(0, (NP * S) // L)
        def _(i):
            r = 2 * i + lrow
            e2f[pl.ds(i * L, L)] = plsc.load_gather(e2, [r, lcol])
            ew2f[pl.ds(i * L, L)] = jnp.exp(plsc.load_gather(a2, [r, lcol]))

        pltpu.sync_copy(ew1f, ew1_o.at[pl.ds(base * S, BPW * S)])
        pltpu.sync_copy(ew2f, ew2_o.at[pl.ds(base * S * S, NP * S)])
        cp_u.wait()
        pltpu.sync_copy(urows, u_o.at[pl.ds(base, BPW)])
        cp_i0.wait()
        pltpu.sync_copy(iv0rows, iv0_o.at[pl.ds(base, BPW)])
        cp_iv1.wait()
        pltpu.sync_copy(iv1rows, iv1_o.at[pl.ds(base * S, NP)])

        bufs = (ivb0, ivb1)
        sems = (sem_a, sem_b)
        cps = [None, None]
        cps[0] = pltpu.async_copy(
            item_h.at[e2f.at[pl.ds(0, CH * S)]], bufs[0], sems[0])
        for c in range(NCH):
            if c + 1 < NCH:
                cps[(c + 1) % 2] = pltpu.async_copy(
                    item_h.at[e2f.at[pl.ds((c + 1) * CH * S, CH * S)]],
                    bufs[(c + 1) % 2], sems[(c + 1) % 2])
            cps[c % 2].wait()
            buf = bufs[c % 2]

            @pl.loop(0, CH)
            def _(p, c=c, buf=buf):
                pair = c * CH + p
                wbase = pair * S
                ws = [
                    plsc.load_gather(
                        ew2f, [jnp.full((L,), wbase + s, jnp.int32)])
                    for s in range(S)
                ]
                for f in range(D // L):
                    acc = ws[0] * buf[p * S, pl.ds(f * L, L)]
                    for s in range(1, S):
                        acc = acc + ws[s] * buf[p * S + s, pl.ds(f * L, L)]
                    accb[pair, pl.ds(f * L, L)] = acc

        pltpu.sync_copy(accb, acc2_o.at[pl.ds(base * S, NP)])

    return k(user_idx, item_idx, item_emb, user_emb, adj_item, adj_adam)


def _tc_mlp(u, iv0, iv1, ew1, ew1f, acc2, ew2,
            pool_W, pool_b, fc1_W, fc1_b, fc2_W, fc2_b):
    BB = 256
    SD = jnp.float32

    def body(u_r, iv0_r, iv1_r, ew1_r, ew1f_r, acc2_r, ew2_r,
             pW_r, pb_r, f1W_r, f1b_r, f2W_r, f2b_r, o_r):
        dot = functools.partial(jnp.dot, preferred_element_type=SD,
                                precision=lax.Precision.HIGHEST)
        Wt = pW_r[:D, :]
        Wb = pW_r[D:, :]
        pb = pb_r[0, :]
        ew2 = ew2_r[...]
        den2 = jnp.sum(ew2, axis=1, keepdims=True)
        pooled2 = acc2_r[...] / (S * den2)
        iv1 = iv1_r[...]
        h1 = jnp.maximum(dot(iv1, Wt) + dot(pooled2, Wb) + pb, 0.0)
        den1 = jnp.sum(ew1_r[...], axis=1, keepdims=True)
        w1f = ew1f_r[...]
        pooled1 = jnp.sum((w1f * iv1).reshape(BB, S, D), axis=1) / (S * den1)
        h0 = jnp.maximum(dot(iv0_r[...], Wt) + dot(pooled1, Wb) + pb, 0.0)
        hp = jnp.sum((w1f * h1).reshape(BB, S, D), axis=1) / (S * den1)
        fin = jnp.maximum(dot(h0, Wt) + dot(hp, Wb) + pb, 0.0)
        z = jnp.maximum(dot(u_r[...], f1W_r[:D, :]) + dot(fin, f1W_r[D:, :])
                        + f1b_r[0, :], 0.0)
        o_r[...] = dot(z, f2W_r[...]) + f2b_r[0, :]

    return pl.pallas_call(
        body,
        grid=(B // BB,),
        in_specs=[
            pl.BlockSpec((BB, D), lambda i: (i, 0)),
            pl.BlockSpec((BB, D), lambda i: (i, 0)),
            pl.BlockSpec((BB * S, D), lambda i: (i, 0)),
            pl.BlockSpec((BB, S), lambda i: (i, 0)),
            pl.BlockSpec((BB * S, 1), lambda i: (i, 0)),
            pl.BlockSpec((BB * S, D), lambda i: (i, 0)),
            pl.BlockSpec((BB * S, S), lambda i: (i, 0)),
            pl.BlockSpec((2 * D, D), lambda i: (0, 0)),
            pl.BlockSpec((1, D), lambda i: (0, 0)),
            pl.BlockSpec((2 * D, 32), lambda i: (0, 0)),
            pl.BlockSpec((1, 32), lambda i: (0, 0)),
            pl.BlockSpec((32, 2), lambda i: (0, 0)),
            pl.BlockSpec((1, 2), lambda i: (0, 0)),
        ],
        out_specs=pl.BlockSpec((BB, 2), lambda i: (i, 0)),
        out_shape=jax.ShapeDtypeStruct((B, 2), jnp.float32),
    )(u, iv0, iv1, ew1, ew1f, acc2, ew2, pool_W, pool_b.reshape(1, D),
      fc1_W, fc1_b.reshape(1, 32), fc2_W, fc2_b.reshape(1, 2))


def kernel(inputs, item_emb, user_emb, adj_item, adj_adam,
           pool_W, pool_b, fc1_W, fc1_b, fc2_W, fc2_b):
    user_idx = inputs[:, 0].astype(jnp.int32)
    item_idx = inputs[:, 1].astype(jnp.int32)
    u, iv0, iv1, ew1f, acc2, ew2f = _sc_gather_pool(
        user_idx, item_idx, item_emb, user_emb,
        adj_item.astype(jnp.int32), adj_adam)
    ew1 = ew1f.reshape(B, S)
    ew2 = ew2f.reshape(B * S, S)
    return _tc_mlp(u, iv0, iv1, ew1, ew1f.reshape(B * S, 1), acc2, ew2,
                   pool_W, pool_b, fc1_W, fc1_b, fc2_W, fc2_b)

# --- scband reference (transcript-rebuilt; emitter-appended) ---
"""Pipeline reference for scband-tscn-16965120819394 (READ-ONLY COPY).

The authoritative reference and input builder live on the scoring server;
editing this copy changes nothing except your own understanding.
"""

import jax, jax.numpy as jnp
import numpy as np

B = 1024
D = 64
S = 8
K = 2
N_ITEM = 100000
N_USER = 10000


def setup_inputs(seed: int = 0):
    key = jax.random.key(seed)
    ks = jax.random.split(key, 12)
    inputs = jax.random.randint(ks[0], (B, 2), 0, N_USER)
    item_emb = (jax.random.normal(ks[1], (N_ITEM, D), dtype=jnp.float32) * 0.1)
    user_emb = (jax.random.normal(ks[2], (N_USER, D), dtype=jnp.float32) * 0.1)
    adj_item = jax.random.randint(ks[3], (N_ITEM, S), 0, N_ITEM)
    adj_adam = jax.random.uniform(ks[4], (N_ITEM, S), dtype=jnp.float32)
    pool_W = jax.random.normal(ks[5], (2 * D, D), dtype=jnp.float32) * (1.0 / np.sqrt(2 * D))
    pool_b = jax.random.normal(ks[6], (D,), dtype=jnp.float32) * 0.01
    fc1_W = jax.random.normal(ks[7], (2 * D, 32), dtype=jnp.float32) * (1.0 / np.sqrt(2 * D))
    fc1_b = jnp.zeros((32,), dtype=jnp.float32)
    fc2_W = jax.random.normal(ks[8], (32, 2), dtype=jnp.float32) * (1.0 / np.sqrt(32))
    fc2_b = jnp.zeros((2,), dtype=jnp.float32)
    return {"inputs": inputs, "item_emb": item_emb, "user_emb": user_emb,
            "adj_item": adj_item, "adj_adam": adj_adam,
            "pool_W": pool_W, "pool_b": pool_b,
            "fc1_W": fc1_W, "fc1_b": fc1_b, "fc2_W": fc2_W, "fc2_b": fc2_b}


def _adamic_pool(self_v, neigh_v, adams, W, b):
    # softmax over the sampled-neighbor axis, weight neighbors, mean-pool
    a = jax.nn.softmax(adams, axis=2)[..., None]
    pooled = jnp.mean(a * neigh_v, axis=2)
    out = jnp.concatenate([self_v, pooled], axis=2)
    out = out.reshape(-1, W.shape[0]) @ W + b
    out = out.reshape(self_v.shape[0], -1, W.shape[1])
    return jax.nn.relu(out)


def reference(inputs, item_emb, user_emb, adj_item, adj_adam,
              pool_W, pool_b, fc1_W, fc1_b, fc2_W, fc2_b):
    user_idx = inputs[:, 0]
    item_idx = inputs[:, 1]
    u = user_emb[user_idx]                                   # [B, D]
    # get_childnodes: k=2 hop expansion via adjacency gathers
    v0 = item_idx[:, None]                                   # [B, 1]
    e1 = adj_item[v0.reshape(-1)].reshape(B, -1)             # [B, S]
    a1 = adj_adam[v0.reshape(-1)].reshape(B, -1)             # [B, S]
    e2 = adj_item[e1.reshape(-1)].reshape(B, -1)             # [B, S*S]
    a2 = adj_adam[e1.reshape(-1)].reshape(B, -1)             # [B, S*S]
    iv0 = item_emb[v0]                                       # [B, 1, D]
    iv1 = item_emb[e1]                                       # [B, S, D]
    iv2 = item_emb[e2]                                       # [B, S*S, D]
    # pooling_and_convolution (adamic), iteration i=0 over hops 0..1
    h0 = _adamic_pool(iv0, iv1.reshape(B, -1, S, D), a1.reshape(B, -1, S), pool_W, pool_b)
    h1 = _adamic_pool(iv1, iv2.reshape(B, -1, S, D), a2.reshape(B, -1, S), pool_W, pool_b)
    # iteration i=1, hop 0
    final = _adamic_pool(h0, h1.reshape(B, -1, S, D), a1.reshape(B, -1, S), pool_W, pool_b)
    item_vec = final.reshape(B, D)
    out = jnp.concatenate([u, item_vec], axis=-1)            # [B, 2D]
    out = jax.nn.relu(out @ fc1_W + fc1_b)
    out = out @ fc2_W + fc2_b
    return out

if __name__ == "__main__":
    import jax
    _d = setup_inputs()
    print(jax.jit(kernel)(*tuple(_d.values())))

</pallas_src>

<mosaic_0001>
#map = affine_map<(d0, d1) -> (0)>
#map1 = affine_map<(d0, d1) -> (0, 0)>
module attributes {stable_mosaic.version = 14 : i64} {
  func.func @k(%arg0: i32, %arg1: i32, %arg2: memref<1024xi32, #tpu.memory_space<hbm>>, %arg3: memref<1024xi32, #tpu.memory_space<hbm>>, %arg4: memref<100000x64xf32, #tpu.memory_space<hbm>>, %arg5: memref<10000x64xf32, #tpu.memory_space<hbm>>, %arg6: memref<100000x8xi32, #tpu.memory_space<hbm>>, %arg7: memref<100000x8xf32, #tpu.memory_space<hbm>>, %arg8: memref<1024x64xf32, #tpu.memory_space<hbm>>, %arg9: memref<1024x64xf32, #tpu.memory_space<hbm>>, %arg10: memref<8192x64xf32, #tpu.memory_space<hbm>>, %arg11: memref<8192xf32, #tpu.memory_space<hbm>>, %arg12: memref<8192x64xf32, #tpu.memory_space<hbm>>, %arg13: memref<65536xf32, #tpu.memory_space<hbm>>, %arg14: memref<32xi32, #tpu.memory_space<vmem>>, %arg15: memref<32xi32, #tpu.memory_space<vmem>>, %arg16: memref<32x64xf32, #tpu.memory_space<vmem>>, %arg17: memref<32x64xf32, #tpu.memory_space<vmem>>, %arg18: memref<32x8xi32, #tpu.memory_space<vmem>>, %arg19: memref<256xi32, #tpu.memory_space<vmem>>, %arg20: memref<32x8xf32, #tpu.memory_space<vmem>>, %arg21: memref<256xf32, #tpu.memory_space<vmem>>, %arg22: memref<256x8xi32, #tpu.memory_space<vmem>>, %arg23: memref<2048xi32, #tpu.memory_space<vmem>>, %arg24: memref<256x8xf32, #tpu.memory_space<vmem>>, %arg25: memref<2048xf32, #tpu.memory_space<vmem>>, %arg26: memref<256x64xf32, #tpu.memory_space<vmem>>, %arg27: memref<256x64xf32, #tpu.memory_space<vmem>>, %arg28: memref<256x64xf32, #tpu.memory_space<vmem>>, %arg29: memref<256x64xf32, #tpu.memory_space<vmem>>, %arg30: memref<!tpu.dma_semaphore, #tpu.memory_space<semaphore_mem>>, %arg31: memref<!tpu.dma_semaphore, #tpu.memory_space<semaphore_mem>>, %arg32: memref<!tpu.dma_semaphore, #tpu.memory_space<semaphore_mem>>, %arg33: memref<!tpu.dma_semaphore, #tpu.memory_space<semaphore_mem>>, %arg34: memref<!tpu.dma_semaphore, #tpu.memory_space<semaphore_mem>>) attributes {dimension_semantics = [#tpu.dimension_semantics<core_parallel>, #tpu.dimension_semantics<subcore_parallel>], iteration_bounds = array<i64: 2, 16>, scalar_prefetch = 0 : i64, scratch_operands = 21 : i64, tpu.core_type = #tpu.core_type<sc_vector_subcore>, window_params = [{transform_indices = #map}, {transform_indices = #map}, {transform_indices = #map1}, {transform_indices = #map1}, {transform_indices = #map1}, {transform_indices = #map1}, {transform_indices = #map1}, {transform_indices = #map1}, {transform_indices = #map1}, {transform_indices = #map}, {transform_indices = #map1}, {transform_indices = #map}]} {
    %mul3A = arith.constant 2 : i32
    %mul3A_0 = arith.muli %arg1, %mul3A : i32
    %add3A = arith.addi %mul3A_0, %arg0 : i32
    %mul3A_1 = arith.constant 32 : i32
    %mul3A_2 = arith.muli %add3A, %mul3A_1 : i32
    %iota3A = tpu.iota {dimensions = array<i32: 0>} : vector<16xi32>
    %jit3A = arith.constant 8 : i32
    %div3A = vector.broadcast %jit3A : i32 to vector<16xi32>
    %div3A_3 = arith.divsi %iota3A, %div3A : vector<16xi32>
    %sign3A = arith.constant 0 : i32
    %sign3A_4 = vector.broadcast %sign3A : i32 to vector<16xi32>
    %sign3A_5 = arith.cmpi sgt, %iota3A, %sign3A_4 : vector<16xi32>
    %sign3A_6 = arith.extui %sign3A_5 : vector<16xi1> to vector<16xi32>
    %sign3A_7 = arith.constant 0 : i32
    %sign3A_8 = vector.broadcast %sign3A_7 : i32 to vector<16xi32>
    %sign3A_9 = arith.cmpi slt, %iota3A, %sign3A_8 : vector<16xi32>
    %sign3A_10 = arith.extui %sign3A_9 : vector<16xi1> to vector<16xi32>
    %sign3A_11 = arith.subi %sign3A_6, %sign3A_10 : vector<16xi32>
    %sign3A_12 = arith.constant 0 : i32
    %sign3A_13 = arith.cmpi sgt, %jit3A, %sign3A_12 : i32
    %sign3A_14 = arith.extui %sign3A_13 : i1 to i32
    %sign3A_15 = arith.constant 0 : i32
    %sign3A_16 = arith.cmpi slt, %jit3A, %sign3A_15 : i32
    %sign3A_17 = arith.extui %sign3A_16 : i1 to i32
    %sign3A_18 = arith.subi %sign3A_14, %sign3A_17 : i32
    %ne3A = vector.broadcast %sign3A_18 : i32 to vector<16xi32>
    %ne3A_19 = arith.cmpi ne, %sign3A_11, %ne3A : vector<16xi32>
    %rem3A = vector.broadcast %jit3A : i32 to vector<16xi32>
    %rem3A_20 = arith.remsi %iota3A, %rem3A : vector<16xi32>
    %ne3A_21 = arith.constant 0 : i32
    %ne3A_22 = vector.broadcast %ne3A_21 : i32 to vector<16xi32>
    %ne3A_23 = arith.cmpi ne, %rem3A_20, %ne3A_22 : vector<16xi32>
    %and3A = arith.andi %ne3A_19, %ne3A_23 : vector<16xi1>
    %sub3A = arith.constant 1 : i32
    %sub3A_24 = vector.broadcast %sub3A : i32 to vector<16xi32>
    %sub3A_25 = arith.subi %div3A_3, %sub3A_24 : vector<16xi32>
    %select_n3A = arith.select %and3A, %sub3A_25, %div3A_3 : vector<16xi1>, vector<16xi32>
    %jit3A_26 = arith.constant 8 : i32
    %eq3A = arith.constant 0 : i32
    %eq3A_27 = arith.cmpi eq, %jit3A_26, %eq3A : i32
    %jit3A_28 = arith.constant 1 : i32
    %select_n3A_29 = arith.select %eq3A_27, %jit3A_28, %jit3A_26 : i32
    %rem3A_30 = vector.broadcast %select_n3A_29 : i32 to vector<16xi32>
    %rem3A_31 = arith.remsi %iota3A, %rem3A_30 : vector<16xi32>
    %ne3A_32 = arith.constant 0 : i32
    %ne3A_33 = vector.broadcast %ne3A_32 : i32 to vector<16xi32>
    %ne3A_34 = arith.cmpi ne, %rem3A_31, %ne3A_33 : vector<16xi32>
    %lt3A = arith.constant 0 : i32
    %lt3A_35 = vector.broadcast %lt3A : i32 to vector<16xi32>
    %lt3A_36 = arith.cmpi slt, %rem3A_31, %lt3A_35 : vector<16xi32>
    %lt3A_37 = arith.constant 0 : i32
    %lt3A_38 = arith.cmpi slt, %select_n3A_29, %lt3A_37 : i32
    %ne3A_39 = vector.broadcast %lt3A_38 : i1 to vector<16xi1>
    %ne3A_40 = vector.broadcast %ne3A_39 : vector<16xi1> to vector<16xi1>
    %ne3A_41 = arith.xori %lt3A_36, %ne3A_40 : vector<16xi1>
    %and3A_42 = arith.andi %ne3A_41, %ne3A_34 : vector<16xi1>
    %add3A_43 = vector.broadcast %select_n3A_29 : i32 to vector<16xi32>
    %add3A_44 = arith.addi %rem3A_31, %add3A_43 : vector<16xi32>
    %select_n3A_45 = arith.select %and3A_42, %add3A_44, %rem3A_31 : vector<16xi1>, vector<16xi32>
    "tpu.region"() ({
      %run_scoped3A = tpu.sem_alloc : memref<!tpu.dma_semaphore, #tpu.memory_space<semaphore_mem>>
      %dma_start3A_201 = tpu.memref_slice %arg2[%mul3A_2] : memref<1024xi32, #tpu.memory_space<hbm>> -> memref<32xi32, #tpu.memory_space<hbm>>
      %dma_start3A_202 = tpu.memref_slice %arg2[%mul3A_2] : memref<1024xi32, #tpu.memory_space<hbm>> -> memref<32xi32, #tpu.memory_space<hbm>>
      tpu.enqueue_dma source(%dma_start3A_202 : memref<32xi32, #tpu.memory_space<hbm>>) target(%arg14 : memref<32xi32, #tpu.memory_space<vmem>>) target_semaphore(%run_scoped3A : memref<!tpu.dma_semaphore, #tpu.memory_space<semaphore_mem>>)
      %dma_wait3A_203 = tpu.memref_slice %arg2[%mul3A_2] : memref<1024xi32, #tpu.memory_space<hbm>> -> memref<32xi32, #tpu.memory_space<hbm>>
      %dma_wait3A_204 = tpu.memref_slice %arg2[%mul3A_2] : memref<1024xi32, #tpu.memory_space<hbm>> -> memref<32xi32, #tpu.memory_space<hbm>>
      tpu.wait_dma2 semaphore(%run_scoped3A : memref<!tpu.dma_semaphore, #tpu.memory_space<semaphore_mem>>) src(%dma_wait3A_204 : memref<32xi32, #tpu.memory_space<hbm>>) dst(%arg14 : memref<32xi32, #tpu.memory_space<vmem>>)
      tpu.yield
    }) : () -> ()
    "tpu.region"() ({
      %run_scoped3A = tpu.sem_alloc : memref<!tpu.dma_semaphore, #tpu.memory_space<semaphore_mem>>
      %dma_start3A_201 = tpu.memref_slice %arg3[%mul3A_2] : memref<1024xi32, #tpu.memory_space<hbm>> -> memref<32xi32, #tpu.memory_space<hbm>>
      %dma_start3A_202 = tpu.memref_slice %arg3[%mul3A_2] : memref<1024xi32, #tpu.memory_space<hbm>> -> memref<32xi32, #tpu.memory_space<hbm>>
      tpu.enqueue_dma source(%dma_start3A_202 : memref<32xi32, #tpu.memory_space<hbm>>) target(%arg15 : memref<32xi32, #tpu.memory_space<vmem>>) target_semaphore(%run_scoped3A : memref<!tpu.dma_semaphore, #tpu.memory_space<semaphore_mem>>)
      %dma_wait3A_203 = tpu.memref_slice %arg3[%mul3A_2] : memref<1024xi32, #tpu.memory_space<hbm>> -> memref<32xi32, #tpu.memory_space<hbm>>
      %dma_wait3A_204 = tpu.memref_slice %arg3[%mul3A_2] : memref<1024xi32, #tpu.memory_space<hbm>> -> memref<32xi32, #tpu.memory_space<hbm>>
      tpu.wait_dma2 semaphore(%run_scoped3A : memref<!tpu.dma_semaphore, #tpu.memory_space<semaphore_mem>>) src(%dma_wait3A_204 : memref<32xi32, #tpu.memory_space<hbm>>) dst(%arg15 : memref<32xi32, #tpu.memory_space<vmem>>)
      tpu.yield
    }) : () -> ()
    %dma_start3A = arith.constant 0 : i32
    %dma_start3A_46 = arith.constant 0 : i32
    %dma_start3A_47 = tpu.memref_slice %arg5[%dma_start3A, %dma_start3A_46] : memref<10000x64xf32, #tpu.memory_space<hbm>> -> memref<10000x64xf32, #tpu.memory_space<hbm>>
    tpu.enqueue_indirect_dma source(%dma_start3A_47 : memref<10000x64xf32, #tpu.memory_space<hbm>>) target(%arg16 : memref<32x64xf32, #tpu.memory_space<vmem>>) offsets(%arg14 : memref<32xi32, #tpu.memory_space<vmem>>) semaphore(%arg30 : memref<!tpu.dma_semaphore, #tpu.memory_space<semaphore_mem>>)
    %dma_start3A_48 = arith.constant 0 : i32
    %dma_start3A_49 = arith.constant 0 : i32
    %dma_start3A_50 = tpu.memref_slice %arg4[%dma_start3A_48, %dma_start3A_49] : memref<100000x64xf32, #tpu.memory_space<hbm>> -> memref<100000x64xf32, #tpu.memory_space<hbm>>
    tpu.enqueue_indirect_dma source(%dma_start3A_50 : memref<100000x64xf32, #tpu.memory_space<hbm>>) target(%arg17 : memref<32x64xf32, #tpu.memory_space<vmem>>) offsets(%arg15 : memref<32xi32, #tpu.memory_space<vmem>>) semaphore(%arg31 : memref<!tpu.dma_semaphore, #tpu.memory_space<semaphore_mem>>)
    "tpu.region"() ({
      %run_scoped3A = tpu.sem_alloc : memref<!tpu.dma_semaphore, #tpu.memory_space<semaphore_mem>>
      %dma_start3A_201 = arith.constant 0 : i32
      %dma_start3A_202 = arith.constant 0 : i32
      %dma_start3A_203 = tpu.memref_slice %arg6[%dma_start3A_201, %dma_start3A_202] : memref<100000x8xi32, #tpu.memory_space<hbm>> -> memref<100000x8xi32, #tpu.memory_space<hbm>>
      tpu.enqueue_indirect_dma source(%dma_start3A_203 : memref<100000x8xi32, #tpu.memory_space<hbm>>) target(%arg18 : memref<32x8xi32, #tpu.memory_space<vmem>>) offsets(%arg15 : memref<32xi32, #tpu.memory_space<vmem>>) semaphore(%run_scoped3A : memref<!tpu.dma_semaphore, #tpu.memory_space<semaphore_mem>>)
      %dma_wait3A_204 = arith.constant 0 : i32
      %dma_wait3A_205 = arith.constant 0 : i32
      %dma_wait3A_206 = tpu.memref_slice %arg6[%dma_wait3A_204, %dma_wait3A_205] : memref<100000x8xi32, #tpu.memory_space<hbm>> -> memref<100000x8xi32, #tpu.memory_space<hbm>>
      tpu.wait_indirect_dma semaphore(%run_scoped3A : memref<!tpu.dma_semaphore, #tpu.memory_space<semaphore_mem>>) src(%dma_wait3A_206 : memref<100000x8xi32, #tpu.memory_space<hbm>>) dst(%arg18 : memref<32x8xi32, #tpu.memory_space<vmem>>)
      tpu.yield
    }) : () -> ()
    "tpu.region"() ({
      %run_scoped3A = tpu.sem_alloc : memref<!tpu.dma_semaphore, #tpu.memory_space<semaphore_mem>>
      %dma_start3A_201 = arith.constant 0 : i32
      %dma_start3A_202 = arith.constant 0 : i32
      %dma_start3A_203 = tpu.memref_slice %arg7[%dma_start3A_201, %dma_start3A_202] : memref<100000x8xf32, #tpu.memory_space<hbm>> -> memref<100000x8xf32, #tpu.memory_space<hbm>>
      tpu.enqueue_indirect_dma source(%dma_start3A_203 : memref<100000x8xf32, #tpu.memory_space<hbm>>) target(%arg20 : memref<32x8xf32, #tpu.memory_space<vmem>>) offsets(%arg15 : memref<32xi32, #tpu.memory_space<vmem>>) semaphore(%run_scoped3A : memref<!tpu.dma_semaphore, #tpu.memory_space<semaphore_mem>>)
      %dma_wait3A_204 = arith.constant 0 : i32
      %dma_wait3A_205 = arith.constant 0 : i32
      %dma_wait3A_206 = tpu.memref_slice %arg7[%dma_wait3A_204, %dma_wait3A_205] : memref<100000x8xf32, #tpu.memory_space<hbm>> -> memref<100000x8xf32, #tpu.memory_space<hbm>>
      tpu.wait_indirect_dma semaphore(%run_scoped3A : memref<!tpu.dma_semaphore, #tpu.memory_space<semaphore_mem>>) src(%dma_wait3A_206 : memref<100000x8xf32, #tpu.memory_space<hbm>>) dst(%arg20 : memref<32x8xf32, #tpu.memory_space<vmem>>)
      tpu.yield
    }) : () -> ()
    %scan3A = arith.constant 0 : i32
    %scan3A_51 = arith.constant 16 : i32
    %scan3A_52 = arith.addi %scan3A, %scan3A_51 : i32
    %scan3A_53 = arith.constant 1 : i32
    scf.for %scan3A_201 = %scan3A to %scan3A_52 step %scan3A_53  : i32 {
      %mul3A_202 = arith.constant 1 : i32
      %mul3A_203 = arith.muli %scan3A_201, %mul3A_202 : i32
      %add3A_204 = arith.constant 0 : i32
      %add3A_205 = arith.addi %add3A_204, %mul3A_203 : i32
      %mul3A_206 = arith.constant 2 : i32
      %mul3A_207 = arith.muli %mul3A_206, %add3A_205 : i32
      %add3A_208 = vector.broadcast %mul3A_207 : i32 to vector<16xi32>
      %add3A_209 = arith.addi %add3A_208, %select_n3A : vector<16xi32>
      %gather3A = tpu.vector_load_idx %arg18[%add3A_209, %select_n3A_45] : memref<32x8xi32, #tpu.memory_space<vmem>>[vector<16xi32>, vector<16xi32>], vector<16xi32>,
      %mul3A_210 = arith.constant 16 : i32
      %mul3A_211 = arith.muli %add3A_205, %mul3A_210 : i32
      %swap3A = arith.index_cast %mul3A_211 : i32 to index
      %swap3A_212 = tpu.vector_load %arg19[%swap3A] {strides = array<i32>} : memref<256xi32, #tpu.memory_space<vmem>>, vector<16xi32>,
      tpu.vector_store %arg19[%swap3A], %gather3A {strides = array<i32>} : memref<256xi32, #tpu.memory_space<vmem>>, vector<16xi32>,
      %gather3A_213 = tpu.vector_load_idx %arg20[%add3A_209, %select_n3A_45] : memref<32x8xf32, #tpu.memory_space<vmem>>[vector<16xi32>, vector<16xi32>], vector<16xf32>,
      %exp3A = math.exp %gather3A_213 : vector<16xf32>
      %mul3A_214 = arith.constant 16 : i32
      %mul3A_215 = arith.muli %add3A_205, %mul3A_214 : i32
      %swap3A_216 = arith.index_cast %mul3A_215 : i32 to index
      %swap3A_217 = tpu.vector_load %arg21[%swap3A_216] {strides = array<i32>} : memref<256xf32, #tpu.memory_space<vmem>>, vector<16xf32>,
      tpu.vector_store %arg21[%swap3A_216], %exp3A {strides = array<i32>} : memref<256xf32, #tpu.memory_space<vmem>>, vector<16xf32>,
    }
    %scan3A_54 = arith.constant 16 : i32
    %dma_start3A_55 = arith.constant 0 : i32
    %dma_start3A_56 = arith.constant 0 : i32
    %dma_start3A_57 = tpu.memref_slice %arg4[%dma_start3A_55, %dma_start3A_56] : memref<100000x64xf32, #tpu.memory_space<hbm>> -> memref<100000x64xf32, #tpu.memory_space<hbm>>
    tpu.enqueue_indirect_dma source(%dma_start3A_57 : memref<100000x64xf32, #tpu.memory_space<hbm>>) target(%arg26 : memref<256x64xf32, #tpu.memory_space<vmem>>) offsets(%arg19 : memref<256xi32, #tpu.memory_space<vmem>>) semaphore(%arg32 : memref<!tpu.dma_semaphore, #tpu.memory_space<semaphore_mem>>)
    "tpu.region"() ({
      %run_scoped3A = tpu.sem_alloc : memref<!tpu.dma_semaphore, #tpu.memory_space<semaphore_mem>>
      %dma_start3A_201 = arith.constant 0 : i32
      %dma_start3A_202 = arith.constant 0 : i32
      %dma_start3A_203 = tpu.memref_slice %arg6[%dma_start3A_201, %dma_start3A_202] : memref<100000x8xi32, #tpu.memory_space<hbm>> -> memref<100000x8xi32, #tpu.memory_space<hbm>>
      tpu.enqueue_indirect_dma source(%dma_start3A_203 : memref<100000x8xi32, #tpu.memory_space<hbm>>) target(%arg22 : memref<256x8xi32, #tpu.memory_space<vmem>>) offsets(%arg19 : memref<256xi32, #tpu.memory_space<vmem>>) semaphore(%run_scoped3A : memref<!tpu.dma_semaphore, #tpu.memory_space<semaphore_mem>>)
      %dma_wait3A_204 = arith.constant 0 : i32
      %dma_wait3A_205 = arith.constant 0 : i32
      %dma_wait3A_206 = tpu.memref_slice %arg6[%dma_wait3A_204, %dma_wait3A_205] : memref<100000x8xi32, #tpu.memory_space<hbm>> -> memref<100000x8xi32, #tpu.memory_space<hbm>>
      tpu.wait_indirect_dma semaphore(%run_scoped3A : memref<!tpu.dma_semaphore, #tpu.memory_space<semaphore_mem>>) src(%dma_wait3A_206 : memref<100000x8xi32, #tpu.memory_space<hbm>>) dst(%arg22 : memref<256x8xi32, #tpu.memory_space<vmem>>)
      tpu.yield
    }) : () -> ()
    "tpu.region"() ({
      %run_scoped3A = tpu.sem_alloc : memref<!tpu.dma_semaphore, #tpu.memory_space<semaphore_mem>>
      %dma_start3A_201 = arith.constant 0 : i32
      %dma_start3A_202 = arith.constant 0 : i32
      %dma_start3A_203 = tpu.memref_slice %arg7[%dma_start3A_201, %dma_start3A_202] : memref<100000x8xf32, #tpu.memory_space<hbm>> -> memref<100000x8xf32, #tpu.memory_space<hbm>>
      tpu.enqueue_indirect_dma source(%dma_start3A_203 : memref<100000x8xf32, #tpu.memory_space<hbm>>) target(%arg24 : memref<256x8xf32, #tpu.memory_space<vmem>>) offsets(%arg19 : memref<256xi32, #tpu.memory_space<vmem>>) semaphore(%run_scoped3A : memref<!tpu.dma_semaphore, #tpu.memory_space<semaphore_mem>>)
      %dma_wait3A_204 = arith.constant 0 : i32
      %dma_wait3A_205 = arith.constant 0 : i32
      %dma_wait3A_206 = tpu.memref_slice %arg7[%dma_wait3A_204, %dma_wait3A_205] : memref<100000x8xf32, #tpu.memory_space<hbm>> -> memref<100000x8xf32, #tpu.memory_space<hbm>>
      tpu.wait_indirect_dma semaphore(%run_scoped3A : memref<!tpu.dma_semaphore, #tpu.memory_space<semaphore_mem>>) src(%dma_wait3A_206 : memref<100000x8xf32, #tpu.memory_space<hbm>>) dst(%arg24 : memref<256x8xf32, #tpu.memory_space<vmem>>)
      tpu.yield
    }) : () -> ()
    %scan3A_58 = arith.constant 0 : i32
    %scan3A_59 = arith.constant 128 : i32
    %scan3A_60 = arith.addi %scan3A_58, %scan3A_59 : i32
    %scan3A_61 = arith.constant 1 : i32
    scf.for %scan3A_201 = %scan3A_58 to %scan3A_60 step %scan3A_61  : i32 {
      %mul3A_202 = arith.constant 1 : i32
      %mul3A_203 = arith.muli %scan3A_201, %mul3A_202 : i32
      %add3A_204 = arith.constant 0 : i32
      %add3A_205 = arith.addi %add3A_204, %mul3A_203 : i32
      %mul3A_206 = arith.constant 2 : i32
      %mul3A_207 = arith.muli %mul3A_206, %add3A_205 : i32
      %add3A_208 = vector.broadcast %mul3A_207 : i32 to vector<16xi32>
      %add3A_209 = arith.addi %add3A_208, %select_n3A : vector<16xi32>
      %gather3A = tpu.vector_load_idx %arg22[%add3A_209, %select_n3A_45] : memref<256x8xi32, #tpu.memory_space<vmem>>[vector<16xi32>, vector<16xi32>], vector<16xi32>,
      %mul3A_210 = arith.constant 16 : i32
      %mul3A_211 = arith.muli %add3A_205, %mul3A_210 : i32
      %swap3A = arith.index_cast %mul3A_211 : i32 to index
      %swap3A_212 = tpu.vector_load %arg23[%swap3A] {strides = array<i32>} : memref<2048xi32, #tpu.memory_space<vmem>>, vector<16xi32>,
      tpu.vector_store %arg23[%swap3A], %gather3A {strides = array<i32>} : memref<2048xi32, #tpu.memory_space<vmem>>, vector<16xi32>,
      %gather3A_213 = tpu.vector_load_idx %arg24[%add3A_209, %select_n3A_45] : memref<256x8xf32, #tpu.memory_space<vmem>>[vector<16xi32>, vector<16xi32>], vector<16xf32>,
      %exp3A = math.exp %gather3A_213 : vector<16xf32>
      %mul3A_214 = arith.constant 16 : i32
      %mul3A_215 = arith.muli %add3A_205, %mul3A_214 : i32
      %swap3A_216 = arith.index_cast %mul3A_215 : i32 to index
      %swap3A_217 = tpu.vector_load %arg25[%swap3A_216] {strides = array<i32>} : memref<2048xf32, #tpu.memory_space<vmem>>, vector<16xf32>,
      tpu.vector_store %arg25[%swap3A_216], %exp3A {strides = array<i32>} : memref<2048xf32, #tpu.memory_space<vmem>>, vector<16xf32>,
    }
    %scan3A_62 = arith.constant 128 : i32
    %mul3A_63 = arith.constant 8 : i32
    %mul3A_64 = arith.muli %mul3A_2, %mul3A_63 : i32
    "tpu.region"() ({
      %run_scoped3A = tpu.sem_alloc : memref<!tpu.dma_semaphore, #tpu.memory_space<semaphore_mem>>
      %dma_start3A_201 = tpu.memref_slice %arg11[%mul3A_64] : memref<8192xf32, #tpu.memory_space<hbm>> -> memref<256xf32, #tpu.memory_space<hbm>>
      %dma_start3A_202 = tpu.memref_slice %arg11[%mul3A_64] : memref<8192xf32, #tpu.memory_space<hbm>> -> memref<256xf32, #tpu.memory_space<hbm>>
      tpu.enqueue_dma source(%arg21 : memref<256xf32, #tpu.memory_space<vmem>>) target(%dma_start3A_202 : memref<256xf32, #tpu.memory_space<hbm>>) target_semaphore(%run_scoped3A : memref<!tpu.dma_semaphore, #tpu.memory_space<semaphore_mem>>)
      %dma_wait3A_203 = tpu.memref_slice %arg11[%mul3A_64] : memref<8192xf32, #tpu.memory_space<hbm>> -> memref<256xf32, #tpu.memory_space<hbm>>
      %dma_wait3A_204 = tpu.memref_slice %arg11[%mul3A_64] : memref<8192xf32, #tpu.memory_space<hbm>> -> memref<256xf32, #tpu.memory_space<hbm>>
      tpu.wait_dma2 semaphore(%run_scoped3A : memref<!tpu.dma_semaphore, #tpu.memory_space<semaphore_mem>>) src(%arg21 : memref<256xf32, #tpu.memory_space<vmem>>) dst(%dma_wait3A_204 : memref<256xf32, #tpu.memory_space<hbm>>)
      tpu.yield
    }) : () -> ()
    %mul3A_65 = arith.constant 8 : i32
    %mul3A_66 = arith.muli %mul3A_2, %mul3A_65 : i32
    %mul3A_67 = arith.constant 8 : i32
    %mul3A_68 = arith.muli %mul3A_66, %mul3A_67 : i32
    "tpu.region"() ({
      %run_scoped3A = tpu.sem_alloc : memref<!tpu.dma_semaphore, #tpu.memory_space<semaphore_mem>>
      %dma_start3A_201 = tpu.memref_slice %arg13[%mul3A_68] : memref<65536xf32, #tpu.memory_space<hbm>> -> memref<2048xf32, #tpu.memory_space<hbm>>
      %dma_start3A_202 = tpu.memref_slice %arg13[%mul3A_68] : memref<65536xf32, #tpu.memory_space<hbm>> -> memref<2048xf32, #tpu.memory_space<hbm>>
      tpu.enqueue_dma source(%arg25 : memref<2048xf32, #tpu.memory_space<vmem>>) target(%dma_start3A_202 : memref<2048xf32, #tpu.memory_space<hbm>>) target_semaphore(%run_scoped3A : memref<!tpu.dma_semaphore, #tpu.memory_space<semaphore_mem>>)
      %dma_wait3A_203 = tpu.memref_slice %arg13[%mul3A_68] : memref<65536xf32, #tpu.memory_space<hbm>> -> memref<2048xf32, #tpu.memory_space<hbm>>
      %dma_wait3A_204 = tpu.memref_slice %arg13[%mul3A_68] : memref<65536xf32, #tpu.memory_space<hbm>> -> memref<2048xf32, #tpu.memory_space<hbm>>
      tpu.wait_dma2 semaphore(%run_scoped3A : memref<!tpu.dma_semaphore, #tpu.memory_space<semaphore_mem>>) src(%arg25 : memref<2048xf32, #tpu.memory_space<vmem>>) dst(%dma_wait3A_204 : memref<2048xf32, #tpu.memory_space<hbm>>)
      tpu.yield
    }) : () -> ()
    %dma_wait3A = arith.constant 0 : i32
    %dma_wait3A_69 = arith.constant 0 : i32
    %dma_wait3A_70 = tpu.memref_slice %arg5[%dma_wait3A, %dma_wait3A_69] : memref<10000x64xf32, #tpu.memory_space<hbm>> -> memref<10000x64xf32, #tpu.memory_space<hbm>>
    tpu.wait_indirect_dma semaphore(%arg30 : memref<!tpu.dma_semaphore, #tpu.memory_space<semaphore_mem>>) src(%dma_wait3A_70 : memref<10000x64xf32, #tpu.memory_space<hbm>>) dst(%arg16 : memref<32x64xf32, #tpu.memory_space<vmem>>)
    "tpu.region"() ({
      %run_scoped3A = tpu.sem_alloc : memref<!tpu.dma_semaphore, #tpu.memory_space<semaphore_mem>>
      %dma_start3A_201 = arith.constant 0 : i32
      %dma_start3A_202 = tpu.memref_slice %arg8[%mul3A_2, %dma_start3A_201] : memref<1024x64xf32, #tpu.memory_space<hbm>> -> memref<32x64xf32, #tpu.memory_space<hbm>>
      %dma_start3A_203 = arith.constant 0 : i32
      %dma_start3A_204 = tpu.memref_slice %arg8[%mul3A_2, %dma_start3A_203] : memref<1024x64xf32, #tpu.memory_space<hbm>> -> memref<32x64xf32, #tpu.memory_space<hbm>>
      tpu.enqueue_dma source(%arg16 : memref<32x64xf32, #tpu.memory_space<vmem>>) target(%dma_start3A_204 : memref<32x64xf32, #tpu.memory_space<hbm>>) target_semaphore(%run_scoped3A : memref<!tpu.dma_semaphore, #tpu.memory_space<semaphore_mem>>)
      %dma_wait3A_205 = arith.constant 0 : i32
      %dma_wait3A_206 = tpu.memref_slice %arg8[%mul3A_2, %dma_wait3A_205] : memref<1024x64xf32, #tpu.memory_space<hbm>> -> memref<32x64xf32, #tpu.memory_space<hbm>>
      %dma_wait3A_207 = arith.constant 0 : i32
      %dma_wait3A_208 = tpu.memref_slice %arg8[%mul3A_2, %dma_wait3A_207] : memref<1024x64xf32, #tpu.memory_space<hbm>> -> memref<32x64xf32, #tpu.memory_space<hbm>>
      tpu.wait_dma2 semaphore(%run_scoped3A : memref<!tpu.dma_semaphore, #tpu.memory_space<semaphore_mem>>) src(%arg16 : memref<32x64xf32, #tpu.memory_space<vmem>>) dst(%dma_wait3A_208 : memref<32x64xf32, #tpu.memory_space<hbm>>)
      tpu.yield
    }) : () -> ()
    %dma_wait3A_71 = arith.constant 0 : i32
    %dma_wait3A_72 = arith.constant 0 : i32
    %dma_wait3A_73 = tpu.memref_slice %arg4[%dma_wait3A_71, %dma_wait3A_72] : memref<100000x64xf32, #tpu.memory_space<hbm>> -> memref<100000x64xf32, #tpu.memory_space<hbm>>
    tpu.wait_indirect_dma semaphore(%arg31 : memref<!tpu.dma_semaphore, #tpu.memory_space<semaphore_mem>>) src(%dma_wait3A_73 : memref<100000x64xf32, #tpu.memory_space<hbm>>) dst(%arg17 : memref<32x64xf32, #tpu.memory_space<vmem>>)
    "tpu.region"() ({
      %run_scoped3A = tpu.sem_alloc : memref<!tpu.dma_semaphore, #tpu.memory_space<semaphore_mem>>
      %dma_start3A_201 = arith.constant 0 : i32
      %dma_start3A_202 = tpu.memref_slice %arg9[%mul3A_2, %dma_start3A_201] : memref<1024x64xf32, #tpu.memory_space<hbm>> -> memref<32x64xf32, #tpu.memory_space<hbm>>
      %dma_start3A_203 = arith.constant 0 : i32
      %dma_start3A_204 = tpu.memref_slice %arg9[%mul3A_2, %dma_start3A_203] : memref<1024x64xf32, #tpu.memory_space<hbm>> -> memref<32x64xf32, #tpu.memory_space<hbm>>
      tpu.enqueue_dma source(%arg17 : memref<32x64xf32, #tpu.memory_space<vmem>>) target(%dma_start3A_204 : memref<32x64xf32, #tpu.memory_space<hbm>>) target_semaphore(%run_scoped3A : memref<!tpu.dma_semaphore, #tpu.memory_space<semaphore_mem>>)
      %dma_wait3A_205 = arith.constant 0 : i32
      %dma_wait3A_206 = tpu.memref_slice %arg9[%mul3A_2, %dma_wait3A_205] : memref<1024x64xf32, #tpu.memory_space<hbm>> -> memref<32x64xf32, #tpu.memory_space<hbm>>
      %dma_wait3A_207 = arith.constant 0 : i32
      %dma_wait3A_208 = tpu.memref_slice %arg9[%mul3A_2, %dma_wait3A_207] : memref<1024x64xf32, #tpu.memory_space<hbm>> -> memref<32x64xf32, #tpu.memory_space<hbm>>
      tpu.wait_dma2 semaphore(%run_scoped3A : memref<!tpu.dma_semaphore, #tpu.memory_space<semaphore_mem>>) src(%arg17 : memref<32x64xf32, #tpu.memory_space<vmem>>) dst(%dma_wait3A_208 : memref<32x64xf32, #tpu.memory_space<hbm>>)
      tpu.yield
    }) : () -> ()
    %dma_wait3A_74 = arith.constant 0 : i32
    %dma_wait3A_75 = arith.constant 0 : i32
    %dma_wait3A_76 = tpu.memref_slice %arg4[%dma_wait3A_74, %dma_wait3A_75] : memref<100000x64xf32, #tpu.memory_space<hbm>> -> memref<100000x64xf32, #tpu.memory_space<hbm>>
    tpu.wait_indirect_dma semaphore(%arg32 : memref<!tpu.dma_semaphore, #tpu.memory_space<semaphore_mem>>) src(%dma_wait3A_76 : memref<100000x64xf32, #tpu.memory_space<hbm>>) dst(%arg26 : memref<256x64xf32, #tpu.memory_space<vmem>>)
    %mul3A_77 = arith.constant 8 : i32
    %mul3A_78 = arith.muli %mul3A_2, %mul3A_77 : i32
    "tpu.region"() ({
      %run_scoped3A = tpu.sem_alloc : memref<!tpu.dma_semaphore, #tpu.memory_space<semaphore_mem>>
      %dma_start3A_201 = arith.constant 0 : i32
      %dma_start3A_202 = tpu.memref_slice %arg10[%mul3A_78, %dma_start3A_201] : memref<8192x64xf32, #tpu.memory_space<hbm>> -> memref<256x64xf32, #tpu.memory_space<hbm>>
      %dma_start3A_203 = arith.constant 0 : i32
      %dma_start3A_204 = tpu.memref_slice %arg10[%mul3A_78, %dma_start3A_203] : memref<8192x64xf32, #tpu.memory_space<hbm>> -> memref<256x64xf32, #tpu.memory_space<hbm>>
      tpu.enqueue_dma source(%arg26 : memref<256x64xf32, #tpu.memory_space<vmem>>) target(%dma_start3A_204 : memref<256x64xf32, #tpu.memory_space<hbm>>) target_semaphore(%run_scoped3A : memref<!tpu.dma_semaphore, #tpu.memory_space<semaphore_mem>>)
      %dma_wait3A_205 = arith.constant 0 : i32
      %dma_wait3A_206 = tpu.memref_slice %arg10[%mul3A_78, %dma_wait3A_205] : memref<8192x64xf32, #tpu.memory_space<hbm>> -> memref<256x64xf32, #tpu.memory_space<hbm>>
      %dma_wait3A_207 = arith.constant 0 : i32
      %dma_wait3A_208 = tpu.memref_slice %arg10[%mul3A_78, %dma_wait3A_207] : memref<8192x64xf32, #tpu.memory_space<hbm>> -> memref<256x64xf32, #tpu.memory_space<hbm>>
      tpu.wait_dma2 semaphore(%run_scoped3A : memref<!tpu.dma_semaphore, #tpu.memory_space<semaphore_mem>>) src(%arg26 : memref<256x64xf32, #tpu.memory_space<vmem>>) dst(%dma_wait3A_208 : memref<256x64xf32, #tpu.memory_space<hbm>>)
      tpu.yield
    }) : () -> ()
    %dma_start3A_79 = arith.constant 0 : i32
    %dma_start3A_80 = tpu.memref_slice %arg23[%dma_start3A_79] : memref<2048xi32, #tpu.memory_space<vmem>> -> memref<256xi32, #tpu.memory_space<vmem>>
    %dma_start3A_81 = arith.constant 0 : i32
    %dma_start3A_82 = arith.constant 0 : i32
    %dma_start3A_83 = tpu.memref_slice %arg4[%dma_start3A_81, %dma_start3A_82] : memref<100000x64xf32, #tpu.memory_space<hbm>> -> memref<100000x64xf32, #tpu.memory_space<hbm>>
    tpu.enqueue_indirect_dma source(%dma_start3A_83 : memref<100000x64xf32, #tpu.memory_space<hbm>>) target(%arg27 : memref<256x64xf32, #tpu.memory_space<vmem>>) offsets(%dma_start3A_80 : memref<256xi32, #tpu.memory_space<vmem>>) semaphore(%arg33 : memref<!tpu.dma_semaphore, #tpu.memory_space<semaphore_mem>>)
    %dma_start3A_84 = arith.constant 256 : i32
    %dma_start3A_85 = tpu.memref_slice %arg23[%dma_start3A_84] : memref<2048xi32, #tpu.memory_space<vmem>> -> memref<256xi32, #tpu.memory_space<vmem>>
    %dma_start3A_86 = arith.constant 0 : i32
    %dma_start3A_87 = arith.constant 0 : i32
    %dma_start3A_88 = tpu.memref_slice %arg4[%dma_start3A_86, %dma_start3A_87] : memref<100000x64xf32, #tpu.memory_space<hbm>> -> memref<100000x64xf32, #tpu.memory_space<hbm>>
    tpu.enqueue_indirect_dma source(%dma_start3A_88 : memref<100000x64xf32, #tpu.memory_space<hbm>>) target(%arg28 : memref<256x64xf32, #tpu.memory_space<vmem>>) offsets(%dma_start3A_85 : memref<256xi32, #tpu.memory_space<vmem>>) semaphore(%arg34 : memref<!tpu.dma_semaphore, #tpu.memory_space<semaphore_mem>>)
    %dma_wait3A_89 = arith.constant 0 : i32
    %dma_wait3A_90 = tpu.memref_slice %arg23[%dma_wait3A_89] : memref<2048xi32, #tpu.memory_space<vmem>> -> memref<256xi32, #tpu.memory_space<vmem>>
    %dma_wait3A_91 = arith.constant 0 : i32
    %dma_wait3A_92 = arith.constant 0 : i32
    %dma_wait3A_93 = tpu.memref_slice %arg4[%dma_wait3A_91, %dma_wait3A_92] : memref<100000x64xf32, #tpu.memory_space<hbm>> -> memref<100000x64xf32, #tpu.memory_space<hbm>>
    tpu.wait_indirect_dma semaphore(%arg33 : memref<!tpu.dma_semaphore, #tpu.memory_space<semaphore_mem>>) src(%dma_wait3A_93 : memref<100000x64xf32, #tpu.memory_space<hbm>>) dst(%arg27 : memref<256x64xf32, #tpu.memory_space<vmem>>)
    %scan3A_94 = arith.constant 0 : i32
    %scan3A_95 = arith.constant 32 : i32
    %scan3A_96 = arith.addi %scan3A_94, %scan3A_95 : i32
    %scan3A_97 = arith.constant 1 : i32
    scf.for %scan3A_201 = %scan3A_94 to %scan3A_96 step %scan3A_97  : i32 {
      %mul3A_202 = arith.constant 1 : i32
      %mul3A_203 = arith.muli %scan3A_201, %mul3A_202 : i32
      %add3A_204 = arith.constant 0 : i32
      %add3A_205 = arith.addi %add3A_204, %mul3A_203 : i32
      %add3A_206 = arith.constant 0 : i32
      %add3A_207 = arith.addi %add3A_206, %add3A_205 : i32
      %mul3A_208 = arith.constant 8 : i32
      %mul3A_209 = arith.muli %add3A_207, %mul3A_208 : i32
      %add3A_210 = arith.constant 0 : i32
      %add3A_211 = arith.addi %mul3A_209, %add3A_210 : i32
      %broadcast_in_dim3A = vector.broadcast %add3A_211 : i32 to vector<16xi32>
      %gather3A = tpu.vector_load_idx %arg25[%broadcast_in_dim3A] : memref<2048xf32, #tpu.memory_space<vmem>>[vector<16xi32>], vector<16xf32>,
      %add3A_212 = arith.constant 1 : i32
      %add3A_213 = arith.addi %mul3A_209, %add3A_212 : i32
      %broadcast_in_dim3A_214 = vector.broadcast %add3A_213 : i32 to vector<16xi32>
      %gather3A_215 = tpu.vector_load_idx %arg25[%broadcast_in_dim3A_214] : memref<2048xf32, #tpu.memory_space<vmem>>[vector<16xi32>], vector<16xf32>,
      %add3A_216 = arith.constant 2 : i32
      %add3A_217 = arith.addi %mul3A_209, %add3A_216 : i32
      %broadcast_in_dim3A_218 = vector.broadcast %add3A_217 : i32 to vector<16xi32>
      %gather3A_219 = tpu.vector_load_idx %arg25[%broadcast_in_dim3A_218] : memref<2048xf32, #tpu.memory_space<vmem>>[vector<16xi32>], vector<16xf32>,
      %add3A_220 = arith.constant 3 : i32
      %add3A_221 = arith.addi %mul3A_209, %add3A_220 : i32
      %broadcast_in_dim3A_222 = vector.broadcast %add3A_221 : i32 to vector<16xi32>
      %gather3A_223 = tpu.vector_load_idx %arg25[%broadcast_in_dim3A_222] : memref<2048xf32, #tpu.memory_space<vmem>>[vector<16xi32>], vector<16xf32>,
      %add3A_224 = arith.constant 4 : i32
      %add3A_225 = arith.addi %mul3A_209, %add3A_224 : i32
      %broadcast_in_dim3A_226 = vector.broadcast %add3A_225 : i32 to vector<16xi32>
      %gather3A_227 = tpu.vector_load_idx %arg25[%broadcast_in_dim3A_226] : memref<2048xf32, #tpu.memory_space<vmem>>[vector<16xi32>], vector<16xf32>,
      %add3A_228 = arith.constant 5 : i32
      %add3A_229 = arith.addi %mul3A_209, %add3A_228 : i32
      %broadcast_in_dim3A_230 = vector.broadcast %add3A_229 : i32 to vector<16xi32>
      %gather3A_231 = tpu.vector_load_idx %arg25[%broadcast_in_dim3A_230] : memref<2048xf32, #tpu.memory_space<vmem>>[vector<16xi32>], vector<16xf32>,
      %add3A_232 = arith.constant 6 : i32
      %add3A_233 = arith.addi %mul3A_209, %add3A_232 : i32
      %broadcast_in_dim3A_234 = vector.broadcast %add3A_233 : i32 to vector<16xi32>
      %gather3A_235 = tpu.vector_load_idx %arg25[%broadcast_in_dim3A_234] : memref<2048xf32, #tpu.memory_space<vmem>>[vector<16xi32>], vector<16xf32>,
      %add3A_236 = arith.constant 7 : i32
      %add3A_237 = arith.addi %mul3A_209, %add3A_236 : i32
      %broadcast_in_dim3A_238 = vector.broadcast %add3A_237 : i32 to vector<16xi32>
      %gather3A_239 = tpu.vector_load_idx %arg25[%broadcast_in_dim3A_238] : memref<2048xf32, #tpu.memory_space<vmem>>[vector<16xi32>], vector<16xf32>,
      %mul3A_240 = arith.constant 8 : i32
      %mul3A_241 = arith.muli %add3A_205, %mul3A_240 : i32
      %get3A = arith.index_cast %mul3A_241 : i32 to index
      %get3A_242 = arith.constant 0 : index
      %get3A_243 = tpu.vector_load %arg27[%get3A, %get3A_242] {strides = array<i32>} : memref<256x64xf32, #tpu.memory_space<vmem>>, vector<16xf32>,
      %mul3A_244 = arith.mulf %gather3A, %get3A_243 : vector<16xf32>
      %mul3A_245 = arith.constant 8 : i32
      %mul3A_246 = arith.muli %add3A_205, %mul3A_245 : i32
      %add3A_247 = arith.constant 1 : i32
      %add3A_248 = arith.addi %mul3A_246, %add3A_247 : i32
      %get3A_249 = arith.index_cast %add3A_248 : i32 to index
      %get3A_250 = arith.constant 0 : index
      %get3A_251 = tpu.vector_load %arg27[%get3A_249, %get3A_250] {strides = array<i32>} : memref<256x64xf32, #tpu.memory_space<vmem>>, vector<16xf32>,
      %mul3A_252 = arith.mulf %gather3A_215, %get3A_251 : vector<16xf32>
      %add3A_253 = arith.addf %mul3A_244, %mul3A_252 : vector<16xf32>
      %mul3A_254 = arith.constant 8 : i32
      %mul3A_255 = arith.muli %add3A_205, %mul3A_254 : i32
      %add3A_256 = arith.constant 2 : i32
      %add3A_257 = arith.addi %mul3A_255, %add3A_256 : i32
      %get3A_258 = arith.index_cast %add3A_257 : i32 to index
      %get3A_259 = arith.constant 0 : index
      %get3A_260 = tpu.vector_load %arg27[%get3A_258, %get3A_259] {strides = array<i32>} : memref<256x64xf32, #tpu.memory_space<vmem>>, vector<16xf32>,
      %mul3A_261 = arith.mulf %gather3A_219, %get3A_260 : vector<16xf32>
      %add3A_262 = arith.addf %add3A_253, %mul3A_261 : vector<16xf32>
      %mul3A_263 = arith.constant 8 : i32
      %mul3A_264 = arith.muli %add3A_205, %mul3A_263 : i32
      %add3A_265 = arith.constant 3 : i32
      %add3A_266 = arith.addi %mul3A_264, %add3A_265 : i32
      %get3A_267 = arith.index_cast %add3A_266 : i32 to index
      %get3A_268 = arith.constant 0 : index
      %get3A_269 = tpu.vector_load %arg27[%get3A_267, %get3A_268] {strides = array<i32>} : memref<256x64xf32, #tpu.memory_space<vmem>>, vector<16xf32>,
      %mul3A_270 = arith.mulf %gather3A_223, %get3A_269 : vector<16xf32>
      %add3A_271 = arith.addf %add3A_262, %mul3A_270 : vector<16xf32>
      %mul3A_272 = arith.constant 8 : i32
      %mul3A_273 = arith.muli %add3A_205, %mul3A_272 : i32
      %add3A_274 = arith.constant 4 : i32
      %add3A_275 = arith.addi %mul3A_273, %add3A_274 : i32
      %get3A_276 = arith.index_cast %add3A_275 : i32 to index
      %get3A_277 = arith.constant 0 : index
      %get3A_278 = tpu.vector_load %arg27[%get3A_276, %get3A_277] {strides = array<i32>} : memref<256x64xf32, #tpu.memory_space<vmem>>, vector<16xf32>,
      %mul3A_279 = arith.mulf %gather3A_227, %get3A_278 : vector<16xf32>
      %add3A_280 = arith.addf %add3A_271, %mul3A_279 : vector<16xf32>
      %mul3A_281 = arith.constant 8 : i32
      %mul3A_282 = arith.muli %add3A_205, %mul3A_281 : i32
      %add3A_283 = arith.constant 5 : i32
      %add3A_284 = arith.addi %mul3A_282, %add3A_283 : i32
      %get3A_285 = arith.index_cast %add3A_284 : i32 to index
      %get3A_286 = arith.constant 0 : index
      %get3A_287 = tpu.vector_load %arg27[%get3A_285, %get3A_286] {strides = array<i32>} : memref<256x64xf32, #tpu.memory_space<vmem>>, vector<16xf32>,
      %mul3A_288 = arith.mulf %gather3A_231, %get3A_287 : vector<16xf32>
      %add3A_289 = arith.addf %add3A_280, %mul3A_288 : vector<16xf32>
      %mul3A_290 = arith.constant 8 : i32
      %mul3A_291 = arith.muli %add3A_205, %mul3A_290 : i32
      %add3A_292 = arith.constant 6 : i32
      %add3A_293 = arith.addi %mul3A_291, %add3A_292 : i32
      %get3A_294 = arith.index_cast %add3A_293 : i32 to index
      %get3A_295 = arith.constant 0 : index
      %get3A_296 = tpu.vector_load %arg27[%get3A_294, %get3A_295] {strides = array<i32>} : memref<256x64xf32, #tpu.memory_space<vmem>>, vector<16xf32>,
      %mul3A_297 = arith.mulf %gather3A_235, %get3A_296 : vector<16xf32>
      %add3A_298 = arith.addf %add3A_289, %mul3A_297 : vector<16xf32>
      %mul3A_299 = arith.constant 8 : i32
      %mul3A_300 = arith.muli %add3A_205, %mul3A_299 : i32
      %add3A_301 = arith.constant 7 : i32
      %add3A_302 = arith.addi %mul3A_300, %add3A_301 : i32
      %get3A_303 = arith.index_cast %add3A_302 : i32 to index
      %get3A_304 = arith.constant 0 : index
      %get3A_305 = tpu.vector_load %arg27[%get3A_303, %get3A_304] {strides = array<i32>} : memref<256x64xf32, #tpu.memory_space<vmem>>, vector<16xf32>,
      %mul3A_306 = arith.mulf %gather3A_239, %get3A_305 : vector<16xf32>
      %add3A_307 = arith.addf %add3A_298, %mul3A_306 : vector<16xf32>
      %swap3A = arith.index_cast %add3A_207 : i32 to index
      %swap3A_308 = arith.constant 0 : index
      %swap3A_309 = tpu.vector_load %arg29[%swap3A, %swap3A_308] {strides = array<i32>} : memref<256x64xf32, #tpu.memory_space<vmem>>, vector<16xf32>,
      tpu.vector_store %arg29[%swap3A, %swap3A_308], %add3A_307 {strides = array<i32>} : memref<256x64xf32, #tpu.memory_space<vmem>>, vector<16xf32>,
      %mul3A_310 = arith.constant 8 : i32
      %mul3A_311 = arith.muli %add3A_205, %mul3A_310 : i32
      %get3A_312 = arith.index_cast %mul3A_311 : i32 to index
      %get3A_313 = arith.constant 16 : index
      %get3A_314 = tpu.vector_load %arg27[%get3A_312, %get3A_313] {strides = array<i32>} : memref<256x64xf32, #tpu.memory_space<vmem>>, vector<16xf32>,
      %mul3A_315 = arith.mulf %gather3A, %get3A_314 : vector<16xf32>
      %mul3A_316 = arith.constant 8 : i32
      %mul3A_317 = arith.muli %add3A_205, %mul3A_316 : i32
      %add3A_318 = arith.constant 1 : i32
      %add3A_319 = arith.addi %mul3A_317, %add3A_318 : i32
      %get3A_320 = arith.index_cast %add3A_319 : i32 to index
      %get3A_321 = arith.constant 16 : index
      %get3A_322 = tpu.vector_load %arg27[%get3A_320, %get3A_321] {strides = array<i32>} : memref<256x64xf32, #tpu.memory_space<vmem>>, vector<16xf32>,
      %mul3A_323 = arith.mulf %gather3A_215, %get3A_322 : vector<16xf32>
      %add3A_324 = arith.addf %mul3A_315, %mul3A_323 : vector<16xf32>
      %mul3A_325 = arith.constant 8 : i32
      %mul3A_326 = arith.muli %add3A_205, %mul3A_325 : i32
      %add3A_327 = arith.constant 2 : i32
      %add3A_328 = arith.addi %mul3A_326, %add3A_327 : i32
      %get3A_329 = arith.index_cast %add3A_328 : i32 to index
      %get3A_330 = arith.constant 16 : index
      %get3A_331 = tpu.vector_load %arg27[%get3A_329, %get3A_330] {strides = array<i32>} : memref<256x64xf32, #tpu.memory_space<vmem>>, vector<16xf32>,
      %mul3A_332 = arith.mulf %gather3A_219, %get3A_331 : vector<16xf32>
      %add3A_333 = arith.addf %add3A_324, %mul3A_332 : vector<16xf32>
      %mul3A_334 = arith.constant 8 : i32
      %mul3A_335 = arith.muli %add3A_205, %mul3A_334 : i32
      %add3A_336 = arith.constant 3 : i32
      %add3A_337 = arith.addi %mul3A_335, %add3A_336 : i32
      %get3A_338 = arith.index_cast %add3A_337 : i32 to index
      %get3A_339 = arith.constant 16 : index
      %get3A_340 = tpu.vector_load %arg27[%get3A_338, %get3A_339] {strides = array<i32>} : memref<256x64xf32, #tpu.memory_space<vmem>>, vector<16xf32>,
      %mul3A_341 = arith.mulf %gather3A_223, %get3A_340 : vector<16xf32>
      %add3A_342 = arith.addf %add3A_333, %mul3A_341 : vector<16xf32>
      %mul3A_343 = arith.constant 8 : i32
      %mul3A_344 = arith.muli %add3A_205, %mul3A_343 : i32
      %add3A_345 = arith.constant 4 : i32
      %add3A_346 = arith.addi %mul3A_344, %add3A_345 : i32
      %get3A_347 = arith.index_cast %add3A_346 : i32 to index
      %get3A_348 = arith.constant 16 : index
      %get3A_349 = tpu.vector_load %arg27[%get3A_347, %get3A_348] {strides = array<i32>} : memref<256x64xf32, #tpu.memory_space<vmem>>, vector<16xf32>,
      %mul3A_350 = arith.mulf %gather3A_227, %get3A_349 : vector<16xf32>
      %add3A_351 = arith.addf %add3A_342, %mul3A_350 : vector<16xf32>
      %mul3A_352 = arith.constant 8 : i32
      %mul3A_353 = arith.muli %add3A_205, %mul3A_352 : i32
      %add3A_354 = arith.constant 5 : i32
      %add3A_355 = arith.addi %mul3A_353, %add3A_354 : i32
      %get3A_356 = arith.index_cast %add3A_355 : i32 to index
      %get3A_357 = arith.constant 16 : index
      %get3A_358 = tpu.vector_load %arg27[%get3A_356, %get3A_357] {strides = array<i32>} : memref<256x64xf32, #tpu.memory_space<vmem>>, vector<16xf32>,
      %mul3A_359 = arith.mulf %gather3A_231, %get3A_358 : vector<16xf32>
      %add3A_360 = arith.addf %add3A_351, %mul3A_359 : vector<16xf32>
      %mul3A_361 = arith.constant 8 : i32
      %mul3A_362 = arith.muli %add3A_205, %mul3A_361 : i32
      %add3A_363 = arith.constant 6 : i32
      %add3A_364 = arith.addi %mul3A_362, %add3A_363 : i32
      %get3A_365 = arith.index_cast %add3A_364 : i32 to index
      %get3A_366 = arith.constant 16 : index
      %get3A_367 = tpu.vector_load %arg27[%get3A_365, %get3A_366] {strides = array<i32>} : memref<256x64xf32, #tpu.memory_space<vmem>>, vector<16xf32>,
      %mul3A_368 = arith.mulf %gather3A_235, %get3A_367 : vector<16xf32>
      %add3A_369 = arith.addf %add3A_360, %mul3A_368 : vector<16xf32>
      %mul3A_370 = arith.constant 8 : i32
      %mul3A_371 = arith.muli %add3A_205, %mul3A_370 : i32
      %add3A_372 = arith.constant 7 : i32
      %add3A_373 = arith.addi %mul3A_371, %add3A_372 : i32
      %get3A_374 = arith.index_cast %add3A_373 : i32 to index
      %get3A_375 = arith.constant 16 : index
      %get3A_376 = tpu.vector_load %arg27[%get3A_374, %get3A_375] {strides = array<i32>} : memref<256x64xf32, #tpu.memory_space<vmem>>, vector<16xf32>,
      %mul3A_377 = arith.mulf %gather3A_239, %get3A_376 : vector<16xf32>
      %add3A_378 = arith.addf %add3A_369, %mul3A_377 : vector<16xf32>
      %swap3A_379 = arith.index_cast %add3A_207 : i32 to index
      %swap3A_380 = arith.constant 16 : index
      %swap3A_381 = tpu.vector_load %arg29[%swap3A_379, %swap3A_380] {strides = array<i32>} : memref<256x64xf32, #tpu.memory_space<vmem>>, vector<16xf32>,
      tpu.vector_store %arg29[%swap3A_379, %swap3A_380], %add3A_378 {strides = array<i32>} : memref<256x64xf32, #tpu.memory_space<vmem>>, vector<16xf32>,
      %mul3A_382 = arith.constant 8 : i32
      %mul3A_383 = arith.muli %add3A_205, %mul3A_382 : i32
      %get3A_384 = arith.index_cast %mul3A_383 : i32 to index
      %get3A_385 = arith.constant 32 : index
      %get3A_386 = tpu.vector_load %arg27[%get3A_384, %get3A_385] {strides = array<i32>} : memref<256x64xf32, #tpu.memory_space<vmem>>, vector<16xf32>,
      %mul3A_387 = arith.mulf %gather3A, %get3A_386 : vector<16xf32>
      %mul3A_388 = arith.constant 8 : i32
      %mul3A_389 = arith.muli %add3A_205, %mul3A_388 : i32
      %add3A_390 = arith.constant 1 : i32
      %add3A_391 = arith.addi %mul3A_389, %add3A_390 : i32
      %get3A_392 = arith.index_cast %add3A_391 : i32 to index
      %get3A_393 = arith.constant 32 : index
      %get3A_394 = tpu.vector_load %arg27[%get3A_392, %get3A_393] {strides = array<i32>} : memref<256x64xf32, #tpu.memory_space<vmem>>, vector<16xf32>,
      %mul3A_395 = arith.mulf %gather3A_215, %get3A_394 : vector<16xf32>
      %add3A_396 = arith.addf %mul3A_387, %mul3A_395 : vector<16xf32>
      %mul3A_397 = arith.constant 8 : i32
      %mul3A_398 = arith.muli %add3A_205, %mul3A_397 : i32
      %add3A_399 = arith.constant 2 : i32
      %add3A_400 = arith.addi %mul3A_398, %add3A_399 : i32
      %get3A_401 = arith.index_cast %add3A_400 : i32 to index
      %get3A_402 = arith.constant 32 : index
      %get3A_403 = tpu.vector_load %arg27[%get3A_401, %get3A_402] {strides = array<i32>} : memref<256x64xf32, #tpu.memory_space<vmem>>, vector<16xf32>,
      %mul3A_404 = arith.mulf %gather3A_219, %get3A_403 : vector<16xf32>
      %add3A_405 = arith.addf %add3A_396, %mul3A_404 : vector<16xf32>
      %mul3A_406 = arith.constant 8 : i32
      %mul3A_407 = arith.muli %add3A_205, %mul3A_406 : i32
      %add3A_408 = arith.constant 3 : i32
      %add3A_409 = arith.addi %mul3A_407, %add3A_408 : i32
      %get3A_410 = arith.index_cast %add3A_409 : i32 to index
      %get3A_411 = arith.constant 32 : index
      %get3A_412 = tpu.vector_load %arg27[%get3A_410, %get3A_411] {strides = array<i32>} : memref<256x64xf32, #tpu.memory_space<vmem>>, vector<16xf32>,
      %mul3A_413 = arith.mulf %gather3A_223, %get3A_412 : vector<16xf32>
      %add3A_414 = arith.addf %add3A_405, %mul3A_413 : vector<16xf32>
      %mul3A_415 = arith.constant 8 : i32
      %mul3A_416 = arith.muli %add3A_205, %mul3A_415 : i32
      %add3A_417 = arith.constant 4 : i32
      %add3A_418 = arith.addi %mul3A_416, %add3A_417 : i32
      %get3A_419 = arith.index_cast %add3A_418 : i32 to index
      %get3A_420 = arith.constant 32 : index
      %get3A_421 = tpu.vector_load %arg27[%get3A_419, %get3A_420] {strides = array<i32>} : memref<256x64xf32, #tpu.memory_space<vmem>>, vector<16xf32>,
      %mul3A_422 = arith.mulf %gather3A_227, %get3A_421 : vector<16xf32>
      %add3A_423 = arith.addf %add3A_414, %mul3A_422 : vector<16xf32>
      %mul3A_424 = arith.constant 8 : i32
      %mul3A_425 = arith.muli %add3A_205, %mul3A_424 : i32
      %add3A_426 = arith.constant 5 : i32
      %add3A_427 = arith.addi %mul3A_425, %add3A_426 : i32
      %get3A_428 = arith.index_cast %add3A_427 : i32 to index
      %get3A_429 = arith.constant 32 : index
      %get3A_430 = tpu.vector_load %arg27[%get3A_428, %get3A_429] {strides = array<i32>} : memref<256x64xf32, #tpu.memory_space<vmem>>, vector<16xf32>,
      %mul3A_431 = arith.mulf %gather3A_231, %get3A_430 : vector<16xf32>
      %add3A_432 = arith.addf %add3A_423, %mul3A_431 : vector<16xf32>
      %mul3A_433 = arith.constant 8 : i32
      %mul3A_434 = arith.muli %add3A_205, %mul3A_433 : i32
      %add3A_435 = arith.constant 6 : i32
      %add3A_436 = arith.addi %mul3A_434, %add3A_435 : i32
      %get3A_437 = arith.index_cast %add3A_436 : i32 to index
      %get3A_438 = arith.constant 32 : index
      %get3A_439 = tpu.vector_load %arg27[%get3A_437, %get3A_438] {strides = array<i32>} : memref<256x64xf32, #tpu.memory_space<vmem>>, vector<16xf32>,
      %mul3A_440 = arith.mulf %gather3A_235, %get3A_439 : vector<16xf32>
      %add3A_441 = arith.addf %add3A_432, %mul3A_440 : vector<16xf32>
      %mul3A_442 = arith.constant 8 : i32
      %mul3A_443 = arith.muli %add3A_205, %mul3A_442 : i32
      %add3A_444 = arith.constant 7 : i32
      %add3A_445 = arith.addi %mul3A_443, %add3A_444 : i32
      %get3A_446 = arith.index_cast %add3A_445 : i32 to index
      %get3A_447 = arith.constant 32 : index
      %get3A_448 = tpu.vector_load %arg27[%get3A_446, %get3A_447] {strides = array<i32>} : memref<256x64xf32, #tpu.memory_space<vmem>>, vector<16xf32>,
      %mul3A_449 = arith.mulf %gather3A_239, %get3A_448 : vector<16xf32>
      %add3A_450 = arith.addf %add3A_441, %mul3A_449 : vector<16xf32>
      %swap3A_451 = arith.index_cast %add3A_207 : i32 to index
      %swap3A_452 = arith.constant 32 : index
      %swap3A_453 = tpu.vector_load %arg29[%swap3A_451, %swap3A_452] {strides = array<i32>} : memref<256x64xf32, #tpu.memory_space<vmem>>, vector<16xf32>,
      tpu.vector_store %arg29[%swap3A_451, %swap3A_452], %add3A_450 {strides = array<i32>} : memref<256x64xf32, #tpu.memory_space<vmem>>, vector<16xf32>,
      %mul3A_454 = arith.constant 8 : i32
      %mul3A_455 = arith.muli %add3A_205, %mul3A_454 : i32
      %get3A_456 = arith.index_cast %mul3A_455 : i32 to index
      %get3A_457 = arith.constant 48 : index
      %get3A_458 = tpu.vector_load %arg27[%get3A_456, %get3A_457] {strides = array<i32>} : memref<256x64xf32, #tpu.memory_space<vmem>>, vector<16xf32>,
      %mul3A_459 = arith.mulf %gather3A, %get3A_458 : vector<16xf32>
      %mul3A_460 = arith.constant 8 : i32
      %mul3A_461 = arith.muli %add3A_205, %mul3A_460 : i32
      %add3A_462 = arith.constant 1 : i32
      %add3A_463 = arith.addi %mul3A_461, %add3A_462 : i32
      %get3A_464 = arith.index_cast %add3A_463 : i32 to index
      %get3A_465 = arith.constant 48 : index
      %get3A_466 = tpu.vector_load %arg27[%get3A_464, %get3A_465] {strides = array<i32>} : memref<256x64xf32, #tpu.memory_space<vmem>>, vector<16xf32>,
      %mul3A_467 = arith.mulf %gather3A_215, %get3A_466 : vector<16xf32>
      %add3A_468 = arith.addf %mul3A_459, %mul3A_467 : vector<16xf32>
      %mul3A_469 = arith.constant 8 : i32
      %mul3A_470 = arith.muli %add3A_205, %mul3A_469 : i32
      %add3A_471 = arith.constant 2 : i32
      %add3A_472 = arith.addi %mul3A_470, %add3A_471 : i32
      %get3A_473 = arith.index_cast %add3A_472 : i32 to index
      %get3A_474 = arith.constant 48 : index
      %get3A_475 = tpu.vector_load %arg27[%get3A_473, %get3A_474] {strides = array<i32>} : memref<256x64xf32, #tpu.memory_space<vmem>>, vector<16xf32>,
      %mul3A_476 = arith.mulf %gather3A_219, %get3A_475 : vector<16xf32>
      %add3A_477 = arith.addf %add3A_468, %mul3A_476 : vector<16xf32>
      %mul3A_478 = arith.constant 8 : i32
      %mul3A_479 = arith.muli %add3A_205, %mul3A_478 : i32
      %add3A_480 = arith.constant 3 : i32
      %add3A_481 = arith.addi %mul3A_479, %add3A_480 : i32
      %get3A_482 = arith.index_cast %add3A_481 : i32 to index
      %get3A_483 = arith.constant 48 : index
      %get3A_484 = tpu.vector_load %arg27[%get3A_482, %get3A_483] {strides = array<i32>} : memref<256x64xf32, #tpu.memory_space<vmem>>, vector<16xf32>,
      %mul3A_485 = arith.mulf %gather3A_223, %get3A_484 : vector<16xf32>
      %add3A_486 = arith.addf %add3A_477, %mul3A_485 : vector<16xf32>
      %mul3A_487 = arith.constant 8 : i32
      %mul3A_488 = arith.muli %add3A_205, %mul3A_487 : i32
      %add3A_489 = arith.constant 4 : i32
      %add3A_490 = arith.addi %mul3A_488, %add3A_489 : i32
      %get3A_491 = arith.index_cast %add3A_490 : i32 to index
      %get3A_492 = arith.constant 48 : index
      %get3A_493 = tpu.vector_load %arg27[%get3A_491, %get3A_492] {strides = array<i32>} : memref<256x64xf32, #tpu.memory_space<vmem>>, vector<16xf32>,
      %mul3A_494 = arith.mulf %gather3A_227, %get3A_493 : vector<16xf32>
      %add3A_495 = arith.addf %add3A_486, %mul3A_494 : vector<16xf32>
      %mul3A_496 = arith.constant 8 : i32
      %mul3A_497 = arith.muli %add3A_205, %mul3A_496 : i32
      %add3A_498 = arith.constant 5 : i32
      %add3A_499 = arith.addi %mul3A_497, %add3A_498 : i32
      %get3A_500 = arith.index_cast %add3A_499 : i32 to index
      %get3A_501 = arith.constant 48 : index
      %get3A_502 = tpu.vector_load %arg27[%get3A_500, %get3A_501] {strides = array<i32>} : memref<256x64xf32, #tpu.memory_space<vmem>>, vector<16xf32>,
      %mul3A_503 = arith.mulf %gather3A_231, %get3A_502 : vector<16xf32>
      %add3A_504 = arith.addf %add3A_495, %mul3A_503 : vector<16xf32>
      %mul3A_505 = arith.constant 8 : i32
      %mul3A_506 = arith.muli %add3A_205, %mul3A_505 : i32
      %add3A_507 = arith.constant 6 : i32
      %add3A_508 = arith.addi %mul3A_506, %add3A_507 : i32
      %get3A_509 = arith.index_cast %add3A_508 : i32 to index
      %get3A_510 = arith.constant 48 : index
      %get3A_511 = tpu.vector_load %arg27[%get3A_509, %get3A_510] {strides = array<i32>} : memref<256x64xf32, #tpu.memory_space<vmem>>, vector<16xf32>,
      %mul3A_512 = arith.mulf %gather3A_235, %get3A_511 : vector<16xf32>
      %add3A_513 = arith.addf %add3A_504, %mul3A_512 : vector<16xf32>
      %mul3A_514 = arith.constant 8 : i32
      %mul3A_515 = arith.muli %add3A_205, %mul3A_514 : i32
      %add3A_516 = arith.constant 7 : i32
      %add3A_517 = arith.addi %mul3A_515, %add3A_516 : i32
      %get3A_518 = arith.index_cast %add3A_517 : i32 to index
      %get3A_519 = arith.constant 48 : index
      %get3A_520 = tpu.vector_load %arg27[%get3A_518, %get3A_519] {strides = array<i32>} : memref<256x64xf32, #tpu.memory_space<vmem>>, vector<16xf32>,
      %mul3A_521 = arith.mulf %gather3A_239, %get3A_520 : vector<16xf32>
      %add3A_522 = arith.addf %add3A_513, %mul3A_521 : vector<16xf32>
      %swap3A_523 = arith.index_cast %add3A_207 : i32 to index
      %swap3A_524 = arith.constant 48 : index
      %swap3A_525 = tpu.vector_load %arg29[%swap3A_523, %swap3A_524] {strides = array<i32>} : memref<256x64xf32, #tpu.memory_space<vmem>>, vector<16xf32>,
      tpu.vector_store %arg29[%swap3A_523, %swap3A_524], %add3A_522 {strides = array<i32>} : memref<256x64xf32, #tpu.memory_space<vmem>>, vector<16xf32>,
    }
    %scan3A_98 = arith.constant 32 : i32
    %dma_start3A_99 = arith.constant 512 : i32
    %dma_start3A_100 = tpu.memref_slice %arg23[%dma_start3A_99] : memref<2048xi32, #tpu.memory_space<vmem>> -> memref<256xi32, #tpu.memory_space<vmem>>
    %dma_start3A_101 = arith.constant 0 : i32
    %dma_start3A_102 = arith.constant 0 : i32
    %dma_start3A_103 = tpu.memref_slice %arg4[%dma_start3A_101, %dma_start3A_102] : memref<100000x64xf32, #tpu.memory_space<hbm>> -> memref<100000x64xf32, #tpu.memory_space<hbm>>
    tpu.enqueue_indirect_dma source(%dma_start3A_103 : memref<100000x64xf32, #tpu.memory_space<hbm>>) target(%arg27 : memref<256x64xf32, #tpu.memory_space<vmem>>) offsets(%dma_start3A_100 : memref<256xi32, #tpu.memory_space<vmem>>) semaphore(%arg33 : memref<!tpu.dma_semaphore, #tpu.memory_space<semaphore_mem>>)
    %dma_wait3A_104 = arith.constant 256 : i32
    %dma_wait3A_105 = tpu.memref_slice %arg23[%dma_wait3A_104] : memref<2048xi32, #tpu.memory_space<vmem>> -> memref<256xi32, #tpu.memory_space<vmem>>
    %dma_wait3A_106 = arith.constant 0 : i32
    %dma_wait3A_107 = arith.constant 0 : i32
    %dma_wait3A_108 = tpu.memref_slice %arg4[%dma_wait3A_106, %dma_wait3A_107] : memref<100000x64xf32, #tpu.memory_space<hbm>> -> memref<100000x64xf32, #tpu.memory_space<hbm>>
    tpu.wait_indirect_dma semaphore(%arg34 : memref<!tpu.dma_semaphore, #tpu.memory_space<semaphore_mem>>) src(%dma_wait3A_108 : memref<100000x64xf32, #tpu.memory_space<hbm>>) dst(%arg28 : memref<256x64xf32, #tpu.memory_space<vmem>>)
    %scan3A_109 = arith.constant 0 : i32
    %scan3A_110 = arith.constant 32 : i32
    %scan3A_111 = arith.addi %scan3A_109, %scan3A_110 : i32
    %scan3A_112 = arith.constant 1 : i32
    scf.for %scan3A_201 = %scan3A_109 to %scan3A_111 step %scan3A_112  : i32 {
      %mul3A_202 = arith.constant 1 : i32
      %mul3A_203 = arith.muli %scan3A_201, %mul3A_202 : i32
      %add3A_204 = arith.constant 0 : i32
      %add3A_205 = arith.addi %add3A_204, %mul3A_203 : i32
      %add3A_206 = arith.constant 32 : i32
      %add3A_207 = arith.addi %add3A_206, %add3A_205 : i32
      %mul3A_208 = arith.constant 8 : i32
      %mul3A_209 = arith.muli %add3A_207, %mul3A_208 : i32
      %add3A_210 = arith.constant 0 : i32
      %add3A_211 = arith.addi %mul3A_209, %add3A_210 : i32
      %broadcast_in_dim3A = vector.broadcast %add3A_211 : i32 to vector<16xi32>
      %gather3A = tpu.vector_load_idx %arg25[%broadcast_in_dim3A] : memref<2048xf32, #tpu.memory_space<vmem>>[vector<16xi32>], vector<16xf32>,
      %add3A_212 = arith.constant 1 : i32
      %add3A_213 = arith.addi %mul3A_209, %add3A_212 : i32
      %broadcast_in_dim3A_214 = vector.broadcast %add3A_213 : i32 to vector<16xi32>
      %gather3A_215 = tpu.vector_load_idx %arg25[%broadcast_in_dim3A_214] : memref<2048xf32, #tpu.memory_space<vmem>>[vector<16xi32>], vector<16xf32>,
      %add3A_216 = arith.constant 2 : i32
      %add3A_217 = arith.addi %mul3A_209, %add3A_216 : i32
      %broadcast_in_dim3A_218 = vector.broadcast %add3A_217 : i32 to vector<16xi32>
      %gather3A_219 = tpu.vector_load_idx %arg25[%broadcast_in_dim3A_218] : memref<2048xf32, #tpu.memory_space<vmem>>[vector<16xi32>], vector<16xf32>,
      %add3A_220 = arith.constant 3 : i32
      %add3A_221 = arith.addi %mul3A_209, %add3A_220 : i32
      %broadcast_in_dim3A_222 = vector.broadcast %add3A_221 : i32 to vector<16xi32>
      %gather3A_223 = tpu.vector_load_idx %arg25[%broadcast_in_dim3A_222] : memref<2048xf32, #tpu.memory_space<vmem>>[vector<16xi32>], vector<16xf32>,
      %add3A_224 = arith.constant 4 : i32
      %add3A_225 = arith.addi %mul3A_209, %add3A_224 : i32
      %broadcast_in_dim3A_226 = vector.broadcast %add3A_225 : i32 to vector<16xi32>
      %gather3A_227 = tpu.vector_load_idx %arg25[%broadcast_in_dim3A_226] : memref<2048xf32, #tpu.memory_space<vmem>>[vector<16xi32>], vector<16xf32>,
      %add3A_228 = arith.constant 5 : i32
      %add3A_229 = arith.addi %mul3A_209, %add3A_228 : i32
      %broadcast_in_dim3A_230 = vector.broadcast %add3A_229 : i32 to vector<16xi32>
      %gather3A_231 = tpu.vector_load_idx %arg25[%broadcast_in_dim3A_230] : memref<2048xf32, #tpu.memory_space<vmem>>[vector<16xi32>], vector<16xf32>,
      %add3A_232 = arith.constant 6 : i32
      %add3A_233 = arith.addi %mul3A_209, %add3A_232 : i32
      %broadcast_in_dim3A_234 = vector.broadcast %add3A_233 : i32 to vector<16xi32>
      %gather3A_235 = tpu.vector_load_idx %arg25[%broadcast_in_dim3A_234] : memref<2048xf32, #tpu.memory_space<vmem>>[vector<16xi32>], vector<16xf32>,
      %add3A_236 = arith.constant 7 : i32
      %add3A_237 = arith.addi %mul3A_209, %add3A_236 : i32
      %broadcast_in_dim3A_238 = vector.broadcast %add3A_237 : i32 to vector<16xi32>
      %gather3A_239 = tpu.vector_load_idx %arg25[%broadcast_in_dim3A_238] : memref<2048xf32, #tpu.memory_space<vmem>>[vector<16xi32>], vector<16xf32>,
      %mul3A_240 = arith.constant 8 : i32
      %mul3A_241 = arith.muli %add3A_205, %mul3A_240 : i32
      %get3A = arith.index_cast %mul3A_241 : i32 to index
      %get3A_242 = arith.constant 0 : index
      %get3A_243 = tpu.vector_load %arg28[%get3A, %get3A_242] {strides = array<i32>} : memref<256x64xf32, #tpu.memory_space<vmem>>, vector<16xf32>,
      %mul3A_244 = arith.mulf %gather3A, %get3A_243 : vector<16xf32>
      %mul3A_245 = arith.constant 8 : i32
      %mul3A_246 = arith.muli %add3A_205, %mul3A_245 : i32
      %add3A_247 = arith.constant 1 : i32
      %add3A_248 = arith.addi %mul3A_246, %add3A_247 : i32
      %get3A_249 = arith.index_cast %add3A_248 : i32 to index
      %get3A_250 = arith.constant 0 : index
      %get3A_251 = tpu.vector_load %arg28[%get3A_249, %get3A_250] {strides = array<i32>} : memref<256x64xf32, #tpu.memory_space<vmem>>, vector<16xf32>,
      %mul3A_252 = arith.mulf %gather3A_215, %get3A_251 : vector<16xf32>
      %add3A_253 = arith.addf %mul3A_244, %mul3A_252 : vector<16xf32>
      %mul3A_254 = arith.constant 8 : i32
      %mul3A_255 = arith.muli %add3A_205, %mul3A_254 : i32
      %add3A_256 = arith.constant 2 : i32
      %add3A_257 = arith.addi %mul3A_255, %add3A_256 : i32
      %get3A_258 = arith.index_cast %add3A_257 : i32 to index
      %get3A_259 = arith.constant 0 : index
      %get3A_260 = tpu.vector_load %arg28[%get3A_258, %get3A_259] {strides = array<i32>} : memref<256x64xf32, #tpu.memory_space<vmem>>, vector<16xf32>,
      %mul3A_261 = arith.mulf %gather3A_219, %get3A_260 : vector<16xf32>
      %add3A_262 = arith.addf %add3A_253, %mul3A_261 : vector<16xf32>
      %mul3A_263 = arith.constant 8 : i32
      %mul3A_264 = arith.muli %add3A_205, %mul3A_263 : i32
      %add3A_265 = arith.constant 3 : i32
      %add3A_266 = arith.addi %mul3A_264, %add3A_265 : i32
      %get3A_267 = arith.index_cast %add3A_266 : i32 to index
      %get3A_268 = arith.constant 0 : index
      %get3A_269 = tpu.vector_load %arg28[%get3A_267, %get3A_268] {strides = array<i32>} : memref<256x64xf32, #tpu.memory_space<vmem>>, vector<16xf32>,
      %mul3A_270 = arith.mulf %gather3A_223, %get3A_269 : vector<16xf32>
      %add3A_271 = arith.addf %add3A_262, %mul3A_270 : vector<16xf32>
      %mul3A_272 = arith.constant 8 : i32
      %mul3A_273 = arith.muli %add3A_205, %mul3A_272 : i32
      %add3A_274 = arith.constant 4 : i32
      %add3A_275 = arith.addi %mul3A_273, %add3A_274 : i32
      %get3A_276 = arith.index_cast %add3A_275 : i32 to index
      %get3A_277 = arith.constant 0 : index
      %get3A_278 = tpu.vector_load %arg28[%get3A_276, %get3A_277] {strides = array<i32>} : memref<256x64xf32, #tpu.memory_space<vmem>>, vector<16xf32>,
      %mul3A_279 = arith.mulf %gather3A_227, %get3A_278 : vector<16xf32>
      %add3A_280 = arith.addf %add3A_271, %mul3A_279 : vector<16xf32>
      %mul3A_281 = arith.constant 8 : i32
      %mul3A_282 = arith.muli %add3A_205, %mul3A_281 : i32
      %add3A_283 = arith.constant 5 : i32
      %add3A_284 = arith.addi %mul3A_282, %add3A_283 : i32
      %get3A_285 = arith.index_cast %add3A_284 : i32 to index
      %get3A_286 = arith.constant 0 : index
      %get3A_287 = tpu.vector_load %arg28[%get3A_285, %get3A_286] {strides = array<i32>} : memref<256x64xf32, #tpu.memory_space<vmem>>, vector<16xf32>,
      %mul3A_288 = arith.mulf %gather3A_231, %get3A_287 : vector<16xf32>
      %add3A_289 = arith.addf %add3A_280, %mul3A_288 : vector<16xf32>
      %mul3A_290 = arith.constant 8 : i32
      %mul3A_291 = arith.muli %add3A_205, %mul3A_290 : i32
      %add3A_292 = arith.constant 6 : i32
      %add3A_293 = arith.addi %mul3A_291, %add3A_292 : i32
      %get3A_294 = arith.index_cast %add3A_293 : i32 to index
      %get3A_295 = arith.constant 0 : index
      %get3A_296 = tpu.vector_load %arg28[%get3A_294, %get3A_295] {strides = array<i32>} : memref<256x64xf32, #tpu.memory_space<vmem>>, vector<16xf32>,
      %mul3A_297 = arith.mulf %gather3A_235, %get3A_296 : vector<16xf32>
      %add3A_298 = arith.addf %add3A_289, %mul3A_297 : vector<16xf32>
      %mul3A_299 = arith.constant 8 : i32
      %mul3A_300 = arith.muli %add3A_205, %mul3A_299 : i32
      %add3A_301 = arith.constant 7 : i32
      %add3A_302 = arith.addi %mul3A_300, %add3A_301 : i32
      %get3A_303 = arith.index_cast %add3A_302 : i32 to index
      %get3A_304 = arith.constant 0 : index
      %get3A_305 = tpu.vector_load %arg28[%get3A_303, %get3A_304] {strides = array<i32>} : memref<256x64xf32, #tpu.memory_space<vmem>>, vector<16xf32>,
      %mul3A_306 = arith.mulf %gather3A_239, %get3A_305 : vector<16xf32>
      %add3A_307 = arith.addf %add3A_298, %mul3A_306 : vector<16xf32>
      %swap3A = arith.index_cast %add3A_207 : i32 to index
      %swap3A_308 = arith.constant 0 : index
      %swap3A_309 = tpu.vector_load %arg29[%swap3A, %swap3A_308] {strides = array<i32>} : memref<256x64xf32, #tpu.memory_space<vmem>>, vector<16xf32>,
      tpu.vector_store %arg29[%swap3A, %swap3A_308], %add3A_307 {strides = array<i32>} : memref<256x64xf32, #tpu.memory_space<vmem>>, vector<16xf32>,
      %mul3A_310 = arith.constant 8 : i32
      %mul3A_311 = arith.muli %add3A_205, %mul3A_310 : i32
      %get3A_312 = arith.index_cast %mul3A_311 : i32 to index
      %get3A_313 = arith.constant 16 : index
      %get3A_314 = tpu.vector_load %arg28[%get3A_312, %get3A_313] {strides = array<i32>} : memref<256x64xf32, #tpu.memory_space<vmem>>, vector<16xf32>,
      %mul3A_315 = arith.mulf %gather3A, %get3A_314 : vector<16xf32>
      %mul3A_316 = arith.constant 8 : i32
      %mul3A_317 = arith.muli %add3A_205, %mul3A_316 : i32
      %add3A_318 = arith.constant 1 : i32
      %add3A_319 = arith.addi %mul3A_317, %add3A_318 : i32
      %get3A_320 = arith.index_cast %add3A_319 : i32 to index
      %get3A_321 = arith.constant 16 : index
      %get3A_322 = tpu.vector_load %arg28[%get3A_320, %get3A_321] {strides = array<i32>} : memref<256x64xf32, #tpu.memory_space<vmem>>, vector<16xf32>,
      %mul3A_323 = arith.mulf %gather3A_215, %get3A_322 : vector<16xf32>
      %add3A_324 = arith.addf %mul3A_315, %mul3A_323 : vector<16xf32>
      %mul3A_325 = arith.constant 8 : i32
      %mul3A_326 = arith.muli %add3A_205, %mul3A_325 : i32
      %add3A_327 = arith.constant 2 : i32
      %add3A_328 = arith.addi %mul3A_326, %add3A_327 : i32
      %get3A_329 = arith.index_cast %add3A_328 : i32 to index
      %get3A_330 = arith.constant 16 : index
      %get3A_331 = tpu.vector_load %arg28[%get3A_329, %get3A_330] {strides = array<i32>} : memref<256x64xf32, #tpu.memory_space<vmem>>, vector<16xf32>,
      %mul3A_332 = arith.mulf %gather3A_219, %get3A_331 : vector<16xf32>
      %add3A_333 = arith.addf %add3A_324, %mul3A_332 : vector<16xf32>
      %mul3A_334 = arith.constant 8 : i32
      %mul3A_335 = arith.muli %add3A_205, %mul3A_334 : i32
      %add3A_336 = arith.constant 3 : i32
      %add3A_337 = arith.addi %mul3A_335, %add3A_336 : i32
      %get3A_338 = arith.index_cast %add3A_337 : i32 to index
      %get3A_339 = arith.constant 16 : index
      %get3A_340 = tpu.vector_load %arg28[%get3A_338, %get3A_339] {strides = array<i32>} : memref<256x64xf32, #tpu.memory_space<vmem>>, vector<16xf32>,
      %mul3A_341 = arith.mulf %gather3A_223, %get3A_340 : vector<16xf32>
      %add3A_342 = arith.addf %add3A_333, %mul3A_341 : vector<16xf32>
      %mul3A_343 = arith.constant 8 : i32
      %mul3A_344 = arith.muli %add3A_205, %mul3A_343 : i32
      %add3A_345 = arith.constant 4 : i32
      %add3A_346 = arith.addi %mul3A_344, %add3A_345 : i32
      %get3A_347 = arith.index_cast %add3A_346 : i32 to index
      %get3A_348 = arith.constant 16 : index
      %get3A_349 = tpu.vector_load %arg28[%get3A_347, %get3A_348] {strides = array<i32>} : memref<256x64xf32, #tpu.memory_space<vmem>>, vector<16xf32>,
      %mul3A_350 = arith.mulf %gather3A_227, %get3A_349 : vector<16xf32>
      %add3A_351 = arith.addf %add3A_342, %mul3A_350 : vector<16xf32>
      %mul3A_352 = arith.constant 8 : i32
      %mul3A_353 = arith.muli %add3A_205, %mul3A_352 : i32
      %add3A_354 = arith.constant 5 : i32
      %add3A_355 = arith.addi %mul3A_353, %add3A_354 : i32
      %get3A_356 = arith.index_cast %add3A_355 : i32 to index
      %get3A_357 = arith.constant 16 : index
      %get3A_358 = tpu.vector_load %arg28[%get3A_356, %get3A_357] {strides = array<i32>} : memref<256x64xf32, #tpu.memory_space<vmem>>, vector<16xf32>,
      %mul3A_359 = arith.mulf %gather3A_231, %get3A_358 : vector<16xf32>
      %add3A_360 = arith.addf %add3A_351, %mul3A_359 : vector<16xf32>
      %mul3A_361 = arith.constant 8 : i32
      %mul3A_362 = arith.muli %add3A_205, %mul3A_361 : i32
      %add3A_363 = arith.constant 6 : i32
      %add3A_364 = arith.addi %mul3A_362, %add3A_363 : i32
      %get3A_365 = arith.index_cast %add3A_364 : i32 to index
      %get3A_366 = arith.constant 16 : index
      %get3A_367 = tpu.vector_load %arg28[%get3A_365, %get3A_366] {strides = array<i32>} : memref<256x64xf32, #tpu.memory_space<vmem>>, vector<16xf32>,
      %mul3A_368 = arith.mulf %gather3A_235, %get3A_367 : vector<16xf32>
      %add3A_369 = arith.addf %add3A_360, %mul3A_368 : vector<16xf32>
      %mul3A_370 = arith.constant 8 : i32
      %mul3A_371 = arith.muli %add3A_205, %mul3A_370 : i32
      %add3A_372 = arith.constant 7 : i32
      %add3A_373 = arith.addi %mul3A_371, %add3A_372 : i32
      %get3A_374 = arith.index_cast %add3A_373 : i32 to index
      %get3A_375 = arith.constant 16 : index
      %get3A_376 = tpu.vector_load %arg28[%get3A_374, %get3A_375] {strides = array<i32>} : memref<256x64xf32, #tpu.memory_space<vmem>>, vector<16xf32>,
      %mul3A_377 = arith.mulf %gather3A_239, %get3A_376 : vector<16xf32>
      %add3A_378 = arith.addf %add3A_369, %mul3A_377 : vector<16xf32>
      %swap3A_379 = arith.index_cast %add3A_207 : i32 to index
      %swap3A_380 = arith.constant 16 : index
      %swap3A_381 = tpu.vector_load %arg29[%swap3A_379, %swap3A_380] {strides = array<i32>} : memref<256x64xf32, #tpu.memory_space<vmem>>, vector<16xf32>,
      tpu.vector_store %arg29[%swap3A_379, %swap3A_380], %add3A_378 {strides = array<i32>} : memref<256x64xf32, #tpu.memory_space<vmem>>, vector<16xf32>,
      %mul3A_382 = arith.constant 8 : i32
      %mul3A_383 = arith.muli %add3A_205, %mul3A_382 : i32
      %get3A_384 = arith.index_cast %mul3A_383 : i32 to index
      %get3A_385 = arith.constant 32 : index
      %get3A_386 = tpu.vector_load %arg28[%get3A_384, %get3A_385] {strides = array<i32>} : memref<256x64xf32, #tpu.memory_space<vmem>>, vector<16xf32>,
      %mul3A_387 = arith.mulf %gather3A, %get3A_386 : vector<16xf32>
      %mul3A_388 = arith.constant 8 : i32
      %mul3A_389 = arith.muli %add3A_205, %mul3A_388 : i32
      %add3A_390 = arith.constant 1 : i32
      %add3A_391 = arith.addi %mul3A_389, %add3A_390 : i32
      %get3A_392 = arith.index_cast %add3A_391 : i32 to index
      %get3A_393 = arith.constant 32 : index
      %get3A_394 = tpu.vector_load %arg28[%get3A_392, %get3A_393] {strides = array<i32>} : memref<256x64xf32, #tpu.memory_space<vmem>>, vector<16xf32>,
      %mul3A_395 = arith.mulf %gather3A_215, %get3A_394 : vector<16xf32>
      %add3A_396 = arith.addf %mul3A_387, %mul3A_395 : vector<16xf32>
      %mul3A_397 = arith.constant 8 : i32
      %mul3A_398 = arith.muli %add3A_205, %mul3A_397 : i32
      %add3A_399 = arith.constant 2 : i32
      %add3A_400 = arith.addi %mul3A_398, %add3A_399 : i32
      %get3A_401 = arith.index_cast %add3A_400 : i32 to index
      %get3A_402 = arith.constant 32 : index
      %get3A_403 = tpu.vector_load %arg28[%get3A_401, %get3A_402] {strides = array<i32>} : memref<256x64xf32, #tpu.memory_space<vmem>>, vector<16xf32>,
      %mul3A_404 = arith.mulf %gather3A_219, %get3A_403 : vector<16xf32>
      %add3A_405 = arith.addf %add3A_396, %mul3A_404 : vector<16xf32>
      %mul3A_406 = arith.constant 8 : i32
      %mul3A_407 = arith.muli %add3A_205, %mul3A_406 : i32
      %add3A_408 = arith.constant 3 : i32
      %add3A_409 = arith.addi %mul3A_407, %add3A_408 : i32
      %get3A_410 = arith.index_cast %add3A_409 : i32 to index
      %get3A_411 = arith.constant 32 : index
      %get3A_412 = tpu.vector_load %arg28[%get3A_410, %get3A_411] {strides = array<i32>} : memref<256x64xf32, #tpu.memory_space<vmem>>, vector<16xf32>,
      %mul3A_413 = arith.mulf %gather3A_223, %get3A_412 : vector<16xf32>
      %add3A_414 = arith.addf %add3A_405, %mul3A_413 : vector<16xf32>
      %mul3A_415 = arith.constant 8 : i32
      %mul3A_416 = arith.muli %add3A_205, %mul3A_415 : i32
      %add3A_417 = arith.constant 4 : i32
      %add3A_418 = arith.addi %mul3A_416, %add3A_417 : i32
      %get3A_419 = arith.index_cast %add3A_418 : i32 to index
      %get3A_420 = arith.constant 32 : index
      %get3A_421 = tpu.vector_load %arg28[%get3A_419, %get3A_420] {strides = array<i32>} : memref<256x64xf32, #tpu.memory_space<vmem>>, vector<16xf32>,
      %mul3A_422 = arith.mulf %gather3A_227, %get3A_421 : vector<16xf32>
      %add3A_423 = arith.addf %add3A_414, %mul3A_422 : vector<16xf32>
      %mul3A_424 = arith.constant 8 : i32
      %mul3A_425 = arith.muli %add3A_205, %mul3A_424 : i32
      %add3A_426 = arith.constant 5 : i32
      %add3A_427 = arith.addi %mul3A_425, %add3A_426 : i32
      %get3A_428 = arith.index_cast %add3A_427 : i32 to index
      %get3A_429 = arith.constant 32 : index
      %get3A_430 = tpu.vector_load %arg28[%get3A_428, %get3A_429] {strides = array<i32>} : memref<256x64xf32, #tpu.memory_space<vmem>>, vector<16xf32>,
      %mul3A_431 = arith.mulf %gather3A_231, %get3A_430 : vector<16xf32>
      %add3A_432 = arith.addf %add3A_423, %mul3A_431 : vector<16xf32>
      %mul3A_433 = arith.constant 8 : i32
      %mul3A_434 = arith.muli %add3A_205, %mul3A_433 : i32
      %add3A_435 = arith.constant 6 : i32
      %add3A_436 = arith.addi %mul3A_434, %add3A_435 : i32
      %get3A_437 = arith.index_cast %add3A_436 : i32 to index
      %get3A_438 = arith.constant 32 : index
      %get3A_439 = tpu.vector_load %arg28[%get3A_437, %get3A_438] {strides = array<i32>} : memref<256x64xf32, #tpu.memory_space<vmem>>, vector<16xf32>,
      %mul3A_440 = arith.mulf %gather3A_235, %get3A_439 : vector<16xf32>
      %add3A_441 = arith.addf %add3A_432, %mul3A_440 : vector<16xf32>
      %mul3A_442 = arith.constant 8 : i32
      %mul3A_443 = arith.muli %add3A_205, %mul3A_442 : i32
      %add3A_444 = arith.constant 7 : i32
      %add3A_445 = arith.addi %mul3A_443, %add3A_444 : i32
      %get3A_446 = arith.index_cast %add3A_445 : i32 to index
      %get3A_447 = arith.constant 32 : index
      %get3A_448 = tpu.vector_load %arg28[%get3A_446, %get3A_447] {strides = array<i32>} : memref<256x64xf32, #tpu.memory_space<vmem>>, vector<16xf32>,
      %mul3A_449 = arith.mulf %gather3A_239, %get3A_448 : vector<16xf32>
      %add3A_450 = arith.addf %add3A_441, %mul3A_449 : vector<16xf32>
      %swap3A_451 = arith.index_cast %add3A_207 : i32 to index
      %swap3A_452 = arith.constant 32 : index
      %swap3A_453 = tpu.vector_load %arg29[%swap3A_451, %swap3A_452] {strides = array<i32>} : memref<256x64xf32, #tpu.memory_space<vmem>>, vector<16xf32>,
      tpu.vector_store %arg29[%swap3A_451, %swap3A_452], %add3A_450 {strides = array<i32>} : memref<256x64xf32, #tpu.memory_space<vmem>>, vector<16xf32>,
      %mul3A_454 = arith.constant 8 : i32
      %mul3A_455 = arith.muli %add3A_205, %mul3A_454 : i32
      %get3A_456 = arith.index_cast %mul3A_455 : i32 to index
      %get3A_457 = arith.constant 48 : index
      %get3A_458 = tpu.vector_load %arg28[%get3A_456, %get3A_457] {strides = array<i32>} : memref<256x64xf32, #tpu.memory_space<vmem>>, vector<16xf32>,
      %mul3A_459 = arith.mulf %gather3A, %get3A_458 : vector<16xf32>
      %mul3A_460 = arith.constant 8 : i32
      %mul3A_461 = arith.muli %add3A_205, %mul3A_460 : i32
      %add3A_462 = arith.constant 1 : i32
      %add3A_463 = arith.addi %mul3A_461, %add3A_462 : i32
      %get3A_464 = arith.index_cast %add3A_463 : i32 to index
      %get3A_465 = arith.constant 48 : index
      %get3A_466 = tpu.vector_load %arg28[%get3A_464, %get3A_465] {strides = array<i32>} : memref<256x64xf32, #tpu.memory_space<vmem>>, vector<16xf32>,
      %mul3A_467 = arith.mulf %gather3A_215, %get3A_466 : vector<16xf32>
      %add3A_468 = arith.addf %mul3A_459, %mul3A_467 : vector<16xf32>
      %mul3A_469 = arith.constant 8 : i32
      %mul3A_470 = arith.muli %add3A_205, %mul3A_469 : i32
      %add3A_471 = arith.constant 2 : i32
      %add3A_472 = arith.addi %mul3A_470, %add3A_471 : i32
      %get3A_473 = arith.index_cast %add3A_472 : i32 to index
      %get3A_474 = arith.constant 48 : index
      %get3A_475 = tpu.vector_load %arg28[%get3A_473, %get3A_474] {strides = array<i32>} : memref<256x64xf32, #tpu.memory_space<vmem>>, vector<16xf32>,
      %mul3A_476 = arith.mulf %gather3A_219, %get3A_475 : vector<16xf32>
      %add3A_477 = arith.addf %add3A_468, %mul3A_476 : vector<16xf32>
      %mul3A_478 = arith.constant 8 : i32
      %mul3A_479 = arith.muli %add3A_205, %mul3A_478 : i32
      %add3A_480 = arith.constant 3 : i32
      %add3A_481 = arith.addi %mul3A_479, %add3A_480 : i32
      %get3A_482 = arith.index_cast %add3A_481 : i32 to index
      %get3A_483 = arith.constant 48 : index
      %get3A_484 = tpu.vector_load %arg28[%get3A_482, %get3A_483] {strides = array<i32>} : memref<256x64xf32, #tpu.memory_space<vmem>>, vector<16xf32>,
      %mul3A_485 = arith.mulf %gather3A_223, %get3A_484 : vector<16xf32>
      %add3A_486 = arith.addf %add3A_477, %mul3A_485 : vector<16xf32>
      %mul3A_487 = arith.constant 8 : i32
      %mul3A_488 = arith.muli %add3A_205, %mul3A_487 : i32
      %add3A_489 = arith.constant 4 : i32
      %add3A_490 = arith.addi %mul3A_488, %add3A_489 : i32
      %get3A_491 = arith.index_cast %add3A_490 : i32 to index
      %get3A_492 = arith.constant 48 : index
      %get3A_493 = tpu.vector_load %arg28[%get3A_491, %get3A_492] {strides = array<i32>} : memref<256x64xf32, #tpu.memory_space<vmem>>, vector<16xf32>,
      %mul3A_494 = arith.mulf %gather3A_227, %get3A_493 : vector<16xf32>
      %add3A_495 = arith.addf %add3A_486, %mul3A_494 : vector<16xf32>
      %mul3A_496 = arith.constant 8 : i32
      %mul3A_497 = arith.muli %add3A_205, %mul3A_496 : i32
      %add3A_498 = arith.constant 5 : i32
      %add3A_499 = arith.addi %mul3A_497, %add3A_498 : i32
      %get3A_500 = arith.index_cast %add3A_499 : i32 to index
      %get3A_501 = arith.constant 48 : index
      %get3A_502 = tpu.vector_load %arg28[%get3A_500, %get3A_501] {strides = array<i32>} : memref<256x64xf32, #tpu.memory_space<vmem>>, vector<16xf32>,
      %mul3A_503 = arith.mulf %gather3A_231, %get3A_502 : vector<16xf32>
      %add3A_504 = arith.addf %add3A_495, %mul3A_503 : vector<16xf32>
      %mul3A_505 = arith.constant 8 : i32
      %mul3A_506 = arith.muli %add3A_205, %mul3A_505 : i32
      %add3A_507 = arith.constant 6 : i32
      %add3A_508 = arith.addi %mul3A_506, %add3A_507 : i32
      %get3A_509 = arith.index_cast %add3A_508 : i32 to index
      %get3A_510 = arith.constant 48 : index
      %get3A_511 = tpu.vector_load %arg28[%get3A_509, %get3A_510] {strides = array<i32>} : memref<256x64xf32, #tpu.memory_space<vmem>>, vector<16xf32>,
      %mul3A_512 = arith.mulf %gather3A_235, %get3A_511 : vector<16xf32>
      %add3A_513 = arith.addf %add3A_504, %mul3A_512 : vector<16xf32>
      %mul3A_514 = arith.constant 8 : i32
      %mul3A_515 = arith.muli %add3A_205, %mul3A_514 : i32
      %add3A_516 = arith.constant 7 : i32
      %add3A_517 = arith.addi %mul3A_515, %add3A_516 : i32
      %get3A_518 = arith.index_cast %add3A_517 : i32 to index
      %get3A_519 = arith.constant 48 : index
      %get3A_520 = tpu.vector_load %arg28[%get3A_518, %get3A_519] {strides = array<i32>} : memref<256x64xf32, #tpu.memory_space<vmem>>, vector<16xf32>,
      %mul3A_521 = arith.mulf %gather3A_239, %get3A_520 : vector<16xf32>
      %add3A_522 = arith.addf %add3A_513, %mul3A_521 : vector<16xf32>
      %swap3A_523 = arith.index_cast %add3A_207 : i32 to index
      %swap3A_524 = arith.constant 48 : index
      %swap3A_525 = tpu.vector_load %arg29[%swap3A_523, %swap3A_524] {strides = array<i32>} : memref<256x64xf32, #tpu.memory_space<vmem>>, vector<16xf32>,
      tpu.vector_store %arg29[%swap3A_523, %swap3A_524], %add3A_522 {strides = array<i32>} : memref<256x64xf32, #tpu.memory_space<vmem>>, vector<16xf32>,
    }
    %scan3A_113 = arith.constant 32 : i32
    %dma_start3A_114 = arith.constant 768 : i32
    %dma_start3A_115 = tpu.memref_slice %arg23[%dma_start3A_114] : memref<2048xi32, #tpu.memory_space<vmem>> -> memref<256xi32, #tpu.memory_space<vmem>>
    %dma_start3A_116 = arith.constant 0 : i32
    %dma_start3A_117 = arith.constant 0 : i32
    %dma_start3A_118 = tpu.memref_slice %arg4[%dma_start3A_116, %dma_start3A_117] : memref<100000x64xf32, #tpu.memory_space<hbm>> -> memref<100000x64xf32, #tpu.memory_space<hbm>>
    tpu.enqueue_indirect_dma source(%dma_start3A_118 : memref<100000x64xf32, #tpu.memory_space<hbm>>) target(%arg28 : memref<256x64xf32, #tpu.memory_space<vmem>>) offsets(%dma_start3A_115 : memref<256xi32, #tpu.memory_space<vmem>>) semaphore(%arg34 : memref<!tpu.dma_semaphore, #tpu.memory_space<semaphore_mem>>)
    %dma_wait3A_119 = arith.constant 512 : i32
    %dma_wait3A_120 = tpu.memref_slice %arg23[%dma_wait3A_119] : memref<2048xi32, #tpu.memory_space<vmem>> -> memref<256xi32, #tpu.memory_space<vmem>>
    %dma_wait3A_121 = arith.constant 0 : i32
    %dma_wait3A_122 = arith.constant 0 : i32
    %dma_wait3A_123 = tpu.memref_slice %arg4[%dma_wait3A_121, %dma_wait3A_122] : memref<100000x64xf32, #tpu.memory_space<hbm>> -> memref<100000x64xf32, #tpu.memory_space<hbm>>
    tpu.wait_indirect_dma semaphore(%arg33 : memref<!tpu.dma_semaphore, #tpu.memory_space<semaphore_mem>>) src(%dma_wait3A_123 : memref<100000x64xf32, #tpu.memory_space<hbm>>) dst(%arg27 : memref<256x64xf32, #tpu.memory_space<vmem>>)
    %scan3A_124 = arith.constant 0 : i32
    %scan3A_125 = arith.constant 32 : i32
    %scan3A_126 = arith.addi %scan3A_124, %scan3A_125 : i32
    %scan3A_127 = arith.constant 1 : i32
    scf.for %scan3A_201 = %scan3A_124 to %scan3A_126 step %scan3A_127  : i32 {
      %mul3A_202 = arith.constant 1 : i32
      %mul3A_203 = arith.muli %scan3A_201, %mul3A_202 : i32
      %add3A_204 = arith.constant 0 : i32
      %add3A_205 = arith.addi %add3A_204, %mul3A_203 : i32
      %add3A_206 = arith.constant 64 : i32
      %add3A_207 = arith.addi %add3A_206, %add3A_205 : i32
      %mul3A_208 = arith.constant 8 : i32
      %mul3A_209 = arith.muli %add3A_207, %mul3A_208 : i32
      %add3A_210 = arith.constant 0 : i32
      %add3A_211 = arith.addi %mul3A_209, %add3A_210 : i32
      %broadcast_in_dim3A = vector.broadcast %add3A_211 : i32 to vector<16xi32>
      %gather3A = tpu.vector_load_idx %arg25[%broadcast_in_dim3A] : memref<2048xf32, #tpu.memory_space<vmem>>[vector<16xi32>], vector<16xf32>,
      %add3A_212 = arith.constant 1 : i32
      %add3A_213 = arith.addi %mul3A_209, %add3A_212 : i32
      %broadcast_in_dim3A_214 = vector.broadcast %add3A_213 : i32 to vector<16xi32>
      %gather3A_215 = tpu.vector_load_idx %arg25[%broadcast_in_dim3A_214] : memref<2048xf32, #tpu.memory_space<vmem>>[vector<16xi32>], vector<16xf32>,
      %add3A_216 = arith.constant 2 : i32
      %add3A_217 = arith.addi %mul3A_209, %add3A_216 : i32
      %broadcast_in_dim3A_218 = vector.broadcast %add3A_217 : i32 to vector<16xi32>
      %gather3A_219 = tpu.vector_load_idx %arg25[%broadcast_in_dim3A_218] : memref<2048xf32, #tpu.memory_space<vmem>>[vector<16xi32>], vector<16xf32>,
      %add3A_220 = arith.constant 3 : i32
      %add3A_221 = arith.addi %mul3A_209, %add3A_220 : i32
      %broadcast_in_dim3A_222 = vector.broadcast %add3A_221 : i32 to vector<16xi32>
      %gather3A_223 = tpu.vector_load_idx %arg25[%broadcast_in_dim3A_222] : memref<2048xf32, #tpu.memory_space<vmem>>[vector<16xi32>], vector<16xf32>,
      %add3A_224 = arith.constant 4 : i32
      %add3A_225 = arith.addi %mul3A_209, %add3A_224 : i32
      %broadcast_in_dim3A_226 = vector.broadcast %add3A_225 : i32 to vector<16xi32>
      %gather3A_227 = tpu.vector_load_idx %arg25[%broadcast_in_dim3A_226] : memref<2048xf32, #tpu.memory_space<vmem>>[vector<16xi32>], vector<16xf32>,
      %add3A_228 = arith.constant 5 : i32
      %add3A_229 = arith.addi %mul3A_209, %add3A_228 : i32
      %broadcast_in_dim3A_230 = vector.broadcast %add3A_229 : i32 to vector<16xi32>
      %gather3A_231 = tpu.vector_load_idx %arg25[%broadcast_in_dim3A_230] : memref<2048xf32, #tpu.memory_space<vmem>>[vector<16xi32>], vector<16xf32>,
      %add3A_232 = arith.constant 6 : i32
      %add3A_233 = arith.addi %mul3A_209, %add3A_232 : i32
      %broadcast_in_dim3A_234 = vector.broadcast %add3A_233 : i32 to vector<16xi32>
      %gather3A_235 = tpu.vector_load_idx %arg25[%broadcast_in_dim3A_234] : memref<2048xf32, #tpu.memory_space<vmem>>[vector<16xi32>], vector<16xf32>,
      %add3A_236 = arith.constant 7 : i32
      %add3A_237 = arith.addi %mul3A_209, %add3A_236 : i32
      %broadcast_in_dim3A_238 = vector.broadcast %add3A_237 : i32 to vector<16xi32>
      %gather3A_239 = tpu.vector_load_idx %arg25[%broadcast_in_dim3A_238] : memref<2048xf32, #tpu.memory_space<vmem>>[vector<16xi32>], vector<16xf32>,
      %mul3A_240 = arith.constant 8 : i32
      %mul3A_241 = arith.muli %add3A_205, %mul3A_240 : i32
      %get3A = arith.index_cast %mul3A_241 : i32 to index
      %get3A_242 = arith.constant 0 : index
      %get3A_243 = tpu.vector_load %arg27[%get3A, %get3A_242] {strides = array<i32>} : memref<256x64xf32, #tpu.memory_space<vmem>>, vector<16xf32>,
      %mul3A_244 = arith.mulf %gather3A, %get3A_243 : vector<16xf32>
      %mul3A_245 = arith.constant 8 : i32
      %mul3A_246 = arith.muli %add3A_205, %mul3A_245 : i32
      %add3A_247 = arith.constant 1 : i32
      %add3A_248 = arith.addi %mul3A_246, %add3A_247 : i32
      %get3A_249 = arith.index_cast %add3A_248 : i32 to index
      %get3A_250 = arith.constant 0 : index
      %get3A_251 = tpu.vector_load %arg27[%get3A_249, %get3A_250] {strides = array<i32>} : memref<256x64xf32, #tpu.memory_space<vmem>>, vector<16xf32>,
      %mul3A_252 = arith.mulf %gather3A_215, %get3A_251 : vector<16xf32>
      %add3A_253 = arith.addf %mul3A_244, %mul3A_252 : vector<16xf32>
      %mul3A_254 = arith.constant 8 : i32
      %mul3A_255 = arith.muli %add3A_205, %mul3A_254 : i32
      %add3A_256 = arith.constant 2 : i32
      %add3A_257 = arith.addi %mul3A_255, %add3A_256 : i32
      %get3A_258 = arith.index_cast %add3A_257 : i32 to index
      %get3A_259 = arith.constant 0 : index
      %get3A_260 = tpu.vector_load %arg27[%get3A_258, %get3A_259] {strides = array<i32>} : memref<256x64xf32, #tpu.memory_space<vmem>>, vector<16xf32>,
      %mul3A_261 = arith.mulf %gather3A_219, %get3A_260 : vector<16xf32>
      %add3A_262 = arith.addf %add3A_253, %mul3A_261 : vector<16xf32>
      %mul3A_263 = arith.constant 8 : i32
      %mul3A_264 = arith.muli %add3A_205, %mul3A_263 : i32
      %add3A_265 = arith.constant 3 : i32
      %add3A_266 = arith.addi %mul3A_264, %add3A_265 : i32
      %get3A_267 = arith.index_cast %add3A_266 : i32 to index
      %get3A_268 = arith.constant 0 : index
      %get3A_269 = tpu.vector_load %arg27[%get3A_267, %get3A_268] {strides = array<i32>} : memref<256x64xf32, #tpu.memory_space<vmem>>, vector<16xf32>,
      %mul3A_270 = arith.mulf %gather3A_223, %get3A_269 : vector<16xf32>
      %add3A_271 = arith.addf %add3A_262, %mul3A_270 : vector<16xf32>
      %mul3A_272 = arith.constant 8 : i32
      %mul3A_273 = arith.muli %add3A_205, %mul3A_272 : i32
      %add3A_274 = arith.constant 4 : i32
      %add3A_275 = arith.addi %mul3A_273, %add3A_274 : i32
      %get3A_276 = arith.index_cast %add3A_275 : i32 to index
      %get3A_277 = arith.constant 0 : index
      %get3A_278 = tpu.vector_load %arg27[%get3A_276, %get3A_277] {strides = array<i32>} : memref<256x64xf32, #tpu.memory_space<vmem>>, vector<16xf32>,
      %mul3A_279 = arith.mulf %gather3A_227, %get3A_278 : vector<16xf32>
      %add3A_280 = arith.addf %add3A_271, %mul3A_279 : vector<16xf32>
      %mul3A_281 = arith.constant 8 : i32
      %mul3A_282 = arith.muli %add3A_205, %mul3A_281 : i32
      %add3A_283 = arith.constant 5 : i32
      %add3A_284 = arith.addi %mul3A_282, %add3A_283 : i32
      %get3A_285 = arith.index_cast %add3A_284 : i32 to index
      %get3A_286 = arith.constant 0 : index
      %get3A_287 = tpu.vector_load %arg27[%get3A_285, %get3A_286] {strides = array<i32>} : memref<256x64xf32, #tpu.memory_space<vmem>>, vector<16xf32>,
      %mul3A_288 = arith.mulf %gather3A_231, %get3A_287 : vector<16xf32>
      %add3A_289 = arith.addf %add3A_280, %mul3A_288 : vector<16xf32>
      %mul3A_290 = arith.constant 8 : i32
      %mul3A_291 = arith.muli %add3A_205, %mul3A_290 : i32
      %add3A_292 = arith.constant 6 : i32
      %add3A_293 = arith.addi %mul3A_291, %add3A_292 : i32
      %get3A_294 = arith.index_cast %add3A_293 : i32 to index
      %get3A_295 = arith.constant 0 : index
      %get3A_296 = tpu.vector_load %arg27[%get3A_294, %get3A_295] {strides = array<i32>} : memref<256x64xf32, #tpu.memory_space<vmem>>, vector<16xf32>,
      %mul3A_297 = arith.mulf %gather3A_235, %get3A_296 : vector<16xf32>
      %add3A_298 = arith.addf %add3A_289, %mul3A_297 : vector<16xf32>
      %mul3A_299 = arith.constant 8 : i32
      %mul3A_300 = arith.muli %add3A_205, %mul3A_299 : i32
      %add3A_301 = arith.constant 7 : i32
      %add3A_302 = arith.addi %mul3A_300, %add3A_301 : i32
      %get3A_303 = arith.index_cast %add3A_302 : i32 to index
      %get3A_304 = arith.constant 0 : index
      %get3A_305 = tpu.vector_load %arg27[%get3A_303, %get3A_304] {strides = array<i32>} : memref<256x64xf32, #tpu.memory_space<vmem>>, vector<16xf32>,
      %mul3A_306 = arith.mulf %gather3A_239, %get3A_305 : vector<16xf32>
      %add3A_307 = arith.addf %add3A_298, %mul3A_306 : vector<16xf32>
      %swap3A = arith.index_cast %add3A_207 : i32 to index
      %swap3A_308 = arith.constant 0 : index
      %swap3A_309 = tpu.vector_load %arg29[%swap3A, %swap3A_308] {strides = array<i32>} : memref<256x64xf32, #tpu.memory_space<vmem>>, vector<16xf32>,
      tpu.vector_store %arg29[%swap3A, %swap3A_308], %add3A_307 {strides = array<i32>} : memref<256x64xf32, #tpu.memory_space<vmem>>, vector<16xf32>,
      %mul3A_310 = arith.constant 8 : i32
      %mul3A_311 = arith.muli %add3A_205, %mul3A_310 : i32
      %get3A_312 = arith.index_cast %mul3A_311 : i32 to index
      %get3A_313 = arith.constant 16 : index
      %get3A_314 = tpu.vector_load %arg27[%get3A_312, %get3A_313] {strides = array<i32>} : memref<256x64xf32, #tpu.memory_space<vmem>>, vector<16xf32>,
      %mul3A_315 = arith.mulf %gather3A, %get3A_314 : vector<16xf32>
      %mul3A_316 = arith.constant 8 : i32
      %mul3A_317 = arith.muli %add3A_205, %mul3A_316 : i32
      %add3A_318 = arith.constant 1 : i32
      %add3A_319 = arith.addi %mul3A_317, %add3A_318 : i32
      %get3A_320 = arith.index_cast %add3A_319 : i32 to index
      %get3A_321 = arith.constant 16 : index
      %get3A_322 = tpu.vector_load %arg27[%get3A_320, %get3A_321] {strides = array<i32>} : memref<256x64xf32, #tpu.memory_space<vmem>>, vector<16xf32>,
      %mul3A_323 = arith.mulf %gather3A_215, %get3A_322 : vector<16xf32>
      %add3A_324 = arith.addf %mul3A_315, %mul3A_323 : vector<16xf32>
      %mul3A_325 = arith.constant 8 : i32
      %mul3A_326 = arith.muli %add3A_205, %mul3A_325 : i32
      %add3A_327 = arith.constant 2 : i32
      %add3A_328 = arith.addi %mul3A_326, %add3A_327 : i32
      %get3A_329 = arith.index_cast %add3A_328 : i32 to index
      %get3A_330 = arith.constant 16 : index
      %get3A_331 = tpu.vector_load %arg27[%get3A_329, %get3A_330] {strides = array<i32>} : memref<256x64xf32, #tpu.memory_space<vmem>>, vector<16xf32>,
      %mul3A_332 = arith.mulf %gather3A_219, %get3A_331 : vector<16xf32>
      %add3A_333 = arith.addf %add3A_324, %mul3A_332 : vector<16xf32>
      %mul3A_334 = arith.constant 8 : i32
      %mul3A_335 = arith.muli %add3A_205, %mul3A_334 : i32
      %add3A_336 = arith.constant 3 : i32
      %add3A_337 = arith.addi %mul3A_335, %add3A_336 : i32
      %get3A_338 = arith.index_cast %add3A_337 : i32 to index
      %get3A_339 = arith.constant 16 : index
      %get3A_340 = tpu.vector_load %arg27[%get3A_338, %get3A_339] {strides = array<i32>} : memref<256x64xf32, #tpu.memory_space<vmem>>, vector<16xf32>,
      %mul3A_341 = arith.mulf %gather3A_223, %get3A_340 : vector<16xf32>
      %add3A_342 = arith.addf %add3A_333, %mul3A_341 : vector<16xf32>
      %mul3A_343 = arith.constant 8 : i32
      %mul3A_344 = arith.muli %add3A_205, %mul3A_343 : i32
      %add3A_345 = arith.constant 4 : i32
      %add3A_346 = arith.addi %mul3A_344, %add3A_345 : i32
      %get3A_347 = arith.index_cast %add3A_346 : i32 to index
      %get3A_348 = arith.constant 16 : index
      %get3A_349 = tpu.vector_load %arg27[%get3A_347, %get3A_348] {strides = array<i32>} : memref<256x64xf32, #tpu.memory_space<vmem>>, vector<16xf32>,
      %mul3A_350 = arith.mulf %gather3A_227, %get3A_349 : vector<16xf32>
      %add3A_351 = arith.addf %add3A_342, %mul3A_350 : vector<16xf32>
      %mul3A_352 = arith.constant 8 : i32
      %mul3A_353 = arith.muli %add3A_205, %mul3A_352 : i32
      %add3A_354 = arith.constant 5 : i32
      %add3A_355 = arith.addi %mul3A_353, %add3A_354 : i32
      %get3A_356 = arith.index_cast %add3A_355 : i32 to index
      %get3A_357 = arith.constant 16 : index
      %get3A_358 = tpu.vector_load %arg27[%get3A_356, %get3A_357] {strides = array<i32>} : memref<256x64xf32, #tpu.memory_space<vmem>>, vector<16xf32>,
      %mul3A_359 = arith.mulf %gather3A_231, %get3A_358 : vector<16xf32>
      %add3A_360 = arith.addf %add3A_351, %mul3A_359 : vector<16xf32>
      %mul3A_361 = arith.constant 8 : i32
      %mul3A_362 = arith.muli %add3A_205, %mul3A_361 : i32
      %add3A_363 = arith.constant 6 : i32
      %add3A_364 = arith.addi %mul3A_362, %add3A_363 : i32
      %get3A_365 = arith.index_cast %add3A_364 : i32 to index
      %get3A_366 = arith.constant 16 : index
      %get3A_367 = tpu.vector_load %arg27[%get3A_365, %get3A_366] {strides = array<i32>} : memref<256x64xf32, #tpu.memory_space<vmem>>, vector<16xf32>,
      %mul3A_368 = arith.mulf %gather3A_235, %get3A_367 : vector<16xf32>
      %add3A_369 = arith.addf %add3A_360, %mul3A_368 : vector<16xf32>
      %mul3A_370 = arith.constant 8 : i32
      %mul3A_371 = arith.muli %add3A_205, %mul3A_370 : i32
      %add3A_372 = arith.constant 7 : i32
      %add3A_373 = arith.addi %mul3A_371, %add3A_372 : i32
      %get3A_374 = arith.index_cast %add3A_373 : i32 to index
      %get3A_375 = arith.constant 16 : index
      %get3A_376 = tpu.vector_load %arg27[%get3A_374, %get3A_375] {strides = array<i32>} : memref<256x64xf32, #tpu.memory_space<vmem>>, vector<16xf32>,
      %mul3A_377 = arith.mulf %gather3A_239, %get3A_376 : vector<16xf32>
      %add3A_378 = arith.addf %add3A_369, %mul3A_377 : vector<16xf32>
      %swap3A_379 = arith.index_cast %add3A_207 : i32 to index
      %swap3A_380 = arith.constant 16 : index
      %swap3A_381 = tpu.vector_load %arg29[%swap3A_379, %swap3A_380] {strides = array<i32>} : memref<256x64xf32, #tpu.memory_space<vmem>>, vector<16xf32>,
      tpu.vector_store %arg29[%swap3A_379, %swap3A_380], %add3A_378 {strides = array<i32>} : memref<256x64xf32, #tpu.memory_space<vmem>>, vector<16xf32>,
      %mul3A_382 = arith.constant 8 : i32
      %mul3A_383 = arith.muli %add3A_205, %mul3A_382 : i32
      %get3A_384 = arith.index_cast %mul3A_383 : i32 to index
      %get3A_385 = arith.constant 32 : index
      %get3A_386 = tpu.vector_load %arg27[%get3A_384, %get3A_385] {strides = array<i32>} : memref<256x64xf32, #tpu.memory_space<vmem>>, vector<16xf32>,
      %mul3A_387 = arith.mulf %gather3A, %get3A_386 : vector<16xf32>
      %mul3A_388 = arith.constant 8 : i32
      %mul3A_389 = arith.muli %add3A_205, %mul3A_388 : i32
      %add3A_390 = arith.constant 1 : i32
      %add3A_391 = arith.addi %mul3A_389, %add3A_390 : i32
      %get3A_392 = arith.index_cast %add3A_391 : i32 to index
      %get3A_393 = arith.constant 32 : index
      %get3A_394 = tpu.vector_load %arg27[%get3A_392, %get3A_393] {strides = array<i32>} : memref<256x64xf32, #tpu.memory_space<vmem>>, vector<16xf32>,
      %mul3A_395 = arith.mulf %gather3A_215, %get3A_394 : vector<16xf32>
      %add3A_396 = arith.addf %mul3A_387, %mul3A_395 : vector<16xf32>
      %mul3A_397 = arith.constant 8 : i32
      %mul3A_398 = arith.muli %add3A_205, %mul3A_397 : i32
      %add3A_399 = arith.constant 2 : i32
      %add3A_400 = arith.addi %mul3A_398, %add3A_399 : i32
      %get3A_401 = arith.index_cast %add3A_400 : i32 to index
      %get3A_402 = arith.constant 32 : index
      %get3A_403 = tpu.vector_load %arg27[%get3A_401, %get3A_402] {strides = array<i32>} : memref<256x64xf32, #tpu.memory_space<vmem>>, vector<16xf32>,
      %mul3A_404 = arith.mulf %gather3A_219, %get3A_403 : vector<16xf32>
      %add3A_405 = arith.addf %add3A_396, %mul3A_404 : vector<16xf32>
      %mul3A_406 = arith.constant 8 : i32
      %mul3A_407 = arith.muli %add3A_205, %mul3A_406 : i32
      %add3A_408 = arith.constant 3 : i32
      %add3A_409 = arith.addi %mul3A_407, %add3A_408 : i32
      %get3A_410 = arith.index_cast %add3A_409 : i32 to index
      %get3A_411 = arith.constant 32 : index
      %get3A_412 = tpu.vector_load %arg27[%get3A_410, %get3A_411] {strides = array<i32>} : memref<256x64xf32, #tpu.memory_space<vmem>>, vector<16xf32>,
      %mul3A_413 = arith.mulf %gather3A_223, %get3A_412 : vector<16xf32>
      %add3A_414 = arith.addf %add3A_405, %mul3A_413 : vector<16xf32>
      %mul3A_415 = arith.constant 8 : i32
      %mul3A_416 = arith.muli %add3A_205, %mul3A_415 : i32
      %add3A_417 = arith.constant 4 : i32
      %add3A_418 = arith.addi %mul3A_416, %add3A_417 : i32
      %get3A_419 = arith.index_cast %add3A_418 : i32 to index
      %get3A_420 = arith.constant 32 : index
      %get3A_421 = tpu.vector_load %arg27[%get3A_419, %get3A_420] {strides = array<i32>} : memref<256x64xf32, #tpu.memory_space<vmem>>, vector<16xf32>,
      %mul3A_422 = arith.mulf %gather3A_227, %get3A_421 : vector<16xf32>
      %add3A_423 = arith.addf %add3A_414, %mul3A_422 : vector<16xf32>
      %mul3A_424 = arith.constant 8 : i32
      %mul3A_425 = arith.muli %add3A_205, %mul3A_424 : i32
      %add3A_426 = arith.constant 5 : i32
      %add3A_427 = arith.addi %mul3A_425, %add3A_426 : i32
      %get3A_428 = arith.index_cast %add3A_427 : i32 to index
      %get3A_429 = arith.constant 32 : index
      %get3A_430 = tpu.vector_load %arg27[%get3A_428, %get3A_429] {strides = array<i32>} : memref<256x64xf32, #tpu.memory_space<vmem>>, vector<16xf32>,
      %mul3A_431 = arith.mulf %gather3A_231, %get3A_430 : vector<16xf32>
      %add3A_432 = arith.addf %add3A_423, %mul3A_431 : vector<16xf32>
      %mul3A_433 = arith.constant 8 : i32
      %mul3A_434 = arith.muli %add3A_205, %mul3A_433 : i32
      %add3A_435 = arith.constant 6 : i32
      %add3A_436 = arith.addi %mul3A_434, %add3A_435 : i32
      %get3A_437 = arith.index_cast %add3A_436 : i32 to index
      %get3A_438 = arith.constant 32 : index
      %get3A_439 = tpu.vector_load %arg27[%get3A_437, %get3A_438] {strides = array<i32>} : memref<256x64xf32, #tpu.memory_space<vmem>>, vector<16xf32>,
      %mul3A_440 = arith.mulf %gather3A_235, %get3A_439 : vector<16xf32>
      %add3A_441 = arith.addf %add3A_432, %mul3A_440 : vector<16xf32>
      %mul3A_442 = arith.constant 8 : i32
      %mul3A_443 = arith.muli %add3A_205, %mul3A_442 : i32
      %add3A_444 = arith.constant 7 : i32
      %add3A_445 = arith.addi %mul3A_443, %add3A_444 : i32
      %get3A_446 = arith.index_cast %add3A_445 : i32 to index
      %get3A_447 = arith.constant 32 : index
      %get3A_448 = tpu.vector_load %arg27[%get3A_446, %get3A_447] {strides = array<i32>} : memref<256x64xf32, #tpu.memory_space<vmem>>, vector<16xf32>,
      %mul3A_449 = arith.mulf %gather3A_239, %get3A_448 : vector<16xf32>
      %add3A_450 = arith.addf %add3A_441, %mul3A_449 : vector<16xf32>
      %swap3A_451 = arith.index_cast %add3A_207 : i32 to index
      %swap3A_452 = arith.constant 32 : index
      %swap3A_453 = tpu.vector_load %arg29[%swap3A_451, %swap3A_452] {strides = array<i32>} : memref<256x64xf32, #tpu.memory_space<vmem>>, vector<16xf32>,
      tpu.vector_store %arg29[%swap3A_451, %swap3A_452], %add3A_450 {strides = array<i32>} : memref<256x64xf32, #tpu.memory_space<vmem>>, vector<16xf32>,
      %mul3A_454 = arith.constant 8 : i32
      %mul3A_455 = arith.muli %add3A_205, %mul3A_454 : i32
      %get3A_456 = arith.index_cast %mul3A_455 : i32 to index
      %get3A_457 = arith.constant 48 : index
      %get3A_458 = tpu.vector_load %arg27[%get3A_456, %get3A_457] {strides = array<i32>} : memref<256x64xf32, #tpu.memory_space<vmem>>, vector<16xf32>,
      %mul3A_459 = arith.mulf %gather3A, %get3A_458 : vector<16xf32>
      %mul3A_460 = arith.constant 8 : i32
      %mul3A_461 = arith.muli %add3A_205, %mul3A_460 : i32
      %add3A_462 = arith.constant 1 : i32
      %add3A_463 = arith.addi %mul3A_461, %add3A_462 : i32
      %get3A_464 = arith.index_cast %add3A_463 : i32 to index
      %get3A_465 = arith.constant 48 : index
      %get3A_466 = tpu.vector_load %arg27[%get3A_464, %get3A_465] {strides = array<i32>} : memref<256x64xf32, #tpu.memory_space<vmem>>, vector<16xf32>,
      %mul3A_467 = arith.mulf %gather3A_215, %get3A_466 : vector<16xf32>
      %add3A_468 = arith.addf %mul3A_459, %mul3A_467 : vector<16xf32>
      %mul3A_469 = arith.constant 8 : i32
      %mul3A_470 = arith.muli %add3A_205, %mul3A_469 : i32
      %add3A_471 = arith.constant 2 : i32
      %add3A_472 = arith.addi %mul3A_470, %add3A_471 : i32
      %get3A_473 = arith.index_cast %add3A_472 : i32 to index
      %get3A_474 = arith.constant 48 : index
      %get3A_475 = tpu.vector_load %arg27[%get3A_473, %get3A_474] {strides = array<i32>} : memref<256x64xf32, #tpu.memory_space<vmem>>, vector<16xf32>,
      %mul3A_476 = arith.mulf %gather3A_219, %get3A_475 : vector<16xf32>
      %add3A_477 = arith.addf %add3A_468, %mul3A_476 : vector<16xf32>
      %mul3A_478 = arith.constant 8 : i32
      %mul3A_479 = arith.muli %add3A_205, %mul3A_478 : i32
      %add3A_480 = arith.constant 3 : i32
      %add3A_481 = arith.addi %mul3A_479, %add3A_480 : i32
      %get3A_482 = arith.index_cast %add3A_481 : i32 to index
      %get3A_483 = arith.constant 48 : index
      %get3A_484 = tpu.vector_load %arg27[%get3A_482, %get3A_483] {strides = array<i32>} : memref<256x64xf32, #tpu.memory_space<vmem>>, vector<16xf32>,
      %mul3A_485 = arith.mulf %gather3A_223, %get3A_484 : vector<16xf32>
      %add3A_486 = arith.addf %add3A_477, %mul3A_485 : vector<16xf32>
      %mul3A_487 = arith.constant 8 : i32
      %mul3A_488 = arith.muli %add3A_205, %mul3A_487 : i32
      %add3A_489 = arith.constant 4 : i32
      %add3A_490 = arith.addi %mul3A_488, %add3A_489 : i32
      %get3A_491 = arith.index_cast %add3A_490 : i32 to index
      %get3A_492 = arith.constant 48 : index
      %get3A_493 = tpu.vector_load %arg27[%get3A_491, %get3A_492] {strides = array<i32>} : memref<256x64xf32, #tpu.memory_space<vmem>>, vector<16xf32>,
      %mul3A_494 = arith.mulf %gather3A_227, %get3A_493 : vector<16xf32>
      %add3A_495 = arith.addf %add3A_486, %mul3A_494 : vector<16xf32>
      %mul3A_496 = arith.constant 8 : i32
      %mul3A_497 = arith.muli %add3A_205, %mul3A_496 : i32
      %add3A_498 = arith.constant 5 : i32
      %add3A_499 = arith.addi %mul3A_497, %add3A_498 : i32
      %get3A_500 = arith.index_cast %add3A_499 : i32 to index
      %get3A_501 = arith.constant 48 : index
      %get3A_502 = tpu.vector_load %arg27[%get3A_500, %get3A_501] {strides = array<i32>} : memref<256x64xf32, #tpu.memory_space<vmem>>, vector<16xf32>,
      %mul3A_503 = arith.mulf %gather3A_231, %get3A_502 : vector<16xf32>
      %add3A_504 = arith.addf %add3A_495, %mul3A_503 : vector<16xf32>
      %mul3A_505 = arith.constant 8 : i32
      %mul3A_506 = arith.muli %add3A_205, %mul3A_505 : i32
      %add3A_507 = arith.constant 6 : i32
      %add3A_508 = arith.addi %mul3A_506, %add3A_507 : i32
      %get3A_509 = arith.index_cast %add3A_508 : i32 to index
      %get3A_510 = arith.constant 48 : index
      %get3A_511 = tpu.vector_load %arg27[%get3A_509, %get3A_510] {strides = array<i32>} : memref<256x64xf32, #tpu.memory_space<vmem>>, vector<16xf32>,
      %mul3A_512 = arith.mulf %gather3A_235, %get3A_511 : vector<16xf32>
      %add3A_513 = arith.addf %add3A_504, %mul3A_512 : vector<16xf32>
      %mul3A_514 = arith.constant 8 : i32
      %mul3A_515 = arith.muli %add3A_205, %mul3A_514 : i32
      %add3A_516 = arith.constant 7 : i32
      %add3A_517 = arith.addi %mul3A_515, %add3A_516 : i32
      %get3A_518 = arith.index_cast %add3A_517 : i32 to index
      %get3A_519 = arith.constant 48 : index
      %get3A_520 = tpu.vector_load %arg27[%get3A_518, %get3A_519] {strides = array<i32>} : memref<256x64xf32, #tpu.memory_space<vmem>>, vector<16xf32>,
      %mul3A_521 = arith.mulf %gather3A_239, %get3A_520 : vector<16xf32>
      %add3A_522 = arith.addf %add3A_513, %mul3A_521 : vector<16xf32>
      %swap3A_523 = arith.index_cast %add3A_207 : i32 to index
      %swap3A_524 = arith.constant 48 : index
      %swap3A_525 = tpu.vector_load %arg29[%swap3A_523, %swap3A_524] {strides = array<i32>} : memref<256x64xf32, #tpu.memory_space<vmem>>, vector<16xf32>,
      tpu.vector_store %arg29[%swap3A_523, %swap3A_524], %add3A_522 {strides = array<i32>} : memref<256x64xf32, #tpu.memory_space<vmem>>, vector<16xf32>,
    }
    %scan3A_128 = arith.constant 32 : i32
    %dma_start3A_129 = arith.constant 1024 : i32
    %dma_start3A_130 = tpu.memref_slice %arg23[%dma_start3A_129] : memref<2048xi32, #tpu.memory_space<vmem>> -> memref<256xi32, #tpu.memory_space<vmem>>
    %dma_start3A_131 = arith.constant 0 : i32
    %dma_start3A_132 = arith.constant 0 : i32
    %dma_start3A_133 = tpu.memref_slice %arg4[%dma_start3A_131, %dma_start3A_132] : memref<100000x64xf32, #tpu.memory_space<hbm>> -> memref<100000x64xf32, #tpu.memory_space<hbm>>
    tpu.enqueue_indirect_dma source(%dma_start3A_133 : memref<100000x64xf32, #tpu.memory_space<hbm>>) target(%arg27 : memref<256x64xf32, #tpu.memory_space<vmem>>) offsets(%dma_start3A_130 : memref<256xi32, #tpu.memory_space<vmem>>) semaphore(%arg33 : memref<!tpu.dma_semaphore, #tpu.memory_space<semaphore_mem>>)
    %dma_wait3A_134 = arith.constant 768 : i32
    %dma_wait3A_135 = tpu.memref_slice %arg23[%dma_wait3A_134] : memref<2048xi32, #tpu.memory_space<vmem>> -> memref<256xi32, #tpu.memory_space<vmem>>
    %dma_wait3A_136 = arith.constant 0 : i32
    %dma_wait3A_137 = arith.constant 0 : i32
    %dma_wait3A_138 = tpu.memref_slice %arg4[%dma_wait3A_136, %dma_wait3A_137] : memref<100000x64xf32, #tpu.memory_space<hbm>> -> memref<100000x64xf32, #tpu.memory_space<hbm>>
    tpu.wait_indirect_dma semaphore(%arg34 : memref<!tpu.dma_semaphore, #tpu.memory_space<semaphore_mem>>) src(%dma_wait3A_138 : memref<100000x64xf32, #tpu.memory_space<hbm>>) dst(%arg28 : memref<256x64xf32, #tpu.memory_space<vmem>>)
    %scan3A_139 = arith.constant 0 : i32
    %scan3A_140 = arith.constant 32 : i32
    %scan3A_141 = arith.addi %scan3A_139, %scan3A_140 : i32
    %scan3A_142 = arith.constant 1 : i32
    scf.for %scan3A_201 = %scan3A_139 to %scan3A_141 step %scan3A_142  : i32 {
      %mul3A_202 = arith.constant 1 : i32
      %mul3A_203 = arith.muli %scan3A_201, %mul3A_202 : i32
      %add3A_204 = arith.constant 0 : i32
      %add3A_205 = arith.addi %add3A_204, %mul3A_203 : i32
      %add3A_206 = arith.constant 96 : i32
      %add3A_207 = arith.addi %add3A_206, %add3A_205 : i32
      %mul3A_208 = arith.constant 8 : i32
      %mul3A_209 = arith.muli %add3A_207, %mul3A_208 : i32
      %add3A_210 = arith.constant 0 : i32
      %add3A_211 = arith.addi %mul3A_209, %add3A_210 : i32
      %broadcast_in_dim3A = vector.broadcast %add3A_211 : i32 to vector<16xi32>
      %gather3A = tpu.vector_load_idx %arg25[%broadcast_in_dim3A] : memref<2048xf32, #tpu.memory_space<vmem>>[vector<16xi32>], vector<16xf32>,
      %add3A_212 = arith.constant 1 : i32
      %add3A_213 = arith.addi %mul3A_209, %add3A_212 : i32
      %broadcast_in_dim3A_214 = vector.broadcast %add3A_213 : i32 to vector<16xi32>
      %gather3A_215 = tpu.vector_load_idx %arg25[%broadcast_in_dim3A_214] : memref<2048xf32, #tpu.memory_space<vmem>>[vector<16xi32>], vector<16xf32>,
      %add3A_216 = arith.constant 2 : i32
      %add3A_217 = arith.addi %mul3A_209, %add3A_216 : i32
      %broadcast_in_dim3A_218 = vector.broadcast %add3A_217 : i32 to vector<16xi32>
      %gather3A_219 = tpu.vector_load_idx %arg25[%broadcast_in_dim3A_218] : memref<2048xf32, #tpu.memory_space<vmem>>[vector<16xi32>], vector<16xf32>,
      %add3A_220 = arith.constant 3 : i32
      %add3A_221 = arith.addi %mul3A_209, %add3A_220 : i32
      %broadcast_in_dim3A_222 = vector.broadcast %add3A_221 : i32 to vector<16xi32>
      %gather3A_223 = tpu.vector_load_idx %arg25[%broadcast_in_dim3A_222] : memref<2048xf32, #tpu.memory_space<vmem>>[vector<16xi32>], vector<16xf32>,
      %add3A_224 = arith.constant 4 : i32
      %add3A_225 = arith.addi %mul3A_209, %add3A_224 : i32
      %broadcast_in_dim3A_226 = vector.broadcast %add3A_225 : i32 to vector<16xi32>
      %gather3A_227 = tpu.vector_load_idx %arg25[%broadcast_in_dim3A_226] : memref<2048xf32, #tpu.memory_space<vmem>>[vector<16xi32>], vector<16xf32>,
      %add3A_228 = arith.constant 5 : i32
      %add3A_229 = arith.addi %mul3A_209, %add3A_228 : i32
      %broadcast_in_dim3A_230 = vector.broadcast %add3A_229 : i32 to vector<16xi32>
      %gather3A_231 = tpu.vector_load_idx %arg25[%broadcast_in_dim3A_230] : memref<2048xf32, #tpu.memory_space<vmem>>[vector<16xi32>], vector<16xf32>,
      %add3A_232 = arith.constant 6 : i32
      %add3A_233 = arith.addi %mul3A_209, %add3A_232 : i32
      %broadcast_in_dim3A_234 = vector.broadcast %add3A_233 : i32 to vector<16xi32>
      %gather3A_235 = tpu.vector_load_idx %arg25[%broadcast_in_dim3A_234] : memref<2048xf32, #tpu.memory_space<vmem>>[vector<16xi32>], vector<16xf32>,
      %add3A_236 = arith.constant 7 : i32
      %add3A_237 = arith.addi %mul3A_209, %add3A_236 : i32
      %broadcast_in_dim3A_238 = vector.broadcast %add3A_237 : i32 to vector<16xi32>
      %gather3A_239 = tpu.vector_load_idx %arg25[%broadcast_in_dim3A_238] : memref<2048xf32, #tpu.memory_space<vmem>>[vector<16xi32>], vector<16xf32>,
      %mul3A_240 = arith.constant 8 : i32
      %mul3A_241 = arith.muli %add3A_205, %mul3A_240 : i32
      %get3A = arith.index_cast %mul3A_241 : i32 to index
      %get3A_242 = arith.constant 0 : index
      %get3A_243 = tpu.vector_load %arg28[%get3A, %get3A_242] {strides = array<i32>} : memref<256x64xf32, #tpu.memory_space<vmem>>, vector<16xf32>,
      %mul3A_244 = arith.mulf %gather3A, %get3A_243 : vector<16xf32>
      %mul3A_245 = arith.constant 8 : i32
      %mul3A_246 = arith.muli %add3A_205, %mul3A_245 : i32
      %add3A_247 = arith.constant 1 : i32
      %add3A_248 = arith.addi %mul3A_246, %add3A_247 : i32
      %get3A_249 = arith.index_cast %add3A_248 : i32 to index
      %get3A_250 = arith.constant 0 : index
      %get3A_251 = tpu.vector_load %arg28[%get3A_249, %get3A_250] {strides = array<i32>} : memref<256x64xf32, #tpu.memory_space<vmem>>, vector<16xf32>,
      %mul3A_252 = arith.mulf %gather3A_215, %get3A_251 : vector<16xf32>
      %add3A_253 = arith.addf %mul3A_244, %mul3A_252 : vector<16xf32>
      %mul3A_254 = arith.constant 8 : i32
      %mul3A_255 = arith.muli %add3A_205, %mul3A_254 : i32
      %add3A_256 = arith.constant 2 : i32
      %add3A_257 = arith.addi %mul3A_255, %add3A_256 : i32
      %get3A_258 = arith.index_cast %add3A_257 : i32 to index
      %get3A_259 = arith.constant 0 : index
      %get3A_260 = tpu.vector_load %arg28[%get3A_258, %get3A_259] {strides = array<i32>} : memref<256x64xf32, #tpu.memory_space<vmem>>, vector<16xf32>,
      %mul3A_261 = arith.mulf %gather3A_219, %get3A_260 : vector<16xf32>
      %add3A_262 = arith.addf %add3A_253, %mul3A_261 : vector<16xf32>
      %mul3A_263 = arith.constant 8 : i32
      %mul3A_264 = arith.muli %add3A_205, %mul3A_263 : i32
      %add3A_265 = arith.constant 3 : i32
      %add3A_266 = arith.addi %mul3A_264, %add3A_265 : i32
      %get3A_267 = arith.index_cast %add3A_266 : i32 to index
      %get3A_268 = arith.constant 0 : index
      %get3A_269 = tpu.vector_load %arg28[%get3A_267, %get3A_268] {strides = array<i32>} : memref<256x64xf32, #tpu.memory_space<vmem>>, vector<16xf32>,
      %mul3A_270 = arith.mulf %gather3A_223, %get3A_269 : vector<16xf32>
      %add3A_271 = arith.addf %add3A_262, %mul3A_270 : vector<16xf32>
      %mul3A_272 = arith.constant 8 : i32
      %mul3A_273 = arith.muli %add3A_205, %mul3A_272 : i32
      %add3A_274 = arith.constant 4 : i32
      %add3A_275 = arith.addi %mul3A_273, %add3A_274 : i32
      %get3A_276 = arith.index_cast %add3A_275 : i32 to index
      %get3A_277 = arith.constant 0 : index
      %get3A_278 = tpu.vector_load %arg28[%get3A_276, %get3A_277] {strides = array<i32>} : memref<256x64xf32, #tpu.memory_space<vmem>>, vector<16xf32>,
      %mul3A_279 = arith.mulf %gather3A_227, %get3A_278 : vector<16xf32>
      %add3A_280 = arith.addf %add3A_271, %mul3A_279 : vector<16xf32>
      %mul3A_281 = arith.constant 8 : i32
      %mul3A_282 = arith.muli %add3A_205, %mul3A_281 : i32
      %add3A_283 = arith.constant 5 : i32
      %add3A_284 = arith.addi %mul3A_282, %add3A_283 : i32
      %get3A_285 = arith.index_cast %add3A_284 : i32 to index
      %get3A_286 = arith.constant 0 : index
      %get3A_287 = tpu.vector_load %arg28[%get3A_285, %get3A_286] {strides = array<i32>} : memref<256x64xf32, #tpu.memory_space<vmem>>, vector<16xf32>,
      %mul3A_288 = arith.mulf %gather3A_231, %get3A_287 : vector<16xf32>
      %add3A_289 = arith.addf %add3A_280, %mul3A_288 : vector<16xf32>
      %mul3A_290 = arith.constant 8 : i32
      %mul3A_291 = arith.muli %add3A_205, %mul3A_290 : i32
      %add3A_292 = arith.constant 6 : i32
      %add3A_293 = arith.addi %mul3A_291, %add3A_292 : i32
      %get3A_294 = arith.index_cast %add3A_293 : i32 to index
      %get3A_295 = arith.constant 0 : index
      %get3A_296 = tpu.vector_load %arg28[%get3A_294, %get3A_295] {strides = array<i32>} : memref<256x64xf32, #tpu.memory_space<vmem>>, vector<16xf32>,
      %mul3A_297 = arith.mulf %gather3A_235, %get3A_296 : vector<16xf32>
      %add3A_298 = arith.addf %add3A_289, %mul3A_297 : vector<16xf32>
      %mul3A_299 = arith.constant 8 : i32
      %mul3A_300 = arith.muli %add3A_205, %mul3A_299 : i32
      %add3A_301 = arith.constant 7 : i32
      %add3A_302 = arith.addi %mul3A_300, %add3A_301 : i32
      %get3A_303 = arith.index_cast %add3A_302 : i32 to index
      %get3A_304 = arith.constant 0 : index
      %get3A_305 = tpu.vector_load %arg28[%get3A_303, %get3A_304] {strides = array<i32>} : memref<256x64xf32, #tpu.memory_space<vmem>>, vector<16xf32>,
      %mul3A_306 = arith.mulf %gather3A_239, %get3A_305 : vector<16xf32>
      %add3A_307 = arith.addf %add3A_298, %mul3A_306 : vector<16xf32>
      %swap3A = arith.index_cast %add3A_207 : i32 to index
      %swap3A_308 = arith.constant 0 : index
      %swap3A_309 = tpu.vector_load %arg29[%swap3A, %swap3A_308] {strides = array<i32>} : memref<256x64xf32, #tpu.memory_space<vmem>>, vector<16xf32>,
      tpu.vector_store %arg29[%swap3A, %swap3A_308], %add3A_307 {strides = array<i32>} : memref<256x64xf32, #tpu.memory_space<vmem>>, vector<16xf32>,
      %mul3A_310 = arith.constant 8 : i32
      %mul3A_311 = arith.muli %add3A_205, %mul3A_310 : i32
      %get3A_312 = arith.index_cast %mul3A_311 : i32 to index
      %get3A_313 = arith.constant 16 : index
      %get3A_314 = tpu.vector_load %arg28[%get3A_312, %get3A_313] {strides = array<i32>} : memref<256x64xf32, #tpu.memory_space<vmem>>, vector<16xf32>,
      %mul3A_315 = arith.mulf %gather3A, %get3A_314 : vector<16xf32>
      %mul3A_316 = arith.constant 8 : i32
      %mul3A_317 = arith.muli %add3A_205, %mul3A_316 : i32
      %add3A_318 = arith.constant 1 : i32
      %add3A_319 = arith.addi %mul3A_317, %add3A_318 : i32
      %get3A_320 = arith.index_cast %add3A_319 : i32 to index
      %get3A_321 = arith.constant 16 : index
      %get3A_322 = tpu.vector_load %arg28[%get3A_320, %get3A_321] {strides = array<i32>} : memref<256x64xf32, #tpu.memory_space<vmem>>, vector<16xf32>,
      %mul3A_323 = arith.mulf %gather3A_215, %get3A_322 : vector<16xf32>
      %add3A_324 = arith.addf %mul3A_315, %mul3A_323 : vector<16xf32>
      %mul3A_325 = arith.constant 8 : i32
      %mul3A_326 = arith.muli %add3A_205, %mul3A_325 : i32
      %add3A_327 = arith.constant 2 : i32
      %add3A_328 = arith.addi %mul3A_326, %add3A_327 : i32
      %get3A_329 = arith.index_cast %add3A_328 : i32 to index
      %get3A_330 = arith.constant 16 : index
      %get3A_331 = tpu.vector_load %arg28[%get3A_329, %get3A_330] {strides = array<i32>} : memref<256x64xf32, #tpu.memory_space<vmem>>, vector<16xf32>,
      %mul3A_332 = arith.mulf %gather3A_219, %get3A_331 : vector<16xf32>
      %add3A_333 = arith.addf %add3A_324, %mul3A_332 : vector<16xf32>
      %mul3A_334 = arith.constant 8 : i32
      %mul3A_335 = arith.muli %add3A_205, %mul3A_334 : i32
      %add3A_336 = arith.constant 3 : i32
      %add3A_337 = arith.addi %mul3A_335, %add3A_336 : i32
      %get3A_338 = arith.index_cast %add3A_337 : i32 to index
      %get3A_339 = arith.constant 16 : index
      %get3A_340 = tpu.vector_load %arg28[%get3A_338, %get3A_339] {strides = array<i32>} : memref<256x64xf32, #tpu.memory_space<vmem>>, vector<16xf32>,
      %mul3A_341 = arith.mulf %gather3A_223, %get3A_340 : vector<16xf32>
      %add3A_342 = arith.addf %add3A_333, %mul3A_341 : vector<16xf32>
      %mul3A_343 = arith.constant 8 : i32
      %mul3A_344 = arith.muli %add3A_205, %mul3A_343 : i32
      %add3A_345 = arith.constant 4 : i32
      %add3A_346 = arith.addi %mul3A_344, %add3A_345 : i32
      %get3A_347 = arith.index_cast %add3A_346 : i32 to index
      %get3A_348 = arith.constant 16 : index
      %get3A_349 = tpu.vector_load %arg28[%get3A_347, %get3A_348] {strides = array<i32>} : memref<256x64xf32, #tpu.memory_space<vmem>>, vector<16xf32>,
      %mul3A_350 = arith.mulf %gather3A_227, %get3A_349 : vector<16xf32>
      %add3A_351 = arith.addf %add3A_342, %mul3A_350 : vector<16xf32>
      %mul3A_352 = arith.constant 8 : i32
      %mul3A_353 = arith.muli %add3A_205, %mul3A_352 : i32
      %add3A_354 = arith.constant 5 : i32
      %add3A_355 = arith.addi %mul3A_353, %add3A_354 : i32
      %get3A_356 = arith.index_cast %add3A_355 : i32 to index
      %get3A_357 = arith.constant 16 : index
      %get3A_358 = tpu.vector_load %arg28[%get3A_356, %get3A_357] {strides = array<i32>} : memref<256x64xf32, #tpu.memory_space<vmem>>, vector<16xf32>,
      %mul3A_359 = arith.mulf %gather3A_231, %get3A_358 : vector<16xf32>
      %add3A_360 = arith.addf %add3A_351, %mul3A_359 : vector<16xf32>
      %mul3A_361 = arith.constant 8 : i32
      %mul3A_362 = arith.muli %add3A_205, %mul3A_361 : i32
      %add3A_363 = arith.constant 6 : i32
      %add3A_364 = arith.addi %mul3A_362, %add3A_363 : i32
      %get3A_365 = arith.index_cast %add3A_364 : i32 to index
      %get3A_366 = arith.constant 16 : index
      %get3A_367 = tpu.vector_load %arg28[%get3A_365, %get3A_366] {strides = array<i32>} : memref<256x64xf32, #tpu.memory_space<vmem>>, vector<16xf32>,
      %mul3A_368 = arith.mulf %gather3A_235, %get3A_367 : vector<16xf32>
      %add3A_369 = arith.addf %add3A_360, %mul3A_368 : vector<16xf32>
      %mul3A_370 = arith.constant 8 : i32
      %mul3A_371 = arith.muli %add3A_205, %mul3A_370 : i32
      %add3A_372 = arith.constant 7 : i32
      %add3A_373 = arith.addi %mul3A_371, %add3A_372 : i32
      %get3A_374 = arith.index_cast %add3A_373 : i32 to index
      %get3A_375 = arith.constant 16 : index
      %get3A_376 = tpu.vector_load %arg28[%get3A_374, %get3A_375] {strides = array<i32>} : memref<256x64xf32, #tpu.memory_space<vmem>>, vector<16xf32>,
      %mul3A_377 = arith.mulf %gather3A_239, %get3A_376 : vector<16xf32>
      %add3A_378 = arith.addf %add3A_369, %mul3A_377 : vector<16xf32>
      %swap3A_379 = arith.index_cast %add3A_207 : i32 to index
      %swap3A_380 = arith.constant 16 : index
      %swap3A_381 = tpu.vector_load %arg29[%swap3A_379, %swap3A_380] {strides = array<i32>} : memref<256x64xf32, #tpu.memory_space<vmem>>, vector<16xf32>,
      tpu.vector_store %arg29[%swap3A_379, %swap3A_380], %add3A_378 {strides = array<i32>} : memref<256x64xf32, #tpu.memory_space<vmem>>, vector<16xf32>,
      %mul3A_382 = arith.constant 8 : i32
      %mul3A_383 = arith.muli %add3A_205, %mul3A_382 : i32
      %get3A_384 = arith.index_cast %mul3A_383 : i32 to index
      %get3A_385 = arith.constant 32 : index
      %get3A_386 = tpu.vector_load %arg28[%get3A_384, %get3A_385] {strides = array<i32>} : memref<256x64xf32, #tpu.memory_space<vmem>>, vector<16xf32>,
      %mul3A_387 = arith.mulf %gather3A, %get3A_386 : vector<16xf32>
      %mul3A_388 = arith.constant 8 : i32
      %mul3A_389 = arith.muli %add3A_205, %mul3A_388 : i32
      %add3A_390 = arith.constant 1 : i32
      %add3A_391 = arith.addi %mul3A_389, %add3A_390 : i32
      %get3A_392 = arith.index_cast %add3A_391 : i32 to index
      %get3A_393 = arith.constant 32 : index
      %get3A_394 = tpu.vector_load %arg28[%get3A_392, %get3A_393] {strides = array<i32>} : memref<256x64xf32, #tpu.memory_space<vmem>>, vector<16xf32>,
      %mul3A_395 = arith.mulf %gather3A_215, %get3A_394 : vector<16xf32>
      %add3A_396 = arith.addf %mul3A_387, %mul3A_395 : vector<16xf32>
      %mul3A_397 = arith.constant 8 : i32
      %mul3A_398 = arith.muli %add3A_205, %mul3A_397 : i32
      %add3A_399 = arith.constant 2 : i32
      %add3A_400 = arith.addi %mul3A_398, %add3A_399 : i32
      %get3A_401 = arith.index_cast %add3A_400 : i32 to index
      %get3A_402 = arith.constant 32 : index
      %get3A_403 = tpu.vector_load %arg28[%get3A_401, %get3A_402] {strides = array<i32>} : memref<256x64xf32, #tpu.memory_space<vmem>>, vector<16xf32>,
      %mul3A_404 = arith.mulf %gather3A_219, %get3A_403 : vector<16xf32>
      %add3A_405 = arith.addf %add3A_396, %mul3A_404 : vector<16xf32>
      %mul3A_406 = arith.constant 8 : i32
      %mul3A_407 = arith.muli %add3A_205, %mul3A_406 : i32
      %add3A_408 = arith.constant 3 : i32
      %add3A_409 = arith.addi %mul3A_407, %add3A_408 : i32
      %get3A_410 = arith.index_cast %add3A_409 : i32 to index
      %get3A_411 = arith.constant 32 : index
      %get3A_412 = tpu.vector_load %arg28[%get3A_410, %get3A_411] {strides = array<i32>} : memref<256x64xf32, #tpu.memory_space<vmem>>, vector<16xf32>,
      %mul3A_413 = arith.mulf %gather3A_223, %get3A_412 : vector<16xf32>
      %add3A_414 = arith.addf %add3A_405, %mul3A_413 : vector<16xf32>
      %mul3A_415 = arith.constant 8 : i32
      %mul3A_416 = arith.muli %add3A_205, %mul3A_415 : i32
      %add3A_417 = arith.constant 4 : i32
      %add3A_418 = arith.addi %mul3A_416, %add3A_417 : i32
      %get3A_419 = arith.index_cast %add3A_418 : i32 to index
      %get3A_420 = arith.constant 32 : index
      %get3A_421 = tpu.vector_load %arg28[%get3A_419, %get3A_420] {strides = array<i32>} : memref<256x64xf32, #tpu.memory_space<vmem>>, vector<16xf32>,
      %mul3A_422 = arith.mulf %gather3A_227, %get3A_421 : vector<16xf32>
      %add3A_423 = arith.addf %add3A_414, %mul3A_422 : vector<16xf32>
      %mul3A_424 = arith.constant 8 : i32
      %mul3A_425 = arith.muli %add3A_205, %mul3A_424 : i32
      %add3A_426 = arith.constant 5 : i32
      %add3A_427 = arith.addi %mul3A_425, %add3A_426 : i32
      %get3A_428 = arith.index_cast %add3A_427 : i32 to index
      %get3A_429 = arith.constant 32 : index
      %get3A_430 = tpu.vector_load %arg28[%get3A_428, %get3A_429] {strides = array<i32>} : memref<256x64xf32, #tpu.memory_space<vmem>>, vector<16xf32>,
      %mul3A_431 = arith.mulf %gather3A_231, %get3A_430 : vector<16xf32>
      %add3A_432 = arith.addf %add3A_423, %mul3A_431 : vector<16xf32>
      %mul3A_433 = arith.constant 8 : i32
      %mul3A_434 = arith.muli %add3A_205, %mul3A_433 : i32
      %add3A_435 = arith.constant 6 : i32
      %add3A_436 = arith.addi %mul3A_434, %add3A_435 : i32
      %get3A_437 = arith.index_cast %add3A_436 : i32 to index
      %get3A_438 = arith.constant 32 : index
      %get3A_439 = tpu.vector_load %arg28[%get3A_437, %get3A_438] {strides = array<i32>} : memref<256x64xf32, #tpu.memory_space<vmem>>, vector<16xf32>,
      %mul3A_440 = arith.mulf %gather3A_235, %get3A_439 : vector<16xf32>
      %add3A_441 = arith.addf %add3A_432, %mul3A_440 : vector<16xf32>
      %mul3A_442 = arith.constant 8 : i32
      %mul3A_443 = arith.muli %add3A_205, %mul3A_442 : i32
      %add3A_444 = arith.constant 7 : i32
      %add3A_445 = arith.addi %mul3A_443, %add3A_444 : i32
      %get3A_446 = arith.index_cast %add3A_445 : i32 to index
      %get3A_447 = arith.constant 32 : index
      %get3A_448 = tpu.vector_load %arg28[%get3A_446, %get3A_447] {strides = array<i32>} : memref<256x64xf32, #tpu.memory_space<vmem>>, vector<16xf32>,
      %mul3A_449 = arith.mulf %gather3A_239, %get3A_448 : vector<16xf32>
      %add3A_450 = arith.addf %add3A_441, %mul3A_449 : vector<16xf32>
      %swap3A_451 = arith.index_cast %add3A_207 : i32 to index
      %swap3A_452 = arith.constant 32 : index
      %swap3A_453 = tpu.vector_load %arg29[%swap3A_451, %swap3A_452] {strides = array<i32>} : memref<256x64xf32, #tpu.memory_space<vmem>>, vector<16xf32>,
      tpu.vector_store %arg29[%swap3A_451, %swap3A_452], %add3A_450 {strides = array<i32>} : memref<256x64xf32, #tpu.memory_space<vmem>>, vector<16xf32>,
      %mul3A_454 = arith.constant 8 : i32
      %mul3A_455 = arith.muli %add3A_205, %mul3A_454 : i32
      %get3A_456 = arith.index_cast %mul3A_455 : i32 to index
      %get3A_457 = arith.constant 48 : index
      %get3A_458 = tpu.vector_load %arg28[%get3A_456, %get3A_457] {strides = array<i32>} : memref<256x64xf32, #tpu.memory_space<vmem>>, vector<16xf32>,
      %mul3A_459 = arith.mulf %gather3A, %get3A_458 : vector<16xf32>
      %mul3A_460 = arith.constant 8 : i32
      %mul3A_461 = arith.muli %add3A_205, %mul3A_460 : i32
      %add3A_462 = arith.constant 1 : i32
      %add3A_463 = arith.addi %mul3A_461, %add3A_462 : i32
      %get3A_464 = arith.index_cast %add3A_463 : i32 to index
      %get3A_465 = arith.constant 48 : index
      %get3A_466 = tpu.vector_load %arg28[%get3A_464, %get3A_465] {strides = array<i32>} : memref<256x64xf32, #tpu.memory_space<vmem>>, vector<16xf32>,
      %mul3A_467 = arith.mulf %gather3A_215, %get3A_466 : vector<16xf32>
      %add3A_468 = arith.addf %mul3A_459, %mul3A_467 : vector<16xf32>
      %mul3A_469 = arith.constant 8 : i32
      %mul3A_470 = arith.muli %add3A_205, %mul3A_469 : i32
      %add3A_471 = arith.constant 2 : i32
      %add3A_472 = arith.addi %mul3A_470, %add3A_471 : i32
      %get3A_473 = arith.index_cast %add3A_472 : i32 to index
      %get3A_474 = arith.constant 48 : index
      %get3A_475 = tpu.vector_load %arg28[%get3A_473, %get3A_474] {strides = array<i32>} : memref<256x64xf32, #tpu.memory_space<vmem>>, vector<16xf32>,
      %mul3A_476 = arith.mulf %gather3A_219, %get3A_475 : vector<16xf32>
      %add3A_477 = arith.addf %add3A_468, %mul3A_476 : vector<16xf32>
      %mul3A_478 = arith.constant 8 : i32
      %mul3A_479 = arith.muli %add3A_205, %mul3A_478 : i32
      %add3A_480 = arith.constant 3 : i32
      %add3A_481 = arith.addi %mul3A_479, %add3A_480 : i32
      %get3A_482 = arith.index_cast %add3A_481 : i32 to index
      %get3A_483 = arith.constant 48 : index
      %get3A_484 = tpu.vector_load %arg28[%get3A_482, %get3A_483] {strides = array<i32>} : memref<256x64xf32, #tpu.memory_space<vmem>>, vector<16xf32>,
      %mul3A_485 = arith.mulf %gather3A_223, %get3A_484 : vector<16xf32>
      %add3A_486 = arith.addf %add3A_477, %mul3A_485 : vector<16xf32>
      %mul3A_487 = arith.constant 8 : i32
      %mul3A_488 = arith.muli %add3A_205, %mul3A_487 : i32
      %add3A_489 = arith.constant 4 : i32
      %add3A_490 = arith.addi %mul3A_488, %add3A_489 : i32
      %get3A_491 = arith.index_cast %add3A_490 : i32 to index
      %get3A_492 = arith.constant 48 : index
      %get3A_493 = tpu.vector_load %arg28[%get3A_491, %get3A_492] {strides = array<i32>} : memref<256x64xf32, #tpu.memory_space<vmem>>, vector<16xf32>,
      %mul3A_494 = arith.mulf %gather3A_227, %get3A_493 : vector<16xf32>
      %add3A_495 = arith.addf %add3A_486, %mul3A_494 : vector<16xf32>
      %mul3A_496 = arith.constant 8 : i32
      %mul3A_497 = arith.muli %add3A_205, %mul3A_496 : i32
      %add3A_498 = arith.constant 5 : i32
      %add3A_499 = arith.addi %mul3A_497, %add3A_498 : i32
      %get3A_500 = arith.index_cast %add3A_499 : i32 to index
      %get3A_501 = arith.constant 48 : index
      %get3A_502 = tpu.vector_load %arg28[%get3A_500, %get3A_501] {strides = array<i32>} : memref<256x64xf32, #tpu.memory_space<vmem>>, vector<16xf32>,
      %mul3A_503 = arith.mulf %gather3A_231, %get3A_502 : vector<16xf32>
      %add3A_504 = arith.addf %add3A_495, %mul3A_503 : vector<16xf32>
      %mul3A_505 = arith.constant 8 : i32
      %mul3A_506 = arith.muli %add3A_205, %mul3A_505 : i32
      %add3A_507 = arith.constant 6 : i32
      %add3A_508 = arith.addi %mul3A_506, %add3A_507 : i32
      %get3A_509 = arith.index_cast %add3A_508 : i32 to index
      %get3A_510 = arith.constant 48 : index
      %get3A_511 = tpu.vector_load %arg28[%get3A_509, %get3A_510] {strides = array<i32>} : memref<256x64xf32, #tpu.memory_space<vmem>>, vector<16xf32>,
      %mul3A_512 = arith.mulf %gather3A_235, %get3A_511 : vector<16xf32>
      %add3A_513 = arith.addf %add3A_504, %mul3A_512 : vector<16xf32>
      %mul3A_514 = arith.constant 8 : i32
      %mul3A_515 = arith.muli %add3A_205, %mul3A_514 : i32
      %add3A_516 = arith.constant 7 : i32
      %add3A_517 = arith.addi %mul3A_515, %add3A_516 : i32
      %get3A_518 = arith.index_cast %add3A_517 : i32 to index
      %get3A_519 = arith.constant 48 : index
      %get3A_520 = tpu.vector_load %arg28[%get3A_518, %get3A_519] {strides = array<i32>} : memref<256x64xf32, #tpu.memory_space<vmem>>, vector<16xf32>,
      %mul3A_521 = arith.mulf %gather3A_239, %get3A_520 : vector<16xf32>
      %add3A_522 = arith.addf %add3A_513, %mul3A_521 : vector<16xf32>
      %swap3A_523 = arith.index_cast %add3A_207 : i32 to index
      %swap3A_524 = arith.constant 48 : index
      %swap3A_525 = tpu.vector_load %arg29[%swap3A_523, %swap3A_524] {strides = array<i32>} : memref<256x64xf32, #tpu.memory_space<vmem>>, vector<16xf32>,
      tpu.vector_store %arg29[%swap3A_523, %swap3A_524], %add3A_522 {strides = array<i32>} : memref<256x64xf32, #tpu.memory_space<vmem>>, vector<16xf32>,
    }
    %scan3A_143 = arith.constant 32 : i32
    %dma_start3A_144 = arith.constant 1280 : i32
    %dma_start3A_145 = tpu.memref_slice %arg23[%dma_start3A_144] : memref<2048xi32, #tpu.memory_space<vmem>> -> memref<256xi32, #tpu.memory_space<vmem>>
    %dma_start3A_146 = arith.constant 0 : i32
    %dma_start3A_147 = arith.constant 0 : i32
    %dma_start3A_148 = tpu.memref_slice %arg4[%dma_start3A_146, %dma_start3A_147] : memref<100000x64xf32, #tpu.memory_space<hbm>> -> memref<100000x64xf32, #tpu.memory_space<hbm>>
    tpu.enqueue_indirect_dma source(%dma_start3A_148 : memref<100000x64xf32, #tpu.memory_space<hbm>>) target(%arg28 : memref<256x64xf32, #tpu.memory_space<vmem>>) offsets(%dma_start3A_145 : memref<256xi32, #tpu.memory_space<vmem>>) semaphore(%arg34 : memref<!tpu.dma_semaphore, #tpu.memory_space<semaphore_mem>>)
    %dma_wait3A_149 = arith.constant 1024 : i32
    %dma_wait3A_150 = tpu.memref_slice %arg23[%dma_wait3A_149] : memref<2048xi32, #tpu.memory_space<vmem>> -> memref<256xi32, #tpu.memory_space<vmem>>
    %dma_wait3A_151 = arith.constant 0 : i32
    %dma_wait3A_152 = arith.constant 0 : i32
    %dma_wait3A_153 = tpu.memref_slice %arg4[%dma_wait3A_151, %dma_wait3A_152] : memref<100000x64xf32, #tpu.memory_space<hbm>> -> memref<100000x64xf32, #tpu.memory_space<hbm>>
    tpu.wait_indirect_dma semaphore(%arg33 : memref<!tpu.dma_semaphore, #tpu.memory_space<semaphore_mem>>) src(%dma_wait3A_153 : memref<100000x64xf32, #tpu.memory_space<hbm>>) dst(%arg27 : memref<256x64xf32, #tpu.memory_space<vmem>>)
    %scan3A_154 = arith.constant 0 : i32
    %scan3A_155 = arith.constant 32 : i32
    %scan3A_156 = arith.addi %scan3A_154, %scan3A_155 : i32
    %scan3A_157 = arith.constant 1 : i32
    scf.for %scan3A_201 = %scan3A_154 to %scan3A_156 step %scan3A_157  : i32 {
      %mul3A_202 = arith.constant 1 : i32
      %mul3A_203 = arith.muli %scan3A_201, %mul3A_202 : i32
      %add3A_204 = arith.constant 0 : i32
      %add3A_205 = arith.addi %add3A_204, %mul3A_203 : i32
      %add3A_206 = arith.constant 128 : i32
      %add3A_207 = arith.addi %add3A_206, %add3A_205 : i32
      %mul3A_208 = arith.constant 8 : i32
      %mul3A_209 = arith.muli %add3A_207, %mul3A_208 : i32
      %add3A_210 = arith.constant 0 : i32
      %add3A_211 = arith.addi %mul3A_209, %add3A_210 : i32
      %broadcast_in_dim3A = vector.broadcast %add3A_211 : i32 to vector<16xi32>
      %gather3A = tpu.vector_load_idx %arg25[%broadcast_in_dim3A] : memref<2048xf32, #tpu.memory_space<vmem>>[vector<16xi32>], vector<16xf32>,
      %add3A_212 = arith.constant 1 : i32
      %add3A_213 = arith.addi %mul3A_209, %add3A_212 : i32
      %broadcast_in_dim3A_214 = vector.broadcast %add3A_213 : i32 to vector<16xi32>
      %gather3A_215 = tpu.vector_load_idx %arg25[%broadcast_in_dim3A_214] : memref<2048xf32, #tpu.memory_space<vmem>>[vector<16xi32>], vector<16xf32>,
      %add3A_216 = arith.constant 2 : i32
      %add3A_217 = arith.addi %mul3A_209, %add3A_216 : i32
      %broadcast_in_dim3A_218 = vector.broadcast %add3A_217 : i32 to vector<16xi32>
      %gather3A_219 = tpu.vector_load_idx %arg25[%broadcast_in_dim3A_218] : memref<2048xf32, #tpu.memory_space<vmem>>[vector<16xi32>], vector<16xf32>,
      %add3A_220 = arith.constant 3 : i32
      %add3A_221 = arith.addi %mul3A_209, %add3A_220 : i32
      %broadcast_in_dim3A_222 = vector.broadcast %add3A_221 : i32 to vector<16xi32>
      %gather3A_223 = tpu.vector_load_idx %arg25[%broadcast_in_dim3A_222] : memref<2048xf32, #tpu.memory_space<vmem>>[vector<16xi32>], vector<16xf32>,
      %add3A_224 = arith.constant 4 : i32
      %add3A_225 = arith.addi %mul3A_209, %add3A_224 : i32
      %broadcast_in_dim3A_226 = vector.broadcast %add3A_225 : i32 to vector<16xi32>
      %gather3A_227 = tpu.vector_load_idx %arg25[%broadcast_in_dim3A_226] : memref<2048xf32, #tpu.memory_space<vmem>>[vector<16xi32>], vector<16xf32>,
      %add3A_228 = arith.constant 5 : i32
      %add3A_229 = arith.addi %mul3A_209, %add3A_228 : i32
      %broadcast_in_dim3A_230 = vector.broadcast %add3A_229 : i32 to vector<16xi32>
      %gather3A_231 = tpu.vector_load_idx %arg25[%broadcast_in_dim3A_230] : memref<2048xf32, #tpu.memory_space<vmem>>[vector<16xi32>], vector<16xf32>,
      %add3A_232 = arith.constant 6 : i32
      %add3A_233 = arith.addi %mul3A_209, %add3A_232 : i32
      %broadcast_in_dim3A_234 = vector.broadcast %add3A_233 : i32 to vector<16xi32>
      %gather3A_235 = tpu.vector_load_idx %arg25[%broadcast_in_dim3A_234] : memref<2048xf32, #tpu.memory_space<vmem>>[vector<16xi32>], vector<16xf32>,
      %add3A_236 = arith.constant 7 : i32
      %add3A_237 = arith.addi %mul3A_209, %add3A_236 : i32
      %broadcast_in_dim3A_238 = vector.broadcast %add3A_237 : i32 to vector<16xi32>
      %gather3A_239 = tpu.vector_load_idx %arg25[%broadcast_in_dim3A_238] : memref<2048xf32, #tpu.memory_space<vmem>>[vector<16xi32>], vector<16xf32>,
      %mul3A_240 = arith.constant 8 : i32
      %mul3A_241 = arith.muli %add3A_205, %mul3A_240 : i32
      %get3A = arith.index_cast %mul3A_241 : i32 to index
      %get3A_242 = arith.constant 0 : index
      %get3A_243 = tpu.vector_load %arg27[%get3A, %get3A_242] {strides = array<i32>} : memref<256x64xf32, #tpu.memory_space<vmem>>, vector<16xf32>,
      %mul3A_244 = arith.mulf %gather3A, %get3A_243 : vector<16xf32>
      %mul3A_245 = arith.constant 8 : i32
      %mul3A_246 = arith.muli %add3A_205, %mul3A_245 : i32
      %add3A_247 = arith.constant 1 : i32
      %add3A_248 = arith.addi %mul3A_246, %add3A_247 : i32
      %get3A_249 = arith.index_cast %add3A_248 : i32 to index
      %get3A_250 = arith.constant 0 : index
      %get3A_251 = tpu.vector_load %arg27[%get3A_249, %get3A_250] {strides = array<i32>} : memref<256x64xf32, #tpu.memory_space<vmem>>, vector<16xf32>,
      %mul3A_252 = arith.mulf %gather3A_215, %get3A_251 : vector<16xf32>
      %add3A_253 = arith.addf %mul3A_244, %mul3A_252 : vector<16xf32>
      %mul3A_254 = arith.constant 8 : i32
      %mul3A_255 = arith.muli %add3A_205, %mul3A_254 : i32
      %add3A_256 = arith.constant 2 : i32
      %add3A_257 = arith.addi %mul3A_255, %add3A_256 : i32
      %get3A_258 = arith.index_cast %add3A_257 : i32 to index
      %get3A_259 = arith.constant 0 : index
      %get3A_260 = tpu.vector_load %arg27[%get3A_258, %get3A_259] {strides = array<i32>} : memref<256x64xf32, #tpu.memory_space<vmem>>, vector<16xf32>,
      %mul3A_261 = arith.mulf %gather3A_219, %get3A_260 : vector<16xf32>
      %add3A_262 = arith.addf %add3A_253, %mul3A_261 : vector<16xf32>
      %mul3A_263 = arith.constant 8 : i32
      %mul3A_264 = arith.muli %add3A_205, %mul3A_263 : i32
      %add3A_265 = arith.constant 3 : i32
      %add3A_266 = arith.addi %mul3A_264, %add3A_265 : i32
      %get3A_267 = arith.index_cast %add3A_266 : i32 to index
      %get3A_268 = arith.constant 0 : index
      %get3A_269 = tpu.vector_load %arg27[%get3A_267, %get3A_268] {strides = array<i32>} : memref<256x64xf32, #tpu.memory_space<vmem>>, vector<16xf32>,
      %mul3A_270 = arith.mulf %gather3A_223, %get3A_269 : vector<16xf32>
      %add3A_271 = arith.addf %add3A_262, %mul3A_270 : vector<16xf32>
      %mul3A_272 = arith.constant 8 : i32
      %mul3A_273 = arith.muli %add3A_205, %mul3A_272 : i32
      %add3A_274 = arith.constant 4 : i32
      %add3A_275 = arith.addi %mul3A_273, %add3A_274 : i32
      %get3A_276 = arith.index_cast %add3A_275 : i32 to index
      %get3A_277 = arith.constant 0 : index
      %get3A_278 = tpu.vector_load %arg27[%get3A_276, %get3A_277] {strides = array<i32>} : memref<256x64xf32, #tpu.memory_space<vmem>>, vector<16xf32>,
      %mul3A_279 = arith.mulf %gather3A_227, %get3A_278 : vector<16xf32>
      %add3A_280 = arith.addf %add3A_271, %mul3A_279 : vector<16xf32>
      %mul3A_281 = arith.constant 8 : i32
      %mul3A_282 = arith.muli %add3A_205, %mul3A_281 : i32
      %add3A_283 = arith.constant 5 : i32
      %add3A_284 = arith.addi %mul3A_282, %add3A_283 : i32
      %get3A_285 = arith.index_cast %add3A_284 : i32 to index
      %get3A_286 = arith.constant 0 : index
      %get3A_287 = tpu.vector_load %arg27[%get3A_285, %get3A_286] {strides = array<i32>} : memref<256x64xf32, #tpu.memory_space<vmem>>, vector<16xf32>,
      %mul3A_288 = arith.mulf %gather3A_231, %get3A_287 : vector<16xf32>
      %add3A_289 = arith.addf %add3A_280, %mul3A_288 : vector<16xf32>
      %mul3A_290 = arith.constant 8 : i32
      %mul3A_291 = arith.muli %add3A_205, %mul3A_290 : i32
      %add3A_292 = arith.constant 6 : i32
      %add3A_293 = arith.addi %mul3A_291, %add3A_292 : i32
      %get3A_294 = arith.index_cast %add3A_293 : i32 to index
      %get3A_295 = arith.constant 0 : index
      %get3A_296 = tpu.vector_load %arg27[%get3A_294, %get3A_295] {strides = array<i32>} : memref<256x64xf32, #tpu.memory_space<vmem>>, vector<16xf32>,
      %mul3A_297 = arith.mulf %gather3A_235, %get3A_296 : vector<16xf32>
      %add3A_298 = arith.addf %add3A_289, %mul3A_297 : vector<16xf32>
      %mul3A_299 = arith.constant 8 : i32
      %mul3A_300 = arith.muli %add3A_205, %mul3A_299 : i32
      %add3A_301 = arith.constant 7 : i32
      %add3A_302 = arith.addi %mul3A_300, %add3A_301 : i32
      %get3A_303 = arith.index_cast %add3A_302 : i32 to index
      %get3A_304 = arith.constant 0 : index
      %get3A_305 = tpu.vector_load %arg27[%get3A_303, %get3A_304] {strides = array<i32>} : memref<256x64xf32, #tpu.memory_space<vmem>>, vector<16xf32>,
      %mul3A_306 = arith.mulf %gather3A_239, %get3A_305 : vector<16xf32>
      %add3A_307 = arith.addf %add3A_298, %mul3A_306 : vector<16xf32>
      %swap3A = arith.index_cast %add3A_207 : i32 to index
      %swap3A_308 = arith.constant 0 : index
      %swap3A_309 = tpu.vector_load %arg29[%swap3A, %swap3A_308] {strides = array<i32>} : memref<256x64xf32, #tpu.memory_space<vmem>>, vector<16xf32>,
      tpu.vector_store %arg29[%swap3A, %swap3A_308], %add3A_307 {strides = array<i32>} : memref<256x64xf32, #tpu.memory_space<vmem>>, vector<16xf32>,
      %mul3A_310 = arith.constant 8 : i32
      %mul3A_311 = arith.muli %add3A_205, %mul3A_310 : i32
      %get3A_312 = arith.index_cast %mul3A_311 : i32 to index
      %get3A_313 = arith.constant 16 : index
      %get3A_314 = tpu.vector_load %arg27[%get3A_312, %get3A_313] {strides = array<i32>} : memref<256x64xf32, #tpu.memory_space<vmem>>, vector<16xf32>,
      %mul3A_315 = arith.mulf %gather3A, %get3A_314 : vector<16xf32>
      %mul3A_316 = arith.constant 8 : i32
      %mul3A_317 = arith.muli %add3A_205, %mul3A_316 : i32
      %add3A_318 = arith.constant 1 : i32
      %add3A_319 = arith.addi %mul3A_317, %add3A_318 : i32
      %get3A_320 = arith.index_cast %add3A_319 : i32 to index
      %get3A_321 = arith.constant 16 : index
      %get3A_322 = tpu.vector_load %arg27[%get3A_320, %get3A_321] {strides = array<i32>} : memref<256x64xf32, #tpu.memory_space<vmem>>, vector<16xf32>,
      %mul3A_323 = arith.mulf %gather3A_215, %get3A_322 : vector<16xf32>
      %add3A_324 = arith.addf %mul3A_315, %mul3A_323 : vector<16xf32>
      %mul3A_325 = arith.constant 8 : i32
      %mul3A_326 = arith.muli %add3A_205, %mul3A_325 : i32
      %add3A_327 = arith.constant 2 : i32
      %add3A_328 = arith.addi %mul3A_326, %add3A_327 : i32
      %get3A_329 = arith.index_cast %add3A_328 : i32 to index
      %get3A_330 = arith.constant 16 : index
      %get3A_331 = tpu.vector_load %arg27[%get3A_329, %get3A_330] {strides = array<i32>} : memref<256x64xf32, #tpu.memory_space<vmem>>, vector<16xf32>,
      %mul3A_332 = arith.mulf %gather3A_219, %get3A_331 : vector<16xf32>
      %add3A_333 = arith.addf %add3A_324, %mul3A_332 : vector<16xf32>
      %mul3A_334 = arith.constant 8 : i32
      %mul3A_335 = arith.muli %add3A_205, %mul3A_334 : i32
      %add3A_336 = arith.constant 3 : i32
      %add3A_337 = arith.addi %mul3A_335, %add3A_336 : i32
      %get3A_338 = arith.index_cast %add3A_337 : i32 to index
      %get3A_339 = arith.constant 16 : index
      %get3A_340 = tpu.vector_load %arg27[%get3A_338, %get3A_339] {strides = array<i32>} : memref<256x64xf32, #tpu.memory_space<vmem>>, vector<16xf32>,
      %mul3A_341 = arith.mulf %gather3A_223, %get3A_340 : vector<16xf32>
      %add3A_342 = arith.addf %add3A_333, %mul3A_341 : vector<16xf32>
      %mul3A_343 = arith.constant 8 : i32
      %mul3A_344 = arith.muli %add3A_205, %mul3A_343 : i32
      %add3A_345 = arith.constant 4 : i32
      %add3A_346 = arith.addi %mul3A_344, %add3A_345 : i32
      %get3A_347 = arith.index_cast %add3A_346 : i32 to index
      %get3A_348 = arith.constant 16 : index
      %get3A_349 = tpu.vector_load %arg27[%get3A_347, %get3A_348] {strides = array<i32>} : memref<256x64xf32, #tpu.memory_space<vmem>>, vector<16xf32>,
      %mul3A_350 = arith.mulf %gather3A_227, %get3A_349 : vector<16xf32>
      %add3A_351 = arith.addf %add3A_342, %mul3A_350 : vector<16xf32>
      %mul3A_352 = arith.constant 8 : i32
      %mul3A_353 = arith.muli %add3A_205, %mul3A_352 : i32
      %add3A_354 = arith.constant 5 : i32
      %add3A_355 = arith.addi %mul3A_353, %add3A_354 : i32
      %get3A_356 = arith.index_cast %add3A_355 : i32 to index
      %get3A_357 = arith.constant 16 : index
      %get3A_358 = tpu.vector_load %arg27[%get3A_356, %get3A_357] {strides = array<i32>} : memref<256x64xf32, #tpu.memory_space<vmem>>, vector<16xf32>,
      %mul3A_359 = arith.mulf %gather3A_231, %get3A_358 : vector<16xf32>
      %add3A_360 = arith.addf %add3A_351, %mul3A_359 : vector<16xf32>
      %mul3A_361 = arith.constant 8 : i32
      %mul3A_362 = arith.muli %add3A_205, %mul3A_361 : i32
      %add3A_363 = arith.constant 6 : i32
      %add3A_364 = arith.addi %mul3A_362, %add3A_363 : i32
      %get3A_365 = arith.index_cast %add3A_364 : i32 to index
      %get3A_366 = arith.constant 16 : index
      %get3A_367 = tpu.vector_load %arg27[%get3A_365, %get3A_366] {strides = array<i32>} : memref<256x64xf32, #tpu.memory_space<vmem>>, vector<16xf32>,
      %mul3A_368 = arith.mulf %gather3A_235, %get3A_367 : vector<16xf32>
      %add3A_369 = arith.addf %add3A_360, %mul3A_368 : vector<16xf32>
      %mul3A_370 = arith.constant 8 : i32
      %mul3A_371 = arith.muli %add3A_205, %mul3A_370 : i32
      %add3A_372 = arith.constant 7 : i32
      %add3A_373 = arith.addi %mul3A_371, %add3A_372 : i32
      %get3A_374 = arith.index_cast %add3A_373 : i32 to index
      %get3A_375 = arith.constant 16 : index
      %get3A_376 = tpu.vector_load %arg27[%get3A_374, %get3A_375] {strides = array<i32>} : memref<256x64xf32, #tpu.memory_space<vmem>>, vector<16xf32>,
      %mul3A_377 = arith.mulf %gather3A_239, %get3A_376 : vector<16xf32>
      %add3A_378 = arith.addf %add3A_369, %mul3A_377 : vector<16xf32>
      %swap3A_379 = arith.index_cast %add3A_207 : i32 to index
      %swap3A_380 = arith.constant 16 : index
      %swap3A_381 = tpu.vector_load %arg29[%swap3A_379, %swap3A_380] {strides = array<i32>} : memref<256x64xf32, #tpu.memory_space<vmem>>, vector<16xf32>,
      tpu.vector_store %arg29[%swap3A_379, %swap3A_380], %add3A_378 {strides = array<i32>} : memref<256x64xf32, #tpu.memory_space<vmem>>, vector<16xf32>,
      %mul3A_382 = arith.constant 8 : i32
      %mul3A_383 = arith.muli %add3A_205, %mul3A_382 : i32
      %get3A_384 = arith.index_cast %mul3A_383 : i32 to index
      %get3A_385 = arith.constant 32 : index
      %get3A_386 = tpu.vector_load %arg27[%get3A_384, %get3A_385] {strides = array<i32>} : memref<256x64xf32, #tpu.memory_space<vmem>>, vector<16xf32>,
      %mul3A_387 = arith.mulf %gather3A, %get3A_386 : vector<16xf32>
      %mul3A_388 = arith.constant 8 : i32
      %mul3A_389 = arith.muli %add3A_205, %mul3A_388 : i32
      %add3A_390 = arith.constant 1 : i32
      %add3A_391 = arith.addi %mul3A_389, %add3A_390 : i32
      %get3A_392 = arith.index_cast %add3A_391 : i32 to index
      %get3A_393 = arith.constant 32 : index
      %get3A_394 = tpu.vector_load %arg27[%get3A_392, %get3A_393] {strides = array<i32>} : memref<256x64xf32, #tpu.memory_space<vmem>>, vector<16xf32>,
      %mul3A_395 = arith.mulf %gather3A_215, %get3A_394 : vector<16xf32>
      %add3A_396 = arith.addf %mul3A_387, %mul3A_395 : vector<16xf32>
      %mul3A_397 = arith.constant 8 : i32
      %mul3A_398 = arith.muli %add3A_205, %mul3A_397 : i32
      %add3A_399 = arith.constant 2 : i32
      %add3A_400 = arith.addi %mul3A_398, %add3A_399 : i32
      %get3A_401 = arith.index_cast %add3A_400 : i32 to index
      %get3A_402 = arith.constant 32 : index
      %get3A_403 = tpu.vector_load %arg27[%get3A_401, %get3A_402] {strides = array<i32>} : memref<256x64xf32, #tpu.memory_space<vmem>>, vector<16xf32>,
      %mul3A_404 = arith.mulf %gather3A_219, %get3A_403 : vector<16xf32>
      %add3A_405 = arith.addf %add3A_396, %mul3A_404 : vector<16xf32>
      %mul3A_406 = arith.constant 8 : i32
      %mul3A_407 = arith.muli %add3A_205, %mul3A_406 : i32
      %add3A_408 = arith.constant 3 : i32
      %add3A_409 = arith.addi %mul3A_407, %add3A_408 : i32
      %get3A_410 = arith.index_cast %add3A_409 : i32 to index
      %get3A_411 = arith.constant 32 : index
      %get3A_412 = tpu.vector_load %arg27[%get3A_410, %get3A_411] {strides = array<i32>} : memref<256x64xf32, #tpu.memory_space<vmem>>, vector<16xf32>,
      %mul3A_413 = arith.mulf %gather3A_223, %get3A_412 : vector<16xf32>
      %add3A_414 = arith.addf %add3A_405, %mul3A_413 : vector<16xf32>
      %mul3A_415 = arith.constant 8 : i32
      %mul3A_416 = arith.muli %add3A_205, %mul3A_415 : i32
      %add3A_417 = arith.constant 4 : i32
      %add3A_418 = arith.addi %mul3A_416, %add3A_417 : i32
      %get3A_419 = arith.index_cast %add3A_418 : i32 to index
      %get3A_420 = arith.constant 32 : index
      %get3A_421 = tpu.vector_load %arg27[%get3A_419, %get3A_420] {strides = array<i32>} : memref<256x64xf32, #tpu.memory_space<vmem>>, vector<16xf32>,
      %mul3A_422 = arith.mulf %gather3A_227, %get3A_421 : vector<16xf32>
      %add3A_423 = arith.addf %add3A_414, %mul3A_422 : vector<16xf32>
      %mul3A_424 = arith.constant 8 : i32
      %mul3A_425 = arith.muli %add3A_205, %mul3A_424 : i32
      %add3A_426 = arith.constant 5 : i32
      %add3A_427 = arith.addi %mul3A_425, %add3A_426 : i32
      %get3A_428 = arith.index_cast %add3A_427 : i32 to index
      %get3A_429 = arith.constant 32 : index
      %get3A_430 = tpu.vector_load %arg27[%get3A_428, %get3A_429] {strides = array<i32>} : memref<256x64xf32, #tpu.memory_space<vmem>>, vector<16xf32>,
      %mul3A_431 = arith.mulf %gather3A_231, %get3A_430 : vector<16xf32>
      %add3A_432 = arith.addf %add3A_423, %mul3A_431 : vector<16xf32>
      %mul3A_433 = arith.constant 8 : i32
      %mul3A_434 = arith.muli %add3A_205, %mul3A_433 : i32
      %add3A_435 = arith.constant 6 : i32
      %add3A_436 = arith.addi %mul3A_434, %add3A_435 : i32
      %get3A_437 = arith.index_cast %add3A_436 : i32 to index
      %get3A_438 = arith.constant 32 : index
      %get3A_439 = tpu.vector_load %arg27[%get3A_437, %get3A_438] {strides = array<i32>} : memref<256x64xf32, #tpu.memory_space<vmem>>, vector<16xf32>,
      %mul3A_440 = arith.mulf %gather3A_235, %get3A_439 : vector<16xf32>
      %add3A_441 = arith.addf %add3A_432, %mul3A_440 : vector<16xf32>
      %mul3A_442 = arith.constant 8 : i32
      %mul3A_443 = arith.muli %add3A_205, %mul3A_442 : i32
      %add3A_444 = arith.constant 7 : i32
      %add3A_445 = arith.addi %mul3A_443, %add3A_444 : i32
      %get3A_446 = arith.index_cast %add3A_445 : i32 to index
      %get3A_447 = arith.constant 32 : index
      %get3A_448 = tpu.vector_load %arg27[%get3A_446, %get3A_447] {strides = array<i32>} : memref<256x64xf32, #tpu.memory_space<vmem>>, vector<16xf32>,
      %mul3A_449 = arith.mulf %gather3A_239, %get3A_448 : vector<16xf32>
      %add3A_450 = arith.addf %add3A_441, %mul3A_449 : vector<16xf32>
      %swap3A_451 = arith.index_cast %add3A_207 : i32 to index
      %swap3A_452 = arith.constant 32 : index
      %swap3A_453 = tpu.vector_load %arg29[%swap3A_451, %swap3A_452] {strides = array<i32>} : memref<256x64xf32, #tpu.memory_space<vmem>>, vector<16xf32>,
      tpu.vector_store %arg29[%swap3A_451, %swap3A_452], %add3A_450 {strides = array<i32>} : memref<256x64xf32, #tpu.memory_space<vmem>>, vector<16xf32>,
      %mul3A_454 = arith.constant 8 : i32
      %mul3A_455 = arith.muli %add3A_205, %mul3A_454 : i32
      %get3A_456 = arith.index_cast %mul3A_455 : i32 to index
      %get3A_457 = arith.constant 48 : index
      %get3A_458 = tpu.vector_load %arg27[%get3A_456, %get3A_457] {strides = array<i32>} : memref<256x64xf32, #tpu.memory_space<vmem>>, vector<16xf32>,
      %mul3A_459 = arith.mulf %gather3A, %get3A_458 : vector<16xf32>
      %mul3A_460 = arith.constant 8 : i32
      %mul3A_461 = arith.muli %add3A_205, %mul3A_460 : i32
      %add3A_462 = arith.constant 1 : i32
      %add3A_463 = arith.addi %mul3A_461, %add3A_462 : i32
      %get3A_464 = arith.index_cast %add3A_463 : i32 to index
      %get3A_465 = arith.constant 48 : index
      %get3A_466 = tpu.vector_load %arg27[%get3A_464, %get3A_465] {strides = array<i32>} : memref<256x64xf32, #tpu.memory_space<vmem>>, vector<16xf32>,
      %mul3A_467 = arith.mulf %gather3A_215, %get3A_466 : vector<16xf32>
      %add3A_468 = arith.addf %mul3A_459, %mul3A_467 : vector<16xf32>
      %mul3A_469 = arith.constant 8 : i32
      %mul3A_470 = arith.muli %add3A_205, %mul3A_469 : i32
      %add3A_471 = arith.constant 2 : i32
      %add3A_472 = arith.addi %mul3A_470, %add3A_471 : i32
      %get3A_473 = arith.index_cast %add3A_472 : i32 to index
      %get3A_474 = arith.constant 48 : index
      %get3A_475 = tpu.vector_load %arg27[%get3A_473, %get3A_474] {strides = array<i32>} : memref<256x64xf32, #tpu.memory_space<vmem>>, vector<16xf32>,
      %mul3A_476 = arith.mulf %gather3A_219, %get3A_475 : vector<16xf32>
      %add3A_477 = arith.addf %add3A_468, %mul3A_476 : vector<16xf32>
      %mul3A_478 = arith.constant 8 : i32
      %mul3A_479 = arith.muli %add3A_205, %mul3A_478 : i32
      %add3A_480 = arith.constant 3 : i32
      %add3A_481 = arith.addi %mul3A_479, %add3A_480 : i32
      %get3A_482 = arith.index_cast %add3A_481 : i32 to index
      %get3A_483 = arith.constant 48 : index
      %get3A_484 = tpu.vector_load %arg27[%get3A_482, %get3A_483] {strides = array<i32>} : memref<256x64xf32, #tpu.memory_space<vmem>>, vector<16xf32>,
      %mul3A_485 = arith.mulf %gather3A_223, %get3A_484 : vector<16xf32>
      %add3A_486 = arith.addf %add3A_477, %mul3A_485 : vector<16xf32>
      %mul3A_487 = arith.constant 8 : i32
      %mul3A_488 = arith.muli %add3A_205, %mul3A_487 : i32
      %add3A_489 = arith.constant 4 : i32
      %add3A_490 = arith.addi %mul3A_488, %add3A_489 : i32
      %get3A_491 = arith.index_cast %add3A_490 : i32 to index
      %get3A_492 = arith.constant 48 : index
      %get3A_493 = tpu.vector_load %arg27[%get3A_491, %get3A_492] {strides = array<i32>} : memref<256x64xf32, #tpu.memory_space<vmem>>, vector<16xf32>,
      %mul3A_494 = arith.mulf %gather3A_227, %get3A_493 : vector<16xf32>
      %add3A_495 = arith.addf %add3A_486, %mul3A_494 : vector<16xf32>
      %mul3A_496 = arith.constant 8 : i32
      %mul3A_497 = arith.muli %add3A_205, %mul3A_496 : i32
      %add3A_498 = arith.constant 5 : i32
      %add3A_499 = arith.addi %mul3A_497, %add3A_498 : i32
      %get3A_500 = arith.index_cast %add3A_499 : i32 to index
      %get3A_501 = arith.constant 48 : index
      %get3A_502 = tpu.vector_load %arg27[%get3A_500, %get3A_501] {strides = array<i32>} : memref<256x64xf32, #tpu.memory_space<vmem>>, vector<16xf32>,
      %mul3A_503 = arith.mulf %gather3A_231, %get3A_502 : vector<16xf32>
      %add3A_504 = arith.addf %add3A_495, %mul3A_503 : vector<16xf32>
      %mul3A_505 = arith.constant 8 : i32
      %mul3A_506 = arith.muli %add3A_205, %mul3A_505 : i32
      %add3A_507 = arith.constant 6 : i32
      %add3A_508 = arith.addi %mul3A_506, %add3A_507 : i32
      %get3A_509 = arith.index_cast %add3A_508 : i32 to index
      %get3A_510 = arith.constant 48 : index
      %get3A_511 = tpu.vector_load %arg27[%get3A_509, %get3A_510] {strides = array<i32>} : memref<256x64xf32, #tpu.memory_space<vmem>>, vector<16xf32>,
      %mul3A_512 = arith.mulf %gather3A_235, %get3A_511 : vector<16xf32>
      %add3A_513 = arith.addf %add3A_504, %mul3A_512 : vector<16xf32>
      %mul3A_514 = arith.constant 8 : i32
      %mul3A_515 = arith.muli %add3A_205, %mul3A_514 : i32
      %add3A_516 = arith.constant 7 : i32
      %add3A_517 = arith.addi %mul3A_515, %add3A_516 : i32
      %get3A_518 = arith.index_cast %add3A_517 : i32 to index
      %get3A_519 = arith.constant 48 : index
      %get3A_520 = tpu.vector_load %arg27[%get3A_518, %get3A_519] {strides = array<i32>} : memref<256x64xf32, #tpu.memory_space<vmem>>, vector<16xf32>,
      %mul3A_521 = arith.mulf %gather3A_239, %get3A_520 : vector<16xf32>
      %add3A_522 = arith.addf %add3A_513, %mul3A_521 : vector<16xf32>
      %swap3A_523 = arith.index_cast %add3A_207 : i32 to index
      %swap3A_524 = arith.constant 48 : index
      %swap3A_525 = tpu.vector_load %arg29[%swap3A_523, %swap3A_524] {strides = array<i32>} : memref<256x64xf32, #tpu.memory_space<vmem>>, vector<16xf32>,
      tpu.vector_store %arg29[%swap3A_523, %swap3A_524], %add3A_522 {strides = array<i32>} : memref<256x64xf32, #tpu.memory_space<vmem>>, vector<16xf32>,
    }
    %scan3A_158 = arith.constant 32 : i32
    %dma_start3A_159 = arith.constant 1536 : i32
    %dma_start3A_160 = tpu.memref_slice %arg23[%dma_start3A_159] : memref<2048xi32, #tpu.memory_space<vmem>> -> memref<256xi32, #tpu.memory_space<vmem>>
    %dma_start3A_161 = arith.constant 0 : i32
    %dma_start3A_162 = arith.constant 0 : i32
    %dma_start3A_163 = tpu.memref_slice %arg4[%dma_start3A_161, %dma_start3A_162] : memref<100000x64xf32, #tpu.memory_space<hbm>> -> memref<100000x64xf32, #tpu.memory_space<hbm>>
    tpu.enqueue_indirect_dma source(%dma_start3A_163 : memref<100000x64xf32, #tpu.memory_space<hbm>>) target(%arg27 : memref<256x64xf32, #tpu.memory_space<vmem>>) offsets(%dma_start3A_160 : memref<256xi32, #tpu.memory_space<vmem>>) semaphore(%arg33 : memref<!tpu.dma_semaphore, #tpu.memory_space<semaphore_mem>>)
    %dma_wait3A_164 = arith.constant 1280 : i32
    %dma_wait3A_165 = tpu.memref_slice %arg23[%dma_wait3A_164] : memref<2048xi32, #tpu.memory_space<vmem>> -> memref<256xi32, #tpu.memory_space<vmem>>
    %dma_wait3A_166 = arith.constant 0 : i32
    %dma_wait3A_167 = arith.constant 0 : i32
    %dma_wait3A_168 = tpu.memref_slice %arg4[%dma_wait3A_166, %dma_wait3A_167] : memref<100000x64xf32, #tpu.memory_space<hbm>> -> memref<100000x64xf32, #tpu.memory_space<hbm>>
    tpu.wait_indirect_dma semaphore(%arg34 : memref<!tpu.dma_semaphore, #tpu.memory_space<semaphore_mem>>) src(%dma_wait3A_168 : memref<100000x64xf32, #tpu.memory_space<hbm>>) dst(%arg28 : memref<256x64xf32, #tpu.memory_space<vmem>>)
    %scan3A_169 = arith.constant 0 : i32
    %scan3A_170 = arith.constant 32 : i32
    %scan3A_171 = arith.addi %scan3A_169, %scan3A_170 : i32
    %scan3A_172 = arith.constant 1 : i32
    scf.for %scan3A_201 = %scan3A_169 to %scan3A_171 step %scan3A_172  : i32 {
      %mul3A_202 = arith.constant 1 : i32
      %mul3A_203 = arith.muli %scan3A_201, %mul3A_202 : i32
      %add3A_204 = arith.constant 0 : i32
      %add3A_205 = arith.addi %add3A_204, %mul3A_203 : i32
      %add3A_206 = arith.constant 160 : i32
      %add3A_207 = arith.addi %add3A_206, %add3A_205 : i32
      %mul3A_208 = arith.constant 8 : i32
      %mul3A_209 = arith.muli %add3A_207, %mul3A_208 : i32
      %add3A_210 = arith.constant 0 : i32
      %add3A_211 = arith.addi %mul3A_209, %add3A_210 : i32
      %broadcast_in_dim3A = vector.broadcast %add3A_211 : i32 to vector<16xi32>
      %gather3A = tpu.vector_load_idx %arg25[%broadcast_in_dim3A] : memref<2048xf32, #tpu.memory_space<vmem>>[vector<16xi32>], vector<16xf32>,
      %add3A_212 = arith.constant 1 : i32
      %add3A_213 = arith.addi %mul3A_209, %add3A_212 : i32
      %broadcast_in_dim3A_214 = vector.broadcast %add3A_213 : i32 to vector<16xi32>
      %gather3A_215 = tpu.vector_load_idx %arg25[%broadcast_in_dim3A_214] : memref<2048xf32, #tpu.memory_space<vmem>>[vector<16xi32>], vector<16xf32>,
      %add3A_216 = arith.constant 2 : i32
      %add3A_217 = arith.addi %mul3A_209, %add3A_216 : i32
      %broadcast_in_dim3A_218 = vector.broadcast %add3A_217 : i32 to vector<16xi32>
      %gather3A_219 = tpu.vector_load_idx %arg25[%broadcast_in_dim3A_218] : memref<2048xf32, #tpu.memory_space<vmem>>[vector<16xi32>], vector<16xf32>,
      %add3A_220 = arith.constant 3 : i32
      %add3A_221 = arith.addi %mul3A_209, %add3A_220 : i32
      %broadcast_in_dim3A_222 = vector.broadcast %add3A_221 : i32 to vector<16xi32>
      %gather3A_223 = tpu.vector_load_idx %arg25[%broadcast_in_dim3A_222] : memref<2048xf32, #tpu.memory_space<vmem>>[vector<16xi32>], vector<16xf32>,
      %add3A_224 = arith.constant 4 : i32
      %add3A_225 = arith.addi %mul3A_209, %add3A_224 : i32
      %broadcast_in_dim3A_226 = vector.broadcast %add3A_225 : i32 to vector<16xi32>
      %gather3A_227 = tpu.vector_load_idx %arg25[%broadcast_in_dim3A_226] : memref<2048xf32, #tpu.memory_space<vmem>>[vector<16xi32>], vector<16xf32>,
      %add3A_228 = arith.constant 5 : i32
      %add3A_229 = arith.addi %mul3A_209, %add3A_228 : i32
      %broadcast_in_dim3A_230 = vector.broadcast %add3A_229 : i32 to vector<16xi32>
      %gather3A_231 = tpu.vector_load_idx %arg25[%broadcast_in_dim3A_230] : memref<2048xf32, #tpu.memory_space<vmem>>[vector<16xi32>], vector<16xf32>,
      %add3A_232 = arith.constant 6 : i32
      %add3A_233 = arith.addi %mul3A_209, %add3A_232 : i32
      %broadcast_in_dim3A_234 = vector.broadcast %add3A_233 : i32 to vector<16xi32>
      %gather3A_235 = tpu.vector_load_idx %arg25[%broadcast_in_dim3A_234] : memref<2048xf32, #tpu.memory_space<vmem>>[vector<16xi32>], vector<16xf32>,
      %add3A_236 = arith.constant 7 : i32
      %add3A_237 = arith.addi %mul3A_209, %add3A_236 : i32
      %broadcast_in_dim3A_238 = vector.broadcast %add3A_237 : i32 to vector<16xi32>
      %gather3A_239 = tpu.vector_load_idx %arg25[%broadcast_in_dim3A_238] : memref<2048xf32, #tpu.memory_space<vmem>>[vector<16xi32>], vector<16xf32>,
      %mul3A_240 = arith.constant 8 : i32
      %mul3A_241 = arith.muli %add3A_205, %mul3A_240 : i32
      %get3A = arith.index_cast %mul3A_241 : i32 to index
      %get3A_242 = arith.constant 0 : index
      %get3A_243 = tpu.vector_load %arg28[%get3A, %get3A_242] {strides = array<i32>} : memref<256x64xf32, #tpu.memory_space<vmem>>, vector<16xf32>,
      %mul3A_244 = arith.mulf %gather3A, %get3A_243 : vector<16xf32>
      %mul3A_245 = arith.constant 8 : i32
      %mul3A_246 = arith.muli %add3A_205, %mul3A_245 : i32
      %add3A_247 = arith.constant 1 : i32
      %add3A_248 = arith.addi %mul3A_246, %add3A_247 : i32
      %get3A_249 = arith.index_cast %add3A_248 : i32 to index
      %get3A_250 = arith.constant 0 : index
      %get3A_251 = tpu.vector_load %arg28[%get3A_249, %get3A_250] {strides = array<i32>} : memref<256x64xf32, #tpu.memory_space<vmem>>, vector<16xf32>,
      %mul3A_252 = arith.mulf %gather3A_215, %get3A_251 : vector<16xf32>
      %add3A_253 = arith.addf %mul3A_244, %mul3A_252 : vector<16xf32>
      %mul3A_254 = arith.constant 8 : i32
      %mul3A_255 = arith.muli %add3A_205, %mul3A_254 : i32
      %add3A_256 = arith.constant 2 : i32
      %add3A_257 = arith.addi %mul3A_255, %add3A_256 : i32
      %get3A_258 = arith.index_cast %add3A_257 : i32 to index
      %get3A_259 = arith.constant 0 : index
      %get3A_260 = tpu.vector_load %arg28[%get3A_258, %get3A_259] {strides = array<i32>} : memref<256x64xf32, #tpu.memory_space<vmem>>, vector<16xf32>,
      %mul3A_261 = arith.mulf %gather3A_219, %get3A_260 : vector<16xf32>
      %add3A_262 = arith.addf %add3A_253, %mul3A_261 : vector<16xf32>
      %mul3A_263 = arith.constant 8 : i32
      %mul3A_264 = arith.muli %add3A_205, %mul3A_263 : i32
      %add3A_265 = arith.constant 3 : i32
      %add3A_266 = arith.addi %mul3A_264, %add3A_265 : i32
      %get3A_267 = arith.index_cast %add3A_266 : i32 to index
      %get3A_268 = arith.constant 0 : index
      %get3A_269 = tpu.vector_load %arg28[%get3A_267, %get3A_268] {strides = array<i32>} : memref<256x64xf32, #tpu.memory_space<vmem>>, vector<16xf32>,
      %mul3A_270 = arith.mulf %gather3A_223, %get3A_269 : vector<16xf32>
      %add3A_271 = arith.addf %add3A_262, %mul3A_270 : vector<16xf32>
      %mul3A_272 = arith.constant 8 : i32
      %mul3A_273 = arith.muli %add3A_205, %mul3A_272 : i32
      %add3A_274 = arith.constant 4 : i32
      %add3A_275 = arith.addi %mul3A_273, %add3A_274 : i32
      %get3A_276 = arith.index_cast %add3A_275 : i32 to index
      %get3A_277 = arith.constant 0 : index
      %get3A_278 = tpu.vector_load %arg28[%get3A_276, %get3A_277] {strides = array<i32>} : memref<256x64xf32, #tpu.memory_space<vmem>>, vector<16xf32>,
      %mul3A_279 = arith.mulf %gather3A_227, %get3A_278 : vector<16xf32>
      %add3A_280 = arith.addf %add3A_271, %mul3A_279 : vector<16xf32>
      %mul3A_281 = arith.constant 8 : i32
      %mul3A_282 = arith.muli %add3A_205, %mul3A_281 : i32
      %add3A_283 = arith.constant 5 : i32
      %add3A_284 = arith.addi %mul3A_282, %add3A_283 : i32
      %get3A_285 = arith.index_cast %add3A_284 : i32 to index
      %get3A_286 = arith.constant 0 : index
      %get3A_287 = tpu.vector_load %arg28[%get3A_285, %get3A_286] {strides = array<i32>} : memref<256x64xf32, #tpu.memory_space<vmem>>, vector<16xf32>,
      %mul3A_288 = arith.mulf %gather3A_231, %get3A_287 : vector<16xf32>
      %add3A_289 = arith.addf %add3A_280, %mul3A_288 : vector<16xf32>
      %mul3A_290 = arith.constant 8 : i32
      %mul3A_291 = arith.muli %add3A_205, %mul3A_290 : i32
      %add3A_292 = arith.constant 6 : i32
      %add3A_293 = arith.addi %mul3A_291, %add3A_292 : i32
      %get3A_294 = arith.index_cast %add3A_293 : i32 to index
      %get3A_295 = arith.constant 0 : index
      %get3A_296 = tpu.vector_load %arg28[%get3A_294, %get3A_295] {strides = array<i32>} : memref<256x64xf32, #tpu.memory_space<vmem>>, vector<16xf32>,
      %mul3A_297 = arith.mulf %gather3A_235, %get3A_296 : vector<16xf32>
      %add3A_298 = arith.addf %add3A_289, %mul3A_297 : vector<16xf32>
      %mul3A_299 = arith.constant 8 : i32
      %mul3A_300 = arith.muli %add3A_205, %mul3A_299 : i32
      %add3A_301 = arith.constant 7 : i32
      %add3A_302 = arith.addi %mul3A_300, %add3A_301 : i32
      %get3A_303 = arith.index_cast %add3A_302 : i32 to index
      %get3A_304 = arith.constant 0 : index
      %get3A_305 = tpu.vector_load %arg28[%get3A_303, %get3A_304] {strides = array<i32>} : memref<256x64xf32, #tpu.memory_space<vmem>>, vector<16xf32>,
      %mul3A_306 = arith.mulf %gather3A_239, %get3A_305 : vector<16xf32>
      %add3A_307 = arith.addf %add3A_298, %mul3A_306 : vector<16xf32>
      %swap3A = arith.index_cast %add3A_207 : i32 to index
      %swap3A_308 = arith.constant 0 : index
      %swap3A_309 = tpu.vector_load %arg29[%swap3A, %swap3A_308] {strides = array<i32>} : memref<256x64xf32, #tpu.memory_space<vmem>>, vector<16xf32>,
      tpu.vector_store %arg29[%swap3A, %swap3A_308], %add3A_307 {strides = array<i32>} : memref<256x64xf32, #tpu.memory_space<vmem>>, vector<16xf32>,
      %mul3A_310 = arith.constant 8 : i32
      %mul3A_311 = arith.muli %add3A_205, %mul3A_310 : i32
      %get3A_312 = arith.index_cast %mul3A_311 : i32 to index
      %get3A_313 = arith.constant 16 : index
      %get3A_314 = tpu.vector_load %arg28[%get3A_312, %get3A_313] {strides = array<i32>} : memref<256x64xf32, #tpu.memory_space<vmem>>, vector<16xf32>,
      %mul3A_315 = arith.mulf %gather3A, %get3A_314 : vector<16xf32>
      %mul3A_316 = arith.constant 8 : i32
      %mul3A_317 = arith.muli %add3A_205, %mul3A_316 : i32
      %add3A_318 = arith.constant 1 : i32
      %add3A_319 = arith.addi %mul3A_317, %add3A_318 : i32
      %get3A_320 = arith.index_cast %add3A_319 : i32 to index
      %get3A_321 = arith.constant 16 : index
      %get3A_322 = tpu.vector_load %arg28[%get3A_320, %get3A_321] {strides = array<i32>} : memref<256x64xf32, #tpu.memory_space<vmem>>, vector<16xf32>,
      %mul3A_323 = arith.mulf %gather3A_215, %get3A_322 : vector<16xf32>
      %add3A_324 = arith.addf %mul3A_315, %mul3A_323 : vector<16xf32>
      %mul3A_325 = arith.constant 8 : i32
      %mul3A_326 = arith.muli %add3A_205, %mul3A_325 : i32
      %add3A_327 = arith.constant 2 : i32
      %add3A_328 = arith.addi %mul3A_326, %add3A_327 : i32
      %get3A_329 = arith.index_cast %add3A_328 : i32 to index
      %get3A_330 = arith.constant 16 : index
      %get3A_331 = tpu.vector_load %arg28[%get3A_329, %get3A_330] {strides = array<i32>} : memref<256x64xf32, #tpu.memory_space<vmem>>, vector<16xf32>,
      %mul3A_332 = arith.mulf %gather3A_219, %get3A_331 : vector<16xf32>
      %add3A_333 = arith.addf %add3A_324, %mul3A_332 : vector<16xf32>
      %mul3A_334 = arith.constant 8 : i32
      %mul3A_335 = arith.muli %add3A_205, %mul3A_334 : i32
      %add3A_336 = arith.constant 3 : i32
      %add3A_337 = arith.addi %mul3A_335, %add3A_336 : i32
      %get3A_338 = arith.index_cast %add3A_337 : i32 to index
      %get3A_339 = arith.constant 16 : index
      %get3A_340 = tpu.vector_load %arg28[%get3A_338, %get3A_339] {strides = array<i32>} : memref<256x64xf32, #tpu.memory_space<vmem>>, vector<16xf32>,
      %mul3A_341 = arith.mulf %gather3A_223, %get3A_340 : vector<16xf32>
      %add3A_342 = arith.addf %add3A_333, %mul3A_341 : vector<16xf32>
      %mul3A_343 = arith.constant 8 : i32
      %mul3A_344 = arith.muli %add3A_205, %mul3A_343 : i32
      %add3A_345 = arith.constant 4 : i32
      %add3A_346 = arith.addi %mul3A_344, %add3A_345 : i32
      %get3A_347 = arith.index_cast %add3A_346 : i32 to index
      %get3A_348 = arith.constant 16 : index
      %get3A_349 = tpu.vector_load %arg28[%get3A_347, %get3A_348] {strides = array<i32>} : memref<256x64xf32, #tpu.memory_space<vmem>>, vector<16xf32>,
      %mul3A_350 = arith.mulf %gather3A_227, %get3A_349 : vector<16xf32>
      %add3A_351 = arith.addf %add3A_342, %mul3A_350 : vector<16xf32>
      %mul3A_352 = arith.constant 8 : i32
      %mul3A_353 = arith.muli %add3A_205, %mul3A_352 : i32
      %add3A_354 = arith.constant 5 : i32
      %add3A_355 = arith.addi %mul3A_353, %add3A_354 : i32
      %get3A_356 = arith.index_cast %add3A_355 : i32 to index
      %get3A_357 = arith.constant 16 : index
      %get3A_358 = tpu.vector_load %arg28[%get3A_356, %get3A_357] {strides = array<i32>} : memref<256x64xf32, #tpu.memory_space<vmem>>, vector<16xf32>,
      %mul3A_359 = arith.mulf %gather3A_231, %get3A_358 : vector<16xf32>
      %add3A_360 = arith.addf %add3A_351, %mul3A_359 : vector<16xf32>
      %mul3A_361 = arith.constant 8 : i32
      %mul3A_362 = arith.muli %add3A_205, %mul3A_361 : i32
      %add3A_363 = arith.constant 6 : i32
      %add3A_364 = arith.addi %mul3A_362, %add3A_363 : i32
      %get3A_365 = arith.index_cast %add3A_364 : i32 to index
      %get3A_366 = arith.constant 16 : index
      %get3A_367 = tpu.vector_load %arg28[%get3A_365, %get3A_366] {strides = array<i32>} : memref<256x64xf32, #tpu.memory_space<vmem>>, vector<16xf32>,
      %mul3A_368 = arith.mulf %gather3A_235, %get3A_367 : vector<16xf32>
      %add3A_369 = arith.addf %add3A_360, %mul3A_368 : vector<16xf32>
      %mul3A_370 = arith.constant 8 : i32
      %mul3A_371 = arith.muli %add3A_205, %mul3A_370 : i32
      %add3A_372 = arith.constant 7 : i32
      %add3A_373 = arith.addi %mul3A_371, %add3A_372 : i32
      %get3A_374 = arith.index_cast %add3A_373 : i32 to index
      %get3A_375 = arith.constant 16 : index
      %get3A_376 = tpu.vector_load %arg28[%get3A_374, %get3A_375] {strides = array<i32>} : memref<256x64xf32, #tpu.memory_space<vmem>>, vector<16xf32>,
      %mul3A_377 = arith.mulf %gather3A_239, %get3A_376 : vector<16xf32>
      %add3A_378 = arith.addf %add3A_369, %mul3A_377 : vector<16xf32>
      %swap3A_379 = arith.index_cast %add3A_207 : i32 to index
      %swap3A_380 = arith.constant 16 : index
      %swap3A_381 = tpu.vector_load %arg29[%swap3A_379, %swap3A_380] {strides = array<i32>} : memref<256x64xf32, #tpu.memory_space<vmem>>, vector<16xf32>,
      tpu.vector_store %arg29[%swap3A_379, %swap3A_380], %add3A_378 {strides = array<i32>} : memref<256x64xf32, #tpu.memory_space<vmem>>, vector<16xf32>,
      %mul3A_382 = arith.constant 8 : i32
      %mul3A_383 = arith.muli %add3A_205, %mul3A_382 : i32
      %get3A_384 = arith.index_cast %mul3A_383 : i32 to index
      %get3A_385 = arith.constant 32 : index
      %get3A_386 = tpu.vector_load %arg28[%get3A_384, %get3A_385] {strides = array<i32>} : memref<256x64xf32, #tpu.memory_space<vmem>>, vector<16xf32>,
      %mul3A_387 = arith.mulf %gather3A, %get3A_386 : vector<16xf32>
      %mul3A_388 = arith.constant 8 : i32
      %mul3A_389 = arith.muli %add3A_205, %mul3A_388 : i32
      %add3A_390 = arith.constant 1 : i32
      %add3A_391 = arith.addi %mul3A_389, %add3A_390 : i32
      %get3A_392 = arith.index_cast %add3A_391 : i32 to index
      %get3A_393 = arith.constant 32 : index
      %get3A_394 = tpu.vector_load %arg28[%get3A_392, %get3A_393] {strides = array<i32>} : memref<256x64xf32, #tpu.memory_space<vmem>>, vector<16xf32>,
      %mul3A_395 = arith.mulf %gather3A_215, %get3A_394 : vector<16xf32>
      %add3A_396 = arith.addf %mul3A_387, %mul3A_395 : vector<16xf32>
      %mul3A_397 = arith.constant 8 : i32
      %mul3A_398 = arith.muli %add3A_205, %mul3A_397 : i32
      %add3A_399 = arith.constant 2 : i32
      %add3A_400 = arith.addi %mul3A_398, %add3A_399 : i32
      %get3A_401 = arith.index_cast %add3A_400 : i32 to index
      %get3A_402 = arith.constant 32 : index
      %get3A_403 = tpu.vector_load %arg28[%get3A_401, %get3A_402] {strides = array<i32>} : memref<256x64xf32, #tpu.memory_space<vmem>>, vector<16xf32>,
      %mul3A_404 = arith.mulf %gather3A_219, %get3A_403 : vector<16xf32>
      %add3A_405 = arith.addf %add3A_396, %mul3A_404 : vector<16xf32>
      %mul3A_406 = arith.constant 8 : i32
      %mul3A_407 = arith.muli %add3A_205, %mul3A_406 : i32
      %add3A_408 = arith.constant 3 : i32
      %add3A_409 = arith.addi %mul3A_407, %add3A_408 : i32
      %get3A_410 = arith.index_cast %add3A_409 : i32 to index
      %get3A_411 = arith.constant 32 : index
      %get3A_412 = tpu.vector_load %arg28[%get3A_410, %get3A_411] {strides = array<i32>} : memref<256x64xf32, #tpu.memory_space<vmem>>, vector<16xf32>,
      %mul3A_413 = arith.mulf %gather3A_223, %get3A_412 : vector<16xf32>
      %add3A_414 = arith.addf %add3A_405, %mul3A_413 : vector<16xf32>
      %mul3A_415 = arith.constant 8 : i32
      %mul3A_416 = arith.muli %add3A_205, %mul3A_415 : i32
      %add3A_417 = arith.constant 4 : i32
      %add3A_418 = arith.addi %mul3A_416, %add3A_417 : i32
      %get3A_419 = arith.index_cast %add3A_418 : i32 to index
      %get3A_420 = arith.constant 32 : index
      %get3A_421 = tpu.vector_load %arg28[%get3A_419, %get3A_420] {strides = array<i32>} : memref<256x64xf32, #tpu.memory_space<vmem>>, vector<16xf32>,
      %mul3A_422 = arith.mulf %gather3A_227, %get3A_421 : vector<16xf32>
      %add3A_423 = arith.addf %add3A_414, %mul3A_422 : vector<16xf32>
      %mul3A_424 = arith.constant 8 : i32
      %mul3A_425 = arith.muli %add3A_205, %mul3A_424 : i32
      %add3A_426 = arith.constant 5 : i32
      %add3A_427 = arith.addi %mul3A_425, %add3A_426 : i32
      %get3A_428 = arith.index_cast %add3A_427 : i32 to index
      %get3A_429 = arith.constant 32 : index
      %get3A_430 = tpu.vector_load %arg28[%get3A_428, %get3A_429] {strides = array<i32>} : memref<256x64xf32, #tpu.memory_space<vmem>>, vector<16xf32>,
      %mul3A_431 = arith.mulf %gather3A_231, %get3A_430 : vector<16xf32>
      %add3A_432 = arith.addf %add3A_423, %mul3A_431 : vector<16xf32>
      %mul3A_433 = arith.constant 8 : i32
      %mul3A_434 = arith.muli %add3A_205, %mul3A_433 : i32
      %add3A_435 = arith.constant 6 : i32
      %add3A_436 = arith.addi %mul3A_434, %add3A_435 : i32
      %get3A_437 = arith.index_cast %add3A_436 : i32 to index
      %get3A_438 = arith.constant 32 : index
      %get3A_439 = tpu.vector_load %arg28[%get3A_437, %get3A_438] {strides = array<i32>} : memref<256x64xf32, #tpu.memory_space<vmem>>, vector<16xf32>,
      %mul3A_440 = arith.mulf %gather3A_235, %get3A_439 : vector<16xf32>
      %add3A_441 = arith.addf %add3A_432, %mul3A_440 : vector<16xf32>
      %mul3A_442 = arith.constant 8 : i32
      %mul3A_443 = arith.muli %add3A_205, %mul3A_442 : i32
      %add3A_444 = arith.constant 7 : i32
      %add3A_445 = arith.addi %mul3A_443, %add3A_444 : i32
      %get3A_446 = arith.index_cast %add3A_445 : i32 to index
      %get3A_447 = arith.constant 32 : index
      %get3A_448 = tpu.vector_load %arg28[%get3A_446, %get3A_447] {strides = array<i32>} : memref<256x64xf32, #tpu.memory_space<vmem>>, vector<16xf32>,
      %mul3A_449 = arith.mulf %gather3A_239, %get3A_448 : vector<16xf32>
      %add3A_450 = arith.addf %add3A_441, %mul3A_449 : vector<16xf32>
      %swap3A_451 = arith.index_cast %add3A_207 : i32 to index
      %swap3A_452 = arith.constant 32 : index
      %swap3A_453 = tpu.vector_load %arg29[%swap3A_451, %swap3A_452] {strides = array<i32>} : memref<256x64xf32, #tpu.memory_space<vmem>>, vector<16xf32>,
      tpu.vector_store %arg29[%swap3A_451, %swap3A_452], %add3A_450 {strides = array<i32>} : memref<256x64xf32, #tpu.memory_space<vmem>>, vector<16xf32>,
      %mul3A_454 = arith.constant 8 : i32
      %mul3A_455 = arith.muli %add3A_205, %mul3A_454 : i32
      %get3A_456 = arith.index_cast %mul3A_455 : i32 to index
      %get3A_457 = arith.constant 48 : index
      %get3A_458 = tpu.vector_load %arg28[%get3A_456, %get3A_457] {strides = array<i32>} : memref<256x64xf32, #tpu.memory_space<vmem>>, vector<16xf32>,
      %mul3A_459 = arith.mulf %gather3A, %get3A_458 : vector<16xf32>
      %mul3A_460 = arith.constant 8 : i32
      %mul3A_461 = arith.muli %add3A_205, %mul3A_460 : i32
      %add3A_462 = arith.constant 1 : i32
      %add3A_463 = arith.addi %mul3A_461, %add3A_462 : i32
      %get3A_464 = arith.index_cast %add3A_463 : i32 to index
      %get3A_465 = arith.constant 48 : index
      %get3A_466 = tpu.vector_load %arg28[%get3A_464, %get3A_465] {strides = array<i32>} : memref<256x64xf32, #tpu.memory_space<vmem>>, vector<16xf32>,
      %mul3A_467 = arith.mulf %gather3A_215, %get3A_466 : vector<16xf32>
      %add3A_468 = arith.addf %mul3A_459, %mul3A_467 : vector<16xf32>
      %mul3A_469 = arith.constant 8 : i32
      %mul3A_470 = arith.muli %add3A_205, %mul3A_469 : i32
      %add3A_471 = arith.constant 2 : i32
      %add3A_472 = arith.addi %mul3A_470, %add3A_471 : i32
      %get3A_473 = arith.index_cast %add3A_472 : i32 to index
      %get3A_474 = arith.constant 48 : index
      %get3A_475 = tpu.vector_load %arg28[%get3A_473, %get3A_474] {strides = array<i32>} : memref<256x64xf32, #tpu.memory_space<vmem>>, vector<16xf32>,
      %mul3A_476 = arith.mulf %gather3A_219, %get3A_475 : vector<16xf32>
      %add3A_477 = arith.addf %add3A_468, %mul3A_476 : vector<16xf32>
      %mul3A_478 = arith.constant 8 : i32
      %mul3A_479 = arith.muli %add3A_205, %mul3A_478 : i32
      %add3A_480 = arith.constant 3 : i32
      %add3A_481 = arith.addi %mul3A_479, %add3A_480 : i32
      %get3A_482 = arith.index_cast %add3A_481 : i32 to index
      %get3A_483 = arith.constant 48 : index
      %get3A_484 = tpu.vector_load %arg28[%get3A_482, %get3A_483] {strides = array<i32>} : memref<256x64xf32, #tpu.memory_space<vmem>>, vector<16xf32>,
      %mul3A_485 = arith.mulf %gather3A_223, %get3A_484 : vector<16xf32>
      %add3A_486 = arith.addf %add3A_477, %mul3A_485 : vector<16xf32>
      %mul3A_487 = arith.constant 8 : i32
      %mul3A_488 = arith.muli %add3A_205, %mul3A_487 : i32
      %add3A_489 = arith.constant 4 : i32
      %add3A_490 = arith.addi %mul3A_488, %add3A_489 : i32
      %get3A_491 = arith.index_cast %add3A_490 : i32 to index
      %get3A_492 = arith.constant 48 : index
      %get3A_493 = tpu.vector_load %arg28[%get3A_491, %get3A_492] {strides = array<i32>} : memref<256x64xf32, #tpu.memory_space<vmem>>, vector<16xf32>,
      %mul3A_494 = arith.mulf %gather3A_227, %get3A_493 : vector<16xf32>
      %add3A_495 = arith.addf %add3A_486, %mul3A_494 : vector<16xf32>
      %mul3A_496 = arith.constant 8 : i32
      %mul3A_497 = arith.muli %add3A_205, %mul3A_496 : i32
      %add3A_498 = arith.constant 5 : i32
      %add3A_499 = arith.addi %mul3A_497, %add3A_498 : i32
      %get3A_500 = arith.index_cast %add3A_499 : i32 to index
      %get3A_501 = arith.constant 48 : index
      %get3A_502 = tpu.vector_load %arg28[%get3A_500, %get3A_501] {strides = array<i32>} : memref<256x64xf32, #tpu.memory_space<vmem>>, vector<16xf32>,
      %mul3A_503 = arith.mulf %gather3A_231, %get3A_502 : vector<16xf32>
      %add3A_504 = arith.addf %add3A_495, %mul3A_503 : vector<16xf32>
      %mul3A_505 = arith.constant 8 : i32
      %mul3A_506 = arith.muli %add3A_205, %mul3A_505 : i32
      %add3A_507 = arith.constant 6 : i32
      %add3A_508 = arith.addi %mul3A_506, %add3A_507 : i32
      %get3A_509 = arith.index_cast %add3A_508 : i32 to index
      %get3A_510 = arith.constant 48 : index
      %get3A_511 = tpu.vector_load %arg28[%get3A_509, %get3A_510] {strides = array<i32>} : memref<256x64xf32, #tpu.memory_space<vmem>>, vector<16xf32>,
      %mul3A_512 = arith.mulf %gather3A_235, %get3A_511 : vector<16xf32>
      %add3A_513 = arith.addf %add3A_504, %mul3A_512 : vector<16xf32>
      %mul3A_514 = arith.constant 8 : i32
      %mul3A_515 = arith.muli %add3A_205, %mul3A_514 : i32
      %add3A_516 = arith.constant 7 : i32
      %add3A_517 = arith.addi %mul3A_515, %add3A_516 : i32
      %get3A_518 = arith.index_cast %add3A_517 : i32 to index
      %get3A_519 = arith.constant 48 : index
      %get3A_520 = tpu.vector_load %arg28[%get3A_518, %get3A_519] {strides = array<i32>} : memref<256x64xf32, #tpu.memory_space<vmem>>, vector<16xf32>,
      %mul3A_521 = arith.mulf %gather3A_239, %get3A_520 : vector<16xf32>
      %add3A_522 = arith.addf %add3A_513, %mul3A_521 : vector<16xf32>
      %swap3A_523 = arith.index_cast %add3A_207 : i32 to index
      %swap3A_524 = arith.constant 48 : index
      %swap3A_525 = tpu.vector_load %arg29[%swap3A_523, %swap3A_524] {strides = array<i32>} : memref<256x64xf32, #tpu.memory_space<vmem>>, vector<16xf32>,
      tpu.vector_store %arg29[%swap3A_523, %swap3A_524], %add3A_522 {strides = array<i32>} : memref<256x64xf32, #tpu.memory_space<vmem>>, vector<16xf32>,
    }
    %scan3A_173 = arith.constant 32 : i32
    %dma_start3A_174 = arith.constant 1792 : i32
    %dma_start3A_175 = tpu.memref_slice %arg23[%dma_start3A_174] : memref<2048xi32, #tpu.memory_space<vmem>> -> memref<256xi32, #tpu.memory_space<vmem>>
    %dma_start3A_176 = arith.constant 0 : i32
    %dma_start3A_177 = arith.constant 0 : i32
    %dma_start3A_178 = tpu.memref_slice %arg4[%dma_start3A_176, %dma_start3A_177] : memref<100000x64xf32, #tpu.memory_space<hbm>> -> memref<100000x64xf32, #tpu.memory_space<hbm>>
    tpu.enqueue_indirect_dma source(%dma_start3A_178 : memref<100000x64xf32, #tpu.memory_space<hbm>>) target(%arg28 : memref<256x64xf32, #tpu.memory_space<vmem>>) offsets(%dma_start3A_175 : memref<256xi32, #tpu.memory_space<vmem>>) semaphore(%arg34 : memref<!tpu.dma_semaphore, #tpu.memory_space<semaphore_mem>>)
    %dma_wait3A_179 = arith.constant 1536 : i32
    %dma_wait3A_180 = tpu.memref_slice %arg23[%dma_wait3A_179] : memref<2048xi32, #tpu.memory_space<vmem>> -> memref<256xi32, #tpu.memory_space<vmem>>
    %dma_wait3A_181 = arith.constant 0 : i32
    %dma_wait3A_182 = arith.constant 0 : i32
    %dma_wait3A_183 = tpu.memref_slice %arg4[%dma_wait3A_181, %dma_wait3A_182] : memref<100000x64xf32, #tpu.memory_space<hbm>> -> memref<100000x64xf32, #tpu.memory_space<hbm>>
    tpu.wait_indirect_dma semaphore(%arg33 : memref<!tpu.dma_semaphore, #tpu.memory_space<semaphore_mem>>) src(%dma_wait3A_183 : memref<100000x64xf32, #tpu.memory_space<hbm>>) dst(%arg27 : memref<256x64xf32, #tpu.memory_space<vmem>>)
    %scan3A_184 = arith.constant 0 : i32
    %scan3A_185 = arith.constant 32 : i32
    %scan3A_186 = arith.addi %scan3A_184, %scan3A_185 : i32
    %scan3A_187 = arith.constant 1 : i32
    scf.for %scan3A_201 = %scan3A_184 to %scan3A_186 step %scan3A_187  : i32 {
      %mul3A_202 = arith.constant 1 : i32
      %mul3A_203 = arith.muli %scan3A_201, %mul3A_202 : i32
      %add3A_204 = arith.constant 0 : i32
      %add3A_205 = arith.addi %add3A_204, %mul3A_203 : i32
      %add3A_206 = arith.constant 192 : i32
      %add3A_207 = arith.addi %add3A_206, %add3A_205 : i32
      %mul3A_208 = arith.constant 8 : i32
      %mul3A_209 = arith.muli %add3A_207, %mul3A_208 : i32
      %add3A_210 = arith.constant 0 : i32
      %add3A_211 = arith.addi %mul3A_209, %add3A_210 : i32
      %broadcast_in_dim3A = vector.broadcast %add3A_211 : i32 to vector<16xi32>
      %gather3A = tpu.vector_load_idx %arg25[%broadcast_in_dim3A] : memref<2048xf32, #tpu.memory_space<vmem>>[vector<16xi32>], vector<16xf32>,
      %add3A_212 = arith.constant 1 : i32
      %add3A_213 = arith.addi %mul3A_209, %add3A_212 : i32
      %broadcast_in_dim3A_214 = vector.broadcast %add3A_213 : i32 to vector<16xi32>
      %gather3A_215 = tpu.vector_load_idx %arg25[%broadcast_in_dim3A_214] : memref<2048xf32, #tpu.memory_space<vmem>>[vector<16xi32>], vector<16xf32>,
      %add3A_216 = arith.constant 2 : i32
      %add3A_217 = arith.addi %mul3A_209, %add3A_216 : i32
      %broadcast_in_dim3A_218 = vector.broadcast %add3A_217 : i32 to vector<16xi32>
      %gather3A_219 = tpu.vector_load_idx %arg25[%broadcast_in_dim3A_218] : memref<2048xf32, #tpu.memory_space<vmem>>[vector<16xi32>], vector<16xf32>,
      %add3A_220 = arith.constant 3 : i32
      %add3A_221 = arith.addi %mul3A_209, %add3A_220 : i32
      %broadcast_in_dim3A_222 = vector.broadcast %add3A_221 : i32 to vector<16xi32>
      %gather3A_223 = tpu.vector_load_idx %arg25[%broadcast_in_dim3A_222] : memref<2048xf32, #tpu.memory_space<vmem>>[vector<16xi32>], vector<16xf32>,
      %add3A_224 = arith.constant 4 : i32
      %add3A_225 = arith.addi %mul3A_209, %add3A_224 : i32
      %broadcast_in_dim3A_226 = vector.broadcast %add3A_225 : i32 to vector<16xi32>
      %gather3A_227 = tpu.vector_load_idx %arg25[%broadcast_in_dim3A_226] : memref<2048xf32, #tpu.memory_space<vmem>>[vector<16xi32>], vector<16xf32>,
      %add3A_228 = arith.constant 5 : i32
      %add3A_229 = arith.addi %mul3A_209, %add3A_228 : i32
      %broadcast_in_dim3A_230 = vector.broadcast %add3A_229 : i32 to vector<16xi32>
      %gather3A_231 = tpu.vector_load_idx %arg25[%broadcast_in_dim3A_230] : memref<2048xf32, #tpu.memory_space<vmem>>[vector<16xi32>], vector<16xf32>,
      %add3A_232 = arith.constant 6 : i32
      %add3A_233 = arith.addi %mul3A_209, %add3A_232 : i32
      %broadcast_in_dim3A_234 = vector.broadcast %add3A_233 : i32 to vector<16xi32>
      %gather3A_235 = tpu.vector_load_idx %arg25[%broadcast_in_dim3A_234] : memref<2048xf32, #tpu.memory_space<vmem>>[vector<16xi32>], vector<16xf32>,
      %add3A_236 = arith.constant 7 : i32
      %add3A_237 = arith.addi %mul3A_209, %add3A_236 : i32
      %broadcast_in_dim3A_238 = vector.broadcast %add3A_237 : i32 to vector<16xi32>
      %gather3A_239 = tpu.vector_load_idx %arg25[%broadcast_in_dim3A_238] : memref<2048xf32, #tpu.memory_space<vmem>>[vector<16xi32>], vector<16xf32>,
      %mul3A_240 = arith.constant 8 : i32
      %mul3A_241 = arith.muli %add3A_205, %mul3A_240 : i32
      %get3A = arith.index_cast %mul3A_241 : i32 to index
      %get3A_242 = arith.constant 0 : index
      %get3A_243 = tpu.vector_load %arg27[%get3A, %get3A_242] {strides = array<i32>} : memref<256x64xf32, #tpu.memory_space<vmem>>, vector<16xf32>,
      %mul3A_244 = arith.mulf %gather3A, %get3A_243 : vector<16xf32>
      %mul3A_245 = arith.constant 8 : i32
      %mul3A_246 = arith.muli %add3A_205, %mul3A_245 : i32
      %add3A_247 = arith.constant 1 : i32
      %add3A_248 = arith.addi %mul3A_246, %add3A_247 : i32
      %get3A_249 = arith.index_cast %add3A_248 : i32 to index
      %get3A_250 = arith.constant 0 : index
      %get3A_251 = tpu.vector_load %arg27[%get3A_249, %get3A_250] {strides = array<i32>} : memref<256x64xf32, #tpu.memory_space<vmem>>, vector<16xf32>,
      %mul3A_252 = arith.mulf %gather3A_215, %get3A_251 : vector<16xf32>
      %add3A_253 = arith.addf %mul3A_244, %mul3A_252 : vector<16xf32>
      %mul3A_254 = arith.constant 8 : i32
      %mul3A_255 = arith.muli %add3A_205, %mul3A_254 : i32
      %add3A_256 = arith.constant 2 : i32
      %add3A_257 = arith.addi %mul3A_255, %add3A_256 : i32
      %get3A_258 = arith.index_cast %add3A_257 : i32 to index
      %get3A_259 = arith.constant 0 : index
      %get3A_260 = tpu.vector_load %arg27[%get3A_258, %get3A_259] {strides = array<i32>} : memref<256x64xf32, #tpu.memory_space<vmem>>, vector<16xf32>,
      %mul3A_261 = arith.mulf %gather3A_219, %get3A_260 : vector<16xf32>
      %add3A_262 = arith.addf %add3A_253, %mul3A_261 : vector<16xf32>
      %mul3A_263 = arith.constant 8 : i32
      %mul3A_264 = arith.muli %add3A_205, %mul3A_263 : i32
      %add3A_265 = arith.constant 3 : i32
      %add3A_266 = arith.addi %mul3A_264, %add3A_265 : i32
      %get3A_267 = arith.index_cast %add3A_266 : i32 to index
      %get3A_268 = arith.constant 0 : index
      %get3A_269 = tpu.vector_load %arg27[%get3A_267, %get3A_268] {strides = array<i32>} : memref<256x64xf32, #tpu.memory_space<vmem>>, vector<16xf32>,
      %mul3A_270 = arith.mulf %gather3A_223, %get3A_269 : vector<16xf32>
      %add3A_271 = arith.addf %add3A_262, %mul3A_270 : vector<16xf32>
      %mul3A_272 = arith.constant 8 : i32
      %mul3A_273 = arith.muli %add3A_205, %mul3A_272 : i32
      %add3A_274 = arith.constant 4 : i32
      %add3A_275 = arith.addi %mul3A_273, %add3A_274 : i32
      %get3A_276 = arith.index_cast %add3A_275 : i32 to index
      %get3A_277 = arith.constant 0 : index
      %get3A_278 = tpu.vector_load %arg27[%get3A_276, %get3A_277] {strides = array<i32>} : memref<256x64xf32, #tpu.memory_space<vmem>>, vector<16xf32>,
      %mul3A_279 = arith.mulf %gather3A_227, %get3A_278 : vector<16xf32>
      %add3A_280 = arith.addf %add3A_271, %mul3A_279 : vector<16xf32>
      %mul3A_281 = arith.constant 8 : i32
      %mul3A_282 = arith.muli %add3A_205, %mul3A_281 : i32
      %add3A_283 = arith.constant 5 : i32
      %add3A_284 = arith.addi %mul3A_282, %add3A_283 : i32
      %get3A_285 = arith.index_cast %add3A_284 : i32 to index
      %get3A_286 = arith.constant 0 : index
      %get3A_287 = tpu.vector_load %arg27[%get3A_285, %get3A_286] {strides = array<i32>} : memref<256x64xf32, #tpu.memory_space<vmem>>, vector<16xf32>,
      %mul3A_288 = arith.mulf %gather3A_231, %get3A_287 : vector<16xf32>
      %add3A_289 = arith.addf %add3A_280, %mul3A_288 : vector<16xf32>
      %mul3A_290 = arith.constant 8 : i32
      %mul3A_291 = arith.muli %add3A_205, %mul3A_290 : i32
      %add3A_292 = arith.constant 6 : i32
      %add3A_293 = arith.addi %mul3A_291, %add3A_292 : i32
      %get3A_294 = arith.index_cast %add3A_293 : i32 to index
      %get3A_295 = arith.constant 0 : index
      %get3A_296 = tpu.vector_load %arg27[%get3A_294, %get3A_295] {strides = array<i32>} : memref<256x64xf32, #tpu.memory_space<vmem>>, vector<16xf32>,
      %mul3A_297 = arith.mulf %gather3A_235, %get3A_296 : vector<16xf32>
      %add3A_298 = arith.addf %add3A_289, %mul3A_297 : vector<16xf32>
      %mul3A_299 = arith.constant 8 : i32
      %mul3A_300 = arith.muli %add3A_205, %mul3A_299 : i32
      %add3A_301 = arith.constant 7 : i32
      %add3A_302 = arith.addi %mul3A_300, %add3A_301 : i32
      %get3A_303 = arith.index_cast %add3A_302 : i32 to index
      %get3A_304 = arith.constant 0 : index
      %get3A_305 = tpu.vector_load %arg27[%get3A_303, %get3A_304] {strides = array<i32>} : memref<256x64xf32, #tpu.memory_space<vmem>>, vector<16xf32>,
      %mul3A_306 = arith.mulf %gather3A_239, %get3A_305 : vector<16xf32>
      %add3A_307 = arith.addf %add3A_298, %mul3A_306 : vector<16xf32>
      %swap3A = arith.index_cast %add3A_207 : i32 to index
      %swap3A_308 = arith.constant 0 : index
      %swap3A_309 = tpu.vector_load %arg29[%swap3A, %swap3A_308] {strides = array<i32>} : memref<256x64xf32, #tpu.memory_space<vmem>>, vector<16xf32>,
      tpu.vector_store %arg29[%swap3A, %swap3A_308], %add3A_307 {strides = array<i32>} : memref<256x64xf32, #tpu.memory_space<vmem>>, vector<16xf32>,
      %mul3A_310 = arith.constant 8 : i32
      %mul3A_311 = arith.muli %add3A_205, %mul3A_310 : i32
      %get3A_312 = arith.index_cast %mul3A_311 : i32 to index
      %get3A_313 = arith.constant 16 : index
      %get3A_314 = tpu.vector_load %arg27[%get3A_312, %get3A_313] {strides = array<i32>} : memref<256x64xf32, #tpu.memory_space<vmem>>, vector<16xf32>,
      %mul3A_315 = arith.mulf %gather3A, %get3A_314 : vector<16xf32>
      %mul3A_316 = arith.constant 8 : i32
      %mul3A_317 = arith.muli %add3A_205, %mul3A_316 : i32
      %add3A_318 = arith.constant 1 : i32
      %add3A_319 = arith.addi %mul3A_317, %add3A_318 : i32
      %get3A_320 = arith.index_cast %add3A_319 : i32 to index
      %get3A_321 = arith.constant 16 : index
      %get3A_322 = tpu.vector_load %arg27[%get3A_320, %get3A_321] {strides = array<i32>} : memref<256x64xf32, #tpu.memory_space<vmem>>, vector<16xf32>,
      %mul3A_323 = arith.mulf %gather3A_215, %get3A_322 : vector<16xf32>
      %add3A_324 = arith.addf %mul3A_315, %mul3A_323 : vector<16xf32>
      %mul3A_325 = arith.constant 8 : i32
      %mul3A_326 = arith.muli %add3A_205, %mul3A_325 : i32
      %add3A_327 = arith.constant 2 : i32
      %add3A_328 = arith.addi %mul3A_326, %add3A_327 : i32
      %get3A_329 = arith.index_cast %add3A_328 : i32 to index
      %get3A_330 = arith.constant 16 : index
      %get3A_331 = tpu.vector_load %arg27[%get3A_329, %get3A_330] {strides = array<i32>} : memref<256x64xf32, #tpu.memory_space<vmem>>, vector<16xf32>,
      %mul3A_332 = arith.mulf %gather3A_219, %get3A_331 : vector<16xf32>
      %add3A_333 = arith.addf %add3A_324, %mul3A_332 : vector<16xf32>
      %mul3A_334 = arith.constant 8 : i32
      %mul3A_335 = arith.muli %add3A_205, %mul3A_334 : i32
      %add3A_336 = arith.constant 3 : i32
      %add3A_337 = arith.addi %mul3A_335, %add3A_336 : i32
      %get3A_338 = arith.index_cast %add3A_337 : i32 to index
      %get3A_339 = arith.constant 16 : index
      %get3A_340 = tpu.vector_load %arg27[%get3A_338, %get3A_339] {strides = array<i32>} : memref<256x64xf32, #tpu.memory_space<vmem>>, vector<16xf32>,
      %mul3A_341 = arith.mulf %gather3A_223, %get3A_340 : vector<16xf32>
      %add3A_342 = arith.addf %add3A_333, %mul3A_341 : vector<16xf32>
      %mul3A_343 = arith.constant 8 : i32
      %mul3A_344 = arith.muli %add3A_205, %mul3A_343 : i32
      %add3A_345 = arith.constant 4 : i32
      %add3A_346 = arith.addi %mul3A_344, %add3A_345 : i32
      %get3A_347 = arith.index_cast %add3A_346 : i32 to index
      %get3A_348 = arith.constant 16 : index
      %get3A_349 = tpu.vector_load %arg27[%get3A_347, %get3A_348] {strides = array<i32>} : memref<256x64xf32, #tpu.memory_space<vmem>>, vector<16xf32>,
      %mul3A_350 = arith.mulf %gather3A_227, %get3A_349 : vector<16xf32>
      %add3A_351 = arith.addf %add3A_342, %mul3A_350 : vector<16xf32>
      %mul3A_352 = arith.constant 8 : i32
      %mul3A_353 = arith.muli %add3A_205, %mul3A_352 : i32
      %add3A_354 = arith.constant 5 : i32
      %add3A_355 = arith.addi %mul3A_353, %add3A_354 : i32
      %get3A_356 = arith.index_cast %add3A_355 : i32 to index
      %get3A_357 = arith.constant 16 : index
      %get3A_358 = tpu.vector_load %arg27[%get3A_356, %get3A_357] {strides = array<i32>} : memref<256x64xf32, #tpu.memory_space<vmem>>, vector<16xf32>,
      %mul3A_359 = arith.mulf %gather3A_231, %get3A_358 : vector<16xf32>
      %add3A_360 = arith.addf %add3A_351, %mul3A_359 : vector<16xf32>
      %mul3A_361 = arith.constant 8 : i32
      %mul3A_362 = arith.muli %add3A_205, %mul3A_361 : i32
      %add3A_363 = arith.constant 6 : i32
      %add3A_364 = arith.addi %mul3A_362, %add3A_363 : i32
      %get3A_365 = arith.index_cast %add3A_364 : i32 to index
      %get3A_366 = arith.constant 16 : index
      %get3A_367 = tpu.vector_load %arg27[%get3A_365, %get3A_366] {strides = array<i32>} : memref<256x64xf32, #tpu.memory_space<vmem>>, vector<16xf32>,
      %mul3A_368 = arith.mulf %gather3A_235, %get3A_367 : vector<16xf32>
      %add3A_369 = arith.addf %add3A_360, %mul3A_368 : vector<16xf32>
      %mul3A_370 = arith.constant 8 : i32
      %mul3A_371 = arith.muli %add3A_205, %mul3A_370 : i32
      %add3A_372 = arith.constant 7 : i32
      %add3A_373 = arith.addi %mul3A_371, %add3A_372 : i32
      %get3A_374 = arith.index_cast %add3A_373 : i32 to index
      %get3A_375 = arith.constant 16 : index
      %get3A_376 = tpu.vector_load %arg27[%get3A_374, %get3A_375] {strides = array<i32>} : memref<256x64xf32, #tpu.memory_space<vmem>>, vector<16xf32>,
      %mul3A_377 = arith.mulf %gather3A_239, %get3A_376 : vector<16xf32>
      %add3A_378 = arith.addf %add3A_369, %mul3A_377 : vector<16xf32>
      %swap3A_379 = arith.index_cast %add3A_207 : i32 to index
      %swap3A_380 = arith.constant 16 : index
      %swap3A_381 = tpu.vector_load %arg29[%swap3A_379, %swap3A_380] {strides = array<i32>} : memref<256x64xf32, #tpu.memory_space<vmem>>, vector<16xf32>,
      tpu.vector_store %arg29[%swap3A_379, %swap3A_380], %add3A_378 {strides = array<i32>} : memref<256x64xf32, #tpu.memory_space<vmem>>, vector<16xf32>,
      %mul3A_382 = arith.constant 8 : i32
      %mul3A_383 = arith.muli %add3A_205, %mul3A_382 : i32
      %get3A_384 = arith.index_cast %mul3A_383 : i32 to index
      %get3A_385 = arith.constant 32 : index
      %get3A_386 = tpu.vector_load %arg27[%get3A_384, %get3A_385] {strides = array<i32>} : memref<256x64xf32, #tpu.memory_space<vmem>>, vector<16xf32>,
      %mul3A_387 = arith.mulf %gather3A, %get3A_386 : vector<16xf32>
      %mul3A_388 = arith.constant 8 : i32
      %mul3A_389 = arith.muli %add3A_205, %mul3A_388 : i32
      %add3A_390 = arith.constant 1 : i32
      %add3A_391 = arith.addi %mul3A_389, %add3A_390 : i32
      %get3A_392 = arith.index_cast %add3A_391 : i32 to index
      %get3A_393 = arith.constant 32 : index
      %get3A_394 = tpu.vector_load %arg27[%get3A_392, %get3A_393] {strides = array<i32>} : memref<256x64xf32, #tpu.memory_space<vmem>>, vector<16xf32>,
      %mul3A_395 = arith.mulf %gather3A_215, %get3A_394 : vector<16xf32>
      %add3A_396 = arith.addf %mul3A_387, %mul3A_395 : vector<16xf32>
      %mul3A_397 = arith.constant 8 : i32
      %mul3A_398 = arith.muli %add3A_205, %mul3A_397 : i32
      %add3A_399 = arith.constant 2 : i32
      %add3A_400 = arith.addi %mul3A_398, %add3A_399 : i32
      %get3A_401 = arith.index_cast %add3A_400 : i32 to index
      %get3A_402 = arith.constant 32 : index
      %get3A_403 = tpu.vector_load %arg27[%get3A_401, %get3A_402] {strides = array<i32>} : memref<256x64xf32, #tpu.memory_space<vmem>>, vector<16xf32>,
      %mul3A_404 = arith.mulf %gather3A_219, %get3A_403 : vector<16xf32>
      %add3A_405 = arith.addf %add3A_396, %mul3A_404 : vector<16xf32>
      %mul3A_406 = arith.constant 8 : i32
      %mul3A_407 = arith.muli %add3A_205, %mul3A_406 : i32
      %add3A_408 = arith.constant 3 : i32
      %add3A_409 = arith.addi %mul3A_407, %add3A_408 : i32
      %get3A_410 = arith.index_cast %add3A_409 : i32 to index
      %get3A_411 = arith.constant 32 : index
      %get3A_412 = tpu.vector_load %arg27[%get3A_410, %get3A_411] {strides = array<i32>} : memref<256x64xf32, #tpu.memory_space<vmem>>, vector<16xf32>,
      %mul3A_413 = arith.mulf %gather3A_223, %get3A_412 : vector<16xf32>
      %add3A_414 = arith.addf %add3A_405, %mul3A_413 : vector<16xf32>
      %mul3A_415 = arith.constant 8 : i32
      %mul3A_416 = arith.muli %add3A_205, %mul3A_415 : i32
      %add3A_417 = arith.constant 4 : i32
      %add3A_418 = arith.addi %mul3A_416, %add3A_417 : i32
      %get3A_419 = arith.index_cast %add3A_418 : i32 to index
      %get3A_420 = arith.constant 32 : index
      %get3A_421 = tpu.vector_load %arg27[%get3A_419, %get3A_420] {strides = array<i32>} : memref<256x64xf32, #tpu.memory_space<vmem>>, vector<16xf32>,
      %mul3A_422 = arith.mulf %gather3A_227, %get3A_421 : vector<16xf32>
      %add3A_423 = arith.addf %add3A_414, %mul3A_422 : vector<16xf32>
      %mul3A_424 = arith.constant 8 : i32
      %mul3A_425 = arith.muli %add3A_205, %mul3A_424 : i32
      %add3A_426 = arith.constant 5 : i32
      %add3A_427 = arith.addi %mul3A_425, %add3A_426 : i32
      %get3A_428 = arith.index_cast %add3A_427 : i32 to index
      %get3A_429 = arith.constant 32 : index
      %get3A_430 = tpu.vector_load %arg27[%get3A_428, %get3A_429] {strides = array<i32>} : memref<256x64xf32, #tpu.memory_space<vmem>>, vector<16xf32>,
      %mul3A_431 = arith.mulf %gather3A_231, %get3A_430 : vector<16xf32>
      %add3A_432 = arith.addf %add3A_423, %mul3A_431 : vector<16xf32>
      %mul3A_433 = arith.constant 8 : i32
      %mul3A_434 = arith.muli %add3A_205, %mul3A_433 : i32
      %add3A_435 = arith.constant 6 : i32
      %add3A_436 = arith.addi %mul3A_434, %add3A_435 : i32
      %get3A_437 = arith.index_cast %add3A_436 : i32 to index
      %get3A_438 = arith.constant 32 : index
      %get3A_439 = tpu.vector_load %arg27[%get3A_437, %get3A_438] {strides = array<i32>} : memref<256x64xf32, #tpu.memory_space<vmem>>, vector<16xf32>,
      %mul3A_440 = arith.mulf %gather3A_235, %get3A_439 : vector<16xf32>
      %add3A_441 = arith.addf %add3A_432, %mul3A_440 : vector<16xf32>
      %mul3A_442 = arith.constant 8 : i32
      %mul3A_443 = arith.muli %add3A_205, %mul3A_442 : i32
      %add3A_444 = arith.constant 7 : i32
      %add3A_445 = arith.addi %mul3A_443, %add3A_444 : i32
      %get3A_446 = arith.index_cast %add3A_445 : i32 to index
      %get3A_447 = arith.constant 32 : index
      %get3A_448 = tpu.vector_load %arg27[%get3A_446, %get3A_447] {strides = array<i32>} : memref<256x64xf32, #tpu.memory_space<vmem>>, vector<16xf32>,
      %mul3A_449 = arith.mulf %gather3A_239, %get3A_448 : vector<16xf32>
      %add3A_450 = arith.addf %add3A_441, %mul3A_449 : vector<16xf32>
      %swap3A_451 = arith.index_cast %add3A_207 : i32 to index
      %swap3A_452 = arith.constant 32 : index
      %swap3A_453 = tpu.vector_load %arg29[%swap3A_451, %swap3A_452] {strides = array<i32>} : memref<256x64xf32, #tpu.memory_space<vmem>>, vector<16xf32>,
      tpu.vector_store %arg29[%swap3A_451, %swap3A_452], %add3A_450 {strides = array<i32>} : memref<256x64xf32, #tpu.memory_space<vmem>>, vector<16xf32>,
      %mul3A_454 = arith.constant 8 : i32
      %mul3A_455 = arith.muli %add3A_205, %mul3A_454 : i32
      %get3A_456 = arith.index_cast %mul3A_455 : i32 to index
      %get3A_457 = arith.constant 48 : index
      %get3A_458 = tpu.vector_load %arg27[%get3A_456, %get3A_457] {strides = array<i32>} : memref<256x64xf32, #tpu.memory_space<vmem>>, vector<16xf32>,
      %mul3A_459 = arith.mulf %gather3A, %get3A_458 : vector<16xf32>
      %mul3A_460 = arith.constant 8 : i32
      %mul3A_461 = arith.muli %add3A_205, %mul3A_460 : i32
      %add3A_462 = arith.constant 1 : i32
      %add3A_463 = arith.addi %mul3A_461, %add3A_462 : i32
      %get3A_464 = arith.index_cast %add3A_463 : i32 to index
      %get3A_465 = arith.constant 48 : index
      %get3A_466 = tpu.vector_load %arg27[%get3A_464, %get3A_465] {strides = array<i32>} : memref<256x64xf32, #tpu.memory_space<vmem>>, vector<16xf32>,
      %mul3A_467 = arith.mulf %gather3A_215, %get3A_466 : vector<16xf32>
      %add3A_468 = arith.addf %mul3A_459, %mul3A_467 : vector<16xf32>
      %mul3A_469 = arith.constant 8 : i32
      %mul3A_470 = arith.muli %add3A_205, %mul3A_469 : i32
      %add3A_471 = arith.constant 2 : i32
      %add3A_472 = arith.addi %mul3A_470, %add3A_471 : i32
      %get3A_473 = arith.index_cast %add3A_472 : i32 to index
      %get3A_474 = arith.constant 48 : index
      %get3A_475 = tpu.vector_load %arg27[%get3A_473, %get3A_474] {strides = array<i32>} : memref<256x64xf32, #tpu.memory_space<vmem>>, vector<16xf32>,
      %mul3A_476 = arith.mulf %gather3A_219, %get3A_475 : vector<16xf32>
      %add3A_477 = arith.addf %add3A_468, %mul3A_476 : vector<16xf32>
      %mul3A_478 = arith.constant 8 : i32
      %mul3A_479 = arith.muli %add3A_205, %mul3A_478 : i32
      %add3A_480 = arith.constant 3 : i32
      %add3A_481 = arith.addi %mul3A_479, %add3A_480 : i32
      %get3A_482 = arith.index_cast %add3A_481 : i32 to index
      %get3A_483 = arith.constant 48 : index
      %get3A_484 = tpu.vector_load %arg27[%get3A_482, %get3A_483] {strides = array<i32>} : memref<256x64xf32, #tpu.memory_space<vmem>>, vector<16xf32>,
      %mul3A_485 = arith.mulf %gather3A_223, %get3A_484 : vector<16xf32>
      %add3A_486 = arith.addf %add3A_477, %mul3A_485 : vector<16xf32>
      %mul3A_487 = arith.constant 8 : i32
      %mul3A_488 = arith.muli %add3A_205, %mul3A_487 : i32
      %add3A_489 = arith.constant 4 : i32
      %add3A_490 = arith.addi %mul3A_488, %add3A_489 : i32
      %get3A_491 = arith.index_cast %add3A_490 : i32 to index
      %get3A_492 = arith.constant 48 : index
      %get3A_493 = tpu.vector_load %arg27[%get3A_491, %get3A_492] {strides = array<i32>} : memref<256x64xf32, #tpu.memory_space<vmem>>, vector<16xf32>,
      %mul3A_494 = arith.mulf %gather3A_227, %get3A_493 : vector<16xf32>
      %add3A_495 = arith.addf %add3A_486, %mul3A_494 : vector<16xf32>
      %mul3A_496 = arith.constant 8 : i32
      %mul3A_497 = arith.muli %add3A_205, %mul3A_496 : i32
      %add3A_498 = arith.constant 5 : i32
      %add3A_499 = arith.addi %mul3A_497, %add3A_498 : i32
      %get3A_500 = arith.index_cast %add3A_499 : i32 to index
      %get3A_501 = arith.constant 48 : index
      %get3A_502 = tpu.vector_load %arg27[%get3A_500, %get3A_501] {strides = array<i32>} : memref<256x64xf32, #tpu.memory_space<vmem>>, vector<16xf32>,
      %mul3A_503 = arith.mulf %gather3A_231, %get3A_502 : vector<16xf32>
      %add3A_504 = arith.addf %add3A_495, %mul3A_503 : vector<16xf32>
      %mul3A_505 = arith.constant 8 : i32
      %mul3A_506 = arith.muli %add3A_205, %mul3A_505 : i32
      %add3A_507 = arith.constant 6 : i32
      %add3A_508 = arith.addi %mul3A_506, %add3A_507 : i32
      %get3A_509 = arith.index_cast %add3A_508 : i32 to index
      %get3A_510 = arith.constant 48 : index
      %get3A_511 = tpu.vector_load %arg27[%get3A_509, %get3A_510] {strides = array<i32>} : memref<256x64xf32, #tpu.memory_space<vmem>>, vector<16xf32>,
      %mul3A_512 = arith.mulf %gather3A_235, %get3A_511 : vector<16xf32>
      %add3A_513 = arith.addf %add3A_504, %mul3A_512 : vector<16xf32>
      %mul3A_514 = arith.constant 8 : i32
      %mul3A_515 = arith.muli %add3A_205, %mul3A_514 : i32
      %add3A_516 = arith.constant 7 : i32
      %add3A_517 = arith.addi %mul3A_515, %add3A_516 : i32
      %get3A_518 = arith.index_cast %add3A_517 : i32 to index
      %get3A_519 = arith.constant 48 : index
      %get3A_520 = tpu.vector_load %arg27[%get3A_518, %get3A_519] {strides = array<i32>} : memref<256x64xf32, #tpu.memory_space<vmem>>, vector<16xf32>,
      %mul3A_521 = arith.mulf %gather3A_239, %get3A_520 : vector<16xf32>
      %add3A_522 = arith.addf %add3A_513, %mul3A_521 : vector<16xf32>
      %swap3A_523 = arith.index_cast %add3A_207 : i32 to index
      %swap3A_524 = arith.constant 48 : index
      %swap3A_525 = tpu.vector_load %arg29[%swap3A_523, %swap3A_524] {strides = array<i32>} : memref<256x64xf32, #tpu.memory_space<vmem>>, vector<16xf32>,
      tpu.vector_store %arg29[%swap3A_523, %swap3A_524], %add3A_522 {strides = array<i32>} : memref<256x64xf32, #tpu.memory_space<vmem>>, vector<16xf32>,
    }
    %scan3A_188 = arith.constant 32 : i32
    %dma_wait3A_189 = arith.constant 1792 : i32
    %dma_wait3A_190 = tpu.memref_slice %arg23[%dma_wait3A_189] : memref<2048xi32, #tpu.memory_space<vmem>> -> memref<256xi32, #tpu.memory_space<vmem>>
    %dma_wait3A_191 = arith.constant 0 : i32
    %dma_wait3A_192 = arith.constant 0 : i32
    %dma_wait3A_193 = tpu.memref_slice %arg4[%dma_wait3A_191, %dma_wait3A_192] : memref<100000x64xf32, #tpu.memory_space<hbm>> -> memref<100000x64xf32, #tpu.memory_space<hbm>>
    tpu.wait_indirect_dma semaphore(%arg34 : memref<!tpu.dma_semaphore, #tpu.memory_space<semaphore_mem>>) src(%dma_wait3A_193 : memref<100000x64xf32, #tpu.memory_space<hbm>>) dst(%arg28 : memref<256x64xf32, #tpu.memory_space<vmem>>)
    %scan3A_194 = arith.constant 0 : i32
    %scan3A_195 = arith.constant 32 : i32
    %scan3A_196 = arith.addi %scan3A_194, %scan3A_195 : i32
    %scan3A_197 = arith.constant 1 : i32
    scf.for %scan3A_201 = %scan3A_194 to %scan3A_196 step %scan3A_197  : i32 {
      %mul3A_202 = arith.constant 1 : i32
      %mul3A_203 = arith.muli %scan3A_201, %mul3A_202 : i32
      %add3A_204 = arith.constant 0 : i32
      %add3A_205 = arith.addi %add3A_204, %mul3A_203 : i32
      %add3A_206 = arith.constant 224 : i32
      %add3A_207 = arith.addi %add3A_206, %add3A_205 : i32
      %mul3A_208 = arith.constant 8 : i32
      %mul3A_209 = arith.muli %add3A_207, %mul3A_208 : i32
      %add3A_210 = arith.constant 0 : i32
      %add3A_211 = arith.addi %mul3A_209, %add3A_210 : i32
      %broadcast_in_dim3A = vector.broadcast %add3A_211 : i32 to vector<16xi32>
      %gather3A = tpu.vector_load_idx %arg25[%broadcast_in_dim3A] : memref<2048xf32, #tpu.memory_space<vmem>>[vector<16xi32>], vector<16xf32>,
      %add3A_212 = arith.constant 1 : i32
      %add3A_213 = arith.addi %mul3A_209, %add3A_212 : i32
      %broadcast_in_dim3A_214 = vector.broadcast %add3A_213 : i32 to vector<16xi32>
      %gather3A_215 = tpu.vector_load_idx %arg25[%broadcast_in_dim3A_214] : memref<2048xf32, #tpu.memory_space<vmem>>[vector<16xi32>], vector<16xf32>,
      %add3A_216 = arith.constant 2 : i32
      %add3A_217 = arith.addi %mul3A_209, %add3A_216 : i32
      %broadcast_in_dim3A_218 = vector.broadcast %add3A_217 : i32 to vector<16xi32>
      %gather3A_219 = tpu.vector_load_idx %arg25[%broadcast_in_dim3A_218] : memref<2048xf32, #tpu.memory_space<vmem>>[vector<16xi32>], vector<16xf32>,
      %add3A_220 = arith.constant 3 : i32
      %add3A_221 = arith.addi %mul3A_209, %add3A_220 : i32
      %broadcast_in_dim3A_222 = vector.broadcast %add3A_221 : i32 to vector<16xi32>
      %gather3A_223 = tpu.vector_load_idx %arg25[%broadcast_in_dim3A_222] : memref<2048xf32, #tpu.memory_space<vmem>>[vector<16xi32>], vector<16xf32>,
      %add3A_224 = arith.constant 4 : i32
      %add3A_225 = arith.addi %mul3A_209, %add3A_224 : i32
      %broadcast_in_dim3A_226 = vector.broadcast %add3A_225 : i32 to vector<16xi32>
      %gather3A_227 = tpu.vector_load_idx %arg25[%broadcast_in_dim3A_226] : memref<2048xf32, #tpu.memory_space<vmem>>[vector<16xi32>], vector<16xf32>,
      %add3A_228 = arith.constant 5 : i32
      %add3A_229 = arith.addi %mul3A_209, %add3A_228 : i32
      %broadcast_in_dim3A_230 = vector.broadcast %add3A_229 : i32 to vector<16xi32>
      %gather3A_231 = tpu.vector_load_idx %arg25[%broadcast_in_dim3A_230] : memref<2048xf32, #tpu.memory_space<vmem>>[vector<16xi32>], vector<16xf32>,
      %add3A_232 = arith.constant 6 : i32
      %add3A_233 = arith.addi %mul3A_209, %add3A_232 : i32
      %broadcast_in_dim3A_234 = vector.broadcast %add3A_233 : i32 to vector<16xi32>
      %gather3A_235 = tpu.vector_load_idx %arg25[%broadcast_in_dim3A_234] : memref<2048xf32, #tpu.memory_space<vmem>>[vector<16xi32>], vector<16xf32>,
      %add3A_236 = arith.constant 7 : i32
      %add3A_237 = arith.addi %mul3A_209, %add3A_236 : i32
      %broadcast_in_dim3A_238 = vector.broadcast %add3A_237 : i32 to vector<16xi32>
      %gather3A_239 = tpu.vector_load_idx %arg25[%broadcast_in_dim3A_238] : memref<2048xf32, #tpu.memory_space<vmem>>[vector<16xi32>], vector<16xf32>,
      %mul3A_240 = arith.constant 8 : i32
      %mul3A_241 = arith.muli %add3A_205, %mul3A_240 : i32
      %get3A = arith.index_cast %mul3A_241 : i32 to index
      %get3A_242 = arith.constant 0 : index
      %get3A_243 = tpu.vector_load %arg28[%get3A, %get3A_242] {strides = array<i32>} : memref<256x64xf32, #tpu.memory_space<vmem>>, vector<16xf32>,
      %mul3A_244 = arith.mulf %gather3A, %get3A_243 : vector<16xf32>
      %mul3A_245 = arith.constant 8 : i32
      %mul3A_246 = arith.muli %add3A_205, %mul3A_245 : i32
      %add3A_247 = arith.constant 1 : i32
      %add3A_248 = arith.addi %mul3A_246, %add3A_247 : i32
      %get3A_249 = arith.index_cast %add3A_248 : i32 to index
      %get3A_250 = arith.constant 0 : index
      %get3A_251 = tpu.vector_load %arg28[%get3A_249, %get3A_250] {strides = array<i32>} : memref<256x64xf32, #tpu.memory_space<vmem>>, vector<16xf32>,
      %mul3A_252 = arith.mulf %gather3A_215, %get3A_251 : vector<16xf32>
      %add3A_253 = arith.addf %mul3A_244, %mul3A_252 : vector<16xf32>
      %mul3A_254 = arith.constant 8 : i32
      %mul3A_255 = arith.muli %add3A_205, %mul3A_254 : i32
      %add3A_256 = arith.constant 2 : i32
      %add3A_257 = arith.addi %mul3A_255, %add3A_256 : i32
      %get3A_258 = arith.index_cast %add3A_257 : i32 to index
      %get3A_259 = arith.constant 0 : index
      %get3A_260 = tpu.vector_load %arg28[%get3A_258, %get3A_259] {strides = array<i32>} : memref<256x64xf32, #tpu.memory_space<vmem>>, vector<16xf32>,
      %mul3A_261 = arith.mulf %gather3A_219, %get3A_260 : vector<16xf32>
      %add3A_262 = arith.addf %add3A_253, %mul3A_261 : vector<16xf32>
      %mul3A_263 = arith.constant 8 : i32
      %mul3A_264 = arith.muli %add3A_205, %mul3A_263 : i32
      %add3A_265 = arith.constant 3 : i32
      %add3A_266 = arith.addi %mul3A_264, %add3A_265 : i32
      %get3A_267 = arith.index_cast %add3A_266 : i32 to index
      %get3A_268 = arith.constant 0 : index
      %get3A_269 = tpu.vector_load %arg28[%get3A_267, %get3A_268] {strides = array<i32>} : memref<256x64xf32, #tpu.memory_space<vmem>>, vector<16xf32>,
      %mul3A_270 = arith.mulf %gather3A_223, %get3A_269 : vector<16xf32>
      %add3A_271 = arith.addf %add3A_262, %mul3A_270 : vector<16xf32>
      %mul3A_272 = arith.constant 8 : i32
      %mul3A_273 = arith.muli %add3A_205, %mul3A_272 : i32
      %add3A_274 = arith.constant 4 : i32
      %add3A_275 = arith.addi %mul3A_273, %add3A_274 : i32
      %get3A_276 = arith.index_cast %add3A_275 : i32 to index
      %get3A_277 = arith.constant 0 : index
      %get3A_278 = tpu.vector_load %arg28[%get3A_276, %get3A_277] {strides = array<i32>} : memref<256x64xf32, #tpu.memory_space<vmem>>, vector<16xf32>,
      %mul3A_279 = arith.mulf %gather3A_227, %get3A_278 : vector<16xf32>
      %add3A_280 = arith.addf %add3A_271, %mul3A_279 : vector<16xf32>
      %mul3A_281 = arith.constant 8 : i32
      %mul3A_282 = arith.muli %add3A_205, %mul3A_281 : i32
      %add3A_283 = arith.constant 5 : i32
      %add3A_284 = arith.addi %mul3A_282, %add3A_283 : i32
      %get3A_285 = arith.index_cast %add3A_284 : i32 to index
      %get3A_286 = arith.constant 0 : index
      %get3A_287 = tpu.vector_load %arg28[%get3A_285, %get3A_286] {strides = array<i32>} : memref<256x64xf32, #tpu.memory_space<vmem>>, vector<16xf32>,
      %mul3A_288 = arith.mulf %gather3A_231, %get3A_287 : vector<16xf32>
      %add3A_289 = arith.addf %add3A_280, %mul3A_288 : vector<16xf32>
      %mul3A_290 = arith.constant 8 : i32
      %mul3A_291 = arith.muli %add3A_205, %mul3A_290 : i32
      %add3A_292 = arith.constant 6 : i32
      %add3A_293 = arith.addi %mul3A_291, %add3A_292 : i32
      %get3A_294 = arith.index_cast %add3A_293 : i32 to index
      %get3A_295 = arith.constant 0 : index
      %get3A_296 = tpu.vector_load %arg28[%get3A_294, %get3A_295] {strides = array<i32>} : memref<256x64xf32, #tpu.memory_space<vmem>>, vector<16xf32>,
      %mul3A_297 = arith.mulf %gather3A_235, %get3A_296 : vector<16xf32>
      %add3A_298 = arith.addf %add3A_289, %mul3A_297 : vector<16xf32>
      %mul3A_299 = arith.constant 8 : i32
      %mul3A_300 = arith.muli %add3A_205, %mul3A_299 : i32
      %add3A_301 = arith.constant 7 : i32
      %add3A_302 = arith.addi %mul3A_300, %add3A_301 : i32
      %get3A_303 = arith.index_cast %add3A_302 : i32 to index
      %get3A_304 = arith.constant 0 : index
      %get3A_305 = tpu.vector_load %arg28[%get3A_303, %get3A_304] {strides = array<i32>} : memref<256x64xf32, #tpu.memory_space<vmem>>, vector<16xf32>,
      %mul3A_306 = arith.mulf %gather3A_239, %get3A_305 : vector<16xf32>
      %add3A_307 = arith.addf %add3A_298, %mul3A_306 : vector<16xf32>
      %swap3A = arith.index_cast %add3A_207 : i32 to index
      %swap3A_308 = arith.constant 0 : index
      %swap3A_309 = tpu.vector_load %arg29[%swap3A, %swap3A_308] {strides = array<i32>} : memref<256x64xf32, #tpu.memory_space<vmem>>, vector<16xf32>,
      tpu.vector_store %arg29[%swap3A, %swap3A_308], %add3A_307 {strides = array<i32>} : memref<256x64xf32, #tpu.memory_space<vmem>>, vector<16xf32>,
      %mul3A_310 = arith.constant 8 : i32
      %mul3A_311 = arith.muli %add3A_205, %mul3A_310 : i32
      %get3A_312 = arith.index_cast %mul3A_311 : i32 to index
      %get3A_313 = arith.constant 16 : index
      %get3A_314 = tpu.vector_load %arg28[%get3A_312, %get3A_313] {strides = array<i32>} : memref<256x64xf32, #tpu.memory_space<vmem>>, vector<16xf32>,
      %mul3A_315 = arith.mulf %gather3A, %get3A_314 : vector<16xf32>
      %mul3A_316 = arith.constant 8 : i32
      %mul3A_317 = arith.muli %add3A_205, %mul3A_316 : i32
      %add3A_318 = arith.constant 1 : i32
      %add3A_319 = arith.addi %mul3A_317, %add3A_318 : i32
      %get3A_320 = arith.index_cast %add3A_319 : i32 to index
      %get3A_321 = arith.constant 16 : index
      %get3A_322 = tpu.vector_load %arg28[%get3A_320, %get3A_321] {strides = array<i32>} : memref<256x64xf32, #tpu.memory_space<vmem>>, vector<16xf32>,
      %mul3A_323 = arith.mulf %gather3A_215, %get3A_322 : vector<16xf32>
      %add3A_324 = arith.addf %mul3A_315, %mul3A_323 : vector<16xf32>
      %mul3A_325 = arith.constant 8 : i32
      %mul3A_326 = arith.muli %add3A_205, %mul3A_325 : i32
      %add3A_327 = arith.constant 2 : i32
      %add3A_328 = arith.addi %mul3A_326, %add3A_327 : i32
      %get3A_329 = arith.index_cast %add3A_328 : i32 to index
      %get3A_330 = arith.constant 16 : index
      %get3A_331 = tpu.vector_load %arg28[%get3A_329, %get3A_330] {strides = array<i32>} : memref<256x64xf32, #tpu.memory_space<vmem>>, vector<16xf32>,
      %mul3A_332 = arith.mulf %gather3A_219, %get3A_331 : vector<16xf32>
      %add3A_333 = arith.addf %add3A_324, %mul3A_332 : vector<16xf32>
      %mul3A_334 = arith.constant 8 : i32
      %mul3A_335 = arith.muli %add3A_205, %mul3A_334 : i32
      %add3A_336 = arith.constant 3 : i32
      %add3A_337 = arith.addi %mul3A_335, %add3A_336 : i32
      %get3A_338 = arith.index_cast %add3A_337 : i32 to index
      %get3A_339 = arith.constant 16 : index
      %get3A_340 = tpu.vector_load %arg28[%get3A_338, %get3A_339] {strides = array<i32>} : memref<256x64xf32, #tpu.memory_space<vmem>>, vector<16xf32>,
      %mul3A_341 = arith.mulf %gather3A_223, %get3A_340 : vector<16xf32>
      %add3A_342 = arith.addf %add3A_333, %mul3A_341 : vector<16xf32>
      %mul3A_343 = arith.constant 8 : i32
      %mul3A_344 = arith.muli %add3A_205, %mul3A_343 : i32
      %add3A_345 = arith.constant 4 : i32
      %add3A_346 = arith.addi %mul3A_344, %add3A_345 : i32
      %get3A_347 = arith.index_cast %add3A_346 : i32 to index
      %get3A_348 = arith.constant 16 : index
      %get3A_349 = tpu.vector_load %arg28[%get3A_347, %get3A_348] {strides = array<i32>} : memref<256x64xf32, #tpu.memory_space<vmem>>, vector<16xf32>,
      %mul3A_350 = arith.mulf %gather3A_227, %get3A_349 : vector<16xf32>
      %add3A_351 = arith.addf %add3A_342, %mul3A_350 : vector<16xf32>
      %mul3A_352 = arith.constant 8 : i32
      %mul3A_353 = arith.muli %add3A_205, %mul3A_352 : i32
      %add3A_354 = arith.constant 5 : i32
      %add3A_355 = arith.addi %mul3A_353, %add3A_354 : i32
      %get3A_356 = arith.index_cast %add3A_355 : i32 to index
      %get3A_357 = arith.constant 16 : index
      %get3A_358 = tpu.vector_load %arg28[%get3A_356, %get3A_357] {strides = array<i32>} : memref<256x64xf32, #tpu.memory_space<vmem>>, vector<16xf32>,
      %mul3A_359 = arith.mulf %gather3A_231, %get3A_358 : vector<16xf32>
      %add3A_360 = arith.addf %add3A_351, %mul3A_359 : vector<16xf32>
      %mul3A_361 = arith.constant 8 : i32
      %mul3A_362 = arith.muli %add3A_205, %mul3A_361 : i32
      %add3A_363 = arith.constant 6 : i32
      %add3A_364 = arith.addi %mul3A_362, %add3A_363 : i32
      %get3A_365 = arith.index_cast %add3A_364 : i32 to index
      %get3A_366 = arith.constant 16 : index
      %get3A_367 = tpu.vector_load %arg28[%get3A_365, %get3A_366] {strides = array<i32>} : memref<256x64xf32, #tpu.memory_space<vmem>>, vector<16xf32>,
      %mul3A_368 = arith.mulf %gather3A_235, %get3A_367 : vector<16xf32>
      %add3A_369 = arith.addf %add3A_360, %mul3A_368 : vector<16xf32>
      %mul3A_370 = arith.constant 8 : i32
      %mul3A_371 = arith.muli %add3A_205, %mul3A_370 : i32
      %add3A_372 = arith.constant 7 : i32
      %add3A_373 = arith.addi %mul3A_371, %add3A_372 : i32
      %get3A_374 = arith.index_cast %add3A_373 : i32 to index
      %get3A_375 = arith.constant 16 : index
      %get3A_376 = tpu.vector_load %arg28[%get3A_374, %get3A_375] {strides = array<i32>} : memref<256x64xf32, #tpu.memory_space<vmem>>, vector<16xf32>,
      %mul3A_377 = arith.mulf %gather3A_239, %get3A_376 : vector<16xf32>
      %add3A_378 = arith.addf %add3A_369, %mul3A_377 : vector<16xf32>
      %swap3A_379 = arith.index_cast %add3A_207 : i32 to index
      %swap3A_380 = arith.constant 16 : index
      %swap3A_381 = tpu.vector_load %arg29[%swap3A_379, %swap3A_380] {strides = array<i32>} : memref<256x64xf32, #tpu.memory_space<vmem>>, vector<16xf32>,
      tpu.vector_store %arg29[%swap3A_379, %swap3A_380], %add3A_378 {strides = array<i32>} : memref<256x64xf32, #tpu.memory_space<vmem>>, vector<16xf32>,
      %mul3A_382 = arith.constant 8 : i32
      %mul3A_383 = arith.muli %add3A_205, %mul3A_382 : i32
      %get3A_384 = arith.index_cast %mul3A_383 : i32 to index
      %get3A_385 = arith.constant 32 : index
      %get3A_386 = tpu.vector_load %arg28[%get3A_384, %get3A_385] {strides = array<i32>} : memref<256x64xf32, #tpu.memory_space<vmem>>, vector<16xf32>,
      %mul3A_387 = arith.mulf %gather3A, %get3A_386 : vector<16xf32>
      %mul3A_388 = arith.constant 8 : i32
      %mul3A_389 = arith.muli %add3A_205, %mul3A_388 : i32
      %add3A_390 = arith.constant 1 : i32
      %add3A_391 = arith.addi %mul3A_389, %add3A_390 : i32
      %get3A_392 = arith.index_cast %add3A_391 : i32 to index
      %get3A_393 = arith.constant 32 : index
      %get3A_394 = tpu.vector_load %arg28[%get3A_392, %get3A_393] {strides = array<i32>} : memref<256x64xf32, #tpu.memory_space<vmem>>, vector<16xf32>,
      %mul3A_395 = arith.mulf %gather3A_215, %get3A_394 : vector<16xf32>
      %add3A_396 = arith.addf %mul3A_387, %mul3A_395 : vector<16xf32>
      %mul3A_397 = arith.constant 8 : i32
      %mul3A_398 = arith.muli %add3A_205, %mul3A_397 : i32
      %add3A_399 = arith.constant 2 : i32
      %add3A_400 = arith.addi %mul3A_398, %add3A_399 : i32
      %get3A_401 = arith.index_cast %add3A_400 : i32 to index
      %get3A_402 = arith.constant 32 : index
      %get3A_403 = tpu.vector_load %arg28[%get3A_401, %get3A_402] {strides = array<i32>} : memref<256x64xf32, #tpu.memory_space<vmem>>, vector<16xf32>,
      %mul3A_404 = arith.mulf %gather3A_219, %get3A_403 : vector<16xf32>
      %add3A_405 = arith.addf %add3A_396, %mul3A_404 : vector<16xf32>
      %mul3A_406 = arith.constant 8 : i32
      %mul3A_407 = arith.muli %add3A_205, %mul3A_406 : i32
      %add3A_408 = arith.constant 3 : i32
      %add3A_409 = arith.addi %mul3A_407, %add3A_408 : i32
      %get3A_410 = arith.index_cast %add3A_409 : i32 to index
      %get3A_411 = arith.constant 32 : index
      %get3A_412 = tpu.vector_load %arg28[%get3A_410, %get3A_411] {strides = array<i32>} : memref<256x64xf32, #tpu.memory_space<vmem>>, vector<16xf32>,
      %mul3A_413 = arith.mulf %gather3A_223, %get3A_412 : vector<16xf32>
      %add3A_414 = arith.addf %add3A_405, %mul3A_413 : vector<16xf32>
      %mul3A_415 = arith.constant 8 : i32
      %mul3A_416 = arith.muli %add3A_205, %mul3A_415 : i32
      %add3A_417 = arith.constant 4 : i32
      %add3A_418 = arith.addi %mul3A_416, %add3A_417 : i32
      %get3A_419 = arith.index_cast %add3A_418 : i32 to index
      %get3A_420 = arith.constant 32 : index
      %get3A_421 = tpu.vector_load %arg28[%get3A_419, %get3A_420] {strides = array<i32>} : memref<256x64xf32, #tpu.memory_space<vmem>>, vector<16xf32>,
      %mul3A_422 = arith.mulf %gather3A_227, %get3A_421 : vector<16xf32>
      %add3A_423 = arith.addf %add3A_414, %mul3A_422 : vector<16xf32>
      %mul3A_424 = arith.constant 8 : i32
      %mul3A_425 = arith.muli %add3A_205, %mul3A_424 : i32
      %add3A_426 = arith.constant 5 : i32
      %add3A_427 = arith.addi %mul3A_425, %add3A_426 : i32
      %get3A_428 = arith.index_cast %add3A_427 : i32 to index
      %get3A_429 = arith.constant 32 : index
      %get3A_430 = tpu.vector_load %arg28[%get3A_428, %get3A_429] {strides = array<i32>} : memref<256x64xf32, #tpu.memory_space<vmem>>, vector<16xf32>,
      %mul3A_431 = arith.mulf %gather3A_231, %get3A_430 : vector<16xf32>
      %add3A_432 = arith.addf %add3A_423, %mul3A_431 : vector<16xf32>
      %mul3A_433 = arith.constant 8 : i32
      %mul3A_434 = arith.muli %add3A_205, %mul3A_433 : i32
      %add3A_435 = arith.constant 6 : i32
      %add3A_436 = arith.addi %mul3A_434, %add3A_435 : i32
      %get3A_437 = arith.index_cast %add3A_436 : i32 to index
      %get3A_438 = arith.constant 32 : index
      %get3A_439 = tpu.vector_load %arg28[%get3A_437, %get3A_438] {strides = array<i32>} : memref<256x64xf32, #tpu.memory_space<vmem>>, vector<16xf32>,
      %mul3A_440 = arith.mulf %gather3A_235, %get3A_439 : vector<16xf32>
      %add3A_441 = arith.addf %add3A_432, %mul3A_440 : vector<16xf32>
      %mul3A_442 = arith.constant 8 : i32
      %mul3A_443 = arith.muli %add3A_205, %mul3A_442 : i32
      %add3A_444 = arith.constant 7 : i32
      %add3A_445 = arith.addi %mul3A_443, %add3A_444 : i32
      %get3A_446 = arith.index_cast %add3A_445 : i32 to index
      %get3A_447 = arith.constant 32 : index
      %get3A_448 = tpu.vector_load %arg28[%get3A_446, %get3A_447] {strides = array<i32>} : memref<256x64xf32, #tpu.memory_space<vmem>>, vector<16xf32>,
      %mul3A_449 = arith.mulf %gather3A_239, %get3A_448 : vector<16xf32>
      %add3A_450 = arith.addf %add3A_441, %mul3A_449 : vector<16xf32>
      %swap3A_451 = arith.index_cast %add3A_207 : i32 to index
      %swap3A_452 = arith.constant 32 : index
      %swap3A_453 = tpu.vector_load %arg29[%swap3A_451, %swap3A_452] {strides = array<i32>} : memref<256x64xf32, #tpu.memory_space<vmem>>, vector<16xf32>,
      tpu.vector_store %arg29[%swap3A_451, %swap3A_452], %add3A_450 {strides = array<i32>} : memref<256x64xf32, #tpu.memory_space<vmem>>, vector<16xf32>,
      %mul3A_454 = arith.constant 8 : i32
      %mul3A_455 = arith.muli %add3A_205, %mul3A_454 : i32
      %get3A_456 = arith.index_cast %mul3A_455 : i32 to index
      %get3A_457 = arith.constant 48 : index
      %get3A_458 = tpu.vector_load %arg28[%get3A_456, %get3A_457] {strides = array<i32>} : memref<256x64xf32, #tpu.memory_space<vmem>>, vector<16xf32>,
      %mul3A_459 = arith.mulf %gather3A, %get3A_458 : vector<16xf32>
      %mul3A_460 = arith.constant 8 : i32
      %mul3A_461 = arith.muli %add3A_205, %mul3A_460 : i32
      %add3A_462 = arith.constant 1 : i32
      %add3A_463 = arith.addi %mul3A_461, %add3A_462 : i32
      %get3A_464 = arith.index_cast %add3A_463 : i32 to index
      %get3A_465 = arith.constant 48 : index
      %get3A_466 = tpu.vector_load %arg28[%get3A_464, %get3A_465] {strides = array<i32>} : memref<256x64xf32, #tpu.memory_space<vmem>>, vector<16xf32>,
      %mul3A_467 = arith.mulf %gather3A_215, %get3A_466 : vector<16xf32>
      %add3A_468 = arith.addf %mul3A_459, %mul3A_467 : vector<16xf32>
      %mul3A_469 = arith.constant 8 : i32
      %mul3A_470 = arith.muli %add3A_205, %mul3A_469 : i32
      %add3A_471 = arith.constant 2 : i32
      %add3A_472 = arith.addi %mul3A_470, %add3A_471 : i32
      %get3A_473 = arith.index_cast %add3A_472 : i32 to index
      %get3A_474 = arith.constant 48 : index
      %get3A_475 = tpu.vector_load %arg28[%get3A_473, %get3A_474] {strides = array<i32>} : memref<256x64xf32, #tpu.memory_space<vmem>>, vector<16xf32>,
      %mul3A_476 = arith.mulf %gather3A_219, %get3A_475 : vector<16xf32>
      %add3A_477 = arith.addf %add3A_468, %mul3A_476 : vector<16xf32>
      %mul3A_478 = arith.constant 8 : i32
      %mul3A_479 = arith.muli %add3A_205, %mul3A_478 : i32
      %add3A_480 = arith.constant 3 : i32
      %add3A_481 = arith.addi %mul3A_479, %add3A_480 : i32
      %get3A_482 = arith.index_cast %add3A_481 : i32 to index
      %get3A_483 = arith.constant 48 : index
      %get3A_484 = tpu.vector_load %arg28[%get3A_482, %get3A_483] {strides = array<i32>} : memref<256x64xf32, #tpu.memory_space<vmem>>, vector<16xf32>,
      %mul3A_485 = arith.mulf %gather3A_223, %get3A_484 : vector<16xf32>
      %add3A_486 = arith.addf %add3A_477, %mul3A_485 : vector<16xf32>
      %mul3A_487 = arith.constant 8 : i32
      %mul3A_488 = arith.muli %add3A_205, %mul3A_487 : i32
      %add3A_489 = arith.constant 4 : i32
      %add3A_490 = arith.addi %mul3A_488, %add3A_489 : i32
      %get3A_491 = arith.index_cast %add3A_490 : i32 to index
      %get3A_492 = arith.constant 48 : index
      %get3A_493 = tpu.vector_load %arg28[%get3A_491, %get3A_492] {strides = array<i32>} : memref<256x64xf32, #tpu.memory_space<vmem>>, vector<16xf32>,
      %mul3A_494 = arith.mulf %gather3A_227, %get3A_493 : vector<16xf32>
      %add3A_495 = arith.addf %add3A_486, %mul3A_494 : vector<16xf32>
      %mul3A_496 = arith.constant 8 : i32
      %mul3A_497 = arith.muli %add3A_205, %mul3A_496 : i32
      %add3A_498 = arith.constant 5 : i32
      %add3A_499 = arith.addi %mul3A_497, %add3A_498 : i32
      %get3A_500 = arith.index_cast %add3A_499 : i32 to index
      %get3A_501 = arith.constant 48 : index
      %get3A_502 = tpu.vector_load %arg28[%get3A_500, %get3A_501] {strides = array<i32>} : memref<256x64xf32, #tpu.memory_space<vmem>>, vector<16xf32>,
      %mul3A_503 = arith.mulf %gather3A_231, %get3A_502 : vector<16xf32>
      %add3A_504 = arith.addf %add3A_495, %mul3A_503 : vector<16xf32>
      %mul3A_505 = arith.constant 8 : i32
      %mul3A_506 = arith.muli %add3A_205, %mul3A_505 : i32
      %add3A_507 = arith.constant 6 : i32
      %add3A_508 = arith.addi %mul3A_506, %add3A_507 : i32
      %get3A_509 = arith.index_cast %add3A_508 : i32 to index
      %get3A_510 = arith.constant 48 : index
      %get3A_511 = tpu.vector_load %arg28[%get3A_509, %get3A_510] {strides = array<i32>} : memref<256x64xf32, #tpu.memory_space<vmem>>, vector<16xf32>,
      %mul3A_512 = arith.mulf %gather3A_235, %get3A_511 : vector<16xf32>
      %add3A_513 = arith.addf %add3A_504, %mul3A_512 : vector<16xf32>
      %mul3A_514 = arith.constant 8 : i32
      %mul3A_515 = arith.muli %add3A_205, %mul3A_514 : i32
      %add3A_516 = arith.constant 7 : i32
      %add3A_517 = arith.addi %mul3A_515, %add3A_516 : i32
      %get3A_518 = arith.index_cast %add3A_517 : i32 to index
      %get3A_519 = arith.constant 48 : index
      %get3A_520 = tpu.vector_load %arg28[%get3A_518, %get3A_519] {strides = array<i32>} : memref<256x64xf32, #tpu.memory_space<vmem>>, vector<16xf32>,
      %mul3A_521 = arith.mulf %gather3A_239, %get3A_520 : vector<16xf32>
      %add3A_522 = arith.addf %add3A_513, %mul3A_521 : vector<16xf32>
      %swap3A_523 = arith.index_cast %add3A_207 : i32 to index
      %swap3A_524 = arith.constant 48 : index
      %swap3A_525 = tpu.vector_load %arg29[%swap3A_523, %swap3A_524] {strides = array<i32>} : memref<256x64xf32, #tpu.memory_space<vmem>>, vector<16xf32>,
      tpu.vector_store %arg29[%swap3A_523, %swap3A_524], %add3A_522 {strides = array<i32>} : memref<256x64xf32, #tpu.memory_space<vmem>>, vector<16xf32>,
    }
    %scan3A_198 = arith.constant 32 : i32
    %mul3A_199 = arith.constant 8 : i32
    %mul3A_200 = arith.muli %mul3A_2, %mul3A_199 : i32
    "tpu.region"() ({
      %run_scoped3A = tpu.sem_alloc : memref<!tpu.dma_semaphore, #tpu.memory_space<semaphore_mem>>
      %dma_start3A_201 = arith.constant 0 : i32
      %dma_start3A_202 = tpu.memref_slice %arg12[%mul3A_200, %dma_start3A_201] : memref<8192x64xf32, #tpu.memory_space<hbm>> -> memref<256x64xf32, #tpu.memory_space<hbm>>
      %dma_start3A_203 = arith.constant 0 : i32
      %dma_start3A_204 = tpu.memref_slice %arg12[%mul3A_200, %dma_start3A_203] : memref<8192x64xf32, #tpu.memory_space<hbm>> -> memref<256x64xf32, #tpu.memory_space<hbm>>
      tpu.enqueue_dma source(%arg29 : memref<256x64xf32, #tpu.memory_space<vmem>>) target(%dma_start3A_204 : memref<256x64xf32, #tpu.memory_space<hbm>>) target_semaphore(%run_scoped3A : memref<!tpu.dma_semaphore, #tpu.memory_space<semaphore_mem>>)
      %dma_wait3A_205 = arith.constant 0 : i32
      %dma_wait3A_206 = tpu.memref_slice %arg12[%mul3A_200, %dma_wait3A_205] : memref<8192x64xf32, #tpu.memory_space<hbm>> -> memref<256x64xf32, #tpu.memory_space<hbm>>
      %dma_wait3A_207 = arith.constant 0 : i32
      %dma_wait3A_208 = tpu.memref_slice %arg12[%mul3A_200, %dma_wait3A_207] : memref<8192x64xf32, #tpu.memory_space<hbm>> -> memref<256x64xf32, #tpu.memory_space<hbm>>
      tpu.wait_dma2 semaphore(%run_scoped3A : memref<!tpu.dma_semaphore, #tpu.memory_space<semaphore_mem>>) src(%arg29 : memref<256x64xf32, #tpu.memory_space<vmem>>) dst(%dma_wait3A_208 : memref<256x64xf32, #tpu.memory_space<hbm>>)
      tpu.yield
    }) : () -> ()
    return
  }
}

module attributes {stable_mosaic.version = 14 : i64} {
  func.func @body(%arg0: i32, %arg1: memref<256x64xf32, #tpu.memory_space<vmem>>, %arg2: memref<256x64xf32, #tpu.memory_space<vmem>>, %arg3: memref<2048x64xf32, #tpu.memory_space<vmem>>, %arg4: memref<256x8xf32, #tpu.memory_space<vmem>>, %arg5: memref<2048x1xf32, #tpu.memory_space<vmem>>, %arg6: memref<2048x64xf32, #tpu.memory_space<vmem>>, %arg7: memref<2048x8xf32, #tpu.memory_space<vmem>>, %arg8: memref<128x64xf32, #tpu.memory_space<vmem>>, %arg9: memref<1x64xf32, #tpu.memory_space<vmem>>, %arg10: memref<128x32xf32, #tpu.memory_space<vmem>>, %arg11: memref<1x32xf32, #tpu.memory_space<vmem>>, %arg12: memref<32x2xf32, #tpu.memory_space<vmem>>, %arg13: memref<1x2xf32, #tpu.memory_space<vmem>>, %arg14: memref<256x2xf32, #tpu.memory_space<vmem>>) attributes {dimension_semantics = [#tpu.dimension_semantics<arbitrary>], iteration_bounds = array<i64: 4>, scalar_prefetch = 0 : i64, scratch_operands = 0 : i64, tpu.core_type = #tpu.core_type<tc>, window_params = [{transform_indices = @transform_0, window_bounds = array<i64: 256, 64>}, {transform_indices = @transform_1, window_bounds = array<i64: 256, 64>}, {transform_indices = @transform_2, window_bounds = array<i64: 2048, 64>}, {transform_indices = @transform_3, window_bounds = array<i64: 256, 8>}, {transform_indices = @transform_4, window_bounds = array<i64: 2048, 1>}, {transform_indices = @transform_5, window_bounds = array<i64: 2048, 64>}, {transform_indices = @transform_6, window_bounds = array<i64: 2048, 8>}, {pipeline_mode = #tpu.pipeline_mode<synchronous>, transform_indices = @transform_7, window_bounds = array<i64: 128, 64>}, {pipeline_mode = #tpu.pipeline_mode<synchronous>, transform_indices = @transform_8, window_bounds = array<i64: 1, 64>}, {pipeline_mode = #tpu.pipeline_mode<synchronous>, transform_indices = @transform_9, window_bounds = array<i64: 128, 32>}, {pipeline_mode = #tpu.pipeline_mode<synchronous>, transform_indices = @transform_10, window_bounds = array<i64: 1, 32>}, {pipeline_mode = #tpu.pipeline_mode<synchronous>, transform_indices = @transform_11, window_bounds = array<i64: 32, 2>}, {pipeline_mode = #tpu.pipeline_mode<synchronous>, transform_indices = @transform_12, window_bounds = array<i64: 1, 2>}, {transform_indices = @transform_13, window_bounds = array<i64: 256, 2>}]} {
    %get3A = arith.constant 0 : index
    %get3A_0 = arith.constant 0 : index
    %get3A_1 = vector.load %arg8[%get3A, %get3A_0] : memref<128x64xf32, #tpu.memory_space<vmem>>, vector<64x64xf32>
    %get3A_2 = arith.constant 64 : index
    %get3A_3 = arith.constant 0 : index
    %get3A_4 = vector.load %arg8[%get3A_2, %get3A_3] : memref<128x64xf32, #tpu.memory_space<vmem>>, vector<64x64xf32>
    %get3A_5 = arith.constant 0 : index
    %get3A_6 = arith.constant 0 : index
    %get3A_7 = vector.load %arg9[%get3A_5, %get3A_6] : memref<1x64xf32, #tpu.memory_space<vmem>>, vector<1x64xf32>
    %get3A_8 = vector.shape_cast %get3A_7 : vector<1x64xf32> to vector<64xf32>
    %get3A_9 = arith.constant 0 : index
    %get3A_10 = arith.constant 0 : index
    %get3A_11 = vector.load %arg7[%get3A_9, %get3A_10] : memref<2048x8xf32, #tpu.memory_space<vmem>>, vector<2048x8xf32>
    %reduce_sum3A = arith.constant dense<0.000000e+00> : vector<2048xf32>
    %reduce_sum3A_12 = vector.multi_reduction <add>, %get3A_11, %reduce_sum3A [1] : vector<2048x8xf32> to vector<2048xf32>
    %broadcast_in_dim3A = vector.shape_cast %reduce_sum3A_12 : vector<2048xf32> to vector<2048x1xf32>
    %get3A_13 = arith.constant 0 : index
    %get3A_14 = arith.constant 0 : index
    %get3A_15 = vector.load %arg6[%get3A_13, %get3A_14] : memref<2048x64xf32, #tpu.memory_space<vmem>>, vector<2048x64xf32>
    %mul3A = arith.constant 8.000000e+00 : f32
    %mul3A_16 = vector.broadcast %mul3A : f32 to vector<2048x1xf32>
    %mul3A_17 = arith.mulf %mul3A_16, %broadcast_in_dim3A : vector<2048x1xf32>
    %div3A = vector.broadcast %mul3A_17 : vector<2048x1xf32> to vector<2048x64xf32>
    %div3A_18 = arith.divf %get3A_15, %div3A : vector<2048x64xf32>
    %get3A_19 = arith.constant 0 : index
    %get3A_20 = arith.constant 0 : index
    %get3A_21 = vector.load %arg3[%get3A_19, %get3A_20] : memref<2048x64xf32, #tpu.memory_space<vmem>>, vector<2048x64xf32>
    %dot_general3A = arith.constant dense<0.000000e+00> : vector<2048x64xf32>
    %dot_general3A_22 = tpu.matmul %get3A_21, %get3A_1, %dot_general3A {dimension_numbers = #tpu.dot_dimension_numbers<[1], [0], [0], [1], [0, 0, 1, 1], [], []>, precision = #tpu.contract_precision<fp32>, transpose_lhs_hint = false} : vector<2048x64xf32>, vector<64x64xf32>, vector<2048x64xf32> -> vector<2048x64xf32>
    %dot_general3A_23 = arith.constant dense<0.000000e+00> : vector<2048x64xf32>
    %dot_general3A_24 = tpu.matmul %div3A_18, %get3A_4, %dot_general3A_23 {dimension_numbers = #tpu.dot_dimension_numbers<[1], [0], [0], [1], [0, 0, 1, 1], [], []>, precision = #tpu.contract_precision<fp32>, transpose_lhs_hint = false} : vector<2048x64xf32>, vector<64x64xf32>, vector<2048x64xf32> -> vector<2048x64xf32>
    %add3A = arith.addf %dot_general3A_22, %dot_general3A_24 : vector<2048x64xf32>
    %broadcast_in_dim3A_25 = vector.shape_cast %get3A_8 : vector<64xf32> to vector<1x64xf32>
    %add3A_26 = vector.broadcast %broadcast_in_dim3A_25 : vector<1x64xf32> to vector<2048x64xf32>
    %add3A_27 = arith.addf %add3A, %add3A_26 : vector<2048x64xf32>
    %max3A = arith.constant 0.000000e+00 : f32
    %max3A_28 = vector.broadcast %max3A : f32 to vector<2048x64xf32>
    %max3A_29 = arith.maximumf %add3A_27, %max3A_28 : vector<2048x64xf32>
    %get3A_30 = arith.constant 0 : index
    %get3A_31 = arith.constant 0 : index
    %get3A_32 = vector.load %arg4[%get3A_30, %get3A_31] : memref<256x8xf32, #tpu.memory_space<vmem>>, vector<256x8xf32>
    %reduce_sum3A_33 = arith.constant dense<0.000000e+00> : vector<256xf32>
    %reduce_sum3A_34 = vector.multi_reduction <add>, %get3A_32, %reduce_sum3A_33 [1] : vector<256x8xf32> to vector<256xf32>
    %broadcast_in_dim3A_35 = vector.shape_cast %reduce_sum3A_34 : vector<256xf32> to vector<256x1xf32>
    %get3A_36 = arith.constant 0 : index
    %get3A_37 = arith.constant 0 : index
    %get3A_38 = vector.load %arg5[%get3A_36, %get3A_37] : memref<2048x1xf32, #tpu.memory_space<vmem>>, vector<2048x1xf32>
    %mul3A_39 = vector.broadcast %get3A_38 : vector<2048x1xf32> to vector<2048x64xf32>
    %mul3A_40 = arith.mulf %mul3A_39, %get3A_21 : vector<2048x64xf32>
    %reshape3A = vector.shape_cast %mul3A_40 : vector<2048x64xf32> to vector<256x8x64xf32>
    %reduce_sum3A_41 = arith.constant dense<0.000000e+00> : vector<256x64xf32>
    %reduce_sum3A_42 = vector.multi_reduction <add>, %reshape3A, %reduce_sum3A_41 [1] : vector<256x8x64xf32> to vector<256x64xf32>
    %mul3A_43 = arith.constant 8.000000e+00 : f32
    %mul3A_44 = vector.broadcast %mul3A_43 : f32 to vector<256x1xf32>
    %mul3A_45 = arith.mulf %mul3A_44, %broadcast_in_dim3A_35 : vector<256x1xf32>
    %div3A_46 = vector.broadcast %mul3A_45 : vector<256x1xf32> to vector<256x64xf32>
    %div3A_47 = arith.divf %reduce_sum3A_42, %div3A_46 : vector<256x64xf32>
    %get3A_48 = arith.constant 0 : index
    %get3A_49 = arith.constant 0 : index
    %get3A_50 = vector.load %arg2[%get3A_48, %get3A_49] : memref<256x64xf32, #tpu.memory_space<vmem>>, vector<256x64xf32>
    %dot_general3A_51 = arith.constant dense<0.000000e+00> : vector<256x64xf32>
    %dot_general3A_52 = tpu.matmul %get3A_50, %get3A_1, %dot_general3A_51 {dimension_numbers = #tpu.dot_dimension_numbers<[1], [0], [0], [1], [0, 0, 1, 1], [], []>, precision = #tpu.contract_precision<fp32>, transpose_lhs_hint = false} : vector<256x64xf32>, vector<64x64xf32>, vector<256x64xf32> -> vector<256x64xf32>
    %dot_general3A_53 = arith.constant dense<0.000000e+00> : vector<256x64xf32>
    %dot_general3A_54 = tpu.matmul %div3A_47, %get3A_4, %dot_general3A_53 {dimension_numbers = #tpu.dot_dimension_numbers<[1], [0], [0], [1], [0, 0, 1, 1], [], []>, precision = #tpu.contract_precision<fp32>, transpose_lhs_hint = false} : vector<256x64xf32>, vector<64x64xf32>, vector<256x64xf32> -> vector<256x64xf32>
    %add3A_55 = arith.addf %dot_general3A_52, %dot_general3A_54 : vector<256x64xf32>
    %broadcast_in_dim3A_56 = vector.shape_cast %get3A_8 : vector<64xf32> to vector<1x64xf32>
    %add3A_57 = vector.broadcast %broadcast_in_dim3A_56 : vector<1x64xf32> to vector<256x64xf32>
    %add3A_58 = arith.addf %add3A_55, %add3A_57 : vector<256x64xf32>
    %max3A_59 = arith.constant 0.000000e+00 : f32
    %max3A_60 = vector.broadcast %max3A_59 : f32 to vector<256x64xf32>
    %max3A_61 = arith.maximumf %add3A_58, %max3A_60 : vector<256x64xf32>
    %mul3A_62 = vector.broadcast %get3A_38 : vector<2048x1xf32> to vector<2048x64xf32>
    %mul3A_63 = arith.mulf %mul3A_62, %max3A_29 : vector<2048x64xf32>
    %reshape3A_64 = vector.shape_cast %mul3A_63 : vector<2048x64xf32> to vector<256x8x64xf32>
    %reduce_sum3A_65 = arith.constant dense<0.000000e+00> : vector<256x64xf32>
    %reduce_sum3A_66 = vector.multi_reduction <add>, %reshape3A_64, %reduce_sum3A_65 [1] : vector<256x8x64xf32> to vector<256x64xf32>
    %mul3A_67 = arith.constant 8.000000e+00 : f32
    %mul3A_68 = vector.broadcast %mul3A_67 : f32 to vector<256x1xf32>
    %mul3A_69 = arith.mulf %mul3A_68, %broadcast_in_dim3A_35 : vector<256x1xf32>
    %div3A_70 = vector.broadcast %mul3A_69 : vector<256x1xf32> to vector<256x64xf32>
    %div3A_71 = arith.divf %reduce_sum3A_66, %div3A_70 : vector<256x64xf32>
    %dot_general3A_72 = arith.constant dense<0.000000e+00> : vector<256x64xf32>
    %dot_general3A_73 = tpu.matmul %max3A_61, %get3A_1, %dot_general3A_72 {dimension_numbers = #tpu.dot_dimension_numbers<[1], [0], [0], [1], [0, 0, 1, 1], [], []>, precision = #tpu.contract_precision<fp32>, transpose_lhs_hint = false} : vector<256x64xf32>, vector<64x64xf32>, vector<256x64xf32> -> vector<256x64xf32>
    %dot_general3A_74 = arith.constant dense<0.000000e+00> : vector<256x64xf32>
    %dot_general3A_75 = tpu.matmul %div3A_71, %get3A_4, %dot_general3A_74 {dimension_numbers = #tpu.dot_dimension_numbers<[1], [0], [0], [1], [0, 0, 1, 1], [], []>, precision = #tpu.contract_precision<fp32>, transpose_lhs_hint = false} : vector<256x64xf32>, vector<64x64xf32>, vector<256x64xf32> -> vector<256x64xf32>
    %add3A_76 = arith.addf %dot_general3A_73, %dot_general3A_75 : vector<256x64xf32>
    %broadcast_in_dim3A_77 = vector.shape_cast %get3A_8 : vector<64xf32> to vector<1x64xf32>
    %add3A_78 = vector.broadcast %broadcast_in_dim3A_77 : vector<1x64xf32> to vector<256x64xf32>
    %add3A_79 = arith.addf %add3A_76, %add3A_78 : vector<256x64xf32>
    %max3A_80 = arith.constant 0.000000e+00 : f32
    %max3A_81 = vector.broadcast %max3A_80 : f32 to vector<256x64xf32>
    %max3A_82 = arith.maximumf %add3A_79, %max3A_81 : vector<256x64xf32>
    %get3A_83 = arith.constant 0 : index
    %get3A_84 = arith.constant 0 : index
    %get3A_85 = vector.load %arg1[%get3A_83, %get3A_84] : memref<256x64xf32, #tpu.memory_space<vmem>>, vector<256x64xf32>
    %get3A_86 = arith.constant 0 : index
    %get3A_87 = arith.constant 0 : index
    %get3A_88 = vector.load %arg10[%get3A_86, %get3A_87] : memref<128x32xf32, #tpu.memory_space<vmem>>, vector<64x32xf32>
    %dot_general3A_89 = arith.constant dense<0.000000e+00> : vector<256x32xf32>
    %dot_general3A_90 = tpu.matmul %get3A_85, %get3A_88, %dot_general3A_89 {dimension_numbers = #tpu.dot_dimension_numbers<[1], [0], [0], [1], [0, 0, 1, 1], [], []>, precision = #tpu.contract_precision<fp32>, transpose_lhs_hint = false} : vector<256x64xf32>, vector<64x32xf32>, vector<256x32xf32> -> vector<256x32xf32>
    %get3A_91 = arith.constant 64 : index
    %get3A_92 = arith.constant 0 : index
    %get3A_93 = vector.load %arg10[%get3A_91, %get3A_92] : memref<128x32xf32, #tpu.memory_space<vmem>>, vector<64x32xf32>
    %dot_general3A_94 = arith.constant dense<0.000000e+00> : vector<256x32xf32>
    %dot_general3A_95 = tpu.matmul %max3A_82, %get3A_93, %dot_general3A_94 {dimension_numbers = #tpu.dot_dimension_numbers<[1], [0], [0], [1], [0, 0, 1, 1], [], []>, precision = #tpu.contract_precision<fp32>, transpose_lhs_hint = false} : vector<256x64xf32>, vector<64x32xf32>, vector<256x32xf32> -> vector<256x32xf32>
    %add3A_96 = arith.addf %dot_general3A_90, %dot_general3A_95 : vector<256x32xf32>
    %get3A_97 = arith.constant 0 : index
    %get3A_98 = arith.constant 0 : index
    %get3A_99 = vector.load %arg11[%get3A_97, %get3A_98] : memref<1x32xf32, #tpu.memory_space<vmem>>, vector<1x32xf32>
    %get3A_100 = vector.shape_cast %get3A_99 : vector<1x32xf32> to vector<32xf32>
    %broadcast_in_dim3A_101 = vector.shape_cast %get3A_100 : vector<32xf32> to vector<1x32xf32>
    %add3A_102 = vector.broadcast %broadcast_in_dim3A_101 : vector<1x32xf32> to vector<256x32xf32>
    %add3A_103 = arith.addf %add3A_96, %add3A_102 : vector<256x32xf32>
    %max3A_104 = arith.constant 0.000000e+00 : f32
    %max3A_105 = vector.broadcast %max3A_104 : f32 to vector<256x32xf32>
    %max3A_106 = arith.maximumf %add3A_103, %max3A_105 : vector<256x32xf32>
    %get3A_107 = arith.constant 0 : index
    %get3A_108 = arith.constant 0 : index
    %get3A_109 = vector.load %arg12[%get3A_107, %get3A_108] : memref<32x2xf32, #tpu.memory_space<vmem>>, vector<32x2xf32>
    %dot_general3A_110 = arith.constant dense<0.000000e+00> : vector<256x2xf32>
    %dot_general3A_111 = tpu.matmul %max3A_106, %get3A_109, %dot_general3A_110 {dimension_numbers = #tpu.dot_dimension_numbers<[1], [0], [0], [1], [0, 0, 1, 1], [], []>, precision = #tpu.contract_precision<fp32>, transpose_lhs_hint = false} : vector<256x32xf32>, vector<32x2xf32>, vector<256x2xf32> -> vector<256x2xf32>
    %get3A_112 = arith.constant 0 : index
    %get3A_113 = arith.constant 0 : index
    %get3A_114 = vector.load %arg13[%get3A_112, %get3A_113] : memref<1x2xf32, #tpu.memory_space<vmem>>, vector<1x2xf32>
    %get3A_115 = vector.shape_cast %get3A_114 : vector<1x2xf32> to vector<2xf32>
    %broadcast_in_dim3A_116 = vector.shape_cast %get3A_115 : vector<2xf32> to vector<1x2xf32>
    %add3A_117 = vector.broadcast %broadcast_in_dim3A_116 : vector<1x2xf32> to vector<256x2xf32>
    %add3A_118 = arith.addf %dot_general3A_111, %add3A_117 : vector<256x2xf32>
    %swap3A = arith.constant 0 : index
    %swap3A_119 = arith.constant 0 : index
    %swap3A_120 = vector.load %arg14[%swap3A, %swap3A_119] : memref<256x2xf32, #tpu.memory_space<vmem>>, vector<256x2xf32>
    tpu.vector_store %arg14[%swap3A, %swap3A_119], %add3A_118 {strides = array<i32>} : memref<256x2xf32, #tpu.memory_space<vmem>>, vector<256x2xf32>,
    return
  }
  func.func @transform_0(%arg0: i32) -> (i32, i32) {
    %c0_i32 = arith.constant 0 : i32
    %c0_i32_0 = arith.constant 0 : i32
    return %arg0, %c0_i32 : i32, i32
  }
  func.func @transform_1(%arg0: i32) -> (i32, i32) {
    %c0_i32 = arith.constant 0 : i32
    %c0_i32_0 = arith.constant 0 : i32
    return %arg0, %c0_i32 : i32, i32
  }
  func.func @transform_2(%arg0: i32) -> (i32, i32) {
    %c0_i32 = arith.constant 0 : i32
    %c0_i32_0 = arith.constant 0 : i32
    return %arg0, %c0_i32 : i32, i32
  }
  func.func @transform_3(%arg0: i32) -> (i32, i32) {
    %c0_i32 = arith.constant 0 : i32
    %c0_i32_0 = arith.constant 0 : i32
    return %arg0, %c0_i32 : i32, i32
  }
  func.func @transform_4(%arg0: i32) -> (i32, i32) {
    %c0_i32 = arith.constant 0 : i32
    %c0_i32_0 = arith.constant 0 : i32
    return %arg0, %c0_i32 : i32, i32
  }
  func.func @transform_5(%arg0: i32) -> (i32, i32) {
    %c0_i32 = arith.constant 0 : i32
    %c0_i32_0 = arith.constant 0 : i32
    return %arg0, %c0_i32 : i32, i32
  }
  func.func @transform_6(%arg0: i32) -> (i32, i32) {
    %c0_i32 = arith.constant 0 : i32
    %c0_i32_0 = arith.constant 0 : i32
    return %arg0, %c0_i32 : i32, i32
  }
  func.func @transform_7(%arg0: i32) -> (i32, i32) {
    %c0_i32 = arith.constant 0 : i32
    %c0_i32_0 = arith.constant 0 : i32
    %c0_i32_1 = arith.constant 0 : i32
    return %c0_i32, %c0_i32_0 : i32, i32
  }
  func.func @transform_8(%arg0: i32) -> (i32, i32) {
    %c0_i32 = arith.constant 0 : i32
    %c0_i32_0 = arith.constant 0 : i32
    %c0_i32_1 = arith.constant 0 : i32
    return %c0_i32, %c0_i32_0 : i32, i32
  }
  func.func @transform_9(%arg0: i32) -> (i32, i32) {
    %c0_i32 = arith.constant 0 : i32
    %c0_i32_0 = arith.constant 0 : i32
    %c0_i32_1 = arith.constant 0 : i32
    return %c0_i32, %c0_i32_0 : i32, i32
  }
  func.func @transform_10(%arg0: i32) -> (i32, i32) {
    %c0_i32 = arith.constant 0 : i32
    %c0_i32_0 = arith.constant 0 : i32
    %c0_i32_1 = arith.constant 0 : i32
    return %c0_i32, %c0_i32_0 : i32, i32
  }
  func.func @transform_11(%arg0: i32) -> (i32, i32) {
    %c0_i32 = arith.constant 0 : i32
    %c0_i32_0 = arith.constant 0 : i32
    %c0_i32_1 = arith.constant 0 : i32
    return %c0_i32, %c0_i32_0 : i32, i32
  }
  func.func @transform_12(%arg0: i32) -> (i32, i32) {
    %c0_i32 = arith.constant 0 : i32
    %c0_i32_0 = arith.constant 0 : i32
    %c0_i32_1 = arith.constant 0 : i32
    return %c0_i32, %c0_i32_0 : i32, i32
  }
  func.func @transform_13(%arg0: i32) -> (i32, i32) {
    %c0_i32 = arith.constant 0 : i32
    %c0_i32_0 = arith.constant 0 : i32
    return %arg0, %c0_i32 : i32, i32
  }
}

</mosaic_0001>

<sc_bundles>
// kernel: kernel.4.cloned.1.call-start
scs
__scs_entry_jumppad:
0x0: {  	(pc) =	sbr.rel $0x88, $3  }
0x1: {  	(tag) =	ssettag $0x0;
	lr =	simm.s32 $0x1  }
0x2: {  	[smem:$0x3F96] =	sst lr;
	_ =	strace $0xD0000000  }
0x3: {  	_ = 	snop  }
0x4: {  	_ = 	snop  }
0x5: {  	_ = 	snop  }
0x6: {  	_ = 	snop  }
0x7: {  	_ = 	snop  }
__scs_overlays_trampoline_lowered:
0x8: {  	[smem:$0x3FA5] =	sst s0  }
0x9: {  	[smem:$0x3FA6] =	sst s1  }
0xa: {  	[smem:$0x3FA7] =	sst s2  }
0xb: {  	[smem:$0x3FA8] =	sst s3  }
0xc: {  	[smem:$0x3FA9] =	sst s4  }
0xd: {  	[smem:$0x3FAA] =	sst s5  }
0xe: {  	[smem:$0x3FAB] =	sst s6  }
0xf: {  	[smem:$0x3FAC] =	sst s7  }
0x10: {  	[smem:$0x3FAD] =	sst s8  }
0x11: {  	[smem:$0x3FAE] =	sst s9;
	s0 =	simm.s32 @!p0 $0x0  }
0x12: {  	s1 =	sld [smem:$0x3F94];
	s0 =	simm.s32 @p0 $0x1  }
0x13: {  	[smem:$0x3FAF] =	sst s0;
	s0 =	simm.s32 @!p1 $0x0  }
0x14: {  	s2 =	sld [smem:$0x3F93];
	s0 =	simm.s32 @p1 $0x1  }
0x15: {  	[smem:$0x3FB0] =	sst s0;
	s0 =	simm.s32 @!p2 $0x0  }
0x16: {  	s3 =	sld [smem:$0x3FDB];
	s0 =	simm.s32 @p2 $0x1  }
0x17: {  	s4 =	simm.s32 $0x1BF5;
	[smem:$0x3FB2] =	sst s0  }
0x18: {  	s0 =	sld [smem:$0x3F95];
	_ =	swait.ge [sflag:s4], $0x0  }
0x19: {  	s7 =	sld [smem:$0x3F96]  }
0x1a: {  	s8 =	sadd.s32 $0xFFFFE003, lr  }
0x1b: {  	s9 =	sadd.s32 $0xFFFFFEF7, lr;
	s5 =	simm.s32 $0xFFFFFFFF;
	p2 =	slt.u32 s8, $0xFFFFF086  }
0x1c: {  	p1 =	slt.u32 s9, $0xF7A;
	s5 =	simm.s32 @!p2 $0x0  }
0x1d: {  	s5 =	simm.s32 @p1 $0x1;
	p0 =	seq.s32 s7, s2  }
0x1e: {  	s7 =	smul.u32 @!p0 $0xF7A, s2;
	p2 =	seq.s32 @!p0 s5, $0x0  }
0x1f: {  	s9 =	smul.u32 $0xF7A, s1;
	s8 =	simm.s32 @!p0 $0x1BF5;
	p2 =	por !p2, p0  }
0x20: {  	[sflag:s8] =	ssyncset.s32 @!p0 $0xFFFFF086;
	s6 =	sadd.s32 @!p0 s3, s7;
	s7 =	simm.s32 @!p0 $0x108  }
0x21: {  	s3 =	sadd.s32 s3, s9;
	s6 =	sadd.s32 @!p0 $0x88, s6;
	s7 =	simm.s32 @p2 $0x1082  }
0x22: {  	[simem:s7], [sflag:s8] =	dma.local @!p0 [hbm:s6], $0xF7A  }
0x23: {  	s9 =	sor.u32 $0xD0000000, s2;
	s6 =	simm.s32 $0x108;
	_ =	swait.ge @!p0 [sflag:s8], $0x0  }
0x24: {  	s3 =	sadd.s32 $0x88, s3;
	s6 =	simm.s32 @!p1 $0x1082;
	[sflag:s4] =	ssyncset.s32 $0xFFFFF086  }
0x25: {  	[simem:s6], [sflag:s4] =	dma.local [hbm:s3], $0xF7A  }
0x26: {  	[smem:$0x3F96] =	sst s1;
	(tag) =	ssettag s2;
	_ =	strace s9  }
0x27: {  	s1 =	sld [smem:$0x3FA6]  }
0x28: {  	s2 =	sld [smem:$0x3FA7]  }
0x29: {  	s4 =	sld [smem:$0x3FA9]  }
0x2a: {  	p0 =	seq.s32 s5, $0x0;
	s5 =	sld [smem:$0x3FAA]  }
0x2b: {  	s6 =	sld [smem:$0x3FAB]  }
0x2c: {  	s7 =	sld [smem:$0x3FAC]  }
0x2d: {  	s3 =	simm.s32 $0x108;
	s8 =	sld [smem:$0x3FAD]  }
0x2e: {  	s3 =	simm.s32 @!p0 $0x1082;
	s9 =	sld [smem:$0x3FAE]  }
0x2f: {  	lr =	sadd.s32 s0, s3;
	s0 =	sld [smem:$0x3FA5]  }
0x30: {  	s3 =	sld [smem:$0x3FA8]  }
0x31: {  	[smem:$0x3FB1] =	sst s10  }
0x32: {  	s10 =	sld [smem:$0x3FAF];
	_ =	sdelay $0x3  }
0x33: {  	p0 =	seq.s32 s10, $0x1;
	s10 =	sld [smem:$0x3FB1];
	_ =	sdelay $0x3  }
0x34: {  	[smem:$0x3FB1] =	sst s10  }
0x35: {  	s10 =	sld [smem:$0x3FB0];
	_ =	sdelay $0x3  }
0x36: {  	p1 =	seq.s32 s10, $0x1;
	s10 =	sld [smem:$0x3FB1];
	_ =	sdelay $0x3  }
0x37: {  	[smem:$0x3FB1] =	sst s10  }
0x38: {  	s10 =	sld [smem:$0x3FB2]  }
0x39: {  	_ = 	snop;
	(pc) =	sbr.ind lr, $3  }
0x3a: {  	_ = 	snop  }
0x3b: {  	_ = 	snop  }
0x3c: {  	p2 =	seq.s32 s10, $0x1;
	s10 =	sld [smem:$0x3FB1]  }
0x3d: {  	_ =	shalt  }
0x3e: {  	_ =	shalt  }
0x3f: {  	_ =	shalt  }
0x40: {  	_ =	shalt  }
0x41: {  	_ =	shalt  }
0x42: {  	_ =	shalt  }
0x43: {  	_ =	shalt  }
0x44: {  	_ =	shalt  }
0x45: {  	_ =	shalt  }
0x46: {  	_ =	shalt  }
0x47: {  	_ =	shalt  }
0x48: {  	_ =	shalt  }
0x49: {  	_ =	shalt  }
0x4a: {  	_ =	shalt  }
0x4b: {  	_ =	shalt  }
0x4c: {  	_ =	shalt  }
0x4d: {  	_ =	shalt  }
0x4e: {  	_ =	shalt  }
0x4f: {  	_ =	shalt  }
0x50: {  	_ =	shalt  }
0x51: {  	_ =	shalt  }
0x52: {  	_ =	shalt  }
0x53: {  	_ =	shalt  }
0x54: {  	_ =	shalt  }
0x55: {  	_ =	shalt  }
0x56: {  	_ =	shalt  }
0x57: {  	_ =	shalt  }
0x58: {  	_ =	shalt  }
0x59: {  	_ =	shalt  }
0x5a: {  	_ =	shalt  }
0x5b: {  	_ =	shalt  }
0x5c: {  	_ =	shalt  }
0x5d: {  	_ =	shalt  }
0x5e: {  	_ =	shalt  }
0x5f: {  	_ =	shalt  }
0x60: {  	_ =	shalt  }
0x61: {  	_ =	shalt  }
0x62: {  	_ =	shalt  }
0x63: {  	_ =	shalt  }
0x64: {  	_ =	shalt  }
0x65: {  	_ =	shalt  }
0x66: {  	_ =	shalt  }
0x67: {  	_ =	shalt  }
0x68: {  	_ =	shalt  }
0x69: {  	_ =	shalt  }
0x6a: {  	_ =	shalt  }
0x6b: {  	_ =	shalt  }
0x6c: {  	_ =	shalt  }
0x6d: {  	_ =	shalt  }
0x6e: {  	_ =	shalt  }
0x6f: {  	_ =	shalt  }
0x70: {  	_ =	shalt  }
0x71: {  	_ =	shalt  }
0x72: {  	_ =	shalt  }
0x73: {  	_ =	shalt  }
0x74: {  	_ =	shalt  }
0x75: {  	_ =	shalt  }
0x76: {  	_ =	shalt  }
0x77: {  	_ =	shalt  }
0x78: {  	_ =	shalt  }
0x79: {  	_ =	shalt  }
0x7a: {  	_ =	shalt  }
0x7b: {  	_ =	shalt  }
0x7c: {  	_ =	shalt  }
0x7d: {  	_ =	shalt  }
0x7e: {  	_ =	shalt  }
0x7f: {  	_ =	shalt  }
0x80: {  	_ =	shalt  }
0x81: {  	_ =	shalt  }
0x82: {  	_ =	shalt  }
0x83: {  	_ =	shalt  }
0x84: {  	_ =	shalt  }
0x85: {  	_ =	shalt  }
0x86: {  	_ =	shalt  }
0x87: {  	_ =	shalt  }
.Lfunc_end0:
.L_simem_size_0:
called_computation_lowered:
.L_overlay_start_0:
0x88: {  	s2 =	sld [smem:$0x3FD9]  }
0x89: {  	s3 =	sld [smem:$0x3FFE];
	_ =	sdelay $0x1  }
0x8a: {  	s1 =	srdreg.scid  }
0x8b: {  	s0 =	sand.u32 $0x1, s1  }
0x8c: {  	s17 =	sshll.u32 s0, $0xA;
	s2 =	sadd.s32 s3, s2  }
0x8d: {  	s2 =	sadd.s32 s2, s17  }
0x8e: {  	[smem:$0x3FBD] =	sst s2  }
0x8f: {  	_ = 	snop  }
0x90: {  	s2 =	sld [smem:$0x3FD0];
	(tm) =	ssettm $0x1  }
0x91: {  	s18 =	sld [smem:$0x3FFB];
	_ =	sdelay $0x3  }
0x92: {  	_ =	strace s18  }
0x93: {  	s3 =	sld [smem:$0x3FFC];
	_ =	sdelay $0x3  }
0x94: {  	_ =	strace s3  }
0x95: {  	s3 =	sld [smem:$0x3FFD];
	_ =	sdelay $0x3  }
0x96: {  	_ =	strace s3  }
0x97: {  	_ =	strace $0x8FFFFFFF  }
0x98: {  	s19 =	sld [smem:$0x3FDB];
	_ =	sdelay $0x1  }
0x99: {  	s4 =	simm.s32 $_scs_section_size  }
0x9a: {  	s5 =	simm.s32 $_size__tile_overlayer_lowered;
	s6 =	simm.s32 $_tile_overlayer_lowered  }
0x9b: {  	s22 =	simm.s32 $0x1BFF;
	s21 =	sshll.u32 s6, $0x1;
	s3 =	sadd.s32 s4, s19  }
0x9c: {  	s7 =	simm.s32 $0x0;
	s20 =	sshll.u32 s5, $0x1;
	s5 =	sadd.s32 s21, s3  }
0x9d: {  	[timem:s7], [sflag:s22] =	dma.local [hbm:s5], s20  }
0x9e: {  	_ =	swait.ge [sflag:s22], s20  }
0x9f: {  	s4 =	ssub.s32 $0x0, s20;
	[sflag:s22] =	ssyncset.done $0x0  }
0xa0: {  	[sflag:s22] =	ssyncadd.s32 s4;
	_ =	sdelay $0x1  }
0xa1: {  	s23 =	simm.s32 $0x1B8B  }
0xa2: {  	_ =	swait.ge [sflag:s23], $0x1  }
0xa3: {  	[sflag:s23] =	ssyncset.done $0x0  }
0xa4: {  	s25 =	simm.s32 $0x1B8E;
	s24 =	sld [smem:$0x3FFE];
	[sflag:s23] =	ssyncadd.s32 $0xFFFFFFFF  }
0xa5: {  	s26 =	simm.s32 $execute0_lowered;
	[smem:$0x3FD2] =	sst s25  }
0xa6: {  	s5 =	sshll.u32 s26, $0x1;
	_ =	strace $0x80000046;
	[dreg:$0x1] =	wrdreg $0xFFFFFFFF  }
0xa7: {  	s28 =	simm.s32 $_size_execute0_lowered;
	s3 =	sadd.s32 s3, s5;
	[dreg:$0x0] =	wrdreg $0x0  }
0xa8: {  	s5 =	sshll.u32 s28, $0x1;
	[dreg:$0x2] =	wrdreg s3  }
0xa9: {  	[dreg:$0x3] =	wrdreg s5  }
0xaa: {  	[dreg:$0x4] =	wrdreg $0xC0  }
0xab: {  	_ =	task [dreg:s7], $0x5FFFF  }
0xac: {  	[dreg:$0x1] =	wrdreg $0xFFFFFFFF  }
0xad: {  	[dreg:$0x0] =	wrdreg $0x60  }
0xae: {  	[dreg:$0x2] =	wrdreg s24  }
0xaf: {  	[dreg:$0x3] =	wrdreg s2  }
0xb0: {  	[dreg:$0x4] =	wrdreg $0x9  }
0xb1: {  	_ =	task.clear_ibuf [dreg:s7], $0x5FFFF;
	_ =	strace $0x90000046  }
0xb2: {  	s29 =	simm.s32 $0x9;
	_ =	strace $0x80000048  }
0xb3: {  	_ =	swait.ge [sflag:s29], $0x1  }
0xb4: {  	[sflag:s29] =	ssyncadd.s32 $0xFFFFFFFF  }
0xb5: {  	_ =	strace $0x90000048  }
0xb6: {  	_ =	sfence  }
0xb7: {  	s30 =	sld [smem:$0x0];
	_ =	sdelay $0x2  }
0xb8: {  	s31 =	sshll.u32 s1, $0xD;
	s1 =	sshrl.u32 s1, $0x2  }
0xb9: {  	s3 =	sand.u32 $0x4000, s31;
	s1 =	sadd.s32 s1, s30  }
0xba: {  	s0 =	sor.u32 s3, s0;
	s1 =	sshll.u32 s1, $0x11  }
0xbb: {  	s0 =	sor.u32 s1, s0  }
0xbc: {  	s0 =	sadd.s32 $0x8F2B, s0  }
0xbd: {  	[sflag:s0] =	ssyncadd.remote.s32 $0x1  }
0xbe: {  	_ =	sfence.sel $0xFFFF  }
0xbf: {  	[dreg:$0x0] =	wrdreg $0xFFFFFFFF;
	(pc) =	sbr.abs _section_cstart, $3  }
0xc0: {  	[dreg:$0x1] =	wrdreg $0xFFFFFFFF  }
0xc1: {  	_ =	task.clear_ibuf [dreg:s7], $0x2FFFF;
	_ =	strace $0x9FFFFFFF  }
0xc2: {  	(tm) =	ssettm $0x7FFFFFFF  }
0xc3: {  	_ =	shalt  }
tec
execute0_lowered:
.L_overlay_start_1:
0x0: {  	(tag) =	ssettag $0x1  }
0x1: {  	s0 =	rddreg [dreg:$0x0];
	s1 =	srdreg.scid  }
0x2: {  	s2 =	stileid.u32;
	s4 =	rddreg [dreg:$0x1];
	s16 =	simm.s32 $0x6  }
0x3: {  	s17 =	simm.s32 $0x20;
	s20 =	simm.s32 $0x1040;
	s21 =	simm.s32 $0x1240  }
0x4: {  	s29 =	simm.s32 $0x2C40;
	s30 =	simm.s32 $0x1;
	s31 =	simm.s32 $0x2  }
0x5: {  	s18 =	simm.s32 $0xB440;
	s19 =	simm.s32 $0x4;
	s28 =	simm.s32 $0x0  }
0x6: {  	s1 =	sand.u32 $0x1, s1;
	s3 =	sshll.u32 s2, $0x1;
	s2 =	simm.s32 $0x0  }
0x7: {  	s5 =	sadd.s32 $0x2A00, s0;
	s6 =	sadd.s32 $0x24CA00, s0;
	s7 =	sor.u32 s1, s3  }
0x8: {  	[smem:$0x7FF] =	sst s2;
	s3 =	sadd.s32 $0x189400, s0;
	s1 =	ssub.s32 $0x2, s1  }
0x9: {  	s8 =	sshll.u32 s7, $0x2;
	_ =	strace $0x80000047;
	[dreg:$0x3] =	wrdreg s5  }
0xa: {  	s5 =	sadd.s32 $0x265200, s0;
	s10 =	sshll.u32 s7, $0x8;
	s11 =	sshll.u32 s7, $0x5  }
0xb: {  	s7 =	sshll.u32 s7, $0xB;
	s12 =	sshrl.u32 s1, $0x1;
	s9 =	sadd.s32 s8, s0  }
0xc: {  	s10 =	sadd.s32 s10, s0;
	s11 =	sadd.s32 s11, s0;
	s0 =	sadd.s32 s7, s0  }
0xd: {  	s1 =	ssub.s32 s1, s12;
	s4 =	sadd.s32 s4, s8;
	s12 =	simm.s32 $0x1340  }
0xe: {  	s22 =	sadd.s32 $0x2800, s9;
	[dreg:$0x5] =	wrdreg s4;
	s23 =	sadd.s32 $0x16400, s11  }
0xf: {  	s24 =	sadd.s32 $0x36800, s10;
	s25 =	sadd.s32 $0x3A800, s10;
	s26 =	sadd.s32 $0x38800, s10  }
0x10: {  	s13 =	sadd.s32 $0x26800, s0;
	s14 =	sadd.s32 $0x16800, s0;
	[dreg:$0x4] =	wrdreg s22  }
0x11: {  	s15 =	smax.u32 s1, $0x1;
	s9 =	simm.s32 $0x40;
	[dreg:$0x6] =	wrdreg s23  }
0x12: {  	s10 =	simm.s32 $0x840;
	s11 =	simm.s32 $0x3440;
	[dreg:$0x7] =	wrdreg s24  }
0x13: {  	v1 =	vlaneseq.u32;
	s1 =	simm.s32 $0x3;
	s0 =	simm.s32 $0x7440;
	[dreg:$0x8] =	wrdreg s25  }
0x14: {  	v2 =	vimm.s32 $0x0;
	vm0 =	vcmask $0x300;
	v0 =	vshrl.u32 v1, $0x3;
	[dreg:$0x9] =	wrdreg s26;
	s22 =	simm.s32 $0x100;
	s23 =	simm.s32 $0x1140  }
0x15: {  	v1 =	vand.u32 $0x7, v1;
	v2 =	vsel vm0, $0x3, v2;
	v0 =	vmul.u32 $0x8, v0;
	s25 =	simm.s32 $0x1440;
	s26 =	simm.s32 $0x2440;
	s24 =	simm.s32 $0x5  }
.LBB2_1:
0x16: {  	s4 =	rddreg [dreg:$0x4]  }
0x17: {  	[tilespmem:s2], [sflag:$0x6] =	stream.linear.gather [hbm4b:s4+s2], $0x20, $0x38;
	[tilespmem:$0x13440] =	vst v63  }
0x18: {  	_ =	swait.ge [sflag:s16], $0x20  }
0x19: {  	[sflag:s16] =	ssyncset.done $0x0  }
0x1a: {  	s8 =	rddreg [dreg:$0x5];
	[sflag:s16] =	ssyncadd.s32 $0xFFFFFFE0  }
0x1b: {  	[tilespmem:s17], [sflag:$0x6] =	stream.linear.gather [hbm4b:s8+s2], $0x20, $0x38;
	[tilespmem:$0x13440] =	vst v63  }
0x1c: {  	_ =	swait.ge [sflag:s16], $0x20  }
0x1d: {  	[sflag:s16] =	ssyncset.done $0x0  }
0x1e: {  	s7 =	rddreg [dreg:$0x3];
	[sflag:s16] =	ssyncadd.s32 $0xFFFFFFE0  }
0x1f: {  	[tilespmem:s9], [sflag:$0x1] =	stream.indirect.gather [hbm4b:s7+s17], $0x40, s2, s17, $0xb8;
	[tilespmem:$0x13440] =	vst v63  }
0x20: {  	_ = 	snop  }
0x21: {  	[tilespmem:s10], [sflag:$0x2] =	stream.indirect.gather [hbm4b:s3+s17], $0x40, s17, s17, $0xb8;
	[tilespmem:$0x13440] =	vst v63  }
0x22: {  	_ = 	snop  }
0x23: {  	v3 =	vmov s2;
	[tilespmem:s20], [sflag:$0x6] =	stream.indirect.gather [hbm4b:s5+s17], $0x8, s17, s17, $0xb8;
	[tilespmem:$0x13440] =	vst v63  }
0x24: {  	v3 =	vshll.u32 v3, $0x3;
	_ =	swait.ge [sflag:s16], $0x100  }
0x25: {  	v3 =	vor.u32 v0, v3;
	[sflag:s16] =	ssyncset.done $0x0  }
0x26: {  	v3 =	vor.u32 v1, v3;
	[sflag:s16] =	ssyncadd.s32 $0xFFFFFF00  }
0x27: {  	[tilespmem:s21], [sflag:$0x6] =	stream.indirect.gather [hbm4b:s6+s17], $0x8, s17, s17, $0xb8;
	[tilespmem:$0x13440] =	vst v63  }
0x28: {  	_ =	swait.ge [sflag:s16], $0x100  }
0x29: {  	[sflag:s16] =	ssyncset.done $0x0  }
0x2a: {  	[sflag:s16] =	ssyncadd.s32 $0xFFFFFF00  }
0x2b: {  	v4 =	vld.idx.msk [tilespmem:v3+s20+$0x0], $0xffff;
	_ =	sdelay $0x4  }
0x2c: {  	[tilespmem:s23+$0x0] =	vst v4  }
0x2d: {  	v3 =	vld.idx.msk [tilespmem:v3+s21+$0x0], $0xffff;
	_ =	sdelay $0x4  }
0x2e: {  	v3 =	vmul.f32 $1.442695020e+00, v3;
	_ =	sdelay $0x1  }
0x2f: {  	(erf) = vpow2.f32 v3;
	_ =	sdelay $0x1  }
0x30: {  	s8 =	simm.s32 $0x2  }
0x31: {  	v3 =	vmov s8  }
0x32: {  	v3 =	vshll.u32 v3, $0x3  }
0x33: {  	v3 =	vor.u32 v0, v3  }
0x34: {  	v3 =	vor.u32 v1, v3;
	_ =	sdelay $0x2  }
0x35: {  	v4 =	vpop (erf)  }
0x36: {  	[tilespmem:s12+$0x0] =	vst v4  }
0x37: {  	v4 =	vld.idx.msk [tilespmem:v3+s20+$0x0], $0xffff;
	_ =	sdelay $0x3  }
0x38: {  	s4 =	simm.s32 $0x1150  }
0x39: {  	[tilespmem:s4+$0x0] =	vst v4  }
0x3a: {  	v3 =	vld.idx.msk [tilespmem:v3+s21+$0x0], $0xffff;
	_ =	sdelay $0x4  }
0x3b: {  	v3 =	vmul.f32 $1.442695020e+00, v3;
	_ =	sdelay $0x1  }
0x3c: {  	(erf) = vpow2.f32 v3;
	_ =	sdelay $0x1  }
0x3d: {  	s7 =	simm.s32 $0x4  }
0x3e: {  	s8 =	simm.s32 $0x6;
	v3 =	vmov s7;
	s7 =	simm.s32 $0x1340  }
.LBB2_2:
0x3f: {  	p0 =	sne.s32 s8, $0x1E;
	v3 =	vshll.u32 v3, $0x3  }
0x40: {  	v3 =	vor.u32 v0, v3  }
0x41: {  	v3 =	vor.u32 v1, v3;
	_ =	sdelay $0x2  }
0x42: {  	s7 =	sadd.s32 $0x10, s7;
	v4 =	vpop (erf)  }
0x43: {  	[tilespmem:s7+$0x0] =	vst v4  }
0x44: {  	v4 =	vld.idx.msk [tilespmem:v3+s20+$0x0], $0xffff;
	_ =	sdelay $0x4  }
0x45: {  	s4 =	sadd.s32 $0x10, s4  }
0x46: {  	[tilespmem:s4+$0x0] =	vst v4  }
0x47: {  	v3 =	vld.idx.msk [tilespmem:v3+s21+$0x0], $0xffff;
	_ =	sdelay $0x5  }
0x48: {  	v3 =	vmul.f32 $1.442695020e+00, v3  }
.Ltmp0:
0x49: {  	(pc) =	sbr.rel @p0 .LBB2_2-.Ltmp0, $2  }
0x4a: {  	(erf) = vpow2.f32 v3;
	_ =	sdelay $0x2  }
0x4b: {  	v3 =	vmov s8;
	s8 =	sadd.s32 $0x2, s8  }
0x4c: {  	v3 =	vshll.u32 v3, $0x3  }
0x4d: {  	v3 =	vor.u32 v0, v3  }
0x4e: {  	v3 =	vor.u32 v1, v3;
	_ =	sdelay $0x2  }
0x4f: {  	s7 =	sadd.s32 $0x10, s7;
	v4 =	vpop (erf)  }
0x50: {  	[tilespmem:s7+$0x0] =	vst v4  }
0x51: {  	v4 =	vld.idx.msk [tilespmem:v3+s20+$0x0], $0xffff;
	_ =	sdelay $0x3  }
0x52: {  	s4 =	sadd.s32 $0x10, s4  }
0x53: {  	[tilespmem:s4+$0x0] =	vst v4  }
0x54: {  	v3 =	vld.idx.msk [tilespmem:v3+s21+$0x0], $0xffff;
	_ =	sdelay $0x4  }
0x55: {  	v3 =	vmul.f32 $1.442695020e+00, v3;
	_ =	sdelay $0x1  }
0x56: {  	(erf) = vpow2.f32 v3;
	_ =	sdelay $0x8  }
0x57: {  	s7 =	sadd.s32 $0x10, s7;
	v3 =	vpop (erf)  }
0x58: {  	[tilespmem:s7+$0x0] =	vst v3  }
0x59: {  	[tilespmem:s11], [sflag:$0x3] =	stream.indirect.gather [hbm4b:s3+s22], $0x40, s23, s22, $0xb8;
	[tilespmem:$0x13440] =	vst v63  }
0x5a: {  	s8 =	simm.s32 $0x0  }
0x5b: {  	v3 =	vmov s8;
	[tilespmem:s25], [sflag:$0x6] =	stream.indirect.gather [hbm4b:s5+s22], $0x8, s23, s22, $0xb8;
	[tilespmem:$0x13440] =	vst v63  }
0x5c: {  	v3 =	vshll.u32 v3, $0x3;
	_ =	swait.ge [sflag:s16], $0x800  }
0x5d: {  	v3 =	vor.u32 v0, v3;
	[sflag:s16] =	ssyncset.done $0x0  }
0x5e: {  	v3 =	vor.u32 v1, v3;
	[sflag:s16] =	ssyncadd.s32 $0xFFFFF800  }
0x5f: {  	[tilespmem:s26], [sflag:$0x6] =	stream.indirect.gather [hbm4b:s6+s22], $0x8, s23, s22, $0xb8;
	[tilespmem:$0x13440] =	vst v63  }
0x60: {  	_ =	swait.ge [sflag:s16], $0x800  }
0x61: {  	[sflag:s16] =	ssyncset.done $0x0  }
0x62: {  	[sflag:s16] =	ssyncadd.s32 $0xFFFFF800  }
0x63: {  	v4 =	vld.idx.msk [tilespmem:v3+s25+$0x0], $0xffff;
	_ =	sdelay $0x3  }
0x64: {  	s7 =	simm.s32 $0x1C40  }
0x65: {  	[tilespmem:s7+$0x0] =	vst v4  }
0x66: {  	v3 =	vld.idx.msk [tilespmem:v3+s26+$0x0], $0xffff;
	_ =	sdelay $0x4  }
0x67: {  	v3 =	vmul.f32 $1.442695020e+00, v3;
	_ =	sdelay $0x1  }
0x68: {  	(erf) = vpow2.f32 v3;
	_ =	sdelay $0x1  }
0x69: {  	s8 =	simm.s32 $0x2  }
0x6a: {  	v3 =	vmov s8  }
0x6b: {  	v3 =	vshll.u32 v3, $0x3  }
0x6c: {  	v3 =	vor.u32 v0, v3  }
0x6d: {  	v3 =	vor.u32 v1, v3;
	_ =	sdelay $0x2  }
0x6e: {  	s4 =	simm.s32 $0x2C40;
	v4 =	vpop (erf)  }
0x6f: {  	[tilespmem:s4+$0x0] =	vst v4  }
0x70: {  	v4 =	vld.idx.msk [tilespmem:v3+s25+$0x0], $0xffff;
	_ =	sdelay $0x3  }
0x71: {  	s7 =	simm.s32 $0x1C50  }
0x72: {  	[tilespmem:s7+$0x0] =	vst v4  }
0x73: {  	v3 =	vld.idx.msk [tilespmem:v3+s26+$0x0], $0xffff;
	_ =	sdelay $0x4  }
0x74: {  	v3 =	vmul.f32 $1.442695020e+00, v3;
	_ =	sdelay $0x1  }
0x75: {  	(erf) = vpow2.f32 v3;
	_ =	sdelay $0x1  }
0x76: {  	s8 =	simm.s32 $0x4  }
0x77: {  	v3 =	vmov s8;
	s8 =	simm.s32 $0x6  }
.LBB2_4:
0x78: {  	p0 =	sne.s32 s8, $0xFE;
	v3 =	vshll.u32 v3, $0x3  }
0x79: {  	v3 =	vor.u32 v0, v3  }
0x7a: {  	v3 =	vor.u32 v1, v3;
	_ =	sdelay $0x2  }
0x7b: {  	s4 =	sadd.s32 $0x10, s4;
	v4 =	vpop (erf)  }
0x7c: {  	[tilespmem:s4+$0x0] =	vst v4  }
0x7d: {  	v4 =	vld.idx.msk [tilespmem:v3+s25+$0x0], $0xffff;
	_ =	sdelay $0x4  }
0x7e: {  	s7 =	sadd.s32 $0x10, s7  }
0x7f: {  	[tilespmem:s7+$0x0] =	vst v4  }
0x80: {  	v3 =	vld.idx.msk [tilespmem:v3+s26+$0x0], $0xffff;
	_ =	sdelay $0x5  }
0x81: {  	v3 =	vmul.f32 $1.442695020e+00, v3  }
.Ltmp1:
0x82: {  	(pc) =	sbr.rel @p0 .LBB2_4-.Ltmp1, $2  }
0x83: {  	(erf) = vpow2.f32 v3;
	_ =	sdelay $0x2  }
0x84: {  	v3 =	vmov s8;
	s8 =	sadd.s32 $0x2, s8  }
0x85: {  	v3 =	vshll.u32 v3, $0x3  }
0x86: {  	v3 =	vor.u32 v0, v3  }
0x87: {  	v3 =	vor.u32 v1, v3;
	_ =	sdelay $0x2  }
0x88: {  	s4 =	sadd.s32 $0x10, s4;
	v4 =	vpop (erf)  }
0x89: {  	[tilespmem:s4+$0x0] =	vst v4  }
0x8a: {  	v4 =	vld.idx.msk [tilespmem:v3+s25+$0x0], $0xffff;
	_ =	sdelay $0x3  }
0x8b: {  	s7 =	sadd.s32 $0x10, s7  }
0x8c: {  	[tilespmem:s7+$0x0] =	vst v4  }
0x8d: {  	v3 =	vld.idx.msk [tilespmem:v3+s26+$0x0], $0xffff;
	_ =	sdelay $0x4  }
0x8e: {  	v3 =	vmul.f32 $1.442695020e+00, v3;
	_ =	sdelay $0x1  }
0x8f: {  	(erf) = vpow2.f32 v3;
	_ =	sdelay $0x8  }
0x90: {  	s4 =	sadd.s32 $0x10, s4;
	v3 =	vpop (erf)  }
0x91: {  	s7 =	rddreg [dreg:$0x6];
	[tilespmem:s4+$0x0] =	vst v3  }
0x92: {  	[hbm4b:s7+s2] =	stream.linear.scatter [tilespmem:s12], [sflag:$0x6], $0x100, $0x38;
	[tilespmem:$0x13440] =	vst v63  }
0x93: {  	_ =	swait.ge [sflag:s16], $0x100  }
0x94: {  	[sflag:s16] =	ssyncset.done $0x0  }
0x95: {  	s8 =	rddreg [dreg:$0x7];
	[sflag:s16] =	ssyncadd.s32 $0xFFFFFF00  }
0x96: {  	[hbm4b:s8+s2] =	stream.linear.scatter [tilespmem:s29], [sflag:$0x6], $0x800, $0x38;
	[tilespmem:$0x13440] =	vst v63  }
0x97: {  	_ =	swait.ge [sflag:s16], $0x800  }
0x98: {  	[sflag:s16] =	ssyncset.done $0x0  }
0x99: {  	[sflag:s16] =	ssyncadd.s32 $0xFFFFF800  }
0x9a: {  	_ =	swait.ge [sflag:s30], $0x800  }
0x9b: {  	[sflag:s30] =	ssyncset.done $0x0  }
0x9c: {  	s12 =	rddreg [dreg:$0x8];
	[sflag:s30] =	ssyncadd.s32 $0xFFFFF800  }
0x9d: {  	[hbm4b:s12+s2] =	stream.linear.scatter [tilespmem:s9], [sflag:$0x6], $0x800, $0x38;
	[tilespmem:$0x13440] =	vst v63  }
0x9e: {  	_ =	swait.ge [sflag:s16], $0x800  }
0x9f: {  	[sflag:s16] =	ssyncset.done $0x0  }
0xa0: {  	[sflag:s16] =	ssyncadd.s32 $0xFFFFF800  }
0xa1: {  	_ =	swait.ge [sflag:s31], $0x800  }
0xa2: {  	[sflag:s31] =	ssyncset.done $0x0  }
0xa3: {  	s7 =	rddreg [dreg:$0x9];
	[sflag:s31] =	ssyncadd.s32 $0xFFFFF800  }
0xa4: {  	[hbm4b:s7+s2] =	stream.linear.scatter [tilespmem:s10], [sflag:$0x6], $0x800, $0x38;
	[tilespmem:$0x13440] =	vst v63  }
0xa5: {  	_ =	swait.ge [sflag:s16], $0x800  }
0xa6: {  	[sflag:s16] =	ssyncset.done $0x0  }
0xa7: {  	[sflag:s16] =	ssyncadd.s32 $0xFFFFF800  }
0xa8: {  	_ =	swait.ge [sflag:s1], $0x4000  }
0xa9: {  	[sflag:s1] =	ssyncset.done $0x0  }
0xaa: {  	[sflag:s1] =	ssyncadd.s32 $0xFFFFC000  }
0xab: {  	[hbm4b:s13+s2] =	stream.linear.scatter [tilespmem:s11], [sflag:$0x6], $0x4000, $0x38;
	[tilespmem:$0x13440] =	vst v63  }
0xac: {  	s8 =	simm.s32 $0x1;
	s9 =	simm.s32 $0x0;
	_ =	swait.ge [sflag:s16], $0x4000  }
0xad: {  	v3 =	vmov s8;
	v4 =	vmov s9;
	[sflag:s16] =	ssyncset.done $0x0  }
0xae: {  	v3 =	vshrl.u32 v3, $0x3;
	v4 =	vshrl.u32 v4, $0x3;
	s10 =	simm.s32 $0x2;
	s11 =	simm.s32 $0x1C40;
	[sflag:s16] =	ssyncadd.s32 $0xFFFFC000  }
0xaf: {  	v3 =	vshll.u32 v3, v2;
	v4 =	vshll.u32 v4, v2;
	v5 =	vmov s10;
	[tilespmem:s0], [sflag:$0x4] =	stream.indirect.gather [hbm4b:s3+s22], $0x40, s11, s22, $0xb8;
	[tilespmem:$0x13440] =	vst v63  }
0xb0: {  	s8 =	simm.s32 $0x1D40;
	v3 =	vadd.s32 $0x1, v3;
	s12 =	simm.s32 $0x3;
	v4 =	vbroadcast v4, $0x0;
	v5 =	vshrl.u32 v5, $0x3  }
0xb1: {  	v3 =	vbroadcast v3, $0x0;
	v6 =	vmov s12;
	v5 =	vshll.u32 v5, v2;
	[tilespmem:s18], [sflag:$0x5] =	stream.indirect.gather [hbm4b:s3+s22], $0x40, s8, s22, $0xb8;
	[tilespmem:$0x13440] =	vst v63  }
0xb2: {  	s9 =	simm.s32 $0x4;
	v6 =	vshrl.u32 v6, $0x3;
	v5 =	vadd.s32 $0x2, v5;
	_ =	swait.ge [sflag:s19], $0x4000  }
0xb3: {  	v7 =	vmov s9;
	v6 =	vshll.u32 v6, v2;
	v5 =	vbroadcast v5, $0x0;
	[sflag:s19] =	ssyncset.done $0x0  }
0xb4: {  	v7 =	vshrl.u32 v7, $0x3;
	v6 =	vadd.s32 $0x3, v6;
	s7 =	simm.s32 $0x7540;
	s10 =	simm.s32 $0x5;
	[sflag:s19] =	ssyncadd.s32 $0xFFFFC000  }
0xb5: {  	v7 =	vshll.u32 v7, v2;
	v6 =	vbroadcast v6, $0x0;
	v8 =	vmov s10;
	v9 =	vld [tilespmem:s7+$0xFFFFFF00]  }
0xb6: {  	s11 =	simm.s32 $0x6;
	v10 =	vld.idx.msk [tilespmem:v4+s29+$0x0], $0xffff;
	v4 =	vadd.s32 $0x4, v7;
	v7 =	vshrl.u32 v8, $0x3  }
0xb7: {  	v8 =	vld.idx.msk [tilespmem:v3+s29+$0x0], $0xffff;
	v3 =	vbroadcast v4, $0x0;
	v4 =	vshll.u32 v7, v2;
	v7 =	vmov s11  }
0xb8: {  	s12 =	simm.s32 $0x7;
	v11 =	vld [tilespmem:s7+$0xFFFFFF40];
	v4 =	vadd.s32 $0x5, v4;
	v7 =	vshrl.u32 v7, $0x3  }
0xb9: {  	v13 =	vld.idx.msk [tilespmem:v5+s29+$0x0], $0xffff;
	v5 =	vbroadcast v4, $0x0;
	v4 =	vshll.u32 v7, v2;
	v7 =	vmov s12  }
0xba: {  	v12 =	vld [tilespmem:s7+$0xFFFFFF80];
	v4 =	vadd.s32 $0x6, v4;
	v7 =	vshrl.u32 v7, $0x3  }
0xbb: {  	v14 =	vld.idx.msk [tilespmem:v6+s29+$0x0], $0xffff;
	v6 =	vbroadcast v4, $0x0;
	v4 =	vshll.u32 v7, v2  }
0xbc: {  	v15 =	vld [tilespmem:s7+$0xFFFFFFC0];
	v9 =	vmul.f32 v9, v10;
	v7 =	vadd.s32 $0x7, v4  }
0xbd: {  	v4 =	vld.idx.msk [tilespmem:v3+s29+$0x0], $0xffff;
	v7 =	vbroadcast v7, $0x0;
	v3 =	vmul.f32 v11, v8  }
0xbe: {  	v11 =	vld [tilespmem:s7+$0x0]  }
0xbf: {  	v16 =	vld [tilespmem:s7+$0x40];
	v12 =	vmul.f32 v12, v13;
	v9 =	vadd.f32 v3, v9  }
0xc0: {  	v5 =	vld.idx.msk [tilespmem:v5+s29+$0x0], $0xffff  }
0xc1: {  	v3 =	vld.idx.msk [tilespmem:v6+s29+$0x0], $0xffff;
	v9 =	vadd.f32 v12, v9;
	v12 =	vmul.f32 v15, v14  }
0xc2: {  	v15 =	vld [tilespmem:s7+$0x80]  }
0xc3: {  	v6 =	vld.idx.msk [tilespmem:v7+s29+$0x0], $0xffff;
	v7 =	vadd.f32 v12, v9;
	v9 =	vmul.f32 v11, v4  }
0xc4: {  	v11 =	vld [tilespmem:s7+$0xC0]  }
0xc5: {  	v7 =	vadd.f32 v9, v7;
	v9 =	vmul.f32 v16, v5;
	_ =	sdelay $0x1  }
0xc6: {  	v7 =	vadd.f32 v9, v7;
	v9 =	vmul.f32 v15, v3;
	_ =	sdelay $0x1  }
0xc7: {  	v7 =	vadd.f32 v9, v7;
	v9 =	vmul.f32 v11, v6;
	_ =	sdelay $0x1  }
0xc8: {  	v7 =	vadd.f32 v9, v7  }
0xc9: {  	s4 =	simm.s32 $0xF460  }
0xca: {  	[tilespmem:s4+$0xFFFFFFE0] =	vst v7  }
0xcb: {  	v7 =	vld [tilespmem:s7+$0xFFFFFF10]  }
0xcc: {  	v9 =	vld [tilespmem:s7+$0xFFFFFF50];
	_ =	sdelay $0x1  }
0xcd: {  	v11 =	vld [tilespmem:s7+$0xFFFFFF90];
	_ =	sdelay $0x1  }
0xce: {  	v12 =	vld [tilespmem:s7+$0xFFFFFFD0]  }
0xcf: {  	v7 =	vmul.f32 v7, v10;
	v9 =	vmul.f32 v9, v8  }
0xd0: {  	v15 =	vld [tilespmem:s7+$0x10]  }
0xd1: {  	v7 =	vadd.f32 v9, v7;
	v9 =	vmul.f32 v11, v13  }
0xd2: {  	v11 =	vld [tilespmem:s7+$0x50]  }
0xd3: {  	v7 =	vadd.f32 v9, v7;
	v9 =	vmul.f32 v12, v14  }
0xd4: {  	v12 =	vld [tilespmem:s7+$0x90]  }
0xd5: {  	v7 =	vadd.f32 v9, v7;
	v9 =	vmul.f32 v15, v4  }
0xd6: {  	v15 =	vld [tilespmem:s7+$0xD0]  }
0xd7: {  	v7 =	vadd.f32 v9, v7;
	v9 =	vmul.f32 v11, v5;
	_ =	sdelay $0x1  }
0xd8: {  	v7 =	vadd.f32 v9, v7;
	v9 =	vmul.f32 v12, v3;
	_ =	sdelay $0x1  }
0xd9: {  	v7 =	vadd.f32 v9, v7;
	v9 =	vmul.f32 v15, v6;
	_ =	sdelay $0x1  }
0xda: {  	v7 =	vadd.f32 v9, v7;
	_ =	sdelay $0x1  }
0xdb: {  	[tilespmem:s4+$0xFFFFFFF0] =	vst v7  }
0xdc: {  	v7 =	vld [tilespmem:s7+$0xFFFFFF60]  }
0xdd: {  	v9 =	vld [tilespmem:s7+$0xFFFFFF20];
	_ =	sdelay $0x1  }
0xde: {  	v11 =	vld [tilespmem:s7+$0xFFFFFFA0];
	_ =	sdelay $0x1  }
0xdf: {  	v12 =	vld [tilespmem:s7+$0xFFFFFFE0]  }
0xe0: {  	v7 =	vmul.f32 v7, v8;
	v9 =	vmul.f32 v9, v10  }
0xe1: {  	v15 =	vld [tilespmem:s7+$0x20]  }
0xe2: {  	v7 =	vadd.f32 v7, v9;
	v9 =	vmul.f32 v11, v13  }
0xe3: {  	v11 =	vld [tilespmem:s7+$0x60]  }
0xe4: {  	v7 =	vadd.f32 v9, v7;
	v9 =	vmul.f32 v12, v14  }
0xe5: {  	v12 =	vld [tilespmem:s7+$0xA0]  }
0xe6: {  	v7 =	vadd.f32 v9, v7;
	v9 =	vmul.f32 v15, v4  }
0xe7: {  	v15 =	vld [tilespmem:s7+$0xE0]  }
0xe8: {  	v7 =	vadd.f32 v9, v7;
	v9 =	vmul.f32 v11, v5;
	_ =	sdelay $0x1  }
0xe9: {  	v7 =	vadd.f32 v9, v7;
	v9 =	vmul.f32 v12, v3;
	_ =	sdelay $0x1  }
0xea: {  	v7 =	vadd.f32 v9, v7;
	v9 =	vmul.f32 v15, v6;
	_ =	sdelay $0x1  }
0xeb: {  	v7 =	vadd.f32 v9, v7;
	_ =	sdelay $0x1  }
0xec: {  	[tilespmem:s4+$0x0] =	vst v7  }
0xed: {  	v7 =	vld [tilespmem:s7+$0xFFFFFF30]  }
0xee: {  	v9 =	vld [tilespmem:s7+$0xFFFFFF70];
	_ =	sdelay $0x1  }
0xef: {  	v15 =	vld [tilespmem:s7+$0xFFFFFFB0];
	_ =	sdelay $0x1  }
0xf0: {  	v63 =	vld [tilespmem:s7+$0xFFFFFFF0]  }
0xf1: {  	s8 =	simm.s32 $0x9;
	v7 =	vmul.f32 v7, v10;
	v8 =	vmul.f32 v9, v8  }
0xf2: {  	v12 =	vld [tilespmem:s7+$0x30];
	v9 =	vmov s8  }
0xf3: {  	v13 =	vmul.f32 v15, v13;
	v9 =	vshrl.u32 v9, $0x3;
	v17 =	vadd.f32 v8, v7;
	v8 =	vld [tilespmem:s7+$0xF0]  }
0xf4: {  	v11 =	vld [tilespmem:s7+$0x70];
	v9 =	vshll.u32 v9, v2  }
0xf5: {  	s9 =	simm.s32 $0xF460;
	s10 =	simm.s32 $0x17;
	s8 =	simm.s32 $0xF;
	v10 =	vmul.f32 v63, v14;
	v7 =	vld [tilespmem:s7+$0xB0];
	v9 =	vadd.s32 $0x1, v9;
	v13 =	vadd.f32 v13, v17  }
.LBB2_6:
0xf6: {  	s4 =	sadd.s32 $0x40, s4  }
0xf7: {  	v9 =	vbroadcast v9, $0x0;
	s7 =	sadd.s32 $0x200, s7;
	s11 =	smov.u32 s10;
	s12 =	sadd.s32 $0x8, s10  }
0xf8: {  	p0 =	sne.s32 s10, $0xFF;
	v4 =	vmul.f32 v12, v4;
	v10 =	vadd.f32 v10, v13;
	v6 =	vmul.f32 v8, v6;
	_ =	sdelay $0x1  }
0xf9: {  	s10 =	sadd.s32 $0xFFFFFFF9, s8;
	v5 =	vmul.f32 v11, v5;
	v4 =	vadd.f32 v4, v10  }
0xfa: {  	v8 =	vmov s10  }
0xfb: {  	v3 =	vmul.f32 v7, v3;
	s10 =	sadd.s32 $0xFFFFFFFB, s8;
	v8 =	vshrl.u32 v8, $0x3;
	v4 =	vadd.f32 v5, v4  }
0xfc: {  	v7 =	vmov s10;
	v5 =	vshll.u32 v8, v2  }
0xfd: {  	s10 =	sadd.s32 $0xFFFFFFFC, s8;
	v7 =	vshrl.u32 v7, $0x3;
	v5 =	vbroadcast v5, $0x0;
	v3 =	vadd.f32 v3, v4  }
0xfe: {  	v4 =	vshll.u32 v7, v2;
	v7 =	vmov s10  }
0xff: {  	s10 =	sadd.s32 $0xFFFFFFFD, s8;
	v4 =	vadd.s32 $0x2, v4;
	v7 =	vshrl.u32 v7, $0x3;
	v3 =	vadd.f32 v6, v3  }
0x100: {  	v4 =	vbroadcast v4, $0x0;
	v6 =	vshll.u32 v7, v2;
	v7 =	vmov s10  }
0x101: {  	s10 =	sadd.s32 $0xFFFFFFFE, s8;
	v6 =	vadd.s32 $0x3, v6;
	v7 =	vshrl.u32 v7, $0x3;
	[tilespmem:s9+$0x10] =	vst v3;
	s9 =	smov.u32 s4  }
0x102: {  	v8 =	vmov s10;
	v3 =	vbroadcast v6, $0x0;
	v6 =	vshll.u32 v7, v2;
	v11 =	vld [tilespmem:s7+$0xFFFFFF00]  }
0x103: {  	s10 =	sadd.s32 $0xFFFFFFFF, s8;
	v7 =	vld.idx.msk [tilespmem:v5+s29+$0x0], $0xffff;
	v5 =	vadd.s32 $0x4, v6;
	v6 =	vshrl.u32 v8, $0x3  }
0x104: {  	v8 =	vld.idx.msk [tilespmem:v9+s29+$0x0], $0xffff;
	v5 =	vbroadcast v5, $0x0;
	v6 =	vshll.u32 v6, v2;
	v9 =	vmov s10  }
0x105: {  	v6 =	vadd.s32 $0x5, v6;
	v10 =	vshrl.u32 v9, $0x3;
	v12 =	vld [tilespmem:s7+$0xFFFFFF40]  }
0x106: {  	v9 =	vld.idx.msk [tilespmem:v4+s29+$0x0], $0xffff;
	v6 =	vbroadcast v6, $0x0;
	v4 =	vshll.u32 v10, v2;
	v10 =	vmov s8;
	s8 =	smov.u32 s11  }
0x107: {  	v4 =	vadd.s32 $0x6, v4;
	v13 =	vshrl.u32 v10, $0x3;
	v14 =	vld [tilespmem:s7+$0xFFFFFF80]  }
0x108: {  	v10 =	vld.idx.msk [tilespmem:v3+s29+$0x0], $0xffff;
	v3 =	vbroadcast v4, $0x0;
	v4 =	vshll.u32 v13, v2  }
0x109: {  	v11 =	vmul.f32 v11, v7;
	v13 =	vadd.s32 $0x7, v4;
	v15 =	vld [tilespmem:s7+$0xFFFFFFC0]  }
0x10a: {  	v4 =	vld.idx.msk [tilespmem:v5+s29+$0x0], $0xffff;
	v13 =	vbroadcast v13, $0x0;
	v12 =	vmul.f32 v12, v8  }
0x10b: {  	v16 =	vld [tilespmem:s7+$0x0]  }
0x10c: {  	v5 =	vld.idx.msk [tilespmem:v6+s29+$0x0], $0xffff;
	v6 =	vadd.f32 v12, v11;
	v11 =	vmul.f32 v14, v9  }
0x10d: {  	v12 =	vld [tilespmem:s7+$0x40]  }
0x10e: {  	v3 =	vld.idx.msk [tilespmem:v3+s29+$0x0], $0xffff;
	v11 =	vadd.f32 v11, v6;
	v14 =	vmul.f32 v15, v10  }
0x10f: {  	v15 =	vld [tilespmem:s7+$0x80]  }
0x110: {  	v6 =	vld.idx.msk [tilespmem:v13+s29+$0x0], $0xffff;
	v11 =	vadd.f32 v14, v11;
	v13 =	vmul.f32 v16, v4  }
0x111: {  	v14 =	vld [tilespmem:s7+$0xC0]  }
0x112: {  	v11 =	vadd.f32 v13, v11;
	v12 =	vmul.f32 v12, v5;
	_ =	sdelay $0x1  }
0x113: {  	v11 =	vadd.f32 v12, v11;
	v12 =	vmul.f32 v15, v3;
	_ =	sdelay $0x1  }
0x114: {  	v11 =	vadd.f32 v12, v11;
	v12 =	vmul.f32 v14, v6;
	_ =	sdelay $0x1  }
0x115: {  	v11 =	vadd.f32 v12, v11;
	_ =	sdelay $0x1  }
0x116: {  	[tilespmem:s4+$0xFFFFFFE0] =	vst v11  }
0x117: {  	v11 =	vld [tilespmem:s7+$0xFFFFFF10]  }
0x118: {  	v12 =	vld [tilespmem:s7+$0xFFFFFF50];
	_ =	sdelay $0x1  }
0x119: {  	v13 =	vld [tilespmem:s7+$0xFFFFFF90];
	_ =	sdelay $0x1  }
0x11a: {  	v11 =	vmul.f32 v11, v7;
	v14 =	vld [tilespmem:s7+$0xFFFFFFD0]  }
0x11b: {  	v12 =	vmul.f32 v12, v8  }
0x11c: {  	v15 =	vld [tilespmem:s7+$0x10]  }
0x11d: {  	v11 =	vadd.f32 v12, v11;
	v12 =	vmul.f32 v13, v9  }
0x11e: {  	v13 =	vld [tilespmem:s7+$0x50]  }
0x11f: {  	v11 =	vadd.f32 v12, v11;
	v12 =	vmul.f32 v14, v10  }
0x120: {  	v14 =	vld [tilespmem:s7+$0x90]  }
0x121: {  	v11 =	vadd.f32 v12, v11;
	v12 =	vmul.f32 v15, v4  }
0x122: {  	v15 =	vld [tilespmem:s7+$0xD0]  }
0x123: {  	v11 =	vadd.f32 v12, v11;
	v12 =	vmul.f32 v13, v5;
	_ =	sdelay $0x1  }
0x124: {  	v11 =	vadd.f32 v12, v11;
	v12 =	vmul.f32 v14, v3;
	_ =	sdelay $0x1  }
0x125: {  	v11 =	vadd.f32 v12, v11;
	v12 =	vmul.f32 v15, v6;
	_ =	sdelay $0x1  }
0x126: {  	v11 =	vadd.f32 v12, v11;
	_ =	sdelay $0x1  }
0x127: {  	[tilespmem:s4+$0xFFFFFFF0] =	vst v11  }
0x128: {  	v11 =	vld [tilespmem:s7+$0xFFFFFF60]  }
0x129: {  	v12 =	vld [tilespmem:s7+$0xFFFFFF20];
	_ =	sdelay $0x1  }
0x12a: {  	v13 =	vld [tilespmem:s7+$0xFFFFFFA0];
	_ =	sdelay $0x1  }
0x12b: {  	v11 =	vmul.f32 v11, v8;
	v14 =	vld [tilespmem:s7+$0xFFFFFFE0]  }
0x12c: {  	v12 =	vmul.f32 v12, v7  }
0x12d: {  	v15 =	vld [tilespmem:s7+$0x20]  }
0x12e: {  	v11 =	vadd.f32 v11, v12;
	v12 =	vmul.f32 v13, v9  }
0x12f: {  	v13 =	vld [tilespmem:s7+$0x60]  }
0x130: {  	v11 =	vadd.f32 v12, v11;
	v12 =	vmul.f32 v14, v10  }
0x131: {  	v14 =	vld [tilespmem:s7+$0xA0]  }
0x132: {  	v11 =	vadd.f32 v12, v11;
	v12 =	vmul.f32 v15, v4  }
0x133: {  	v15 =	vld [tilespmem:s7+$0xE0]  }
0x134: {  	v11 =	vadd.f32 v12, v11;
	v12 =	vmul.f32 v13, v5;
	_ =	sdelay $0x1  }
0x135: {  	v11 =	vadd.f32 v12, v11;
	v12 =	vmul.f32 v14, v3;
	_ =	sdelay $0x1  }
0x136: {  	v11 =	vadd.f32 v12, v11;
	v12 =	vmul.f32 v15, v6;
	_ =	sdelay $0x1  }
0x137: {  	v11 =	vadd.f32 v12, v11;
	_ =	sdelay $0x1  }
0x138: {  	[tilespmem:s4+$0x0] =	vst v11  }
0x139: {  	v11 =	vld [tilespmem:s7+$0xFFFFFF30]  }
0x13a: {  	v13 =	vld [tilespmem:s7+$0xFFFFFF70]  }
0x13b: {  	v14 =	vld [tilespmem:s7+$0xFFFFFFB0]  }
0x13c: {  	v15 =	vld [tilespmem:s7+$0xFFFFFFF0]  }
0x13d: {  	v12 =	vld [tilespmem:s7+$0x30]  }
0x13e: {  	v16 =	vmul.f32 v11, v7;
	v11 =	vld [tilespmem:s7+$0x70]  }
.Ltmp2:
0x13f: {  	s10 =	sadd.s32 $0xFFFFFFFA, s8;
	v13 =	vmul.f32 v13, v8;
	v7 =	vld [tilespmem:s7+$0xB0];
	(pc) =	sbr.rel @p0 .LBB2_6-.Ltmp2, $4  }
0x140: {  	v17 =	vmov s10;
	v8 =	vld [tilespmem:s7+$0xF0]  }
0x141: {  	v17 =	vshrl.u32 v17, $0x3;
	v14 =	vmul.f32 v14, v9;
	v13 =	vadd.f32 v13, v16  }
0x142: {  	v9 =	vshll.u32 v17, v2;
	v10 =	vmul.f32 v15, v10  }
0x143: {  	s10 =	smov.u32 s12;
	v9 =	vadd.s32 $0x1, v9;
	v13 =	vadd.f32 v14, v13  }
0x144: {  	_ = 	snop  }
0x145: {  	v4 =	vmul.f32 v12, v4;
	v10 =	vadd.f32 v10, v13;
	_ =	sdelay $0x1  }
0x146: {  	s10 =	sadd.s32 $0xFFFFFFF9, s8;
	v5 =	vmul.f32 v11, v5;
	v4 =	vadd.f32 v4, v10  }
0x147: {  	v10 =	vmov s10  }
0x148: {  	s12 =	sadd.s32 $0xFFFFFFFB, s8;
	v3 =	vmul.f32 v7, v3;
	v10 =	vshrl.u32 v10, $0x3;
	v4 =	vadd.f32 v5, v4  }
0x149: {  	v7 =	vmov s12;
	v5 =	vmul.f32 v8, v6;
	v6 =	vshll.u32 v10, v2  }
0x14a: {  	v7 =	vshrl.u32 v7, $0x3;
	v6 =	vbroadcast v6, $0x0;
	v3 =	vadd.f32 v3, v4  }
0x14b: {  	s11 =	sadd.s32 $0xFFFFFFFC, s8;
	v7 =	vshll.u32 v7, v2  }
0x14c: {  	v8 =	vmov s11;
	v4 =	vbroadcast v9, $0x0;
	v3 =	vadd.f32 v5, v3  }
0x14d: {  	s12 =	sadd.s32 $0xFFFFFFFD, s8;
	v7 =	vadd.s32 $0x2, v7;
	v8 =	vshrl.u32 v8, $0x3  }
0x14e: {  	s7 =	sadd.s32 $0x200, s7;
	v5 =	vbroadcast v7, $0x0;
	v7 =	vshll.u32 v8, v2;
	v8 =	vmov s12;
	[tilespmem:s9+$0x10] =	vst v3  }
0x14f: {  	v12 =	vmov s8;
	s11 =	sadd.s32 $0xFFFFFFFE, s8;
	v7 =	vadd.s32 $0x3, v7;
	v8 =	vshrl.u32 v8, $0x3;
	v9 =	vld [tilespmem:s7+$0xFFFFFF00]  }
0x150: {  	s12 =	sadd.s32 $0xFFFFFFFF, s8;
	v3 =	vbroadcast v7, $0x0;
	v7 =	vshll.u32 v8, v2;
	v8 =	vmov s11;
	v6 =	vld.idx.msk [tilespmem:v6+s29+$0x0], $0xffff  }
0x151: {  	v10 =	vmov s12;
	v7 =	vadd.s32 $0x4, v7;
	v8 =	vshrl.u32 v8, $0x3;
	v11 =	vld [tilespmem:s7+$0xFFFFFF40]  }
0x152: {  	v10 =	vshrl.u32 v10, $0x3;
	v4 =	vld.idx.msk [tilespmem:v4+s29+$0x0], $0xffff;
	v7 =	vbroadcast v7, $0x0;
	v8 =	vshll.u32 v8, v2  }
0x153: {  	v12 =	vshrl.u32 v12, $0x3;
	v10 =	vshll.u32 v10, v2;
	v13 =	vld [tilespmem:s7+$0xFFFFFF80];
	v8 =	vadd.s32 $0x5, v8  }
0x154: {  	v12 =	vshll.u32 v12, v2;
	v10 =	vadd.s32 $0x6, v10;
	v5 =	vld.idx.msk [tilespmem:v5+s29+$0x0], $0xffff;
	v8 =	vbroadcast v8, $0x0  }
0x155: {  	v12 =	vadd.s32 $0x7, v12;
	v14 =	vld [tilespmem:s7+$0xFFFFFFC0];
	v10 =	vbroadcast v10, $0x0  }
0x156: {  	v12 =	vbroadcast v12, $0x0;
	v3 =	vld.idx.msk [tilespmem:v3+s29+$0x0], $0xffff  }
0x157: {  	v15 =	vld [tilespmem:s7+$0x0];
	v9 =	vmul.f32 v9, v6;
	v11 =	vmul.f32 v11, v4  }
0x158: {  	v7 =	vld.idx.msk [tilespmem:v7+s29+$0x0], $0xffff  }
0x159: {  	v9 =	vadd.f32 v11, v9;
	v11 =	vmul.f32 v13, v5;
	v13 =	vld [tilespmem:s7+$0x40]  }
0x15a: {  	v8 =	vld.idx.msk [tilespmem:v8+s29+$0x0], $0xffff  }
0x15b: {  	v10 =	vld.idx.msk [tilespmem:v10+s29+$0x0], $0xffff;
	v9 =	vadd.f32 v11, v9;
	v11 =	vmul.f32 v14, v3  }
0x15c: {  	v14 =	vld [tilespmem:s7+$0x80]  }
0x15d: {  	v12 =	vld.idx.msk [tilespmem:v12+s29+$0x0], $0xffff;
	v9 =	vadd.f32 v11, v9;
	v11 =	vmul.f32 v15, v7  }
0x15e: {  	v15 =	vld [tilespmem:s7+$0xC0]  }
0x15f: {  	v9 =	vadd.f32 v11, v9;
	v11 =	vmul.f32 v13, v8;
	_ =	sdelay $0x1  }
0x160: {  	v9 =	vadd.f32 v11, v9;
	v11 =	vmul.f32 v14, v10;
	_ =	sdelay $0x1  }
0x161: {  	v9 =	vadd.f32 v11, v9;
	v11 =	vmul.f32 v15, v12;
	_ =	sdelay $0x1  }
0x162: {  	v9 =	vadd.f32 v11, v9  }
0x163: {  	s4 =	sadd.s32 $0x40, s4  }
0x164: {  	[tilespmem:s4+$0xFFFFFFE0] =	vst v9  }
0x165: {  	v9 =	vld [tilespmem:s7+$0xFFFFFF10]  }
0x166: {  	v11 =	vld [tilespmem:s7+$0xFFFFFF50];
	_ =	sdelay $0x1  }
0x167: {  	v13 =	vld [tilespmem:s7+$0xFFFFFF90];
	_ =	sdelay $0x1  }
0x168: {  	v14 =	vld [tilespmem:s7+$0xFFFFFFD0]  }
0x169: {  	v9 =	vmul.f32 v9, v6;
	v11 =	vmul.f32 v11, v4  }
0x16a: {  	v15 =	vld [tilespmem:s7+$0x10]  }
0x16b: {  	v9 =	vadd.f32 v11, v9;
	v11 =	vmul.f32 v13, v5  }
0x16c: {  	v13 =	vld [tilespmem:s7+$0x50]  }
0x16d: {  	v9 =	vadd.f32 v11, v9;
	v11 =	vmul.f32 v14, v3  }
0x16e: {  	v14 =	vld [tilespmem:s7+$0x90]  }
0x16f: {  	v9 =	vadd.f32 v11, v9;
	v11 =	vmul.f32 v15, v7  }
0x170: {  	v15 =	vld [tilespmem:s7+$0xD0]  }
0x171: {  	v9 =	vadd.f32 v11, v9;
	v11 =	vmul.f32 v13, v8;
	_ =	sdelay $0x1  }
0x172: {  	v9 =	vadd.f32 v11, v9;
	v11 =	vmul.f32 v14, v10;
	_ =	sdelay $0x1  }
0x173: {  	v9 =	vadd.f32 v11, v9;
	v11 =	vmul.f32 v15, v12;
	_ =	sdelay $0x1  }
0x174: {  	v9 =	vadd.f32 v11, v9;
	_ =	sdelay $0x1  }
0x175: {  	[tilespmem:s4+$0xFFFFFFF0] =	vst v9  }
0x176: {  	v9 =	vld [tilespmem:s7+$0xFFFFFF60]  }
0x177: {  	v11 =	vld [tilespmem:s7+$0xFFFFFF20];
	_ =	sdelay $0x1  }
0x178: {  	v13 =	vld [tilespmem:s7+$0xFFFFFFA0];
	_ =	sdelay $0x1  }
0x179: {  	v14 =	vld [tilespmem:s7+$0xFFFFFFE0]  }
0x17a: {  	v9 =	vmul.f32 v9, v4;
	v11 =	vmul.f32 v11, v6  }
0x17b: {  	v15 =	vld [tilespmem:s7+$0x20]  }
0x17c: {  	v9 =	vadd.f32 v9, v11;
	v11 =	vmul.f32 v13, v5  }
0x17d: {  	v13 =	vld [tilespmem:s7+$0x60]  }
0x17e: {  	v9 =	vadd.f32 v11, v9;
	v11 =	vmul.f32 v14, v3  }
0x17f: {  	v14 =	vld [tilespmem:s7+$0xA0]  }
0x180: {  	v9 =	vadd.f32 v11, v9;
	v11 =	vmul.f32 v15, v7  }
0x181: {  	v15 =	vld [tilespmem:s7+$0xE0]  }
0x182: {  	v9 =	vadd.f32 v11, v9;
	v11 =	vmul.f32 v13, v8;
	_ =	sdelay $0x1  }
0x183: {  	v9 =	vadd.f32 v11, v9;
	v11 =	vmul.f32 v14, v10;
	_ =	sdelay $0x1  }
0x184: {  	v9 =	vadd.f32 v11, v9;
	v11 =	vmul.f32 v15, v12;
	_ =	sdelay $0x1  }
0x185: {  	v9 =	vadd.f32 v11, v9;
	_ =	sdelay $0x1  }
0x186: {  	[tilespmem:s4+$0x0] =	vst v9  }
0x187: {  	v9 =	vld [tilespmem:s7+$0xFFFFFF30]  }
0x188: {  	v11 =	vld [tilespmem:s7+$0xFFFFFF70];
	_ =	sdelay $0x1  }
0x189: {  	v13 =	vld [tilespmem:s7+$0xFFFFFFB0];
	_ =	sdelay $0x1  }
0x18a: {  	v14 =	vld [tilespmem:s7+$0xFFFFFFF0]  }
0x18b: {  	v6 =	vmul.f32 v9, v6;
	v4 =	vmul.f32 v11, v4  }
0x18c: {  	v9 =	vld [tilespmem:s7+$0x30]  }
0x18d: {  	v5 =	vmul.f32 v13, v5;
	v4 =	vadd.f32 v4, v6  }
0x18e: {  	v6 =	vld [tilespmem:s7+$0x70]  }
0x18f: {  	v3 =	vmul.f32 v14, v3;
	v4 =	vadd.f32 v5, v4  }
0x190: {  	v5 =	vld [tilespmem:s7+$0xB0]  }
0x191: {  	v3 =	vadd.f32 v3, v4;
	v4 =	vmul.f32 v9, v7  }
0x192: {  	v7 =	vld [tilespmem:s7+$0xF0]  }
0x193: {  	v3 =	vadd.f32 v4, v3;
	v4 =	vmul.f32 v6, v8;
	_ =	sdelay $0x1  }
0x194: {  	v3 =	vadd.f32 v4, v3;
	v4 =	vmul.f32 v5, v10;
	_ =	sdelay $0x1  }
0x195: {  	s10 =	simm.s32 $0x100;
	v5 =	vmul.f32 v7, v12;
	v3 =	vadd.f32 v4, v3  }
0x196: {  	v4 =	vmov s10  }
0x197: {  	v4 =	vshrl.u32 v4, $0x3;
	v3 =	vadd.f32 v5, v3  }
0x198: {  	v4 =	vshll.u32 v4, v2  }
0x199: {  	s11 =	simm.s32 $0x1E40;
	v5 =	vadd.s32 $0x1, v4;
	[tilespmem:s4+$0x10] =	vst v3;
	v3 =	vbroadcast v4, $0x0  }
0x19a: {  	v5 =	vbroadcast v5, $0x0;
	[tilespmem:s0], [sflag:$0x4] =	stream.indirect.gather [hbm4b:s3+s10], $0x40, s11, s10, $0xb8;
	[tilespmem:$0x13440] =	vst v63  }
0x19b: {  	_ =	swait.ge [sflag:s24], $0x4000  }
0x19c: {  	v6 =	vadd.s32 $0x2, v4;
	[sflag:s24] =	ssyncset.done $0x0  }
0x19d: {  	v6 =	vbroadcast v6, $0x0;
	s4 =	simm.s32 $0xB540;
	[sflag:s24] =	ssyncadd.s32 $0xFFFFC000  }
0x19e: {  	v7 =	vadd.s32 $0x3, v4;
	v8 =	vld [tilespmem:s4+$0xFFFFFF40]  }
0x19f: {  	v7 =	vbroadcast v7, $0x0;
	v10 =	vld.idx.msk [tilespmem:v3+s29+$0x0], $0xffff  }
0x1a0: {  	v9 =	vadd.s32 $0x4, v4;
	v11 =	vld.idx.msk [tilespmem:v5+s29+$0x0], $0xffff  }
0x1a1: {  	v3 =	vbroadcast v9, $0x0;
	v5 =	vadd.s32 $0x5, v4;
	v9 =	vld [tilespmem:s4+$0xFFFFFF00]  }
0x1a2: {  	v13 =	vld [tilespmem:s4+$0xFFFFFF80];
	v5 =	vbroadcast v5, $0x0  }
0x1a3: {  	v12 =	vld.idx.msk [tilespmem:v6+s29+$0x0], $0xffff;
	v6 =	vadd.s32 $0x6, v4  }
0x1a4: {  	v15 =	vld [tilespmem:s4+$0xFFFFFFC0];
	v4 =	vadd.s32 $0x7, v4;
	v6 =	vbroadcast v6, $0x0  }
0x1a5: {  	v7 =	vld.idx.msk [tilespmem:v7+s29+$0x0], $0xffff;
	v14 =	vbroadcast v4, $0x0  }
0x1a6: {  	v16 =	vld [tilespmem:s4+$0x0];
	v9 =	vmul.f32 v9, v10;
	v8 =	vmul.f32 v8, v11  }
0x1a7: {  	v3 =	vld.idx.msk [tilespmem:v3+s29+$0x0], $0xffff  }
0x1a8: {  	v4 =	vld.idx.msk [tilespmem:v5+s29+$0x0], $0xffff;
	v8 =	vadd.f32 v8, v9;
	v9 =	vmul.f32 v13, v12  }
0x1a9: {  	v13 =	vld [tilespmem:s4+$0x40]  }
0x1aa: {  	v5 =	vld.idx.msk [tilespmem:v6+s29+$0x0], $0xffff;
	v8 =	vadd.f32 v9, v8;
	v9 =	vmul.f32 v15, v7  }
0x1ab: {  	v15 =	vld [tilespmem:s4+$0x80]  }
0x1ac: {  	v6 =	vld.idx.msk [tilespmem:v14+s29+$0x0], $0xffff;
	v8 =	vadd.f32 v9, v8;
	v9 =	vmul.f32 v16, v3  }
0x1ad: {  	v14 =	vld [tilespmem:s4+$0xC0]  }
0x1ae: {  	v8 =	vadd.f32 v9, v8;
	v9 =	vmul.f32 v13, v4;
	_ =	sdelay $0x1  }
0x1af: {  	v8 =	vadd.f32 v9, v8;
	v9 =	vmul.f32 v15, v5;
	_ =	sdelay $0x1  }
0x1b0: {  	v8 =	vadd.f32 v9, v8;
	v9 =	vmul.f32 v14, v6;
	_ =	sdelay $0x1  }
0x1b1: {  	v8 =	vadd.f32 v9, v8  }
0x1b2: {  	s7 =	simm.s32 $0xFC70  }
0x1b3: {  	[tilespmem:s7+$0xFFFFFFD0] =	vst v8  }
0x1b4: {  	v8 =	vld [tilespmem:s4+$0xFFFFFF10]  }
0x1b5: {  	v9 =	vld [tilespmem:s4+$0xFFFFFF50];
	_ =	sdelay $0x1  }
0x1b6: {  	v13 =	vld [tilespmem:s4+$0xFFFFFF90];
	_ =	sdelay $0x1  }
0x1b7: {  	v14 =	vld [tilespmem:s4+$0xFFFFFFD0]  }
0x1b8: {  	v8 =	vmul.f32 v8, v10;
	v9 =	vmul.f32 v9, v11  }
0x1b9: {  	v15 =	vld [tilespmem:s4+$0x10]  }
0x1ba: {  	v8 =	vadd.f32 v9, v8;
	v9 =	vmul.f32 v13, v12  }
0x1bb: {  	v13 =	vld [tilespmem:s4+$0x50]  }
0x1bc: {  	v8 =	vadd.f32 v9, v8;
	v9 =	vmul.f32 v14, v7  }
0x1bd: {  	v14 =	vld [tilespmem:s4+$0x90]  }
0x1be: {  	v8 =	vadd.f32 v9, v8;
	v9 =	vmul.f32 v15, v3  }
0x1bf: {  	v15 =	vld [tilespmem:s4+$0xD0]  }
0x1c0: {  	v8 =	vadd.f32 v9, v8;
	v9 =	vmul.f32 v13, v4;
	_ =	sdelay $0x1  }
0x1c1: {  	v8 =	vadd.f32 v9, v8;
	v9 =	vmul.f32 v14, v5;
	_ =	sdelay $0x1  }
0x1c2: {  	v8 =	vadd.f32 v9, v8;
	v9 =	vmul.f32 v15, v6;
	_ =	sdelay $0x1  }
0x1c3: {  	v8 =	vadd.f32 v9, v8;
	_ =	sdelay $0x1  }
0x1c4: {  	[tilespmem:s7+$0xFFFFFFE0] =	vst v8  }
0x1c5: {  	v8 =	vld [tilespmem:s4+$0xFFFFFF20]  }
0x1c6: {  	v9 =	vld [tilespmem:s4+$0xFFFFFF60];
	_ =	sdelay $0x1  }
0x1c7: {  	v13 =	vld [tilespmem:s4+$0xFFFFFFA0];
	_ =	sdelay $0x1  }
0x1c8: {  	v14 =	vld [tilespmem:s4+$0xFFFFFFE0]  }
0x1c9: {  	v8 =	vmul.f32 v8, v10;
	v9 =	vmul.f32 v9, v11  }
0x1ca: {  	v15 =	vld [tilespmem:s4+$0x20]  }
0x1cb: {  	v8 =	vadd.f32 v9, v8;
	v9 =	vmul.f32 v13, v12  }
0x1cc: {  	v13 =	vld [tilespmem:s4+$0x60]  }
0x1cd: {  	v8 =	vadd.f32 v9, v8;
	v9 =	vmul.f32 v14, v7  }
0x1ce: {  	v14 =	vld [tilespmem:s4+$0xA0]  }
0x1cf: {  	v8 =	vadd.f32 v9, v8;
	v9 =	vmul.f32 v15, v3  }
0x1d0: {  	v15 =	vld [tilespmem:s4+$0xE0]  }
0x1d1: {  	v8 =	vadd.f32 v9, v8;
	v9 =	vmul.f32 v13, v4;
	_ =	sdelay $0x1  }
0x1d2: {  	v8 =	vadd.f32 v9, v8;
	v9 =	vmul.f32 v14, v5;
	_ =	sdelay $0x1  }
0x1d3: {  	v8 =	vadd.f32 v9, v8;
	v9 =	vmul.f32 v15, v6;
	_ =	sdelay $0x1  }
0x1d4: {  	v8 =	vadd.f32 v9, v8;
	_ =	sdelay $0x1  }
0x1d5: {  	[tilespmem:s7+$0xFFFFFFF0] =	vst v8  }
0x1d6: {  	v8 =	vld [tilespmem:s4+$0xFFFFFF30]  }
0x1d7: {  	v9 =	vld [tilespmem:s4+$0xFFFFFF70];
	_ =	sdelay $0x1  }
0x1d8: {  	v14 =	vld [tilespmem:s4+$0xFFFFFFB0]  }
0x1d9: {  	v15 =	vld [tilespmem:s4+$0xFFFFFFF0];
	_ =	sdelay $0x1  }
0x1da: {  	s12 =	simm.s32 $0x108;
	v8 =	vmul.f32 v8, v10;
	v9 =	vmul.f32 v9, v11  }
0x1db: {  	v13 =	vld [tilespmem:s4+$0x30];
	v11 =	vmov s12  }
0x1dc: {  	v10 =	vld [tilespmem:s4+$0x70];
	v18 =	vmul.f32 v14, v12;
	v16 =	vshrl.u32 v11, $0x3;
	v17 =	vadd.f32 v9, v8  }
0x1dd: {  	v12 =	vld [tilespmem:s4+$0xF0];
	v9 =	vshll.u32 v16, v2;
	v8 =	vmul.f32 v15, v7  }
0x1de: {  	s8 =	simm.s32 $0xFC70;
	s11 =	simm.s32 $0x110;
	v11 =	vld [tilespmem:s4+$0xB0];
	v7 =	vbroadcast v9, $0x0;
	v14 =	vadd.s32 $0x1, v9;
	v15 =	vadd.f32 v18, v17  }
.LBB2_8:
0x1df: {  	s4 =	sadd.s32 $0x200, s4  }
0x1e0: {  	v14 =	vbroadcast v14, $0x0;
	v16 =	vadd.s32 $0x3, v9;
	v17 =	vadd.s32 $0x4, v9;
	s7 =	sadd.s32 $0x40, s7;
	s10 =	smov.u32 s11;
	s9 =	sadd.s32 $0x8, s11  }
0x1e1: {  	p0 =	sne.s32 s11, $0x1F8;
	v18 =	vadd.s32 $0x2, v9;
	v3 =	vmul.f32 v13, v3;
	v8 =	vadd.f32 v8, v15  }
0x1e2: {  	v13 =	vbroadcast v18, $0x0;
	v15 =	vadd.s32 $0x5, v9;
	v18 =	vadd.s32 $0x6, v9  }
0x1e3: {  	v19 =	vadd.s32 $0x7, v9;
	v4 =	vmul.f32 v10, v4;
	v3 =	vadd.f32 v3, v8;
	_ =	sdelay $0x1  }
0x1e4: {  	v3 =	vadd.f32 v4, v3;
	v4 =	vmul.f32 v11, v5;
	_ =	sdelay $0x1  }
0x1e5: {  	v3 =	vadd.f32 v4, v3;
	v4 =	vmul.f32 v12, v6;
	_ =	sdelay $0x1  }
0x1e6: {  	v3 =	vadd.f32 v4, v3;
	_ =	sdelay $0x1  }
0x1e7: {  	[tilespmem:s8+$0x0] =	vst v3;
	s8 =	smov.u32 s7  }
0x1e8: {  	v3 =	vbroadcast v16, $0x0;
	v4 =	vld [tilespmem:s4+$0xFFFFFF40]  }
0x1e9: {  	v10 =	vld.idx.msk [tilespmem:v7+s29+$0x0], $0xffff  }
0x1ea: {  	v5 =	vbroadcast v17, $0x0;
	v9 =	vld.idx.msk [tilespmem:v14+s29+$0x0], $0xffff  }
0x1eb: {  	v6 =	vld [tilespmem:s4+$0xFFFFFF00]  }
0x1ec: {  	v11 =	vbroadcast v15, $0x0;
	v7 =	vld.idx.msk [tilespmem:v13+s29+$0x0], $0xffff  }
0x1ed: {  	v12 =	vld [tilespmem:s4+$0xFFFFFF80]  }
0x1ee: {  	v13 =	vbroadcast v18, $0x0;
	v8 =	vld.idx.msk [tilespmem:v3+s29+$0x0], $0xffff  }
0x1ef: {  	v14 =	vbroadcast v19, $0x0;
	v15 =	vld [tilespmem:s4+$0xFFFFFFC0]  }
0x1f0: {  	v3 =	vld.idx.msk [tilespmem:v5+s29+$0x0], $0xffff;
	v5 =	vmul.f32 v6, v10;
	v6 =	vmul.f32 v4, v9  }
0x1f1: {  	v16 =	vld [tilespmem:s4+$0x0]  }
0x1f2: {  	v4 =	vld.idx.msk [tilespmem:v11+s29+$0x0], $0xffff;
	v6 =	vadd.f32 v6, v5;
	v11 =	vmul.f32 v12, v7  }
0x1f3: {  	v12 =	vld [tilespmem:s4+$0x40]  }
0x1f4: {  	v5 =	vld.idx.msk [tilespmem:v13+s29+$0x0], $0xffff;
	v11 =	vadd.f32 v11, v6;
	v13 =	vmul.f32 v15, v8  }
0x1f5: {  	v15 =	vld [tilespmem:s4+$0x80]  }
0x1f6: {  	v6 =	vld.idx.msk [tilespmem:v14+s29+$0x0], $0xffff;
	v11 =	vadd.f32 v13, v11;
	v13 =	vmul.f32 v16, v3  }
0x1f7: {  	v14 =	vld [tilespmem:s4+$0xC0]  }
0x1f8: {  	v11 =	vadd.f32 v13, v11;
	v12 =	vmul.f32 v12, v4;
	_ =	sdelay $0x1  }
0x1f9: {  	v11 =	vadd.f32 v12, v11;
	v12 =	vmul.f32 v15, v5;
	_ =	sdelay $0x1  }
0x1fa: {  	v11 =	vadd.f32 v12, v11;
	v12 =	vmul.f32 v14, v6;
	_ =	sdelay $0x1  }
0x1fb: {  	v11 =	vadd.f32 v12, v11;
	_ =	sdelay $0x1  }
0x1fc: {  	[tilespmem:s7+$0xFFFFFFD0] =	vst v11  }
0x1fd: {  	v11 =	vld [tilespmem:s4+$0xFFFFFF10]  }
0x1fe: {  	v12 =	vld [tilespmem:s4+$0xFFFFFF50];
	_ =	sdelay $0x1  }
0x1ff: {  	v13 =	vld [tilespmem:s4+$0xFFFFFF90];
	_ =	sdelay $0x1  }
0x200: {  	v11 =	vmul.f32 v11, v10;
	v14 =	vld [tilespmem:s4+$0xFFFFFFD0]  }
0x201: {  	v12 =	vmul.f32 v12, v9  }
0x202: {  	v15 =	vld [tilespmem:s4+$0x10]  }
0x203: {  	v11 =	vadd.f32 v12, v11;
	v12 =	vmul.f32 v13, v7  }
0x204: {  	v13 =	vld [tilespmem:s4+$0x50]  }
0x205: {  	v11 =	vadd.f32 v12, v11;
	v12 =	vmul.f32 v14, v8  }
0x206: {  	v14 =	vld [tilespmem:s4+$0x90]  }
0x207: {  	v11 =	vadd.f32 v12, v11;
	v12 =	vmul.f32 v15, v3  }
0x208: {  	v15 =	vld [tilespmem:s4+$0xD0]  }
0x209: {  	v11 =	vadd.f32 v12, v11;
	v12 =	vmul.f32 v13, v4;
	_ =	sdelay $0x1  }
0x20a: {  	v11 =	vadd.f32 v12, v11;
	v12 =	vmul.f32 v14, v5;
	_ =	sdelay $0x1  }
0x20b: {  	v11 =	vadd.f32 v12, v11;
	v12 =	vmul.f32 v15, v6;
	_ =	sdelay $0x1  }
0x20c: {  	v11 =	vadd.f32 v12, v11;
	_ =	sdelay $0x1  }
0x20d: {  	[tilespmem:s7+$0xFFFFFFE0] =	vst v11  }
0x20e: {  	v11 =	vld [tilespmem:s4+$0xFFFFFF20]  }
0x20f: {  	v12 =	vld [tilespmem:s4+$0xFFFFFF60];
	_ =	sdelay $0x1  }
0x210: {  	v13 =	vld [tilespmem:s4+$0xFFFFFFA0];
	_ =	sdelay $0x1  }
0x211: {  	v11 =	vmul.f32 v11, v10;
	v14 =	vld [tilespmem:s4+$0xFFFFFFE0]  }
0x212: {  	v12 =	vmul.f32 v12, v9  }
0x213: {  	v15 =	vld [tilespmem:s4+$0x20]  }
0x214: {  	v11 =	vadd.f32 v12, v11;
	v12 =	vmul.f32 v13, v7  }
0x215: {  	v13 =	vld [tilespmem:s4+$0x60]  }
0x216: {  	v11 =	vadd.f32 v12, v11;
	v12 =	vmul.f32 v14, v8  }
0x217: {  	v14 =	vld [tilespmem:s4+$0xA0]  }
0x218: {  	v11 =	vadd.f32 v12, v11;
	v12 =	vmul.f32 v15, v3  }
0x219: {  	v15 =	vld [tilespmem:s4+$0xE0]  }
0x21a: {  	v11 =	vadd.f32 v12, v11;
	v12 =	vmul.f32 v13, v4;
	_ =	sdelay $0x1  }
0x21b: {  	v11 =	vadd.f32 v12, v11;
	v12 =	vmul.f32 v14, v5;
	_ =	sdelay $0x1  }
0x21c: {  	v11 =	vadd.f32 v12, v11;
	v12 =	vmul.f32 v15, v6;
	_ =	sdelay $0x1  }
0x21d: {  	v11 =	vadd.f32 v12, v11;
	_ =	sdelay $0x1  }
0x21e: {  	[tilespmem:s7+$0xFFFFFFF0] =	vst v11  }
0x21f: {  	v11 =	vld [tilespmem:s4+$0xFFFFFF30]  }
0x220: {  	v12 =	vld [tilespmem:s4+$0xFFFFFF70]  }
0x221: {  	v14 =	vld [tilespmem:s4+$0xFFFFFFB0]  }
0x222: {  	v15 =	vld [tilespmem:s4+$0xFFFFFFF0]  }
0x223: {  	v13 =	vld [tilespmem:s4+$0x30]  }
0x224: {  	v16 =	vmul.f32 v11, v10;
	v10 =	vld [tilespmem:s4+$0x70]  }
.Ltmp3:
0x225: {  	v9 =	vmul.f32 v12, v9;
	v11 =	vld [tilespmem:s4+$0xB0];
	(pc) =	sbr.rel @p0 .LBB2_8-.Ltmp3, $4  }
0x226: {  	v17 =	vmov s10;
	v12 =	vld [tilespmem:s4+$0xF0]  }
0x227: {  	v17 =	vshrl.u32 v17, $0x3;
	v18 =	vmul.f32 v14, v7;
	v16 =	vadd.f32 v9, v16  }
0x228: {  	v9 =	vshll.u32 v17, v2;
	v8 =	vmul.f32 v15, v8  }
0x229: {  	s11 =	smov.u32 s9;
	v7 =	vbroadcast v9, $0x0;
	v14 =	vadd.s32 $0x1, v9;
	v15 =	vadd.f32 v18, v16  }
0x22a: {  	_ = 	snop  }
0x22b: {  	v3 =	vmul.f32 v13, v3;
	v8 =	vadd.f32 v8, v15;
	_ =	sdelay $0x1  }
0x22c: {  	v4 =	vmul.f32 v10, v4;
	v3 =	vadd.f32 v3, v8;
	_ =	sdelay $0x1  }
0x22d: {  	v3 =	vadd.f32 v4, v3;
	v4 =	vmul.f32 v11, v5;
	_ =	sdelay $0x1  }
0x22e: {  	v3 =	vadd.f32 v4, v3;
	v4 =	vmul.f32 v12, v6  }
0x22f: {  	v5 =	vbroadcast v14, $0x0  }
0x230: {  	v3 =	vadd.f32 v4, v3  }
0x231: {  	v6 =	vadd.s32 $0x2, v9  }
0x232: {  	s4 =	sadd.s32 $0x200, s4;
	v4 =	vbroadcast v6, $0x0;
	v6 =	vadd.s32 $0x3, v9;
	[tilespmem:s8+$0x0] =	vst v3  }
0x233: {  	v3 =	vbroadcast v6, $0x0;
	v6 =	vld [tilespmem:s4+$0xFFFFFF40]  }
0x234: {  	v8 =	vadd.s32 $0x4, v9;
	v7 =	vld.idx.msk [tilespmem:v7+s29+$0x0], $0xffff  }
0x235: {  	v8 =	vbroadcast v8, $0x0;
	v5 =	vld.idx.msk [tilespmem:v5+s29+$0x0], $0xffff  }
0x236: {  	v10 =	vadd.s32 $0x5, v9;
	v11 =	vld [tilespmem:s4+$0xFFFFFF00]  }
0x237: {  	v10 =	vbroadcast v10, $0x0;
	v13 =	vld [tilespmem:s4+$0xFFFFFF80]  }
0x238: {  	v12 =	vadd.s32 $0x6, v9;
	v4 =	vld.idx.msk [tilespmem:v4+s29+$0x0], $0xffff  }
0x239: {  	v12 =	vbroadcast v12, $0x0;
	v9 =	vadd.s32 $0x7, v9;
	v14 =	vld [tilespmem:s4+$0xFFFFFFC0]  }
0x23a: {  	v9 =	vbroadcast v9, $0x0;
	v3 =	vld.idx.msk [tilespmem:v3+s29+$0x0], $0xffff  }
0x23b: {  	v8 =	vld.idx.msk [tilespmem:v8+s29+$0x0], $0xffff;
	v11 =	vmul.f32 v11, v7;
	v6 =	vmul.f32 v6, v5  }
0x23c: {  	v15 =	vld [tilespmem:s4+$0x0]  }
0x23d: {  	v10 =	vld.idx.msk [tilespmem:v10+s29+$0x0], $0xffff;
	v6 =	vadd.f32 v6, v11;
	v11 =	vmul.f32 v13, v4  }
0x23e: {  	v13 =	vld [tilespmem:s4+$0x40]  }
0x23f: {  	v12 =	vld.idx.msk [tilespmem:v12+s29+$0x0], $0xffff;
	v6 =	vadd.f32 v11, v6;
	v11 =	vmul.f32 v14, v3  }
0x240: {  	v14 =	vld [tilespmem:s4+$0x80]  }
0x241: {  	v9 =	vld.idx.msk [tilespmem:v9+s29+$0x0], $0xffff;
	v6 =	vadd.f32 v11, v6;
	v11 =	vmul.f32 v15, v8  }
0x242: {  	v15 =	vld [tilespmem:s4+$0xC0]  }
0x243: {  	v6 =	vadd.f32 v11, v6;
	v11 =	vmul.f32 v13, v10;
	_ =	sdelay $0x1  }
0x244: {  	v6 =	vadd.f32 v11, v6;
	v11 =	vmul.f32 v14, v12;
	_ =	sdelay $0x1  }
0x245: {  	v6 =	vadd.f32 v11, v6;
	v11 =	vmul.f32 v15, v9;
	_ =	sdelay $0x1  }
0x246: {  	v6 =	vadd.f32 v11, v6  }
0x247: {  	s7 =	sadd.s32 $0x40, s7  }
0x248: {  	[tilespmem:s7+$0xFFFFFFD0] =	vst v6  }
0x249: {  	v6 =	vld [tilespmem:s4+$0xFFFFFF10]  }
0x24a: {  	v11 =	vld [tilespmem:s4+$0xFFFFFF50];
	_ =	sdelay $0x1  }
0x24b: {  	v13 =	vld [tilespmem:s4+$0xFFFFFF90];
	_ =	sdelay $0x1  }
0x24c: {  	v14 =	vld [tilespmem:s4+$0xFFFFFFD0]  }
0x24d: {  	v6 =	vmul.f32 v6, v7;
	v11 =	vmul.f32 v11, v5  }
0x24e: {  	v15 =	vld [tilespmem:s4+$0x10]  }
0x24f: {  	v6 =	vadd.f32 v11, v6;
	v11 =	vmul.f32 v13, v4  }
0x250: {  	v13 =	vld [tilespmem:s4+$0x50]  }
0x251: {  	v6 =	vadd.f32 v11, v6;
	v11 =	vmul.f32 v14, v3  }
0x252: {  	v14 =	vld [tilespmem:s4+$0x90]  }
0x253: {  	v6 =	vadd.f32 v11, v6;
	v11 =	vmul.f32 v15, v8  }
0x254: {  	v15 =	vld [tilespmem:s4+$0xD0]  }
0x255: {  	v6 =	vadd.f32 v11, v6;
	v11 =	vmul.f32 v13, v10;
	_ =	sdelay $0x1  }
0x256: {  	v6 =	vadd.f32 v11, v6;
	v11 =	vmul.f32 v14, v12;
	_ =	sdelay $0x1  }
0x257: {  	v6 =	vadd.f32 v11, v6;
	v11 =	vmul.f32 v15, v9;
	_ =	sdelay $0x1  }
0x258: {  	v6 =	vadd.f32 v11, v6;
	_ =	sdelay $0x1  }
0x259: {  	[tilespmem:s7+$0xFFFFFFE0] =	vst v6  }
0x25a: {  	v6 =	vld [tilespmem:s4+$0xFFFFFF20]  }
0x25b: {  	v11 =	vld [tilespmem:s4+$0xFFFFFF60];
	_ =	sdelay $0x1  }
0x25c: {  	v13 =	vld [tilespmem:s4+$0xFFFFFFA0];
	_ =	sdelay $0x1  }
0x25d: {  	v14 =	vld [tilespmem:s4+$0xFFFFFFE0]  }
0x25e: {  	v6 =	vmul.f32 v6, v7;
	v11 =	vmul.f32 v11, v5  }
0x25f: {  	v15 =	vld [tilespmem:s4+$0x20]  }
0x260: {  	v6 =	vadd.f32 v11, v6;
	v11 =	vmul.f32 v13, v4  }
0x261: {  	v13 =	vld [tilespmem:s4+$0x60]  }
0x262: {  	v6 =	vadd.f32 v11, v6;
	v11 =	vmul.f32 v14, v3  }
0x263: {  	v14 =	vld [tilespmem:s4+$0xA0]  }
0x264: {  	v6 =	vadd.f32 v11, v6;
	v11 =	vmul.f32 v15, v8  }
0x265: {  	v15 =	vld [tilespmem:s4+$0xE0]  }
0x266: {  	v6 =	vadd.f32 v11, v6;
	v11 =	vmul.f32 v13, v10;
	_ =	sdelay $0x1  }
0x267: {  	v6 =	vadd.f32 v11, v6;
	v11 =	vmul.f32 v14, v12;
	_ =	sdelay $0x1  }
0x268: {  	v6 =	vadd.f32 v11, v6;
	v11 =	vmul.f32 v15, v9;
	_ =	sdelay $0x1  }
0x269: {  	v6 =	vadd.f32 v11, v6;
	_ =	sdelay $0x1  }
0x26a: {  	[tilespmem:s7+$0xFFFFFFF0] =	vst v6  }
0x26b: {  	v6 =	vld [tilespmem:s4+$0xFFFFFF30]  }
0x26c: {  	v11 =	vld [tilespmem:s4+$0xFFFFFF70];
	_ =	sdelay $0x1  }
0x26d: {  	v13 =	vld [tilespmem:s4+$0xFFFFFFB0];
	_ =	sdelay $0x1  }
0x26e: {  	v14 =	vld [tilespmem:s4+$0xFFFFFFF0]  }
0x26f: {  	v6 =	vmul.f32 v6, v7;
	v5 =	vmul.f32 v11, v5  }
0x270: {  	v7 =	vld [tilespmem:s4+$0x30]  }
0x271: {  	v4 =	vmul.f32 v13, v4;
	v5 =	vadd.f32 v5, v6  }
0x272: {  	v6 =	vld [tilespmem:s4+$0x70]  }
0x273: {  	v3 =	vmul.f32 v14, v3;
	v4 =	vadd.f32 v4, v5  }
0x274: {  	v5 =	vld [tilespmem:s4+$0xB0]  }
0x275: {  	v3 =	vadd.f32 v3, v4;
	v4 =	vmul.f32 v7, v8  }
0x276: {  	v7 =	vld [tilespmem:s4+$0xF0]  }
0x277: {  	v3 =	vadd.f32 v4, v3;
	v4 =	vmul.f32 v6, v10;
	_ =	sdelay $0x1  }
0x278: {  	v3 =	vadd.f32 v4, v3;
	v4 =	vmul.f32 v5, v12;
	_ =	sdelay $0x1  }
0x279: {  	s10 =	simm.s32 $0x200;
	v3 =	vadd.f32 v4, v3;
	v4 =	vmul.f32 v7, v9  }
0x27a: {  	v5 =	vmov s10  }
0x27b: {  	v3 =	vadd.f32 v4, v3;
	v4 =	vshrl.u32 v5, $0x3  }
0x27c: {  	v4 =	vshll.u32 v4, v2  }
0x27d: {  	s11 =	simm.s32 $0x1F40;
	[tilespmem:s7+$0x0] =	vst v3;
	v3 =	vbroadcast v4, $0x0  }
0x27e: {  	v5 =	vadd.s32 $0x1, v4;
	[tilespmem:s18], [sflag:$0x5] =	stream.indirect.gather [hbm4b:s3+s22], $0x40, s11, s22, $0xb8;
	[tilespmem:$0x13440] =	vst v63  }
0x27f: {  	v5 =	vbroadcast v5, $0x0;
	_ =	swait.ge [sflag:s19], $0x4000  }
0x280: {  	v6 =	vadd.s32 $0x2, v4;
	[sflag:s19] =	ssyncset.done $0x0  }
0x281: {  	s4 =	simm.s32 $0x7540;
	v6 =	vbroadcast v6, $0x0;
	[sflag:s19] =	ssyncadd.s32 $0xFFFFC000  }
0x282: {  	v7 =	vadd.s32 $0x3, v4;
	v8 =	vld [tilespmem:s4+$0xFFFFFF40]  }
0x283: {  	v9 =	vadd.s32 $0x4, v4;
	v7 =	vbroadcast v7, $0x0;
	v10 =	vld.idx.msk [tilespmem:v3+s29+$0x0], $0xffff  }
0x284: {  	v3 =	vbroadcast v9, $0x0;
	v9 =	vld [tilespmem:s4+$0xFFFFFF00]  }
0x285: {  	v11 =	vld.idx.msk [tilespmem:v5+s29+$0x0], $0xffff;
	v5 =	vadd.s32 $0x5, v4  }
0x286: {  	v13 =	vld [tilespmem:s4+$0xFFFFFF80];
	v5 =	vbroadcast v5, $0x0  }
0x287: {  	v12 =	vld.idx.msk [tilespmem:v6+s29+$0x0], $0xffff;
	v6 =	vadd.s32 $0x6, v4  }
0x288: {  	v15 =	vld [tilespmem:s4+$0xFFFFFFC0];
	v4 =	vadd.s32 $0x7, v4;
	v6 =	vbroadcast v6, $0x0  }
0x289: {  	v7 =	vld.idx.msk [tilespmem:v7+s29+$0x0], $0xffff;
	v14 =	vbroadcast v4, $0x0  }
0x28a: {  	v16 =	vld [tilespmem:s4+$0x0];
	v9 =	vmul.f32 v9, v10;
	v8 =	vmul.f32 v8, v11  }
0x28b: {  	v3 =	vld.idx.msk [tilespmem:v3+s29+$0x0], $0xffff  }
0x28c: {  	v4 =	vld.idx.msk [tilespmem:v5+s29+$0x0], $0xffff;
	v8 =	vadd.f32 v8, v9;
	v9 =	vmul.f32 v13, v12  }
0x28d: {  	v13 =	vld [tilespmem:s4+$0x40]  }
0x28e: {  	v5 =	vld.idx.msk [tilespmem:v6+s29+$0x0], $0xffff;
	v8 =	vadd.f32 v9, v8;
	v9 =	vmul.f32 v15, v7  }
0x28f: {  	v15 =	vld [tilespmem:s4+$0x80]  }
0x290: {  	v6 =	vld.idx.msk [tilespmem:v14+s29+$0x0], $0xffff;
	v8 =	vadd.f32 v9, v8;
	v9 =	vmul.f32 v16, v3  }
0x291: {  	v14 =	vld [tilespmem:s4+$0xC0]  }
0x292: {  	v8 =	vadd.f32 v9, v8;
	v9 =	vmul.f32 v13, v4;
	_ =	sdelay $0x1  }
0x293: {  	v8 =	vadd.f32 v9, v8;
	v9 =	vmul.f32 v15, v5;
	_ =	sdelay $0x1  }
0x294: {  	v8 =	vadd.f32 v9, v8;
	v9 =	vmul.f32 v14, v6;
	_ =	sdelay $0x1  }
0x295: {  	v8 =	vadd.f32 v9, v8  }
0x296: {  	s7 =	simm.s32 $0x10470  }
0x297: {  	[tilespmem:s7+$0xFFFFFFD0] =	vst v8  }
0x298: {  	v8 =	vld [tilespmem:s4+$0xFFFFFF10]  }
0x299: {  	v9 =	vld [tilespmem:s4+$0xFFFFFF50];
	_ =	sdelay $0x1  }
0x29a: {  	v13 =	vld [tilespmem:s4+$0xFFFFFF90];
	_ =	sdelay $0x1  }
0x29b: {  	v14 =	vld [tilespmem:s4+$0xFFFFFFD0]  }
0x29c: {  	v8 =	vmul.f32 v8, v10;
	v9 =	vmul.f32 v9, v11  }
0x29d: {  	v15 =	vld [tilespmem:s4+$0x10]  }
0x29e: {  	v8 =	vadd.f32 v9, v8;
	v9 =	vmul.f32 v13, v12  }
0x29f: {  	v13 =	vld [tilespmem:s4+$0x50]  }
0x2a0: {  	v8 =	vadd.f32 v9, v8;
	v9 =	vmul.f32 v14, v7  }
0x2a1: {  	v14 =	vld [tilespmem:s4+$0x90]  }
0x2a2: {  	v8 =	vadd.f32 v9, v8;
	v9 =	vmul.f32 v15, v3  }
0x2a3: {  	v15 =	vld [tilespmem:s4+$0xD0]  }
0x2a4: {  	v8 =	vadd.f32 v9, v8;
	v9 =	vmul.f32 v13, v4;
	_ =	sdelay $0x1  }
0x2a5: {  	v8 =	vadd.f32 v9, v8;
	v9 =	vmul.f32 v14, v5;
	_ =	sdelay $0x1  }
0x2a6: {  	v8 =	vadd.f32 v9, v8;
	v9 =	vmul.f32 v15, v6;
	_ =	sdelay $0x1  }
0x2a7: {  	v8 =	vadd.f32 v9, v8;
	_ =	sdelay $0x1  }
0x2a8: {  	[tilespmem:s7+$0xFFFFFFE0] =	vst v8  }
0x2a9: {  	v8 =	vld [tilespmem:s4+$0xFFFFFF20]  }
0x2aa: {  	v9 =	vld [tilespmem:s4+$0xFFFFFF60];
	_ =	sdelay $0x1  }
0x2ab: {  	v13 =	vld [tilespmem:s4+$0xFFFFFFA0];
	_ =	sdelay $0x1  }
0x2ac: {  	v14 =	vld [tilespmem:s4+$0xFFFFFFE0]  }
0x2ad: {  	v8 =	vmul.f32 v8, v10;
	v9 =	vmul.f32 v9, v11  }
0x2ae: {  	v15 =	vld [tilespmem:s4+$0x20]  }
0x2af: {  	v8 =	vadd.f32 v9, v8;
	v9 =	vmul.f32 v13, v12  }
0x2b0: {  	v13 =	vld [tilespmem:s4+$0x60]  }
0x2b1: {  	v8 =	vadd.f32 v9, v8;
	v9 =	vmul.f32 v14, v7  }
0x2b2: {  	v14 =	vld [tilespmem:s4+$0xA0]  }
0x2b3: {  	v8 =	vadd.f32 v9, v8;
	v9 =	vmul.f32 v15, v3  }
0x2b4: {  	v15 =	vld [tilespmem:s4+$0xE0]  }
0x2b5: {  	v8 =	vadd.f32 v9, v8;
	v9 =	vmul.f32 v13, v4;
	_ =	sdelay $0x1  }
0x2b6: {  	v8 =	vadd.f32 v9, v8;
	v9 =	vmul.f32 v14, v5;
	_ =	sdelay $0x1  }
0x2b7: {  	v8 =	vadd.f32 v9, v8;
	v9 =	vmul.f32 v15, v6;
	_ =	sdelay $0x1  }
0x2b8: {  	v8 =	vadd.f32 v9, v8;
	_ =	sdelay $0x1  }
0x2b9: {  	[tilespmem:s7+$0xFFFFFFF0] =	vst v8  }
0x2ba: {  	v8 =	vld [tilespmem:s4+$0xFFFFFF30]  }
0x2bb: {  	v9 =	vld [tilespmem:s4+$0xFFFFFF70];
	_ =	sdelay $0x1  }
0x2bc: {  	v14 =	vld [tilespmem:s4+$0xFFFFFFB0]  }
0x2bd: {  	v15 =	vld [tilespmem:s4+$0xFFFFFFF0];
	_ =	sdelay $0x1  }
0x2be: {  	s12 =	simm.s32 $0x208;
	v8 =	vmul.f32 v8, v10;
	v9 =	vmul.f32 v9, v11  }
0x2bf: {  	v13 =	vld [tilespmem:s4+$0x30];
	v11 =	vmov s12  }
0x2c0: {  	v10 =	vld [tilespmem:s4+$0x70];
	v18 =	vmul.f32 v14, v12;
	v16 =	vshrl.u32 v11, $0x3;
	v17 =	vadd.f32 v9, v8  }
0x2c1: {  	v12 =	vld [tilespmem:s4+$0xF0];
	v9 =	vshll.u32 v16, v2;
	v8 =	vmul.f32 v15, v7  }
0x2c2: {  	s8 =	simm.s32 $0x10470;
	s11 =	simm.s32 $0x210;
	v11 =	vld [tilespmem:s4+$0xB0];
	v7 =	vbroadcast v9, $0x0;
	v14 =	vadd.s32 $0x1, v9;
	v15 =	vadd.f32 v18, v17  }
.LBB2_10:
0x2c3: {  	s4 =	sadd.s32 $0x200, s4  }
0x2c4: {  	v14 =	vbroadcast v14, $0x0;
	v16 =	vadd.s32 $0x3, v9;
	v17 =	vadd.s32 $0x4, v9;
	s7 =	sadd.s32 $0x40, s7;
	s10 =	smov.u32 s11;
	s9 =	sadd.s32 $0x8, s11  }
0x2c5: {  	p0 =	sne.s32 s11, $0x2F8;
	v18 =	vadd.s32 $0x2, v9;
	v3 =	vmul.f32 v13, v3;
	v8 =	vadd.f32 v8, v15  }
0x2c6: {  	v13 =	vbroadcast v18, $0x0;
	v15 =	vadd.s32 $0x5, v9;
	v18 =	vadd.s32 $0x6, v9  }
0x2c7: {  	v19 =	vadd.s32 $0x7, v9;
	v4 =	vmul.f32 v10, v4;
	v3 =	vadd.f32 v3, v8;
	_ =	sdelay $0x1  }
0x2c8: {  	v3 =	vadd.f32 v4, v3;
	v4 =	vmul.f32 v11, v5;
	_ =	sdelay $0x1  }
0x2c9: {  	v3 =	vadd.f32 v4, v3;
	v4 =	vmul.f32 v12, v6;
	_ =	sdelay $0x1  }
0x2ca: {  	v3 =	vadd.f32 v4, v3;
	_ =	sdelay $0x1  }
0x2cb: {  	[tilespmem:s8+$0x0] =	vst v3;
	s8 =	smov.u32 s7  }
0x2cc: {  	v3 =	vbroadcast v16, $0x0;
	v4 =	vld [tilespmem:s4+$0xFFFFFF40]  }
0x2cd: {  	v10 =	vld.idx.msk [tilespmem:v7+s29+$0x0], $0xffff  }
0x2ce: {  	v5 =	vbroadcast v17, $0x0;
	v9 =	vld.idx.msk [tilespmem:v14+s29+$0x0], $0xffff  }
0x2cf: {  	v6 =	vld [tilespmem:s4+$0xFFFFFF00]  }
0x2d0: {  	v11 =	vbroadcast v15, $0x0;
	v7 =	vld.idx.msk [tilespmem:v13+s29+$0x0], $0xffff  }
0x2d1: {  	v12 =	vld [tilespmem:s4+$0xFFFFFF80]  }
0x2d2: {  	v13 =	vbroadcast v18, $0x0;
	v8 =	vld.idx.msk [tilespmem:v3+s29+$0x0], $0xffff  }
0x2d3: {  	v14 =	vbroadcast v19, $0x0;
	v15 =	vld [tilespmem:s4+$0xFFFFFFC0]  }
0x2d4: {  	v3 =	vld.idx.msk [tilespmem:v5+s29+$0x0], $0xffff;
	v5 =	vmul.f32 v6, v10;
	v6 =	vmul.f32 v4, v9  }
0x2d5: {  	v16 =	vld [tilespmem:s4+$0x0]  }
0x2d6: {  	v4 =	vld.idx.msk [tilespmem:v11+s29+$0x0], $0xffff;
	v6 =	vadd.f32 v6, v5;
	v11 =	vmul.f32 v12, v7  }
0x2d7: {  	v12 =	vld [tilespmem:s4+$0x40]  }
0x2d8: {  	v5 =	vld.idx.msk [tilespmem:v13+s29+$0x0], $0xffff;
	v11 =	vadd.f32 v11, v6;
	v13 =	vmul.f32 v15, v8  }
0x2d9: {  	v15 =	vld [tilespmem:s4+$0x80]  }
0x2da: {  	v6 =	vld.idx.msk [tilespmem:v14+s29+$0x0], $0xffff;
	v11 =	vadd.f32 v13, v11;
	v13 =	vmul.f32 v16, v3  }
0x2db: {  	v14 =	vld [tilespmem:s4+$0xC0]  }
0x2dc: {  	v11 =	vadd.f32 v13, v11;
	v12 =	vmul.f32 v12, v4;
	_ =	sdelay $0x1  }
0x2dd: {  	v11 =	vadd.f32 v12, v11;
	v12 =	vmul.f32 v15, v5;
	_ =	sdelay $0x1  }
0x2de: {  	v11 =	vadd.f32 v12, v11;
	v12 =	vmul.f32 v14, v6;
	_ =	sdelay $0x1  }
0x2df: {  	v11 =	vadd.f32 v12, v11;
	_ =	sdelay $0x1  }
0x2e0: {  	[tilespmem:s7+$0xFFFFFFD0] =	vst v11  }
0x2e1: {  	v11 =	vld [tilespmem:s4+$0xFFFFFF10]  }
0x2e2: {  	v12 =	vld [tilespmem:s4+$0xFFFFFF50];
	_ =	sdelay $0x1  }
0x2e3: {  	v13 =	vld [tilespmem:s4+$0xFFFFFF90];
	_ =	sdelay $0x1  }
0x2e4: {  	v11 =	vmul.f32 v11, v10;
	v14 =	vld [tilespmem:s4+$0xFFFFFFD0]  }
0x2e5: {  	v12 =	vmul.f32 v12, v9  }
0x2e6: {  	v15 =	vld [tilespmem:s4+$0x10]  }
0x2e7: {  	v11 =	vadd.f32 v12, v11;
	v12 =	vmul.f32 v13, v7  }
0x2e8: {  	v13 =	vld [tilespmem:s4+$0x50]  }
0x2e9: {  	v11 =	vadd.f32 v12, v11;
	v12 =	vmul.f32 v14, v8  }
0x2ea: {  	v14 =	vld [tilespmem:s4+$0x90]  }
0x2eb: {  	v11 =	vadd.f32 v12, v11;
	v12 =	vmul.f32 v15, v3  }
0x2ec: {  	v15 =	vld [tilespmem:s4+$0xD0]  }
0x2ed: {  	v11 =	vadd.f32 v12, v11;
	v12 =	vmul.f32 v13, v4;
	_ =	sdelay $0x1  }
0x2ee: {  	v11 =	vadd.f32 v12, v11;
	v12 =	vmul.f32 v14, v5;
	_ =	sdelay $0x1  }
0x2ef: {  	v11 =	vadd.f32 v12, v11;
	v12 =	vmul.f32 v15, v6;
	_ =	sdelay $0x1  }
0x2f0: {  	v11 =	vadd.f32 v12, v11;
	_ =	sdelay $0x1  }
0x2f1: {  	[tilespmem:s7+$0xFFFFFFE0] =	vst v11  }
0x2f2: {  	v11 =	vld [tilespmem:s4+$0xFFFFFF20]  }
0x2f3: {  	v12 =	vld [tilespmem:s4+$0xFFFFFF60];
	_ =	sdelay $0x1  }
0x2f4: {  	v13 =	vld [tilespmem:s4+$0xFFFFFFA0];
	_ =	sdelay $0x1  }
0x2f5: {  	v11 =	vmul.f32 v11, v10;
	v14 =	vld [tilespmem:s4+$0xFFFFFFE0]  }
0x2f6: {  	v12 =	vmul.f32 v12, v9  }
0x2f7: {  	v15 =	vld [tilespmem:s4+$0x20]  }
0x2f8: {  	v11 =	vadd.f32 v12, v11;
	v12 =	vmul.f32 v13, v7  }
0x2f9: {  	v13 =	vld [tilespmem:s4+$0x60]  }
0x2fa: {  	v11 =	vadd.f32 v12, v11;
	v12 =	vmul.f32 v14, v8  }
0x2fb: {  	v14 =	vld [tilespmem:s4+$0xA0]  }
0x2fc: {  	v11 =	vadd.f32 v12, v11;
	v12 =	vmul.f32 v15, v3  }
0x2fd: {  	v15 =	vld [tilespmem:s4+$0xE0]  }
0x2fe: {  	v11 =	vadd.f32 v12, v11;
	v12 =	vmul.f32 v13, v4;
	_ =	sdelay $0x1  }
0x2ff: {  	v11 =	vadd.f32 v12, v11;
	v12 =	vmul.f32 v14, v5;
	_ =	sdelay $0x1  }
0x300: {  	v11 =	vadd.f32 v12, v11;
	v12 =	vmul.f32 v15, v6;
	_ =	sdelay $0x1  }
0x301: {  	v11 =	vadd.f32 v12, v11;
	_ =	sdelay $0x1  }
0x302: {  	[tilespmem:s7+$0xFFFFFFF0] =	vst v11  }
0x303: {  	v11 =	vld [tilespmem:s4+$0xFFFFFF30]  }
0x304: {  	v12 =	vld [tilespmem:s4+$0xFFFFFF70]  }
0x305: {  	v14 =	vld [tilespmem:s4+$0xFFFFFFB0]  }
0x306: {  	v15 =	vld [tilespmem:s4+$0xFFFFFFF0]  }
0x307: {  	v13 =	vld [tilespmem:s4+$0x30]  }
0x308: {  	v16 =	vmul.f32 v11, v10;
	v10 =	vld [tilespmem:s4+$0x70]  }
.Ltmp4:
0x309: {  	v9 =	vmul.f32 v12, v9;
	v11 =	vld [tilespmem:s4+$0xB0];
	(pc) =	sbr.rel @p0 .LBB2_10-.Ltmp4, $4  }
0x30a: {  	v17 =	vmov s10;
	v12 =	vld [tilespmem:s4+$0xF0]  }
0x30b: {  	v17 =	vshrl.u32 v17, $0x3;
	v18 =	vmul.f32 v14, v7;
	v16 =	vadd.f32 v9, v16  }
0x30c: {  	v9 =	vshll.u32 v17, v2;
	v8 =	vmul.f32 v15, v8  }
0x30d: {  	s11 =	smov.u32 s9;
	v7 =	vbroadcast v9, $0x0;
	v14 =	vadd.s32 $0x1, v9;
	v15 =	vadd.f32 v18, v16  }
0x30e: {  	_ = 	snop  }
0x30f: {  	v3 =	vmul.f32 v13, v3;
	v8 =	vadd.f32 v8, v15;
	_ =	sdelay $0x1  }
0x310: {  	v4 =	vmul.f32 v10, v4;
	v3 =	vadd.f32 v3, v8;
	_ =	sdelay $0x1  }
0x311: {  	v3 =	vadd.f32 v4, v3;
	v4 =	vmul.f32 v11, v5;
	_ =	sdelay $0x1  }
0x312: {  	v3 =	vadd.f32 v4, v3;
	v4 =	vmul.f32 v12, v6  }
0x313: {  	v5 =	vbroadcast v14, $0x0  }
0x314: {  	v3 =	vadd.f32 v4, v3  }
0x315: {  	v6 =	vadd.s32 $0x2, v9  }
0x316: {  	s4 =	sadd.s32 $0x200, s4;
	v4 =	vbroadcast v6, $0x0;
	v6 =	vadd.s32 $0x3, v9;
	[tilespmem:s8+$0x0] =	vst v3  }
0x317: {  	v3 =	vbroadcast v6, $0x0;
	v6 =	vld [tilespmem:s4+$0xFFFFFF40]  }
0x318: {  	v8 =	vadd.s32 $0x4, v9;
	v7 =	vld.idx.msk [tilespmem:v7+s29+$0x0], $0xffff  }
0x319: {  	v8 =	vbroadcast v8, $0x0;
	v5 =	vld.idx.msk [tilespmem:v5+s29+$0x0], $0xffff  }
0x31a: {  	v10 =	vadd.s32 $0x5, v9;
	v11 =	vld [tilespmem:s4+$0xFFFFFF00]  }
0x31b: {  	v10 =	vbroadcast v10, $0x0;
	v13 =	vld [tilespmem:s4+$0xFFFFFF80]  }
0x31c: {  	v12 =	vadd.s32 $0x6, v9;
	v4 =	vld.idx.msk [tilespmem:v4+s29+$0x0], $0xffff  }
0x31d: {  	v12 =	vbroadcast v12, $0x0;
	v9 =	vadd.s32 $0x7, v9;
	v14 =	vld [tilespmem:s4+$0xFFFFFFC0]  }
0x31e: {  	v9 =	vbroadcast v9, $0x0;
	v3 =	vld.idx.msk [tilespmem:v3+s29+$0x0], $0xffff  }
0x31f: {  	v8 =	vld.idx.msk [tilespmem:v8+s29+$0x0], $0xffff;
	v11 =	vmul.f32 v11, v7;
	v6 =	vmul.f32 v6, v5  }
0x320: {  	v15 =	vld [tilespmem:s4+$0x0]  }
0x321: {  	v10 =	vld.idx.msk [tilespmem:v10+s29+$0x0], $0xffff;
	v6 =	vadd.f32 v6, v11;
	v11 =	vmul.f32 v13, v4  }
0x322: {  	v13 =	vld [tilespmem:s4+$0x40]  }
0x323: {  	v12 =	vld.idx.msk [tilespmem:v12+s29+$0x0], $0xffff;
	v6 =	vadd.f32 v11, v6;
	v11 =	vmul.f32 v14, v3  }
0x324: {  	v14 =	vld [tilespmem:s4+$0x80]  }
0x325: {  	v9 =	vld.idx.msk [tilespmem:v9+s29+$0x0], $0xffff;
	v6 =	vadd.f32 v11, v6;
	v11 =	vmul.f32 v15, v8  }
0x326: {  	v15 =	vld [tilespmem:s4+$0xC0]  }
0x327: {  	v6 =	vadd.f32 v11, v6;
	v11 =	vmul.f32 v13, v10;
	_ =	sdelay $0x1  }
0x328: {  	v6 =	vadd.f32 v11, v6;
	v11 =	vmul.f32 v14, v12;
	_ =	sdelay $0x1  }
0x329: {  	v6 =	vadd.f32 v11, v6;
	v11 =	vmul.f32 v15, v9;
	_ =	sdelay $0x1  }
0x32a: {  	v6 =	vadd.f32 v11, v6  }
0x32b: {  	s7 =	sadd.s32 $0x40, s7  }
0x32c: {  	[tilespmem:s7+$0xFFFFFFD0] =	vst v6  }
0x32d: {  	v6 =	vld [tilespmem:s4+$0xFFFFFF10]  }
0x32e: {  	v11 =	vld [tilespmem:s4+$0xFFFFFF50];
	_ =	sdelay $0x1  }
0x32f: {  	v13 =	vld [tilespmem:s4+$0xFFFFFF90];
	_ =	sdelay $0x1  }
0x330: {  	v14 =	vld [tilespmem:s4+$0xFFFFFFD0]  }
0x331: {  	v6 =	vmul.f32 v6, v7;
	v11 =	vmul.f32 v11, v5  }
0x332: {  	v15 =	vld [tilespmem:s4+$0x10]  }
0x333: {  	v6 =	vadd.f32 v11, v6;
	v11 =	vmul.f32 v13, v4  }
0x334: {  	v13 =	vld [tilespmem:s4+$0x50]  }
0x335: {  	v6 =	vadd.f32 v11, v6;
	v11 =	vmul.f32 v14, v3  }
0x336: {  	v14 =	vld [tilespmem:s4+$0x90]  }
0x337: {  	v6 =	vadd.f32 v11, v6;
	v11 =	vmul.f32 v15, v8  }
0x338: {  	v15 =	vld [tilespmem:s4+$0xD0]  }
0x339: {  	v6 =	vadd.f32 v11, v6;
	v11 =	vmul.f32 v13, v10;
	_ =	sdelay $0x1  }
0x33a: {  	v6 =	vadd.f32 v11, v6;
	v11 =	vmul.f32 v14, v12;
	_ =	sdelay $0x1  }
0x33b: {  	v6 =	vadd.f32 v11, v6;
	v11 =	vmul.f32 v15, v9;
	_ =	sdelay $0x1  }
0x33c: {  	v6 =	vadd.f32 v11, v6;
	_ =	sdelay $0x1  }
0x33d: {  	[tilespmem:s7+$0xFFFFFFE0] =	vst v6  }
0x33e: {  	v6 =	vld [tilespmem:s4+$0xFFFFFF20]  }
0x33f: {  	v11 =	vld [tilespmem:s4+$0xFFFFFF60];
	_ =	sdelay $0x1  }
0x340: {  	v13 =	vld [tilespmem:s4+$0xFFFFFFA0];
	_ =	sdelay $0x1  }
0x341: {  	v14 =	vld [tilespmem:s4+$0xFFFFFFE0]  }
0x342: {  	v6 =	vmul.f32 v6, v7;
	v11 =	vmul.f32 v11, v5  }
0x343: {  	v15 =	vld [tilespmem:s4+$0x20]  }
0x344: {  	v6 =	vadd.f32 v11, v6;
	v11 =	vmul.f32 v13, v4  }
0x345: {  	v13 =	vld [tilespmem:s4+$0x60]  }
0x346: {  	v6 =	vadd.f32 v11, v6;
	v11 =	vmul.f32 v14, v3  }
0x347: {  	v14 =	vld [tilespmem:s4+$0xA0]  }
0x348: {  	v6 =	vadd.f32 v11, v6;
	v11 =	vmul.f32 v15, v8  }
0x349: {  	v15 =	vld [tilespmem:s4+$0xE0]  }
0x34a: {  	v6 =	vadd.f32 v11, v6;
	v11 =	vmul.f32 v13, v10;
	_ =	sdelay $0x1  }
0x34b: {  	v6 =	vadd.f32 v11, v6;
	v11 =	vmul.f32 v14, v12;
	_ =	sdelay $0x1  }
0x34c: {  	v6 =	vadd.f32 v11, v6;
	v11 =	vmul.f32 v15, v9;
	_ =	sdelay $0x1  }
0x34d: {  	v6 =	vadd.f32 v11, v6;
	_ =	sdelay $0x1  }
0x34e: {  	[tilespmem:s7+$0xFFFFFFF0] =	vst v6  }
0x34f: {  	v6 =	vld [tilespmem:s4+$0xFFFFFF30]  }
0x350: {  	v11 =	vld [tilespmem:s4+$0xFFFFFF70];
	_ =	sdelay $0x1  }
0x351: {  	v13 =	vld [tilespmem:s4+$0xFFFFFFB0];
	_ =	sdelay $0x1  }
0x352: {  	v14 =	vld [tilespmem:s4+$0xFFFFFFF0]  }
0x353: {  	v6 =	vmul.f32 v6, v7;
	v5 =	vmul.f32 v11, v5  }
0x354: {  	v7 =	vld [tilespmem:s4+$0x30]  }
0x355: {  	v4 =	vmul.f32 v13, v4;
	v5 =	vadd.f32 v5, v6  }
0x356: {  	v6 =	vld [tilespmem:s4+$0x70]  }
0x357: {  	v3 =	vmul.f32 v14, v3;
	v4 =	vadd.f32 v4, v5  }
0x358: {  	v5 =	vld [tilespmem:s4+$0xB0]  }
0x359: {  	v3 =	vadd.f32 v3, v4;
	v4 =	vmul.f32 v7, v8  }
0x35a: {  	v7 =	vld [tilespmem:s4+$0xF0]  }
0x35b: {  	v3 =	vadd.f32 v4, v3;
	v4 =	vmul.f32 v6, v10;
	_ =	sdelay $0x1  }
0x35c: {  	v3 =	vadd.f32 v4, v3;
	v4 =	vmul.f32 v5, v12;
	_ =	sdelay $0x1  }
0x35d: {  	s10 =	simm.s32 $0x300;
	v3 =	vadd.f32 v4, v3;
	v4 =	vmul.f32 v7, v9  }
0x35e: {  	v5 =	vmov s10  }
0x35f: {  	v3 =	vadd.f32 v4, v3;
	v4 =	vshrl.u32 v5, $0x3  }
0x360: {  	v4 =	vshll.u32 v4, v2  }
0x361: {  	s11 =	simm.s32 $0x2040;
	[tilespmem:s7+$0x0] =	vst v3;
	v3 =	vbroadcast v4, $0x0  }
0x362: {  	v5 =	vadd.s32 $0x1, v4;
	[tilespmem:s0], [sflag:$0x4] =	stream.indirect.gather [hbm4b:s3+s22], $0x40, s11, s22, $0xb8;
	[tilespmem:$0x13440] =	vst v63  }
0x363: {  	v5 =	vbroadcast v5, $0x0;
	_ =	swait.ge [sflag:s24], $0x4000  }
0x364: {  	v6 =	vadd.s32 $0x2, v4;
	[sflag:s24] =	ssyncset.done $0x0  }
0x365: {  	s4 =	simm.s32 $0xB540;
	v6 =	vbroadcast v6, $0x0;
	[sflag:s24] =	ssyncadd.s32 $0xFFFFC000  }
0x366: {  	v7 =	vadd.s32 $0x3, v4;
	v8 =	vld [tilespmem:s4+$0xFFFFFF40]  }
0x367: {  	v9 =	vadd.s32 $0x4, v4;
	v7 =	vbroadcast v7, $0x0;
	v10 =	vld.idx.msk [tilespmem:v3+s29+$0x0], $0xffff  }
0x368: {  	v3 =	vbroadcast v9, $0x0;
	v9 =	vld [tilespmem:s4+$0xFFFFFF00]  }
0x369: {  	v11 =	vld.idx.msk [tilespmem:v5+s29+$0x0], $0xffff;
	v5 =	vadd.s32 $0x5, v4  }
0x36a: {  	v13 =	vld [tilespmem:s4+$0xFFFFFF80];
	v5 =	vbroadcast v5, $0x0  }
0x36b: {  	v12 =	vld.idx.msk [tilespmem:v6+s29+$0x0], $0xffff;
	v6 =	vadd.s32 $0x6, v4  }
0x36c: {  	v15 =	vld [tilespmem:s4+$0xFFFFFFC0];
	v4 =	vadd.s32 $0x7, v4;
	v6 =	vbroadcast v6, $0x0  }
0x36d: {  	v7 =	vld.idx.msk [tilespmem:v7+s29+$0x0], $0xffff;
	v14 =	vbroadcast v4, $0x0  }
0x36e: {  	v16 =	vld [tilespmem:s4+$0x0];
	v9 =	vmul.f32 v9, v10;
	v8 =	vmul.f32 v8, v11  }
0x36f: {  	v3 =	vld.idx.msk [tilespmem:v3+s29+$0x0], $0xffff  }
0x370: {  	v4 =	vld.idx.msk [tilespmem:v5+s29+$0x0], $0xffff;
	v8 =	vadd.f32 v8, v9;
	v9 =	vmul.f32 v13, v12  }
0x371: {  	v13 =	vld [tilespmem:s4+$0x40]  }
0x372: {  	v5 =	vld.idx.msk [tilespmem:v6+s29+$0x0], $0xffff;
	v8 =	vadd.f32 v9, v8;
	v9 =	vmul.f32 v15, v7  }
0x373: {  	v15 =	vld [tilespmem:s4+$0x80]  }
0x374: {  	v6 =	vld.idx.msk [tilespmem:v14+s29+$0x0], $0xffff;
	v8 =	vadd.f32 v9, v8;
	v9 =	vmul.f32 v16, v3  }
0x375: {  	v14 =	vld [tilespmem:s4+$0xC0]  }
0x376: {  	v8 =	vadd.f32 v9, v8;
	v9 =	vmul.f32 v13, v4;
	_ =	sdelay $0x1  }
0x377: {  	v8 =	vadd.f32 v9, v8;
	v9 =	vmul.f32 v15, v5;
	_ =	sdelay $0x1  }
0x378: {  	v8 =	vadd.f32 v9, v8;
	v9 =	vmul.f32 v14, v6;
	_ =	sdelay $0x1  }
0x379: {  	v8 =	vadd.f32 v9, v8  }
0x37a: {  	s7 =	simm.s32 $0x10C70  }
0x37b: {  	[tilespmem:s7+$0xFFFFFFD0] =	vst v8  }
0x37c: {  	v8 =	vld [tilespmem:s4+$0xFFFFFF10]  }
0x37d: {  	v9 =	vld [tilespmem:s4+$0xFFFFFF50];
	_ =	sdelay $0x1  }
0x37e: {  	v13 =	vld [tilespmem:s4+$0xFFFFFF90];
	_ =	sdelay $0x1  }
0x37f: {  	v14 =	vld [tilespmem:s4+$0xFFFFFFD0]  }
0x380: {  	v8 =	vmul.f32 v8, v10;
	v9 =	vmul.f32 v9, v11  }
0x381: {  	v15 =	vld [tilespmem:s4+$0x10]  }
0x382: {  	v8 =	vadd.f32 v9, v8;
	v9 =	vmul.f32 v13, v12  }
0x383: {  	v13 =	vld [tilespmem:s4+$0x50]  }
0x384: {  	v8 =	vadd.f32 v9, v8;
	v9 =	vmul.f32 v14, v7  }
0x385: {  	v14 =	vld [tilespmem:s4+$0x90]  }
0x386: {  	v8 =	vadd.f32 v9, v8;
	v9 =	vmul.f32 v15, v3  }
0x387: {  	v15 =	vld [tilespmem:s4+$0xD0]  }
0x388: {  	v8 =	vadd.f32 v9, v8;
	v9 =	vmul.f32 v13, v4;
	_ =	sdelay $0x1  }
0x389: {  	v8 =	vadd.f32 v9, v8;
	v9 =	vmul.f32 v14, v5;
	_ =	sdelay $0x1  }
0x38a: {  	v8 =	vadd.f32 v9, v8;
	v9 =	vmul.f32 v15, v6;
	_ =	sdelay $0x1  }
0x38b: {  	v8 =	vadd.f32 v9, v8;
	_ =	sdelay $0x1  }
0x38c: {  	[tilespmem:s7+$0xFFFFFFE0] =	vst v8  }
0x38d: {  	v8 =	vld [tilespmem:s4+$0xFFFFFF20]  }
0x38e: {  	v9 =	vld [tilespmem:s4+$0xFFFFFF60];
	_ =	sdelay $0x1  }
0x38f: {  	v13 =	vld [tilespmem:s4+$0xFFFFFFA0];
	_ =	sdelay $0x1  }
0x390: {  	v14 =	vld [tilespmem:s4+$0xFFFFFFE0]  }
0x391: {  	v8 =	vmul.f32 v8, v10;
	v9 =	vmul.f32 v9, v11  }
0x392: {  	v15 =	vld [tilespmem:s4+$0x20]  }
0x393: {  	v8 =	vadd.f32 v9, v8;
	v9 =	vmul.f32 v13, v12  }
0x394: {  	v13 =	vld [tilespmem:s4+$0x60]  }
0x395: {  	v8 =	vadd.f32 v9, v8;
	v9 =	vmul.f32 v14, v7  }
0x396: {  	v14 =	vld [tilespmem:s4+$0xA0]  }
0x397: {  	v8 =	vadd.f32 v9, v8;
	v9 =	vmul.f32 v15, v3  }
0x398: {  	v15 =	vld [tilespmem:s4+$0xE0]  }
0x399: {  	v8 =	vadd.f32 v9, v8;
	v9 =	vmul.f32 v13, v4;
	_ =	sdelay $0x1  }
0x39a: {  	v8 =	vadd.f32 v9, v8;
	v9 =	vmul.f32 v14, v5;
	_ =	sdelay $0x1  }
0x39b: {  	v8 =	vadd.f32 v9, v8;
	v9 =	vmul.f32 v15, v6;
	_ =	sdelay $0x1  }
0x39c: {  	v8 =	vadd.f32 v9, v8;
	_ =	sdelay $0x1  }
0x39d: {  	[tilespmem:s7+$0xFFFFFFF0] =	vst v8  }
0x39e: {  	v8 =	vld [tilespmem:s4+$0xFFFFFF30]  }
0x39f: {  	v9 =	vld [tilespmem:s4+$0xFFFFFF70];
	_ =	sdelay $0x1  }
0x3a0: {  	v14 =	vld [tilespmem:s4+$0xFFFFFFB0]  }
0x3a1: {  	v15 =	vld [tilespmem:s4+$0xFFFFFFF0];
	_ =	sdelay $0x1  }
0x3a2: {  	s12 =	simm.s32 $0x308;
	v8 =	vmul.f32 v8, v10;
	v9 =	vmul.f32 v9, v11  }
0x3a3: {  	v13 =	vld [tilespmem:s4+$0x30];
	v11 =	vmov s12  }
0x3a4: {  	v10 =	vld [tilespmem:s4+$0x70];
	v18 =	vmul.f32 v14, v12;
	v16 =	vshrl.u32 v11, $0x3;
	v17 =	vadd.f32 v9, v8  }
0x3a5: {  	v12 =	vld [tilespmem:s4+$0xF0];
	v9 =	vshll.u32 v16, v2;
	v8 =	vmul.f32 v15, v7  }
0x3a6: {  	s8 =	simm.s32 $0x10C70;
	s11 =	simm.s32 $0x310;
	v11 =	vld [tilespmem:s4+$0xB0];
	v7 =	vbroadcast v9, $0x0;
	v14 =	vadd.s32 $0x1, v9;
	v15 =	vadd.f32 v18, v17  }
.LBB2_12:
0x3a7: {  	s4 =	sadd.s32 $0x200, s4  }
0x3a8: {  	v14 =	vbroadcast v14, $0x0;
	v16 =	vadd.s32 $0x3, v9;
	v17 =	vadd.s32 $0x4, v9;
	s7 =	sadd.s32 $0x40, s7;
	s10 =	smov.u32 s11;
	s9 =	sadd.s32 $0x8, s11  }
0x3a9: {  	p0 =	sne.s32 s11, $0x3F8;
	v18 =	vadd.s32 $0x2, v9;
	v3 =	vmul.f32 v13, v3;
	v8 =	vadd.f32 v8, v15  }
0x3aa: {  	v13 =	vbroadcast v18, $0x0;
	v15 =	vadd.s32 $0x5, v9;
	v18 =	vadd.s32 $0x6, v9  }
0x3ab: {  	v19 =	vadd.s32 $0x7, v9;
	v4 =	vmul.f32 v10, v4;
	v3 =	vadd.f32 v3, v8;
	_ =	sdelay $0x1  }
0x3ac: {  	v3 =	vadd.f32 v4, v3;
	v4 =	vmul.f32 v11, v5;
	_ =	sdelay $0x1  }
0x3ad: {  	v3 =	vadd.f32 v4, v3;
	v4 =	vmul.f32 v12, v6;
	_ =	sdelay $0x1  }
0x3ae: {  	v3 =	vadd.f32 v4, v3;
	_ =	sdelay $0x1  }
0x3af: {  	[tilespmem:s8+$0x0] =	vst v3;
	s8 =	smov.u32 s7  }
0x3b0: {  	v3 =	vbroadcast v16, $0x0;
	v4 =	vld [tilespmem:s4+$0xFFFFFF40]  }
0x3b1: {  	v10 =	vld.idx.msk [tilespmem:v7+s29+$0x0], $0xffff  }
0x3b2: {  	v5 =	vbroadcast v17, $0x0;
	v9 =	vld.idx.msk [tilespmem:v14+s29+$0x0], $0xffff  }
0x3b3: {  	v6 =	vld [tilespmem:s4+$0xFFFFFF00]  }
0x3b4: {  	v11 =	vbroadcast v15, $0x0;
	v7 =	vld.idx.msk [tilespmem:v13+s29+$0x0], $0xffff  }
0x3b5: {  	v12 =	vld [tilespmem:s4+$0xFFFFFF80]  }
0x3b6: {  	v13 =	vbroadcast v18, $0x0;
	v8 =	vld.idx.msk [tilespmem:v3+s29+$0x0], $0xffff  }
0x3b7: {  	v14 =	vbroadcast v19, $0x0;
	v15 =	vld [tilespmem:s4+$0xFFFFFFC0]  }
0x3b8: {  	v3 =	vld.idx.msk [tilespmem:v5+s29+$0x0], $0xffff;
	v5 =	vmul.f32 v6, v10;
	v6 =	vmul.f32 v4, v9  }
0x3b9: {  	v16 =	vld [tilespmem:s4+$0x0]  }
0x3ba: {  	v4 =	vld.idx.msk [tilespmem:v11+s29+$0x0], $0xffff;
	v6 =	vadd.f32 v6, v5;
	v11 =	vmul.f32 v12, v7  }
0x3bb: {  	v12 =	vld [tilespmem:s4+$0x40]  }
0x3bc: {  	v5 =	vld.idx.msk [tilespmem:v13+s29+$0x0], $0xffff;
	v11 =	vadd.f32 v11, v6;
	v13 =	vmul.f32 v15, v8  }
0x3bd: {  	v15 =	vld [tilespmem:s4+$0x80]  }
0x3be: {  	v6 =	vld.idx.msk [tilespmem:v14+s29+$0x0], $0xffff;
	v11 =	vadd.f32 v13, v11;
	v13 =	vmul.f32 v16, v3  }
0x3bf: {  	v14 =	vld [tilespmem:s4+$0xC0]  }
0x3c0: {  	v11 =	vadd.f32 v13, v11;
	v12 =	vmul.f32 v12, v4;
	_ =	sdelay $0x1  }
0x3c1: {  	v11 =	vadd.f32 v12, v11;
	v12 =	vmul.f32 v15, v5;
	_ =	sdelay $0x1  }
0x3c2: {  	v11 =	vadd.f32 v12, v11;
	v12 =	vmul.f32 v14, v6;
	_ =	sdelay $0x1  }
0x3c3: {  	v11 =	vadd.f32 v12, v11;
	_ =	sdelay $0x1  }
0x3c4: {  	[tilespmem:s7+$0xFFFFFFD0] =	vst v11  }
0x3c5: {  	v11 =	vld [tilespmem:s4+$0xFFFFFF10]  }
0x3c6: {  	v12 =	vld [tilespmem:s4+$0xFFFFFF50];
	_ =	sdelay $0x1  }
0x3c7: {  	v13 =	vld [tilespmem:s4+$0xFFFFFF90];
	_ =	sdelay $0x1  }
0x3c8: {  	v11 =	vmul.f32 v11, v10;
	v14 =	vld [tilespmem:s4+$0xFFFFFFD0]  }
0x3c9: {  	v12 =	vmul.f32 v12, v9  }
0x3ca: {  	v15 =	vld [tilespmem:s4+$0x10]  }
0x3cb: {  	v11 =	vadd.f32 v12, v11;
	v12 =	vmul.f32 v13, v7  }
0x3cc: {  	v13 =	vld [tilespmem:s4+$0x50]  }
0x3cd: {  	v11 =	vadd.f32 v12, v11;
	v12 =	vmul.f32 v14, v8  }
0x3ce: {  	v14 =	vld [tilespmem:s4+$0x90]  }
0x3cf: {  	v11 =	vadd.f32 v12, v11;
	v12 =	vmul.f32 v15, v3  }
0x3d0: {  	v15 =	vld [tilespmem:s4+$0xD0]  }
0x3d1: {  	v11 =	vadd.f32 v12, v11;
	v12 =	vmul.f32 v13, v4;
	_ =	sdelay $0x1  }
0x3d2: {  	v11 =	vadd.f32 v12, v11;
	v12 =	vmul.f32 v14, v5;
	_ =	sdelay $0x1  }
0x3d3: {  	v11 =	vadd.f32 v12, v11;
	v12 =	vmul.f32 v15, v6;
	_ =	sdelay $0x1  }
0x3d4: {  	v11 =	vadd.f32 v12, v11;
	_ =	sdelay $0x1  }
0x3d5: {  	[tilespmem:s7+$0xFFFFFFE0] =	vst v11  }
0x3d6: {  	v11 =	vld [tilespmem:s4+$0xFFFFFF20]  }
0x3d7: {  	v12 =	vld [tilespmem:s4+$0xFFFFFF60];
	_ =	sdelay $0x1  }
0x3d8: {  	v13 =	vld [tilespmem:s4+$0xFFFFFFA0];
	_ =	sdelay $0x1  }
0x3d9: {  	v11 =	vmul.f32 v11, v10;
	v14 =	vld [tilespmem:s4+$0xFFFFFFE0]  }
0x3da: {  	v12 =	vmul.f32 v12, v9  }
0x3db: {  	v15 =	vld [tilespmem:s4+$0x20]  }
0x3dc: {  	v11 =	vadd.f32 v12, v11;
	v12 =	vmul.f32 v13, v7  }
0x3dd: {  	v13 =	vld [tilespmem:s4+$0x60]  }
0x3de: {  	v11 =	vadd.f32 v12, v11;
	v12 =	vmul.f32 v14, v8  }
0x3df: {  	v14 =	vld [tilespmem:s4+$0xA0]  }
0x3e0: {  	v11 =	vadd.f32 v12, v11;
	v12 =	vmul.f32 v15, v3  }
0x3e1: {  	v15 =	vld [tilespmem:s4+$0xE0]  }
0x3e2: {  	v11 =	vadd.f32 v12, v11;
	v12 =	vmul.f32 v13, v4;
	_ =	sdelay $0x1  }
0x3e3: {  	v11 =	vadd.f32 v12, v11;
	v12 =	vmul.f32 v14, v5;
	_ =	sdelay $0x1  }
0x3e4: {  	v11 =	vadd.f32 v12, v11;
	v12 =	vmul.f32 v15, v6;
	_ =	sdelay $0x1  }
0x3e5: {  	v11 =	vadd.f32 v12, v11;
	_ =	sdelay $0x1  }
0x3e6: {  	[tilespmem:s7+$0xFFFFFFF0] =	vst v11  }
0x3e7: {  	v11 =	vld [tilespmem:s4+$0xFFFFFF30]  }
0x3e8: {  	v12 =	vld [tilespmem:s4+$0xFFFFFF70]  }
0x3e9: {  	v14 =	vld [tilespmem:s4+$0xFFFFFFB0]  }
0x3ea: {  	v15 =	vld [tilespmem:s4+$0xFFFFFFF0]  }
0x3eb: {  	v13 =	vld [tilespmem:s4+$0x30]  }
0x3ec: {  	v16 =	vmul.f32 v11, v10;
	v10 =	vld [tilespmem:s4+$0x70]  }
.Ltmp5:
0x3ed: {  	v9 =	vmul.f32 v12, v9;
	v11 =	vld [tilespmem:s4+$0xB0];
	(pc) =	sbr.rel @p0 .LBB2_12-.Ltmp5, $4  }
0x3ee: {  	v17 =	vmov s10;
	v12 =	vld [tilespmem:s4+$0xF0]  }
0x3ef: {  	v17 =	vshrl.u32 v17, $0x3;
	v18 =	vmul.f32 v14, v7;
	v16 =	vadd.f32 v9, v16  }
0x3f0: {  	v9 =	vshll.u32 v17, v2;
	v8 =	vmul.f32 v15, v8  }
0x3f1: {  	s11 =	smov.u32 s9;
	v7 =	vbroadcast v9, $0x0;
	v14 =	vadd.s32 $0x1, v9;
	v15 =	vadd.f32 v18, v16  }
0x3f2: {  	_ = 	snop  }
0x3f3: {  	v3 =	vmul.f32 v13, v3;
	v8 =	vadd.f32 v8, v15;
	_ =	sdelay $0x1  }
0x3f4: {  	v4 =	vmul.f32 v10, v4;
	v3 =	vadd.f32 v3, v8;
	_ =	sdelay $0x1  }
0x3f5: {  	v3 =	vadd.f32 v4, v3;
	v4 =	vmul.f32 v11, v5;
	_ =	sdelay $0x1  }
0x3f6: {  	v3 =	vadd.f32 v4, v3;
	v4 =	vmul.f32 v12, v6  }
0x3f7: {  	v5 =	vbroadcast v14, $0x0  }
0x3f8: {  	v3 =	vadd.f32 v4, v3  }
0x3f9: {  	v6 =	vadd.s32 $0x2, v9  }
0x3fa: {  	s4 =	sadd.s32 $0x200, s4;
	v4 =	vbroadcast v6, $0x0;
	v6 =	vadd.s32 $0x3, v9;
	[tilespmem:s8+$0x0] =	vst v3  }
0x3fb: {  	v3 =	vbroadcast v6, $0x0;
	v6 =	vld [tilespmem:s4+$0xFFFFFF40]  }
0x3fc: {  	v8 =	vadd.s32 $0x4, v9;
	v7 =	vld.idx.msk [tilespmem:v7+s29+$0x0], $0xffff  }
0x3fd: {  	v8 =	vbroadcast v8, $0x0;
	v5 =	vld.idx.msk [tilespmem:v5+s29+$0x0], $0xffff  }
0x3fe: {  	v10 =	vadd.s32 $0x5, v9;
	v11 =	vld [tilespmem:s4+$0xFFFFFF00]  }
0x3ff: {  	v10 =	vbroadcast v10, $0x0;
	v13 =	vld [tilespmem:s4+$0xFFFFFF80]  }
0x400: {  	v12 =	vadd.s32 $0x6, v9;
	v4 =	vld.idx.msk [tilespmem:v4+s29+$0x0], $0xffff  }
0x401: {  	v12 =	vbroadcast v12, $0x0;
	v9 =	vadd.s32 $0x7, v9;
	v14 =	vld [tilespmem:s4+$0xFFFFFFC0]  }
0x402: {  	v9 =	vbroadcast v9, $0x0;
	v3 =	vld.idx.msk [tilespmem:v3+s29+$0x0], $0xffff  }
0x403: {  	v8 =	vld.idx.msk [tilespmem:v8+s29+$0x0], $0xffff;
	v11 =	vmul.f32 v11, v7;
	v6 =	vmul.f32 v6, v5  }
0x404: {  	v15 =	vld [tilespmem:s4+$0x0]  }
0x405: {  	v10 =	vld.idx.msk [tilespmem:v10+s29+$0x0], $0xffff;
	v6 =	vadd.f32 v6, v11;
	v11 =	vmul.f32 v13, v4  }
0x406: {  	v13 =	vld [tilespmem:s4+$0x40]  }
0x407: {  	v12 =	vld.idx.msk [tilespmem:v12+s29+$0x0], $0xffff;
	v6 =	vadd.f32 v11, v6;
	v11 =	vmul.f32 v14, v3  }
0x408: {  	v14 =	vld [tilespmem:s4+$0x80]  }
0x409: {  	v9 =	vld.idx.msk [tilespmem:v9+s29+$0x0], $0xffff;
	v6 =	vadd.f32 v11, v6;
	v11 =	vmul.f32 v15, v8  }
0x40a: {  	v15 =	vld [tilespmem:s4+$0xC0]  }
0x40b: {  	v6 =	vadd.f32 v11, v6;
	v11 =	vmul.f32 v13, v10;
	_ =	sdelay $0x1  }
0x40c: {  	v6 =	vadd.f32 v11, v6;
	v11 =	vmul.f32 v14, v12;
	_ =	sdelay $0x1  }
0x40d: {  	v6 =	vadd.f32 v11, v6;
	v11 =	vmul.f32 v15, v9;
	_ =	sdelay $0x1  }
0x40e: {  	v6 =	vadd.f32 v11, v6  }
0x40f: {  	s7 =	sadd.s32 $0x40, s7  }
0x410: {  	[tilespmem:s7+$0xFFFFFFD0] =	vst v6  }
0x411: {  	v6 =	vld [tilespmem:s4+$0xFFFFFF10]  }
0x412: {  	v11 =	vld [tilespmem:s4+$0xFFFFFF50];
	_ =	sdelay $0x1  }
0x413: {  	v13 =	vld [tilespmem:s4+$0xFFFFFF90];
	_ =	sdelay $0x1  }
0x414: {  	v14 =	vld [tilespmem:s4+$0xFFFFFFD0]  }
0x415: {  	v6 =	vmul.f32 v6, v7;
	v11 =	vmul.f32 v11, v5  }
0x416: {  	v15 =	vld [tilespmem:s4+$0x10]  }
0x417: {  	v6 =	vadd.f32 v11, v6;
	v11 =	vmul.f32 v13, v4  }
0x418: {  	v13 =	vld [tilespmem:s4+$0x50]  }
0x419: {  	v6 =	vadd.f32 v11, v6;
	v11 =	vmul.f32 v14, v3  }
0x41a: {  	v14 =	vld [tilespmem:s4+$0x90]  }
0x41b: {  	v6 =	vadd.f32 v11, v6;
	v11 =	vmul.f32 v15, v8  }
0x41c: {  	v15 =	vld [tilespmem:s4+$0xD0]  }
0x41d: {  	v6 =	vadd.f32 v11, v6;
	v11 =	vmul.f32 v13, v10;
	_ =	sdelay $0x1  }
0x41e: {  	v6 =	vadd.f32 v11, v6;
	v11 =	vmul.f32 v14, v12;
	_ =	sdelay $0x1  }
0x41f: {  	v6 =	vadd.f32 v11, v6;
	v11 =	vmul.f32 v15, v9;
	_ =	sdelay $0x1  }
0x420: {  	v6 =	vadd.f32 v11, v6;
	_ =	sdelay $0x1  }
0x421: {  	[tilespmem:s7+$0xFFFFFFE0] =	vst v6  }
0x422: {  	v6 =	vld [tilespmem:s4+$0xFFFFFF20]  }
0x423: {  	v11 =	vld [tilespmem:s4+$0xFFFFFF60];
	_ =	sdelay $0x1  }
0x424: {  	v13 =	vld [tilespmem:s4+$0xFFFFFFA0];
	_ =	sdelay $0x1  }
0x425: {  	v14 =	vld [tilespmem:s4+$0xFFFFFFE0]  }
0x426: {  	v6 =	vmul.f32 v6, v7;
	v11 =	vmul.f32 v11, v5  }
0x427: {  	v15 =	vld [tilespmem:s4+$0x20]  }
0x428: {  	v6 =	vadd.f32 v11, v6;
	v11 =	vmul.f32 v13, v4  }
0x429: {  	v13 =	vld [tilespmem:s4+$0x60]  }
0x42a: {  	v6 =	vadd.f32 v11, v6;
	v11 =	vmul.f32 v14, v3  }
0x42b: {  	v14 =	vld [tilespmem:s4+$0xA0]  }
0x42c: {  	v6 =	vadd.f32 v11, v6;
	v11 =	vmul.f32 v15, v8  }
0x42d: {  	v15 =	vld [tilespmem:s4+$0xE0]  }
0x42e: {  	v6 =	vadd.f32 v11, v6;
	v11 =	vmul.f32 v13, v10;
	_ =	sdelay $0x1  }
0x42f: {  	v6 =	vadd.f32 v11, v6;
	v11 =	vmul.f32 v14, v12;
	_ =	sdelay $0x1  }
0x430: {  	v6 =	vadd.f32 v11, v6;
	v11 =	vmul.f32 v15, v9;
	_ =	sdelay $0x1  }
0x431: {  	v6 =	vadd.f32 v11, v6;
	_ =	sdelay $0x1  }
0x432: {  	[tilespmem:s7+$0xFFFFFFF0] =	vst v6  }
0x433: {  	v6 =	vld [tilespmem:s4+$0xFFFFFF30]  }
0x434: {  	v11 =	vld [tilespmem:s4+$0xFFFFFF70];
	_ =	sdelay $0x1  }
0x435: {  	v13 =	vld [tilespmem:s4+$0xFFFFFFB0];
	_ =	sdelay $0x1  }
0x436: {  	v14 =	vld [tilespmem:s4+$0xFFFFFFF0]  }
0x437: {  	v6 =	vmul.f32 v6, v7;
	v5 =	vmul.f32 v11, v5  }
0x438: {  	v7 =	vld [tilespmem:s4+$0x30]  }
0x439: {  	v4 =	vmul.f32 v13, v4;
	v5 =	vadd.f32 v5, v6  }
0x43a: {  	v6 =	vld [tilespmem:s4+$0x70]  }
0x43b: {  	v3 =	vmul.f32 v14, v3;
	v4 =	vadd.f32 v4, v5  }
0x43c: {  	v5 =	vld [tilespmem:s4+$0xB0]  }
0x43d: {  	v3 =	vadd.f32 v3, v4;
	v4 =	vmul.f32 v7, v8  }
0x43e: {  	v7 =	vld [tilespmem:s4+$0xF0]  }
0x43f: {  	v3 =	vadd.f32 v4, v3;
	v4 =	vmul.f32 v6, v10;
	_ =	sdelay $0x1  }
0x440: {  	v3 =	vadd.f32 v4, v3;
	v4 =	vmul.f32 v5, v12;
	_ =	sdelay $0x1  }
0x441: {  	s10 =	simm.s32 $0x400;
	v3 =	vadd.f32 v4, v3;
	v4 =	vmul.f32 v7, v9  }
0x442: {  	v5 =	vmov s10  }
0x443: {  	v3 =	vadd.f32 v4, v3;
	v4 =	vshrl.u32 v5, $0x3  }
0x444: {  	v4 =	vshll.u32 v4, v2  }
0x445: {  	s11 =	simm.s32 $0x2140;
	[tilespmem:s7+$0x0] =	vst v3;
	v3 =	vbroadcast v4, $0x0  }
0x446: {  	v5 =	vadd.s32 $0x1, v4;
	[tilespmem:s18], [sflag:$0x5] =	stream.indirect.gather [hbm4b:s3+s22], $0x40, s11, s22, $0xb8;
	[tilespmem:$0x13440] =	vst v63  }
0x447: {  	v5 =	vbroadcast v5, $0x0;
	_ =	swait.ge [sflag:s19], $0x4000  }
0x448: {  	v6 =	vadd.s32 $0x2, v4;
	[sflag:s19] =	ssyncset.done $0x0  }
0x449: {  	s4 =	simm.s32 $0x7540;
	v6 =	vbroadcast v6, $0x0;
	[sflag:s19] =	ssyncadd.s32 $0xFFFFC000  }
0x44a: {  	v7 =	vadd.s32 $0x3, v4;
	v8 =	vld [tilespmem:s4+$0xFFFFFF40]  }
0x44b: {  	v9 =	vadd.s32 $0x4, v4;
	v7 =	vbroadcast v7, $0x0;
	v10 =	vld.idx.msk [tilespmem:v3+s29+$0x0], $0xffff  }
0x44c: {  	v3 =	vbroadcast v9, $0x0;
	v9 =	vld [tilespmem:s4+$0xFFFFFF00]  }
0x44d: {  	v11 =	vld.idx.msk [tilespmem:v5+s29+$0x0], $0xffff;
	v5 =	vadd.s32 $0x5, v4  }
0x44e: {  	v13 =	vld [tilespmem:s4+$0xFFFFFF80];
	v5 =	vbroadcast v5, $0x0  }
0x44f: {  	v12 =	vld.idx.msk [tilespmem:v6+s29+$0x0], $0xffff;
	v6 =	vadd.s32 $0x6, v4  }
0x450: {  	v15 =	vld [tilespmem:s4+$0xFFFFFFC0];
	v4 =	vadd.s32 $0x7, v4;
	v6 =	vbroadcast v6, $0x0  }
0x451: {  	v7 =	vld.idx.msk [tilespmem:v7+s29+$0x0], $0xffff;
	v14 =	vbroadcast v4, $0x0  }
0x452: {  	v16 =	vld [tilespmem:s4+$0x0];
	v9 =	vmul.f32 v9, v10;
	v8 =	vmul.f32 v8, v11  }
0x453: {  	v3 =	vld.idx.msk [tilespmem:v3+s29+$0x0], $0xffff  }
0x454: {  	v4 =	vld.idx.msk [tilespmem:v5+s29+$0x0], $0xffff;
	v8 =	vadd.f32 v8, v9;
	v9 =	vmul.f32 v13, v12  }
0x455: {  	v13 =	vld [tilespmem:s4+$0x40]  }
0x456: {  	v5 =	vld.idx.msk [tilespmem:v6+s29+$0x0], $0xffff;
	v8 =	vadd.f32 v9, v8;
	v9 =	vmul.f32 v15, v7  }
0x457: {  	v15 =	vld [tilespmem:s4+$0x80]  }
0x458: {  	v6 =	vld.idx.msk [tilespmem:v14+s29+$0x0], $0xffff;
	v8 =	vadd.f32 v9, v8;
	v9 =	vmul.f32 v16, v3  }
0x459: {  	v14 =	vld [tilespmem:s4+$0xC0]  }
0x45a: {  	v8 =	vadd.f32 v9, v8;
	v9 =	vmul.f32 v13, v4;
	_ =	sdelay $0x1  }
0x45b: {  	v8 =	vadd.f32 v9, v8;
	v9 =	vmul.f32 v15, v5;
	_ =	sdelay $0x1  }
0x45c: {  	v8 =	vadd.f32 v9, v8;
	v9 =	vmul.f32 v14, v6;
	_ =	sdelay $0x1  }
0x45d: {  	v8 =	vadd.f32 v9, v8  }
0x45e: {  	s7 =	simm.s32 $0x11470  }
0x45f: {  	[tilespmem:s7+$0xFFFFFFD0] =	vst v8  }
0x460: {  	v8 =	vld [tilespmem:s4+$0xFFFFFF10]  }
0x461: {  	v9 =	vld [tilespmem:s4+$0xFFFFFF50];
	_ =	sdelay $0x1  }
0x462: {  	v13 =	vld [tilespmem:s4+$0xFFFFFF90];
	_ =	sdelay $0x1  }
0x463: {  	v14 =	vld [tilespmem:s4+$0xFFFFFFD0]  }
0x464: {  	v8 =	vmul.f32 v8, v10;
	v9 =	vmul.f32 v9, v11  }
0x465: {  	v15 =	vld [tilespmem:s4+$0x10]  }
0x466: {  	v8 =	vadd.f32 v9, v8;
	v9 =	vmul.f32 v13, v12  }
0x467: {  	v13 =	vld [tilespmem:s4+$0x50]  }
0x468: {  	v8 =	vadd.f32 v9, v8;
	v9 =	vmul.f32 v14, v7  }
0x469: {  	v14 =	vld [tilespmem:s4+$0x90]  }
0x46a: {  	v8 =	vadd.f32 v9, v8;
	v9 =	vmul.f32 v15, v3  }
0x46b: {  	v15 =	vld [tilespmem:s4+$0xD0]  }
0x46c: {  	v8 =	vadd.f32 v9, v8;
	v9 =	vmul.f32 v13, v4;
	_ =	sdelay $0x1  }
0x46d: {  	v8 =	vadd.f32 v9, v8;
	v9 =	vmul.f32 v14, v5;
	_ =	sdelay $0x1  }
0x46e: {  	v8 =	vadd.f32 v9, v8;
	v9 =	vmul.f32 v15, v6;
	_ =	sdelay $0x1  }
0x46f: {  	v8 =	vadd.f32 v9, v8;
	_ =	sdelay $0x1  }
0x470: {  	[tilespmem:s7+$0xFFFFFFE0] =	vst v8  }
0x471: {  	v8 =	vld [tilespmem:s4+$0xFFFFFF20]  }
0x472: {  	v9 =	vld [tilespmem:s4+$0xFFFFFF60];
	_ =	sdelay $0x1  }
0x473: {  	v13 =	vld [tilespmem:s4+$0xFFFFFFA0];
	_ =	sdelay $0x1  }
0x474: {  	v14 =	vld [tilespmem:s4+$0xFFFFFFE0]  }
0x475: {  	v8 =	vmul.f32 v8, v10;
	v9 =	vmul.f32 v9, v11  }
0x476: {  	v15 =	vld [tilespmem:s4+$0x20]  }
0x477: {  	v8 =	vadd.f32 v9, v8;
	v9 =	vmul.f32 v13, v12  }
0x478: {  	v13 =	vld [tilespmem:s4+$0x60]  }
0x479: {  	v8 =	vadd.f32 v9, v8;
	v9 =	vmul.f32 v14, v7  }
0x47a: {  	v14 =	vld [tilespmem:s4+$0xA0]  }
0x47b: {  	v8 =	vadd.f32 v9, v8;
	v9 =	vmul.f32 v15, v3  }
0x47c: {  	v15 =	vld [tilespmem:s4+$0xE0]  }
0x47d: {  	v8 =	vadd.f32 v9, v8;
	v9 =	vmul.f32 v13, v4;
	_ =	sdelay $0x1  }
0x47e: {  	v8 =	vadd.f32 v9, v8;
	v9 =	vmul.f32 v14, v5;
	_ =	sdelay $0x1  }
0x47f: {  	v8 =	vadd.f32 v9, v8;
	v9 =	vmul.f32 v15, v6;
	_ =	sdelay $0x1  }
0x480: {  	v8 =	vadd.f32 v9, v8;
	_ =	sdelay $0x1  }
0x481: {  	[tilespmem:s7+$0xFFFFFFF0] =	vst v8  }
0x482: {  	v8 =	vld [tilespmem:s4+$0xFFFFFF30]  }
0x483: {  	v9 =	vld [tilespmem:s4+$0xFFFFFF70];
	_ =	sdelay $0x1  }
0x484: {  	v14 =	vld [tilespmem:s4+$0xFFFFFFB0]  }
0x485: {  	v15 =	vld [tilespmem:s4+$0xFFFFFFF0];
	_ =	sdelay $0x1  }
0x486: {  	s12 =	simm.s32 $0x408;
	v8 =	vmul.f32 v8, v10;
	v9 =	vmul.f32 v9, v11  }
0x487: {  	v13 =	vld [tilespmem:s4+$0x30];
	v11 =	vmov s12  }
0x488: {  	v10 =	vld [tilespmem:s4+$0x70];
	v18 =	vmul.f32 v14, v12;
	v16 =	vshrl.u32 v11, $0x3;
	v17 =	vadd.f32 v9, v8  }
0x489: {  	v12 =	vld [tilespmem:s4+$0xF0];
	v9 =	vshll.u32 v16, v2;
	v8 =	vmul.f32 v15, v7  }
0x48a: {  	s8 =	simm.s32 $0x11470;
	s11 =	simm.s32 $0x410;
	s12 =	simm.s32 $0x1340;
	v11 =	vld [tilespmem:s4+$0xB0];
	v7 =	vbroadcast v9, $0x0;
	v14 =	vadd.s32 $0x1, v9;
	v15 =	vadd.f32 v18, v17  }
.LBB2_14:
0x48b: {  	s4 =	sadd.s32 $0x200, s4  }
0x48c: {  	v14 =	vbroadcast v14, $0x0;
	v16 =	vadd.s32 $0x3, v9;
	v17 =	vadd.s32 $0x4, v9;
	s7 =	sadd.s32 $0x40, s7;
	s10 =	smov.u32 s11;
	s9 =	sadd.s32 $0x8, s11  }
0x48d: {  	p0 =	sne.s32 s11, $0x4F8;
	v18 =	vadd.s32 $0x2, v9;
	v3 =	vmul.f32 v13, v3;
	v8 =	vadd.f32 v8, v15  }
0x48e: {  	v13 =	vbroadcast v18, $0x0;
	v15 =	vadd.s32 $0x5, v9;
	v18 =	vadd.s32 $0x6, v9  }
0x48f: {  	v19 =	vadd.s32 $0x7, v9;
	v4 =	vmul.f32 v10, v4;
	v3 =	vadd.f32 v3, v8;
	_ =	sdelay $0x1  }
0x490: {  	v3 =	vadd.f32 v4, v3;
	v4 =	vmul.f32 v11, v5;
	_ =	sdelay $0x1  }
0x491: {  	v3 =	vadd.f32 v4, v3;
	v4 =	vmul.f32 v12, v6;
	_ =	sdelay $0x1  }
0x492: {  	v3 =	vadd.f32 v4, v3;
	_ =	sdelay $0x1  }
0x493: {  	[tilespmem:s8+$0x0] =	vst v3;
	s8 =	smov.u32 s7  }
0x494: {  	v3 =	vbroadcast v16, $0x0;
	v4 =	vld [tilespmem:s4+$0xFFFFFF40]  }
0x495: {  	v10 =	vld.idx.msk [tilespmem:v7+s29+$0x0], $0xffff  }
0x496: {  	v5 =	vbroadcast v17, $0x0;
	v9 =	vld.idx.msk [tilespmem:v14+s29+$0x0], $0xffff  }
0x497: {  	v6 =	vld [tilespmem:s4+$0xFFFFFF00]  }
0x498: {  	v11 =	vbroadcast v15, $0x0;
	v7 =	vld.idx.msk [tilespmem:v13+s29+$0x0], $0xffff  }
0x499: {  	v12 =	vld [tilespmem:s4+$0xFFFFFF80]  }
0x49a: {  	v13 =	vbroadcast v18, $0x0;
	v8 =	vld.idx.msk [tilespmem:v3+s29+$0x0], $0xffff  }
0x49b: {  	v14 =	vbroadcast v19, $0x0;
	v15 =	vld [tilespmem:s4+$0xFFFFFFC0]  }
0x49c: {  	v3 =	vld.idx.msk [tilespmem:v5+s29+$0x0], $0xffff;
	v5 =	vmul.f32 v6, v10;
	v6 =	vmul.f32 v4, v9  }
0x49d: {  	v16 =	vld [tilespmem:s4+$0x0]  }
0x49e: {  	v4 =	vld.idx.msk [tilespmem:v11+s29+$0x0], $0xffff;
	v6 =	vadd.f32 v6, v5;
	v11 =	vmul.f32 v12, v7  }
0x49f: {  	v12 =	vld [tilespmem:s4+$0x40]  }
0x4a0: {  	v5 =	vld.idx.msk [tilespmem:v13+s29+$0x0], $0xffff;
	v11 =	vadd.f32 v11, v6;
	v13 =	vmul.f32 v15, v8  }
0x4a1: {  	v15 =	vld [tilespmem:s4+$0x80]  }
0x4a2: {  	v6 =	vld.idx.msk [tilespmem:v14+s29+$0x0], $0xffff;
	v11 =	vadd.f32 v13, v11;
	v13 =	vmul.f32 v16, v3  }
0x4a3: {  	v14 =	vld [tilespmem:s4+$0xC0]  }
0x4a4: {  	v11 =	vadd.f32 v13, v11;
	v12 =	vmul.f32 v12, v4;
	_ =	sdelay $0x1  }
0x4a5: {  	v11 =	vadd.f32 v12, v11;
	v12 =	vmul.f32 v15, v5;
	_ =	sdelay $0x1  }
0x4a6: {  	v11 =	vadd.f32 v12, v11;
	v12 =	vmul.f32 v14, v6;
	_ =	sdelay $0x1  }
0x4a7: {  	v11 =	vadd.f32 v12, v11;
	_ =	sdelay $0x1  }
0x4a8: {  	[tilespmem:s7+$0xFFFFFFD0] =	vst v11  }
0x4a9: {  	v11 =	vld [tilespmem:s4+$0xFFFFFF10]  }
0x4aa: {  	v12 =	vld [tilespmem:s4+$0xFFFFFF50];
	_ =	sdelay $0x1  }
0x4ab: {  	v13 =	vld [tilespmem:s4+$0xFFFFFF90];
	_ =	sdelay $0x1  }
0x4ac: {  	v11 =	vmul.f32 v11, v10;
	v14 =	vld [tilespmem:s4+$0xFFFFFFD0]  }
0x4ad: {  	v12 =	vmul.f32 v12, v9  }
0x4ae: {  	v15 =	vld [tilespmem:s4+$0x10]  }
0x4af: {  	v11 =	vadd.f32 v12, v11;
	v12 =	vmul.f32 v13, v7  }
0x4b0: {  	v13 =	vld [tilespmem:s4+$0x50]  }
0x4b1: {  	v11 =	vadd.f32 v12, v11;
	v12 =	vmul.f32 v14, v8  }
0x4b2: {  	v14 =	vld [tilespmem:s4+$0x90]  }
0x4b3: {  	v11 =	vadd.f32 v12, v11;
	v12 =	vmul.f32 v15, v3  }
0x4b4: {  	v15 =	vld [tilespmem:s4+$0xD0]  }
0x4b5: {  	v11 =	vadd.f32 v12, v11;
	v12 =	vmul.f32 v13, v4;
	_ =	sdelay $0x1  }
0x4b6: {  	v11 =	vadd.f32 v12, v11;
	v12 =	vmul.f32 v14, v5;
	_ =	sdelay $0x1  }
0x4b7: {  	v11 =	vadd.f32 v12, v11;
	v12 =	vmul.f32 v15, v6;
	_ =	sdelay $0x1  }
0x4b8: {  	v11 =	vadd.f32 v12, v11;
	_ =	sdelay $0x1  }
0x4b9: {  	[tilespmem:s7+$0xFFFFFFE0] =	vst v11  }
0x4ba: {  	v11 =	vld [tilespmem:s4+$0xFFFFFF20]  }
0x4bb: {  	v12 =	vld [tilespmem:s4+$0xFFFFFF60];
	_ =	sdelay $0x1  }
0x4bc: {  	v13 =	vld [tilespmem:s4+$0xFFFFFFA0];
	_ =	sdelay $0x1  }
0x4bd: {  	v11 =	vmul.f32 v11, v10;
	v14 =	vld [tilespmem:s4+$0xFFFFFFE0]  }
0x4be: {  	v12 =	vmul.f32 v12, v9  }
0x4bf: {  	v15 =	vld [tilespmem:s4+$0x20]  }
0x4c0: {  	v11 =	vadd.f32 v12, v11;
	v12 =	vmul.f32 v13, v7  }
0x4c1: {  	v13 =	vld [tilespmem:s4+$0x60]  }
0x4c2: {  	v11 =	vadd.f32 v12, v11;
	v12 =	vmul.f32 v14, v8  }
0x4c3: {  	v14 =	vld [tilespmem:s4+$0xA0]  }
0x4c4: {  	v11 =	vadd.f32 v12, v11;
	v12 =	vmul.f32 v15, v3  }
0x4c5: {  	v15 =	vld [tilespmem:s4+$0xE0]  }
0x4c6: {  	v11 =	vadd.f32 v12, v11;
	v12 =	vmul.f32 v13, v4;
	_ =	sdelay $0x1  }
0x4c7: {  	v11 =	vadd.f32 v12, v11;
	v12 =	vmul.f32 v14, v5;
	_ =	sdelay $0x1  }
0x4c8: {  	v11 =	vadd.f32 v12, v11;
	v12 =	vmul.f32 v15, v6;
	_ =	sdelay $0x1  }
0x4c9: {  	v11 =	vadd.f32 v12, v11;
	_ =	sdelay $0x1  }
0x4ca: {  	[tilespmem:s7+$0xFFFFFFF0] =	vst v11  }
0x4cb: {  	v11 =	vld [tilespmem:s4+$0xFFFFFF30]  }
0x4cc: {  	v12 =	vld [tilespmem:s4+$0xFFFFFF70]  }
0x4cd: {  	v14 =	vld [tilespmem:s4+$0xFFFFFFB0]  }
0x4ce: {  	v15 =	vld [tilespmem:s4+$0xFFFFFFF0]  }
0x4cf: {  	v13 =	vld [tilespmem:s4+$0x30]  }
0x4d0: {  	v16 =	vmul.f32 v11, v10;
	v10 =	vld [tilespmem:s4+$0x70]  }
.Ltmp6:
0x4d1: {  	v9 =	vmul.f32 v12, v9;
	v11 =	vld [tilespmem:s4+$0xB0];
	(pc) =	sbr.rel @p0 .LBB2_14-.Ltmp6, $4  }
0x4d2: {  	v17 =	vmov s10;
	v12 =	vld [tilespmem:s4+$0xF0]  }
0x4d3: {  	v17 =	vshrl.u32 v17, $0x3;
	v18 =	vmul.f32 v14, v7;
	v16 =	vadd.f32 v9, v16  }
0x4d4: {  	v9 =	vshll.u32 v17, v2;
	v8 =	vmul.f32 v15, v8  }
0x4d5: {  	s11 =	smov.u32 s9;
	v7 =	vbroadcast v9, $0x0;
	v14 =	vadd.s32 $0x1, v9;
	v15 =	vadd.f32 v18, v16  }
0x4d6: {  	_ = 	snop  }
0x4d7: {  	v3 =	vmul.f32 v13, v3;
	v8 =	vadd.f32 v8, v15;
	_ =	sdelay $0x1  }
0x4d8: {  	v4 =	vmul.f32 v10, v4;
	v3 =	vadd.f32 v3, v8;
	_ =	sdelay $0x1  }
0x4d9: {  	v3 =	vadd.f32 v4, v3;
	v4 =	vmul.f32 v11, v5;
	_ =	sdelay $0x1  }
0x4da: {  	v3 =	vadd.f32 v4, v3;
	v4 =	vmul.f32 v12, v6  }
0x4db: {  	v5 =	vbroadcast v14, $0x0  }
0x4dc: {  	v3 =	vadd.f32 v4, v3  }
0x4dd: {  	v6 =	vadd.s32 $0x2, v9  }
0x4de: {  	s4 =	sadd.s32 $0x200, s4;
	v4 =	vbroadcast v6, $0x0;
	v6 =	vadd.s32 $0x3, v9;
	[tilespmem:s8+$0x0] =	vst v3  }
0x4df: {  	v3 =	vbroadcast v6, $0x0;
	v6 =	vld [tilespmem:s4+$0xFFFFFF40]  }
0x4e0: {  	v8 =	vadd.s32 $0x4, v9;
	v7 =	vld.idx.msk [tilespmem:v7+s29+$0x0], $0xffff  }
0x4e1: {  	v8 =	vbroadcast v8, $0x0;
	v5 =	vld.idx.msk [tilespmem:v5+s29+$0x0], $0xffff  }
0x4e2: {  	v10 =	vadd.s32 $0x5, v9;
	v11 =	vld [tilespmem:s4+$0xFFFFFF00]  }
0x4e3: {  	v10 =	vbroadcast v10, $0x0;
	v13 =	vld [tilespmem:s4+$0xFFFFFF80]  }
0x4e4: {  	v12 =	vadd.s32 $0x6, v9;
	v4 =	vld.idx.msk [tilespmem:v4+s29+$0x0], $0xffff  }
0x4e5: {  	v12 =	vbroadcast v12, $0x0;
	v9 =	vadd.s32 $0x7, v9;
	v14 =	vld [tilespmem:s4+$0xFFFFFFC0]  }
0x4e6: {  	v9 =	vbroadcast v9, $0x0;
	v3 =	vld.idx.msk [tilespmem:v3+s29+$0x0], $0xffff  }
0x4e7: {  	v8 =	vld.idx.msk [tilespmem:v8+s29+$0x0], $0xffff;
	v11 =	vmul.f32 v11, v7;
	v6 =	vmul.f32 v6, v5  }
0x4e8: {  	v15 =	vld [tilespmem:s4+$0x0]  }
0x4e9: {  	v10 =	vld.idx.msk [tilespmem:v10+s29+$0x0], $0xffff;
	v6 =	vadd.f32 v6, v11;
	v11 =	vmul.f32 v13, v4  }
0x4ea: {  	v13 =	vld [tilespmem:s4+$0x40]  }
0x4eb: {  	v12 =	vld.idx.msk [tilespmem:v12+s29+$0x0], $0xffff;
	v6 =	vadd.f32 v11, v6;
	v11 =	vmul.f32 v14, v3  }
0x4ec: {  	v14 =	vld [tilespmem:s4+$0x80]  }
0x4ed: {  	v9 =	vld.idx.msk [tilespmem:v9+s29+$0x0], $0xffff;
	v6 =	vadd.f32 v11, v6;
	v11 =	vmul.f32 v15, v8  }
0x4ee: {  	v15 =	vld [tilespmem:s4+$0xC0]  }
0x4ef: {  	v6 =	vadd.f32 v11, v6;
	v11 =	vmul.f32 v13, v10;
	_ =	sdelay $0x1  }
0x4f0: {  	v6 =	vadd.f32 v11, v6;
	v11 =	vmul.f32 v14, v12;
	_ =	sdelay $0x1  }
0x4f1: {  	v6 =	vadd.f32 v11, v6;
	v11 =	vmul.f32 v15, v9;
	_ =	sdelay $0x1  }
0x4f2: {  	v6 =	vadd.f32 v11, v6  }
0x4f3: {  	s7 =	sadd.s32 $0x40, s7  }
0x4f4: {  	[tilespmem:s7+$0xFFFFFFD0] =	vst v6  }
0x4f5: {  	v6 =	vld [tilespmem:s4+$0xFFFFFF10]  }
0x4f6: {  	v11 =	vld [tilespmem:s4+$0xFFFFFF50];
	_ =	sdelay $0x1  }
0x4f7: {  	v13 =	vld [tilespmem:s4+$0xFFFFFF90];
	_ =	sdelay $0x1  }
0x4f8: {  	v14 =	vld [tilespmem:s4+$0xFFFFFFD0]  }
0x4f9: {  	v6 =	vmul.f32 v6, v7;
	v11 =	vmul.f32 v11, v5  }
0x4fa: {  	v15 =	vld [tilespmem:s4+$0x10]  }
0x4fb: {  	v6 =	vadd.f32 v11, v6;
	v11 =	vmul.f32 v13, v4  }
0x4fc: {  	v13 =	vld [tilespmem:s4+$0x50]  }
0x4fd: {  	v6 =	vadd.f32 v11, v6;
	v11 =	vmul.f32 v14, v3  }
0x4fe: {  	v14 =	vld [tilespmem:s4+$0x90]  }
0x4ff: {  	v6 =	vadd.f32 v11, v6;
	v11 =	vmul.f32 v15, v8  }
0x500: {  	v15 =	vld [tilespmem:s4+$0xD0]  }
0x501: {  	v6 =	vadd.f32 v11, v6;
	v11 =	vmul.f32 v13, v10;
	_ =	sdelay $0x1  }
0x502: {  	v6 =	vadd.f32 v11, v6;
	v11 =	vmul.f32 v14, v12;
	_ =	sdelay $0x1  }
0x503: {  	v6 =	vadd.f32 v11, v6;
	v11 =	vmul.f32 v15, v9;
	_ =	sdelay $0x1  }
0x504: {  	v6 =	vadd.f32 v11, v6;
	_ =	sdelay $0x1  }
0x505: {  	[tilespmem:s7+$0xFFFFFFE0] =	vst v6  }
0x506: {  	v6 =	vld [tilespmem:s4+$0xFFFFFF20]  }
0x507: {  	v11 =	vld [tilespmem:s4+$0xFFFFFF60];
	_ =	sdelay $0x1  }
0x508: {  	v13 =	vld [tilespmem:s4+$0xFFFFFFA0];
	_ =	sdelay $0x1  }
0x509: {  	v14 =	vld [tilespmem:s4+$0xFFFFFFE0]  }
0x50a: {  	v6 =	vmul.f32 v6, v7;
	v11 =	vmul.f32 v11, v5  }
0x50b: {  	v15 =	vld [tilespmem:s4+$0x20]  }
0x50c: {  	v6 =	vadd.f32 v11, v6;
	v11 =	vmul.f32 v13, v4  }
0x50d: {  	v13 =	vld [tilespmem:s4+$0x60]  }
0x50e: {  	v6 =	vadd.f32 v11, v6;
	v11 =	vmul.f32 v14, v3  }
0x50f: {  	v14 =	vld [tilespmem:s4+$0xA0]  }
0x510: {  	v6 =	vadd.f32 v11, v6;
	v11 =	vmul.f32 v15, v8  }
0x511: {  	v15 =	vld [tilespmem:s4+$0xE0]  }
0x512: {  	v6 =	vadd.f32 v11, v6;
	v11 =	vmul.f32 v13, v10;
	_ =	sdelay $0x1  }
0x513: {  	v6 =	vadd.f32 v11, v6;
	v11 =	vmul.f32 v14, v12;
	_ =	sdelay $0x1  }
0x514: {  	v6 =	vadd.f32 v11, v6;
	v11 =	vmul.f32 v15, v9;
	_ =	sdelay $0x1  }
0x515: {  	v6 =	vadd.f32 v11, v6;
	_ =	sdelay $0x1  }
0x516: {  	[tilespmem:s7+$0xFFFFFFF0] =	vst v6  }
0x517: {  	v6 =	vld [tilespmem:s4+$0xFFFFFF30]  }
0x518: {  	v11 =	vld [tilespmem:s4+$0xFFFFFF70];
	_ =	sdelay $0x1  }
0x519: {  	v13 =	vld [tilespmem:s4+$0xFFFFFFB0];
	_ =	sdelay $0x1  }
0x51a: {  	v14 =	vld [tilespmem:s4+$0xFFFFFFF0]  }
0x51b: {  	v6 =	vmul.f32 v6, v7;
	v5 =	vmul.f32 v11, v5  }
0x51c: {  	v7 =	vld [tilespmem:s4+$0x30]  }
0x51d: {  	v4 =	vmul.f32 v13, v4;
	v5 =	vadd.f32 v5, v6  }
0x51e: {  	v6 =	vld [tilespmem:s4+$0x70]  }
0x51f: {  	v3 =	vmul.f32 v14, v3;
	v4 =	vadd.f32 v4, v5  }
0x520: {  	v5 =	vld [tilespmem:s4+$0xB0]  }
0x521: {  	v3 =	vadd.f32 v3, v4;
	v4 =	vmul.f32 v7, v8  }
0x522: {  	v7 =	vld [tilespmem:s4+$0xF0]  }
0x523: {  	v3 =	vadd.f32 v4, v3;
	v4 =	vmul.f32 v6, v10;
	_ =	sdelay $0x1  }
0x524: {  	v3 =	vadd.f32 v4, v3;
	v4 =	vmul.f32 v5, v12;
	_ =	sdelay $0x1  }
0x525: {  	s9 =	simm.s32 $0x500;
	v3 =	vadd.f32 v4, v3;
	v4 =	vmul.f32 v7, v9  }
0x526: {  	v5 =	vmov s9  }
0x527: {  	v3 =	vadd.f32 v4, v3;
	v4 =	vshrl.u32 v5, $0x3  }
0x528: {  	v4 =	vshll.u32 v4, v2  }
0x529: {  	s10 =	simm.s32 $0x2240;
	[tilespmem:s7+$0x0] =	vst v3;
	v3 =	vbroadcast v4, $0x0  }
0x52a: {  	v5 =	vadd.s32 $0x1, v4;
	[tilespmem:s0], [sflag:$0x4] =	stream.indirect.gather [hbm4b:s3+s22], $0x40, s10, s22, $0xb8;
	[tilespmem:$0x13440] =	vst v63  }
0x52b: {  	v5 =	vbroadcast v5, $0x0;
	_ =	swait.ge [sflag:s24], $0x4000  }
0x52c: {  	v6 =	vadd.s32 $0x2, v4;
	[sflag:s24] =	ssyncset.done $0x0  }
0x52d: {  	s4 =	simm.s32 $0xB540;
	v6 =	vbroadcast v6, $0x0;
	[sflag:s24] =	ssyncadd.s32 $0xFFFFC000  }
0x52e: {  	v7 =	vadd.s32 $0x3, v4;
	v8 =	vld [tilespmem:s4+$0xFFFFFF40]  }
0x52f: {  	v9 =	vadd.s32 $0x4, v4;
	v7 =	vbroadcast v7, $0x0;
	v10 =	vld.idx.msk [tilespmem:v3+s29+$0x0], $0xffff  }
0x530: {  	v3 =	vbroadcast v9, $0x0;
	v9 =	vld [tilespmem:s4+$0xFFFFFF00]  }
0x531: {  	v11 =	vld.idx.msk [tilespmem:v5+s29+$0x0], $0xffff;
	v5 =	vadd.s32 $0x5, v4  }
0x532: {  	v13 =	vld [tilespmem:s4+$0xFFFFFF80];
	v5 =	vbroadcast v5, $0x0  }
0x533: {  	v12 =	vld.idx.msk [tilespmem:v6+s29+$0x0], $0xffff;
	v6 =	vadd.s32 $0x6, v4  }
0x534: {  	v15 =	vld [tilespmem:s4+$0xFFFFFFC0];
	v4 =	vadd.s32 $0x7, v4;
	v6 =	vbroadcast v6, $0x0  }
0x535: {  	v7 =	vld.idx.msk [tilespmem:v7+s29+$0x0], $0xffff;
	v14 =	vbroadcast v4, $0x0  }
0x536: {  	v16 =	vld [tilespmem:s4+$0x0];
	v9 =	vmul.f32 v9, v10;
	v8 =	vmul.f32 v8, v11  }
0x537: {  	v3 =	vld.idx.msk [tilespmem:v3+s29+$0x0], $0xffff  }
0x538: {  	v4 =	vld.idx.msk [tilespmem:v5+s29+$0x0], $0xffff;
	v8 =	vadd.f32 v8, v9;
	v9 =	vmul.f32 v13, v12  }
0x539: {  	v13 =	vld [tilespmem:s4+$0x40]  }
0x53a: {  	v5 =	vld.idx.msk [tilespmem:v6+s29+$0x0], $0xffff;
	v8 =	vadd.f32 v9, v8;
	v9 =	vmul.f32 v15, v7  }
0x53b: {  	v15 =	vld [tilespmem:s4+$0x80]  }
0x53c: {  	v6 =	vld.idx.msk [tilespmem:v14+s29+$0x0], $0xffff;
	v8 =	vadd.f32 v9, v8;
	v9 =	vmul.f32 v16, v3  }
0x53d: {  	v14 =	vld [tilespmem:s4+$0xC0]  }
0x53e: {  	v8 =	vadd.f32 v9, v8;
	v9 =	vmul.f32 v13, v4;
	_ =	sdelay $0x1  }
0x53f: {  	v8 =	vadd.f32 v9, v8;
	v9 =	vmul.f32 v15, v5;
	_ =	sdelay $0x1  }
0x540: {  	v8 =	vadd.f32 v9, v8;
	v9 =	vmul.f32 v14, v6;
	_ =	sdelay $0x1  }
0x541: {  	v8 =	vadd.f32 v9, v8  }
0x542: {  	s7 =	simm.s32 $0x11C70  }
0x543: {  	[tilespmem:s7+$0xFFFFFFD0] =	vst v8  }
0x544: {  	v8 =	vld [tilespmem:s4+$0xFFFFFF10]  }
0x545: {  	v9 =	vld [tilespmem:s4+$0xFFFFFF50];
	_ =	sdelay $0x1  }
0x546: {  	v13 =	vld [tilespmem:s4+$0xFFFFFF90];
	_ =	sdelay $0x1  }
0x547: {  	v14 =	vld [tilespmem:s4+$0xFFFFFFD0]  }
0x548: {  	v8 =	vmul.f32 v8, v10;
	v9 =	vmul.f32 v9, v11  }
0x549: {  	v15 =	vld [tilespmem:s4+$0x10]  }
0x54a: {  	v8 =	vadd.f32 v9, v8;
	v9 =	vmul.f32 v13, v12  }
0x54b: {  	v13 =	vld [tilespmem:s4+$0x50]  }
0x54c: {  	v8 =	vadd.f32 v9, v8;
	v9 =	vmul.f32 v14, v7  }
0x54d: {  	v14 =	vld [tilespmem:s4+$0x90]  }
0x54e: {  	v8 =	vadd.f32 v9, v8;
	v9 =	vmul.f32 v15, v3  }
0x54f: {  	v15 =	vld [tilespmem:s4+$0xD0]  }
0x550: {  	v8 =	vadd.f32 v9, v8;
	v9 =	vmul.f32 v13, v4;
	_ =	sdelay $0x1  }
0x551: {  	v8 =	vadd.f32 v9, v8;
	v9 =	vmul.f32 v14, v5;
	_ =	sdelay $0x1  }
0x552: {  	v8 =	vadd.f32 v9, v8;
	v9 =	vmul.f32 v15, v6;
	_ =	sdelay $0x1  }
0x553: {  	v8 =	vadd.f32 v9, v8;
	_ =	sdelay $0x1  }
0x554: {  	[tilespmem:s7+$0xFFFFFFE0] =	vst v8  }
0x555: {  	v8 =	vld [tilespmem:s4+$0xFFFFFF20]  }
0x556: {  	v9 =	vld [tilespmem:s4+$0xFFFFFF60];
	_ =	sdelay $0x1  }
0x557: {  	v13 =	vld [tilespmem:s4+$0xFFFFFFA0];
	_ =	sdelay $0x1  }
0x558: {  	v14 =	vld [tilespmem:s4+$0xFFFFFFE0]  }
0x559: {  	v8 =	vmul.f32 v8, v10;
	v9 =	vmul.f32 v9, v11  }
0x55a: {  	v15 =	vld [tilespmem:s4+$0x20]  }
0x55b: {  	v8 =	vadd.f32 v9, v8;
	v9 =	vmul.f32 v13, v12  }
0x55c: {  	v13 =	vld [tilespmem:s4+$0x60]  }
0x55d: {  	v8 =	vadd.f32 v9, v8;
	v9 =	vmul.f32 v14, v7  }
0x55e: {  	v14 =	vld [tilespmem:s4+$0xA0]  }
0x55f: {  	v8 =	vadd.f32 v9, v8;
	v9 =	vmul.f32 v15, v3  }
0x560: {  	v15 =	vld [tilespmem:s4+$0xE0]  }
0x561: {  	v8 =	vadd.f32 v9, v8;
	v9 =	vmul.f32 v13, v4;
	_ =	sdelay $0x1  }
0x562: {  	v8 =	vadd.f32 v9, v8;
	v9 =	vmul.f32 v14, v5;
	_ =	sdelay $0x1  }
0x563: {  	v8 =	vadd.f32 v9, v8;
	v9 =	vmul.f32 v15, v6;
	_ =	sdelay $0x1  }
0x564: {  	v8 =	vadd.f32 v9, v8;
	_ =	sdelay $0x1  }
0x565: {  	[tilespmem:s7+$0xFFFFFFF0] =	vst v8  }
0x566: {  	v8 =	vld [tilespmem:s4+$0xFFFFFF30]  }
0x567: {  	v9 =	vld [tilespmem:s4+$0xFFFFFF70];
	_ =	sdelay $0x1  }
0x568: {  	v14 =	vld [tilespmem:s4+$0xFFFFFFB0]  }
0x569: {  	v15 =	vld [tilespmem:s4+$0xFFFFFFF0];
	_ =	sdelay $0x1  }
0x56a: {  	s11 =	simm.s32 $0x508;
	v8 =	vmul.f32 v8, v10;
	v9 =	vmul.f32 v9, v11  }
0x56b: {  	v13 =	vld [tilespmem:s4+$0x30];
	v11 =	vmov s11  }
0x56c: {  	v10 =	vld [tilespmem:s4+$0x70];
	v18 =	vmul.f32 v14, v12;
	v16 =	vshrl.u32 v11, $0x3;
	v17 =	vadd.f32 v9, v8  }
0x56d: {  	v12 =	vld [tilespmem:s4+$0xF0];
	v9 =	vshll.u32 v16, v2;
	v8 =	vmul.f32 v15, v7  }
0x56e: {  	s8 =	simm.s32 $0x11C70;
	s11 =	simm.s32 $0x510;
	v11 =	vld [tilespmem:s4+$0xB0];
	v7 =	vbroadcast v9, $0x0;
	v14 =	vadd.s32 $0x1, v9;
	v15 =	vadd.f32 v18, v17  }
.LBB2_16:
0x56f: {  	s4 =	sadd.s32 $0x200, s4  }
0x570: {  	v14 =	vbroadcast v14, $0x0;
	v16 =	vadd.s32 $0x3, v9;
	v17 =	vadd.s32 $0x4, v9;
	s7 =	sadd.s32 $0x40, s7;
	s10 =	smov.u32 s11;
	s9 =	sadd.s32 $0x8, s11  }
0x571: {  	p0 =	sne.s32 s11, $0x5F8;
	v18 =	vadd.s32 $0x2, v9;
	v3 =	vmul.f32 v13, v3;
	v8 =	vadd.f32 v8, v15  }
0x572: {  	v13 =	vbroadcast v18, $0x0;
	v15 =	vadd.s32 $0x5, v9;
	v18 =	vadd.s32 $0x6, v9  }
0x573: {  	v19 =	vadd.s32 $0x7, v9;
	v4 =	vmul.f32 v10, v4;
	v3 =	vadd.f32 v3, v8;
	_ =	sdelay $0x1  }
0x574: {  	v3 =	vadd.f32 v4, v3;
	v4 =	vmul.f32 v11, v5;
	_ =	sdelay $0x1  }
0x575: {  	v3 =	vadd.f32 v4, v3;
	v4 =	vmul.f32 v12, v6;
	_ =	sdelay $0x1  }
0x576: {  	v3 =	vadd.f32 v4, v3;
	_ =	sdelay $0x1  }
0x577: {  	[tilespmem:s8+$0x0] =	vst v3;
	s8 =	smov.u32 s7  }
0x578: {  	v3 =	vbroadcast v16, $0x0;
	v4 =	vld [tilespmem:s4+$0xFFFFFF40]  }
0x579: {  	v10 =	vld.idx.msk [tilespmem:v7+s29+$0x0], $0xffff  }
0x57a: {  	v5 =	vbroadcast v17, $0x0;
	v9 =	vld.idx.msk [tilespmem:v14+s29+$0x0], $0xffff  }
0x57b: {  	v6 =	vld [tilespmem:s4+$0xFFFFFF00]  }
0x57c: {  	v11 =	vbroadcast v15, $0x0;
	v7 =	vld.idx.msk [tilespmem:v13+s29+$0x0], $0xffff  }
0x57d: {  	v12 =	vld [tilespmem:s4+$0xFFFFFF80]  }
0x57e: {  	v13 =	vbroadcast v18, $0x0;
	v8 =	vld.idx.msk [tilespmem:v3+s29+$0x0], $0xffff  }
0x57f: {  	v14 =	vbroadcast v19, $0x0;
	v15 =	vld [tilespmem:s4+$0xFFFFFFC0]  }
0x580: {  	v3 =	vld.idx.msk [tilespmem:v5+s29+$0x0], $0xffff;
	v5 =	vmul.f32 v6, v10;
	v6 =	vmul.f32 v4, v9  }
0x581: {  	v16 =	vld [tilespmem:s4+$0x0]  }
0x582: {  	v4 =	vld.idx.msk [tilespmem:v11+s29+$0x0], $0xffff;
	v6 =	vadd.f32 v6, v5;
	v11 =	vmul.f32 v12, v7  }
0x583: {  	v12 =	vld [tilespmem:s4+$0x40]  }
0x584: {  	v5 =	vld.idx.msk [tilespmem:v13+s29+$0x0], $0xffff;
	v11 =	vadd.f32 v11, v6;
	v13 =	vmul.f32 v15, v8  }
0x585: {  	v15 =	vld [tilespmem:s4+$0x80]  }
0x586: {  	v6 =	vld.idx.msk [tilespmem:v14+s29+$0x0], $0xffff;
	v11 =	vadd.f32 v13, v11;
	v13 =	vmul.f32 v16, v3  }
0x587: {  	v14 =	vld [tilespmem:s4+$0xC0]  }
0x588: {  	v11 =	vadd.f32 v13, v11;
	v12 =	vmul.f32 v12, v4;
	_ =	sdelay $0x1  }
0x589: {  	v11 =	vadd.f32 v12, v11;
	v12 =	vmul.f32 v15, v5;
	_ =	sdelay $0x1  }
0x58a: {  	v11 =	vadd.f32 v12, v11;
	v12 =	vmul.f32 v14, v6;
	_ =	sdelay $0x1  }
0x58b: {  	v11 =	vadd.f32 v12, v11;
	_ =	sdelay $0x1  }
0x58c: {  	[tilespmem:s7+$0xFFFFFFD0] =	vst v11  }
0x58d: {  	v11 =	vld [tilespmem:s4+$0xFFFFFF10]  }
0x58e: {  	v12 =	vld [tilespmem:s4+$0xFFFFFF50];
	_ =	sdelay $0x1  }
0x58f: {  	v13 =	vld [tilespmem:s4+$0xFFFFFF90];
	_ =	sdelay $0x1  }
0x590: {  	v11 =	vmul.f32 v11, v10;
	v14 =	vld [tilespmem:s4+$0xFFFFFFD0]  }
0x591: {  	v12 =	vmul.f32 v12, v9  }
0x592: {  	v15 =	vld [tilespmem:s4+$0x10]  }
0x593: {  	v11 =	vadd.f32 v12, v11;
	v12 =	vmul.f32 v13, v7  }
0x594: {  	v13 =	vld [tilespmem:s4+$0x50]  }
0x595: {  	v11 =	vadd.f32 v12, v11;
	v12 =	vmul.f32 v14, v8  }
0x596: {  	v14 =	vld [tilespmem:s4+$0x90]  }
0x597: {  	v11 =	vadd.f32 v12, v11;
	v12 =	vmul.f32 v15, v3  }
0x598: {  	v15 =	vld [tilespmem:s4+$0xD0]  }
0x599: {  	v11 =	vadd.f32 v12, v11;
	v12 =	vmul.f32 v13, v4;
	_ =	sdelay $0x1  }
0x59a: {  	v11 =	vadd.f32 v12, v11;
	v12 =	vmul.f32 v14, v5;
	_ =	sdelay $0x1  }
0x59b: {  	v11 =	vadd.f32 v12, v11;
	v12 =	vmul.f32 v15, v6;
	_ =	sdelay $0x1  }
0x59c: {  	v11 =	vadd.f32 v12, v11;
	_ =	sdelay $0x1  }
0x59d: {  	[tilespmem:s7+$0xFFFFFFE0] =	vst v11  }
0x59e: {  	v11 =	vld [tilespmem:s4+$0xFFFFFF20]  }
0x59f: {  	v12 =	vld [tilespmem:s4+$0xFFFFFF60];
	_ =	sdelay $0x1  }
0x5a0: {  	v13 =	vld [tilespmem:s4+$0xFFFFFFA0];
	_ =	sdelay $0x1  }
0x5a1: {  	v11 =	vmul.f32 v11, v10;
	v14 =	vld [tilespmem:s4+$0xFFFFFFE0]  }
0x5a2: {  	v12 =	vmul.f32 v12, v9  }
0x5a3: {  	v15 =	vld [tilespmem:s4+$0x20]  }
0x5a4: {  	v11 =	vadd.f32 v12, v11;
	v12 =	vmul.f32 v13, v7  }
0x5a5: {  	v13 =	vld [tilespmem:s4+$0x60]  }
0x5a6: {  	v11 =	vadd.f32 v12, v11;
	v12 =	vmul.f32 v14, v8  }
0x5a7: {  	v14 =	vld [tilespmem:s4+$0xA0]  }
0x5a8: {  	v11 =	vadd.f32 v12, v11;
	v12 =	vmul.f32 v15, v3  }
0x5a9: {  	v15 =	vld [tilespmem:s4+$0xE0]  }
0x5aa: {  	v11 =	vadd.f32 v12, v11;
	v12 =	vmul.f32 v13, v4;
	_ =	sdelay $0x1  }
0x5ab: {  	v11 =	vadd.f32 v12, v11;
	v12 =	vmul.f32 v14, v5;
	_ =	sdelay $0x1  }
0x5ac: {  	v11 =	vadd.f32 v12, v11;
	v12 =	vmul.f32 v15, v6;
	_ =	sdelay $0x1  }
0x5ad: {  	v11 =	vadd.f32 v12, v11;
	_ =	sdelay $0x1  }
0x5ae: {  	[tilespmem:s7+$0xFFFFFFF0] =	vst v11  }
0x5af: {  	v11 =	vld [tilespmem:s4+$0xFFFFFF30]  }
0x5b0: {  	v12 =	vld [tilespmem:s4+$0xFFFFFF70]  }
0x5b1: {  	v14 =	vld [tilespmem:s4+$0xFFFFFFB0]  }
0x5b2: {  	v15 =	vld [tilespmem:s4+$0xFFFFFFF0]  }
0x5b3: {  	v13 =	vld [tilespmem:s4+$0x30]  }
0x5b4: {  	v16 =	vmul.f32 v11, v10;
	v10 =	vld [tilespmem:s4+$0x70]  }
.Ltmp7:
0x5b5: {  	v9 =	vmul.f32 v12, v9;
	v11 =	vld [tilespmem:s4+$0xB0];
	(pc) =	sbr.rel @p0 .LBB2_16-.Ltmp7, $4  }
0x5b6: {  	v17 =	vmov s10;
	v12 =	vld [tilespmem:s4+$0xF0]  }
0x5b7: {  	v17 =	vshrl.u32 v17, $0x3;
	v18 =	vmul.f32 v14, v7;
	v16 =	vadd.f32 v9, v16  }
0x5b8: {  	v9 =	vshll.u32 v17, v2;
	v8 =	vmul.f32 v15, v8  }
0x5b9: {  	s11 =	smov.u32 s9;
	v7 =	vbroadcast v9, $0x0;
	v14 =	vadd.s32 $0x1, v9;
	v15 =	vadd.f32 v18, v16  }
0x5ba: {  	_ = 	snop  }
0x5bb: {  	v3 =	vmul.f32 v13, v3;
	v8 =	vadd.f32 v8, v15;
	_ =	sdelay $0x1  }
0x5bc: {  	v4 =	vmul.f32 v10, v4;
	v3 =	vadd.f32 v3, v8;
	_ =	sdelay $0x1  }
0x5bd: {  	v3 =	vadd.f32 v4, v3;
	v4 =	vmul.f32 v11, v5;
	_ =	sdelay $0x1  }
0x5be: {  	v3 =	vadd.f32 v4, v3;
	v4 =	vmul.f32 v12, v6  }
0x5bf: {  	v5 =	vbroadcast v14, $0x0  }
0x5c0: {  	v3 =	vadd.f32 v4, v3  }
0x5c1: {  	v6 =	vadd.s32 $0x2, v9  }
0x5c2: {  	s4 =	sadd.s32 $0x200, s4;
	v4 =	vbroadcast v6, $0x0;
	v6 =	vadd.s32 $0x3, v9;
	[tilespmem:s8+$0x0] =	vst v3  }
0x5c3: {  	v3 =	vbroadcast v6, $0x0;
	v6 =	vld [tilespmem:s4+$0xFFFFFF40]  }
0x5c4: {  	v8 =	vadd.s32 $0x4, v9;
	v7 =	vld.idx.msk [tilespmem:v7+s29+$0x0], $0xffff  }
0x5c5: {  	v8 =	vbroadcast v8, $0x0;
	v5 =	vld.idx.msk [tilespmem:v5+s29+$0x0], $0xffff  }
0x5c6: {  	v10 =	vadd.s32 $0x5, v9;
	v11 =	vld [tilespmem:s4+$0xFFFFFF00]  }
0x5c7: {  	v10 =	vbroadcast v10, $0x0;
	v13 =	vld [tilespmem:s4+$0xFFFFFF80]  }
0x5c8: {  	v12 =	vadd.s32 $0x6, v9;
	v4 =	vld.idx.msk [tilespmem:v4+s29+$0x0], $0xffff  }
0x5c9: {  	v12 =	vbroadcast v12, $0x0;
	v9 =	vadd.s32 $0x7, v9;
	v14 =	vld [tilespmem:s4+$0xFFFFFFC0]  }
0x5ca: {  	v9 =	vbroadcast v9, $0x0;
	v3 =	vld.idx.msk [tilespmem:v3+s29+$0x0], $0xffff  }
0x5cb: {  	v8 =	vld.idx.msk [tilespmem:v8+s29+$0x0], $0xffff;
	v11 =	vmul.f32 v11, v7;
	v6 =	vmul.f32 v6, v5  }
0x5cc: {  	v15 =	vld [tilespmem:s4+$0x0]  }
0x5cd: {  	v10 =	vld.idx.msk [tilespmem:v10+s29+$0x0], $0xffff;
	v6 =	vadd.f32 v6, v11;
	v11 =	vmul.f32 v13, v4  }
0x5ce: {  	v13 =	vld [tilespmem:s4+$0x40]  }
0x5cf: {  	v12 =	vld.idx.msk [tilespmem:v12+s29+$0x0], $0xffff;
	v6 =	vadd.f32 v11, v6;
	v11 =	vmul.f32 v14, v3  }
0x5d0: {  	v14 =	vld [tilespmem:s4+$0x80]  }
0x5d1: {  	v9 =	vld.idx.msk [tilespmem:v9+s29+$0x0], $0xffff;
	v6 =	vadd.f32 v11, v6;
	v11 =	vmul.f32 v15, v8  }
0x5d2: {  	v15 =	vld [tilespmem:s4+$0xC0]  }
0x5d3: {  	v6 =	vadd.f32 v11, v6;
	v11 =	vmul.f32 v13, v10;
	_ =	sdelay $0x1  }
0x5d4: {  	v6 =	vadd.f32 v11, v6;
	v11 =	vmul.f32 v14, v12;
	_ =	sdelay $0x1  }
0x5d5: {  	v6 =	vadd.f32 v11, v6;
	v11 =	vmul.f32 v15, v9;
	_ =	sdelay $0x1  }
0x5d6: {  	v6 =	vadd.f32 v11, v6  }
0x5d7: {  	s7 =	sadd.s32 $0x40, s7  }
0x5d8: {  	[tilespmem:s7+$0xFFFFFFD0] =	vst v6  }
0x5d9: {  	v6 =	vld [tilespmem:s4+$0xFFFFFF10]  }
0x5da: {  	v11 =	vld [tilespmem:s4+$0xFFFFFF50];
	_ =	sdelay $0x1  }
0x5db: {  	v13 =	vld [tilespmem:s4+$0xFFFFFF90];
	_ =	sdelay $0x1  }
0x5dc: {  	v14 =	vld [tilespmem:s4+$0xFFFFFFD0]  }
0x5dd: {  	v6 =	vmul.f32 v6, v7;
	v11 =	vmul.f32 v11, v5  }
0x5de: {  	v15 =	vld [tilespmem:s4+$0x10]  }
0x5df: {  	v6 =	vadd.f32 v11, v6;
	v11 =	vmul.f32 v13, v4  }
0x5e0: {  	v13 =	vld [tilespmem:s4+$0x50]  }
0x5e1: {  	v6 =	vadd.f32 v11, v6;
	v11 =	vmul.f32 v14, v3  }
0x5e2: {  	v14 =	vld [tilespmem:s4+$0x90]  }
0x5e3: {  	v6 =	vadd.f32 v11, v6;
	v11 =	vmul.f32 v15, v8  }
0x5e4: {  	v15 =	vld [tilespmem:s4+$0xD0]  }
0x5e5: {  	v6 =	vadd.f32 v11, v6;
	v11 =	vmul.f32 v13, v10;
	_ =	sdelay $0x1  }
0x5e6: {  	v6 =	vadd.f32 v11, v6;
	v11 =	vmul.f32 v14, v12;
	_ =	sdelay $0x1  }
0x5e7: {  	v6 =	vadd.f32 v11, v6;
	v11 =	vmul.f32 v15, v9;
	_ =	sdelay $0x1  }
0x5e8: {  	v6 =	vadd.f32 v11, v6;
	_ =	sdelay $0x1  }
0x5e9: {  	[tilespmem:s7+$0xFFFFFFE0] =	vst v6  }
0x5ea: {  	v6 =	vld [tilespmem:s4+$0xFFFFFF20]  }
0x5eb: {  	v11 =	vld [tilespmem:s4+$0xFFFFFF60];
	_ =	sdelay $0x1  }
0x5ec: {  	v13 =	vld [tilespmem:s4+$0xFFFFFFA0];
	_ =	sdelay $0x1  }
0x5ed: {  	v14 =	vld [tilespmem:s4+$0xFFFFFFE0]  }
0x5ee: {  	v6 =	vmul.f32 v6, v7;
	v11 =	vmul.f32 v11, v5  }
0x5ef: {  	v15 =	vld [tilespmem:s4+$0x20]  }
0x5f0: {  	v6 =	vadd.f32 v11, v6;
	v11 =	vmul.f32 v13, v4  }
0x5f1: {  	v13 =	vld [tilespmem:s4+$0x60]  }
0x5f2: {  	v6 =	vadd.f32 v11, v6;
	v11 =	vmul.f32 v14, v3  }
0x5f3: {  	v14 =	vld [tilespmem:s4+$0xA0]  }
0x5f4: {  	v6 =	vadd.f32 v11, v6;
	v11 =	vmul.f32 v15, v8  }
0x5f5: {  	v15 =	vld [tilespmem:s4+$0xE0]  }
0x5f6: {  	v6 =	vadd.f32 v11, v6;
	v11 =	vmul.f32 v13, v10;
	_ =	sdelay $0x1  }
0x5f7: {  	v6 =	vadd.f32 v11, v6;
	v11 =	vmul.f32 v14, v12;
	_ =	sdelay $0x1  }
0x5f8: {  	v6 =	vadd.f32 v11, v6;
	v11 =	vmul.f32 v15, v9;
	_ =	sdelay $0x1  }
0x5f9: {  	v6 =	vadd.f32 v11, v6;
	_ =	sdelay $0x1  }
0x5fa: {  	[tilespmem:s7+$0xFFFFFFF0] =	vst v6  }
0x5fb: {  	v6 =	vld [tilespmem:s4+$0xFFFFFF30]  }
0x5fc: {  	v11 =	vld [tilespmem:s4+$0xFFFFFF70];
	_ =	sdelay $0x1  }
0x5fd: {  	v13 =	vld [tilespmem:s4+$0xFFFFFFB0];
	_ =	sdelay $0x1  }
0x5fe: {  	v14 =	vld [tilespmem:s4+$0xFFFFFFF0]  }
0x5ff: {  	v6 =	vmul.f32 v6, v7;
	v5 =	vmul.f32 v11, v5  }
0x600: {  	v7 =	vld [tilespmem:s4+$0x30]  }
0x601: {  	v4 =	vmul.f32 v13, v4;
	v5 =	vadd.f32 v5, v6  }
0x602: {  	v6 =	vld [tilespmem:s4+$0x70]  }
0x603: {  	v3 =	vmul.f32 v14, v3;
	v4 =	vadd.f32 v4, v5  }
0x604: {  	v5 =	vld [tilespmem:s4+$0xB0]  }
0x605: {  	v3 =	vadd.f32 v3, v4;
	v4 =	vmul.f32 v7, v8  }
0x606: {  	v7 =	vld [tilespmem:s4+$0xF0]  }
0x607: {  	v3 =	vadd.f32 v4, v3;
	v4 =	vmul.f32 v6, v10;
	_ =	sdelay $0x1  }
0x608: {  	v3 =	vadd.f32 v4, v3;
	v4 =	vmul.f32 v5, v12;
	_ =	sdelay $0x1  }
0x609: {  	s9 =	simm.s32 $0x600;
	v3 =	vadd.f32 v4, v3;
	v4 =	vmul.f32 v7, v9  }
0x60a: {  	v5 =	vmov s9  }
0x60b: {  	v3 =	vadd.f32 v4, v3;
	v4 =	vshrl.u32 v5, $0x3  }
0x60c: {  	v4 =	vshll.u32 v4, v2  }
0x60d: {  	s10 =	simm.s32 $0x2340;
	[tilespmem:s7+$0x0] =	vst v3;
	v3 =	vbroadcast v4, $0x0  }
0x60e: {  	v5 =	vadd.s32 $0x1, v4;
	[tilespmem:s18], [sflag:$0x5] =	stream.indirect.gather [hbm4b:s3+s22], $0x40, s10, s22, $0xb8;
	[tilespmem:$0x13440] =	vst v63  }
0x60f: {  	v5 =	vbroadcast v5, $0x0;
	_ =	swait.ge [sflag:s19], $0x4000  }
0x610: {  	v6 =	vadd.s32 $0x2, v4;
	[sflag:s19] =	ssyncset.done $0x0  }
0x611: {  	s4 =	simm.s32 $0x7540;
	v6 =	vbroadcast v6, $0x0;
	[sflag:s19] =	ssyncadd.s32 $0xFFFFC000  }
0x612: {  	v7 =	vadd.s32 $0x3, v4;
	v8 =	vld [tilespmem:s4+$0xFFFFFF40]  }
0x613: {  	v9 =	vadd.s32 $0x4, v4;
	v7 =	vbroadcast v7, $0x0;
	v10 =	vld.idx.msk [tilespmem:v3+s29+$0x0], $0xffff  }
0x614: {  	v3 =	vbroadcast v9, $0x0;
	v9 =	vld [tilespmem:s4+$0xFFFFFF00]  }
0x615: {  	v11 =	vld.idx.msk [tilespmem:v5+s29+$0x0], $0xffff;
	v5 =	vadd.s32 $0x5, v4  }
0x616: {  	v13 =	vld [tilespmem:s4+$0xFFFFFF80];
	v5 =	vbroadcast v5, $0x0  }
0x617: {  	v12 =	vld.idx.msk [tilespmem:v6+s29+$0x0], $0xffff;
	v6 =	vadd.s32 $0x6, v4  }
0x618: {  	v15 =	vld [tilespmem:s4+$0xFFFFFFC0];
	v4 =	vadd.s32 $0x7, v4;
	v6 =	vbroadcast v6, $0x0  }
0x619: {  	v7 =	vld.idx.msk [tilespmem:v7+s29+$0x0], $0xffff;
	v14 =	vbroadcast v4, $0x0  }
0x61a: {  	v16 =	vld [tilespmem:s4+$0x0];
	v9 =	vmul.f32 v9, v10;
	v8 =	vmul.f32 v8, v11  }
0x61b: {  	v3 =	vld.idx.msk [tilespmem:v3+s29+$0x0], $0xffff  }
0x61c: {  	v4 =	vld.idx.msk [tilespmem:v5+s29+$0x0], $0xffff;
	v8 =	vadd.f32 v8, v9;
	v9 =	vmul.f32 v13, v12  }
0x61d: {  	v13 =	vld [tilespmem:s4+$0x40]  }
0x61e: {  	v5 =	vld.idx.msk [tilespmem:v6+s29+$0x0], $0xffff;
	v8 =	vadd.f32 v9, v8;
	v9 =	vmul.f32 v15, v7  }
0x61f: {  	v15 =	vld [tilespmem:s4+$0x80]  }
0x620: {  	v6 =	vld.idx.msk [tilespmem:v14+s29+$0x0], $0xffff;
	v8 =	vadd.f32 v9, v8;
	v9 =	vmul.f32 v16, v3  }
0x621: {  	v14 =	vld [tilespmem:s4+$0xC0]  }
0x622: {  	v8 =	vadd.f32 v9, v8;
	v9 =	vmul.f32 v13, v4;
	_ =	sdelay $0x1  }
0x623: {  	v8 =	vadd.f32 v9, v8;
	v9 =	vmul.f32 v15, v5;
	_ =	sdelay $0x1  }
0x624: {  	v8 =	vadd.f32 v9, v8;
	v9 =	vmul.f32 v14, v6;
	_ =	sdelay $0x1  }
0x625: {  	v8 =	vadd.f32 v9, v8  }
0x626: {  	s7 =	simm.s32 $0x12470  }
0x627: {  	[tilespmem:s7+$0xFFFFFFD0] =	vst v8  }
0x628: {  	v8 =	vld [tilespmem:s4+$0xFFFFFF10]  }
0x629: {  	v9 =	vld [tilespmem:s4+$0xFFFFFF50];
	_ =	sdelay $0x1  }
0x62a: {  	v13 =	vld [tilespmem:s4+$0xFFFFFF90];
	_ =	sdelay $0x1  }
0x62b: {  	v14 =	vld [tilespmem:s4+$0xFFFFFFD0]  }
0x62c: {  	v8 =	vmul.f32 v8, v10;
	v9 =	vmul.f32 v9, v11  }
0x62d: {  	v15 =	vld [tilespmem:s4+$0x10]  }
0x62e: {  	v8 =	vadd.f32 v9, v8;
	v9 =	vmul.f32 v13, v12  }
0x62f: {  	v13 =	vld [tilespmem:s4+$0x50]  }
0x630: {  	v8 =	vadd.f32 v9, v8;
	v9 =	vmul.f32 v14, v7  }
0x631: {  	v14 =	vld [tilespmem:s4+$0x90]  }
0x632: {  	v8 =	vadd.f32 v9, v8;
	v9 =	vmul.f32 v15, v3  }
0x633: {  	v15 =	vld [tilespmem:s4+$0xD0]  }
0x634: {  	v8 =	vadd.f32 v9, v8;
	v9 =	vmul.f32 v13, v4;
	_ =	sdelay $0x1  }
0x635: {  	v8 =	vadd.f32 v9, v8;
	v9 =	vmul.f32 v14, v5;
	_ =	sdelay $0x1  }
0x636: {  	v8 =	vadd.f32 v9, v8;
	v9 =	vmul.f32 v15, v6;
	_ =	sdelay $0x1  }
0x637: {  	v8 =	vadd.f32 v9, v8;
	_ =	sdelay $0x1  }
0x638: {  	[tilespmem:s7+$0xFFFFFFE0] =	vst v8  }
0x639: {  	v8 =	vld [tilespmem:s4+$0xFFFFFF20]  }
0x63a: {  	v9 =	vld [tilespmem:s4+$0xFFFFFF60];
	_ =	sdelay $0x1  }
0x63b: {  	v13 =	vld [tilespmem:s4+$0xFFFFFFA0];
	_ =	sdelay $0x1  }
0x63c: {  	v14 =	vld [tilespmem:s4+$0xFFFFFFE0]  }
0x63d: {  	v8 =	vmul.f32 v8, v10;
	v9 =	vmul.f32 v9, v11  }
0x63e: {  	v15 =	vld [tilespmem:s4+$0x20]  }
0x63f: {  	v8 =	vadd.f32 v9, v8;
	v9 =	vmul.f32 v13, v12  }
0x640: {  	v13 =	vld [tilespmem:s4+$0x60]  }
0x641: {  	v8 =	vadd.f32 v9, v8;
	v9 =	vmul.f32 v14, v7  }
0x642: {  	v14 =	vld [tilespmem:s4+$0xA0]  }
0x643: {  	v8 =	vadd.f32 v9, v8;
	v9 =	vmul.f32 v15, v3  }
0x644: {  	v15 =	vld [tilespmem:s4+$0xE0]  }
0x645: {  	v8 =	vadd.f32 v9, v8;
	v9 =	vmul.f32 v13, v4;
	_ =	sdelay $0x1  }
0x646: {  	v8 =	vadd.f32 v9, v8;
	v9 =	vmul.f32 v14, v5;
	_ =	sdelay $0x1  }
0x647: {  	v8 =	vadd.f32 v9, v8;
	v9 =	vmul.f32 v15, v6;
	_ =	sdelay $0x1  }
0x648: {  	v8 =	vadd.f32 v9, v8;
	_ =	sdelay $0x1  }
0x649: {  	[tilespmem:s7+$0xFFFFFFF0] =	vst v8  }
0x64a: {  	v8 =	vld [tilespmem:s4+$0xFFFFFF30]  }
0x64b: {  	v9 =	vld [tilespmem:s4+$0xFFFFFF70];
	_ =	sdelay $0x1  }
0x64c: {  	v14 =	vld [tilespmem:s4+$0xFFFFFFB0]  }
0x64d: {  	v15 =	vld [tilespmem:s4+$0xFFFFFFF0];
	_ =	sdelay $0x1  }
0x64e: {  	s11 =	simm.s32 $0x608;
	v8 =	vmul.f32 v8, v10;
	v9 =	vmul.f32 v9, v11  }
0x64f: {  	v13 =	vld [tilespmem:s4+$0x30];
	v11 =	vmov s11  }
0x650: {  	v10 =	vld [tilespmem:s4+$0x70];
	v18 =	vmul.f32 v14, v12;
	v16 =	vshrl.u32 v11, $0x3;
	v17 =	vadd.f32 v9, v8  }
0x651: {  	v12 =	vld [tilespmem:s4+$0xF0];
	v9 =	vshll.u32 v16, v2;
	v8 =	vmul.f32 v15, v7  }
0x652: {  	s8 =	simm.s32 $0x12470;
	s11 =	simm.s32 $0x610;
	v11 =	vld [tilespmem:s4+$0xB0];
	v7 =	vbroadcast v9, $0x0;
	v14 =	vadd.s32 $0x1, v9;
	v15 =	vadd.f32 v18, v17  }
.LBB2_18:
0x653: {  	s4 =	sadd.s32 $0x200, s4  }
0x654: {  	v14 =	vbroadcast v14, $0x0;
	v16 =	vadd.s32 $0x3, v9;
	v17 =	vadd.s32 $0x4, v9;
	s7 =	sadd.s32 $0x40, s7;
	s10 =	smov.u32 s11;
	s9 =	sadd.s32 $0x8, s11  }
0x655: {  	p0 =	sne.s32 s11, $0x6F8;
	v18 =	vadd.s32 $0x2, v9;
	v3 =	vmul.f32 v13, v3;
	v8 =	vadd.f32 v8, v15  }
0x656: {  	v13 =	vbroadcast v18, $0x0;
	v15 =	vadd.s32 $0x5, v9;
	v18 =	vadd.s32 $0x6, v9  }
0x657: {  	v19 =	vadd.s32 $0x7, v9;
	v4 =	vmul.f32 v10, v4;
	v3 =	vadd.f32 v3, v8;
	_ =	sdelay $0x1  }
0x658: {  	v3 =	vadd.f32 v4, v3;
	v4 =	vmul.f32 v11, v5;
	_ =	sdelay $0x1  }
0x659: {  	v3 =	vadd.f32 v4, v3;
	v4 =	vmul.f32 v12, v6;
	_ =	sdelay $0x1  }
0x65a: {  	v3 =	vadd.f32 v4, v3;
	_ =	sdelay $0x1  }
0x65b: {  	[tilespmem:s8+$0x0] =	vst v3;
	s8 =	smov.u32 s7  }
0x65c: {  	v3 =	vbroadcast v16, $0x0;
	v4 =	vld [tilespmem:s4+$0xFFFFFF40]  }
0x65d: {  	v10 =	vld.idx.msk [tilespmem:v7+s29+$0x0], $0xffff  }
0x65e: {  	v5 =	vbroadcast v17, $0x0;
	v9 =	vld.idx.msk [tilespmem:v14+s29+$0x0], $0xffff  }
0x65f: {  	v6 =	vld [tilespmem:s4+$0xFFFFFF00]  }
0x660: {  	v11 =	vbroadcast v15, $0x0;
	v7 =	vld.idx.msk [tilespmem:v13+s29+$0x0], $0xffff  }
0x661: {  	v12 =	vld [tilespmem:s4+$0xFFFFFF80]  }
0x662: {  	v13 =	vbroadcast v18, $0x0;
	v8 =	vld.idx.msk [tilespmem:v3+s29+$0x0], $0xffff  }
0x663: {  	v14 =	vbroadcast v19, $0x0;
	v15 =	vld [tilespmem:s4+$0xFFFFFFC0]  }
0x664: {  	v3 =	vld.idx.msk [tilespmem:v5+s29+$0x0], $0xffff;
	v5 =	vmul.f32 v6, v10;
	v6 =	vmul.f32 v4, v9  }
0x665: {  	v16 =	vld [tilespmem:s4+$0x0]  }
0x666: {  	v4 =	vld.idx.msk [tilespmem:v11+s29+$0x0], $0xffff;
	v6 =	vadd.f32 v6, v5;
	v11 =	vmul.f32 v12, v7  }
0x667: {  	v12 =	vld [tilespmem:s4+$0x40]  }
0x668: {  	v5 =	vld.idx.msk [tilespmem:v13+s29+$0x0], $0xffff;
	v11 =	vadd.f32 v11, v6;
	v13 =	vmul.f32 v15, v8  }
0x669: {  	v15 =	vld [tilespmem:s4+$0x80]  }
0x66a: {  	v6 =	vld.idx.msk [tilespmem:v14+s29+$0x0], $0xffff;
	v11 =	vadd.f32 v13, v11;
	v13 =	vmul.f32 v16, v3  }
0x66b: {  	v14 =	vld [tilespmem:s4+$0xC0]  }
0x66c: {  	v11 =	vadd.f32 v13, v11;
	v12 =	vmul.f32 v12, v4;
	_ =	sdelay $0x1  }
0x66d: {  	v11 =	vadd.f32 v12, v11;
	v12 =	vmul.f32 v15, v5;
	_ =	sdelay $0x1  }
0x66e: {  	v11 =	vadd.f32 v12, v11;
	v12 =	vmul.f32 v14, v6;
	_ =	sdelay $0x1  }
0x66f: {  	v11 =	vadd.f32 v12, v11;
	_ =	sdelay $0x1  }
0x670: {  	[tilespmem:s7+$0xFFFFFFD0] =	vst v11  }
0x671: {  	v11 =	vld [tilespmem:s4+$0xFFFFFF10]  }
0x672: {  	v12 =	vld [tilespmem:s4+$0xFFFFFF50];
	_ =	sdelay $0x1  }
0x673: {  	v13 =	vld [tilespmem:s4+$0xFFFFFF90];
	_ =	sdelay $0x1  }
0x674: {  	v11 =	vmul.f32 v11, v10;
	v14 =	vld [tilespmem:s4+$0xFFFFFFD0]  }
0x675: {  	v12 =	vmul.f32 v12, v9  }
0x676: {  	v15 =	vld [tilespmem:s4+$0x10]  }
0x677: {  	v11 =	vadd.f32 v12, v11;
	v12 =	vmul.f32 v13, v7  }
0x678: {  	v13 =	vld [tilespmem:s4+$0x50]  }
0x679: {  	v11 =	vadd.f32 v12, v11;
	v12 =	vmul.f32 v14, v8  }
0x67a: {  	v14 =	vld [tilespmem:s4+$0x90]  }
0x67b: {  	v11 =	vadd.f32 v12, v11;
	v12 =	vmul.f32 v15, v3  }
0x67c: {  	v15 =	vld [tilespmem:s4+$0xD0]  }
0x67d: {  	v11 =	vadd.f32 v12, v11;
	v12 =	vmul.f32 v13, v4;
	_ =	sdelay $0x1  }
0x67e: {  	v11 =	vadd.f32 v12, v11;
	v12 =	vmul.f32 v14, v5;
	_ =	sdelay $0x1  }
0x67f: {  	v11 =	vadd.f32 v12, v11;
	v12 =	vmul.f32 v15, v6;
	_ =	sdelay $0x1  }
0x680: {  	v11 =	vadd.f32 v12, v11;
	_ =	sdelay $0x1  }
0x681: {  	[tilespmem:s7+$0xFFFFFFE0] =	vst v11  }
0x682: {  	v11 =	vld [tilespmem:s4+$0xFFFFFF20]  }
0x683: {  	v12 =	vld [tilespmem:s4+$0xFFFFFF60];
	_ =	sdelay $0x1  }
0x684: {  	v13 =	vld [tilespmem:s4+$0xFFFFFFA0];
	_ =	sdelay $0x1  }
0x685: {  	v11 =	vmul.f32 v11, v10;
	v14 =	vld [tilespmem:s4+$0xFFFFFFE0]  }
0x686: {  	v12 =	vmul.f32 v12, v9  }
0x687: {  	v15 =	vld [tilespmem:s4+$0x20]  }
0x688: {  	v11 =	vadd.f32 v12, v11;
	v12 =	vmul.f32 v13, v7  }
0x689: {  	v13 =	vld [tilespmem:s4+$0x60]  }
0x68a: {  	v11 =	vadd.f32 v12, v11;
	v12 =	vmul.f32 v14, v8  }
0x68b: {  	v14 =	vld [tilespmem:s4+$0xA0]  }
0x68c: {  	v11 =	vadd.f32 v12, v11;
	v12 =	vmul.f32 v15, v3  }
0x68d: {  	v15 =	vld [tilespmem:s4+$0xE0]  }
0x68e: {  	v11 =	vadd.f32 v12, v11;
	v12 =	vmul.f32 v13, v4;
	_ =	sdelay $0x1  }
0x68f: {  	v11 =	vadd.f32 v12, v11;
	v12 =	vmul.f32 v14, v5;
	_ =	sdelay $0x1  }
0x690: {  	v11 =	vadd.f32 v12, v11;
	v12 =	vmul.f32 v15, v6;
	_ =	sdelay $0x1  }
0x691: {  	v11 =	vadd.f32 v12, v11;
	_ =	sdelay $0x1  }
0x692: {  	[tilespmem:s7+$0xFFFFFFF0] =	vst v11  }
0x693: {  	v11 =	vld [tilespmem:s4+$0xFFFFFF30]  }
0x694: {  	v12 =	vld [tilespmem:s4+$0xFFFFFF70]  }
0x695: {  	v14 =	vld [tilespmem:s4+$0xFFFFFFB0]  }
0x696: {  	v15 =	vld [tilespmem:s4+$0xFFFFFFF0]  }
0x697: {  	v13 =	vld [tilespmem:s4+$0x30]  }
0x698: {  	v16 =	vmul.f32 v11, v10;
	v10 =	vld [tilespmem:s4+$0x70]  }
.Ltmp8:
0x699: {  	v9 =	vmul.f32 v12, v9;
	v11 =	vld [tilespmem:s4+$0xB0];
	(pc) =	sbr.rel @p0 .LBB2_18-.Ltmp8, $4  }
0x69a: {  	v17 =	vmov s10;
	v12 =	vld [tilespmem:s4+$0xF0]  }
0x69b: {  	v17 =	vshrl.u32 v17, $0x3;
	v18 =	vmul.f32 v14, v7;
	v16 =	vadd.f32 v9, v16  }
0x69c: {  	v9 =	vshll.u32 v17, v2;
	v8 =	vmul.f32 v15, v8  }
0x69d: {  	s11 =	smov.u32 s9;
	v7 =	vbroadcast v9, $0x0;
	v14 =	vadd.s32 $0x1, v9;
	v15 =	vadd.f32 v18, v16  }
0x69e: {  	_ = 	snop  }
0x69f: {  	v3 =	vmul.f32 v13, v3;
	v8 =	vadd.f32 v8, v15;
	_ =	sdelay $0x1  }
0x6a0: {  	v4 =	vmul.f32 v10, v4;
	v3 =	vadd.f32 v3, v8;
	_ =	sdelay $0x1  }
0x6a1: {  	v3 =	vadd.f32 v4, v3;
	v4 =	vmul.f32 v11, v5;
	_ =	sdelay $0x1  }
0x6a2: {  	v3 =	vadd.f32 v4, v3;
	v4 =	vmul.f32 v12, v6  }
0x6a3: {  	v5 =	vbroadcast v14, $0x0  }
0x6a4: {  	v3 =	vadd.f32 v4, v3  }
0x6a5: {  	v6 =	vadd.s32 $0x2, v9  }
0x6a6: {  	s4 =	sadd.s32 $0x200, s4;
	v4 =	vbroadcast v6, $0x0;
	v6 =	vadd.s32 $0x3, v9;
	[tilespmem:s8+$0x0] =	vst v3  }
0x6a7: {  	v3 =	vbroadcast v6, $0x0;
	v6 =	vld [tilespmem:s4+$0xFFFFFF40]  }
0x6a8: {  	v8 =	vadd.s32 $0x4, v9;
	v7 =	vld.idx.msk [tilespmem:v7+s29+$0x0], $0xffff  }
0x6a9: {  	v8 =	vbroadcast v8, $0x0;
	v5 =	vld.idx.msk [tilespmem:v5+s29+$0x0], $0xffff  }
0x6aa: {  	v10 =	vadd.s32 $0x5, v9;
	v11 =	vld [tilespmem:s4+$0xFFFFFF00]  }
0x6ab: {  	v10 =	vbroadcast v10, $0x0;
	v13 =	vld [tilespmem:s4+$0xFFFFFF80]  }
0x6ac: {  	v12 =	vadd.s32 $0x6, v9;
	v4 =	vld.idx.msk [tilespmem:v4+s29+$0x0], $0xffff  }
0x6ad: {  	v12 =	vbroadcast v12, $0x0;
	v9 =	vadd.s32 $0x7, v9;
	v14 =	vld [tilespmem:s4+$0xFFFFFFC0]  }
0x6ae: {  	v9 =	vbroadcast v9, $0x0;
	v3 =	vld.idx.msk [tilespmem:v3+s29+$0x0], $0xffff  }
0x6af: {  	v8 =	vld.idx.msk [tilespmem:v8+s29+$0x0], $0xffff;
	v11 =	vmul.f32 v11, v7;
	v6 =	vmul.f32 v6, v5  }
0x6b0: {  	v15 =	vld [tilespmem:s4+$0x0]  }
0x6b1: {  	v10 =	vld.idx.msk [tilespmem:v10+s29+$0x0], $0xffff;
	v6 =	vadd.f32 v6, v11;
	v11 =	vmul.f32 v13, v4  }
0x6b2: {  	v13 =	vld [tilespmem:s4+$0x40]  }
0x6b3: {  	v12 =	vld.idx.msk [tilespmem:v12+s29+$0x0], $0xffff;
	v6 =	vadd.f32 v11, v6;
	v11 =	vmul.f32 v14, v3  }
0x6b4: {  	v14 =	vld [tilespmem:s4+$0x80]  }
0x6b5: {  	v9 =	vld.idx.msk [tilespmem:v9+s29+$0x0], $0xffff;
	v6 =	vadd.f32 v11, v6;
	v11 =	vmul.f32 v15, v8  }
0x6b6: {  	v15 =	vld [tilespmem:s4+$0xC0]  }
0x6b7: {  	v6 =	vadd.f32 v11, v6;
	v11 =	vmul.f32 v13, v10;
	_ =	sdelay $0x1  }
0x6b8: {  	v6 =	vadd.f32 v11, v6;
	v11 =	vmul.f32 v14, v12;
	_ =	sdelay $0x1  }
0x6b9: {  	v6 =	vadd.f32 v11, v6;
	v11 =	vmul.f32 v15, v9;
	_ =	sdelay $0x1  }
0x6ba: {  	v6 =	vadd.f32 v11, v6  }
0x6bb: {  	s7 =	sadd.s32 $0x40, s7  }
0x6bc: {  	[tilespmem:s7+$0xFFFFFFD0] =	vst v6  }
0x6bd: {  	v6 =	vld [tilespmem:s4+$0xFFFFFF10]  }
0x6be: {  	v11 =	vld [tilespmem:s4+$0xFFFFFF50];
	_ =	sdelay $0x1  }
0x6bf: {  	v13 =	vld [tilespmem:s4+$0xFFFFFF90];
	_ =	sdelay $0x1  }
0x6c0: {  	v14 =	vld [tilespmem:s4+$0xFFFFFFD0]  }
0x6c1: {  	v6 =	vmul.f32 v6, v7;
	v11 =	vmul.f32 v11, v5  }
0x6c2: {  	v15 =	vld [tilespmem:s4+$0x10]  }
0x6c3: {  	v6 =	vadd.f32 v11, v6;
	v11 =	vmul.f32 v13, v4  }
0x6c4: {  	v13 =	vld [tilespmem:s4+$0x50]  }
0x6c5: {  	v6 =	vadd.f32 v11, v6;
	v11 =	vmul.f32 v14, v3  }
0x6c6: {  	v14 =	vld [tilespmem:s4+$0x90]  }
0x6c7: {  	v6 =	vadd.f32 v11, v6;
	v11 =	vmul.f32 v15, v8  }
0x6c8: {  	v15 =	vld [tilespmem:s4+$0xD0]  }
0x6c9: {  	v6 =	vadd.f32 v11, v6;
	v11 =	vmul.f32 v13, v10;
	_ =	sdelay $0x1  }
0x6ca: {  	v6 =	vadd.f32 v11, v6;
	v11 =	vmul.f32 v14, v12;
	_ =	sdelay $0x1  }
0x6cb: {  	v6 =	vadd.f32 v11, v6;
	v11 =	vmul.f32 v15, v9;
	_ =	sdelay $0x1  }
0x6cc: {  	v6 =	vadd.f32 v11, v6;
	_ =	sdelay $0x1  }
0x6cd: {  	[tilespmem:s7+$0xFFFFFFE0] =	vst v6  }
0x6ce: {  	v6 =	vld [tilespmem:s4+$0xFFFFFF20]  }
0x6cf: {  	v11 =	vld [tilespmem:s4+$0xFFFFFF60];
	_ =	sdelay $0x1  }
0x6d0: {  	v13 =	vld [tilespmem:s4+$0xFFFFFFA0];
	_ =	sdelay $0x1  }
0x6d1: {  	v14 =	vld [tilespmem:s4+$0xFFFFFFE0]  }
0x6d2: {  	v6 =	vmul.f32 v6, v7;
	v11 =	vmul.f32 v11, v5  }
0x6d3: {  	v15 =	vld [tilespmem:s4+$0x20]  }
0x6d4: {  	v6 =	vadd.f32 v11, v6;
	v11 =	vmul.f32 v13, v4  }
0x6d5: {  	v13 =	vld [tilespmem:s4+$0x60]  }
0x6d6: {  	v6 =	vadd.f32 v11, v6;
	v11 =	vmul.f32 v14, v3  }
0x6d7: {  	v14 =	vld [tilespmem:s4+$0xA0]  }
0x6d8: {  	v6 =	vadd.f32 v11, v6;
	v11 =	vmul.f32 v15, v8  }
0x6d9: {  	v15 =	vld [tilespmem:s4+$0xE0]  }
0x6da: {  	v6 =	vadd.f32 v11, v6;
	v11 =	vmul.f32 v13, v10;
	_ =	sdelay $0x1  }
0x6db: {  	v6 =	vadd.f32 v11, v6;
	v11 =	vmul.f32 v14, v12;
	_ =	sdelay $0x1  }
0x6dc: {  	v6 =	vadd.f32 v11, v6;
	v11 =	vmul.f32 v15, v9;
	_ =	sdelay $0x1  }
0x6dd: {  	v6 =	vadd.f32 v11, v6;
	_ =	sdelay $0x1  }
0x6de: {  	[tilespmem:s7+$0xFFFFFFF0] =	vst v6  }
0x6df: {  	v6 =	vld [tilespmem:s4+$0xFFFFFF30]  }
0x6e0: {  	v11 =	vld [tilespmem:s4+$0xFFFFFF70];
	_ =	sdelay $0x1  }
0x6e1: {  	v13 =	vld [tilespmem:s4+$0xFFFFFFB0];
	_ =	sdelay $0x1  }
0x6e2: {  	v14 =	vld [tilespmem:s4+$0xFFFFFFF0]  }
0x6e3: {  	v6 =	vmul.f32 v6, v7;
	v5 =	vmul.f32 v11, v5  }
0x6e4: {  	v7 =	vld [tilespmem:s4+$0x30]  }
0x6e5: {  	v4 =	vmul.f32 v13, v4;
	v5 =	vadd.f32 v5, v6  }
0x6e6: {  	v6 =	vld [tilespmem:s4+$0x70]  }
0x6e7: {  	v3 =	vmul.f32 v14, v3;
	v4 =	vadd.f32 v4, v5  }
0x6e8: {  	v5 =	vld [tilespmem:s4+$0xB0]  }
0x6e9: {  	v3 =	vadd.f32 v3, v4;
	v4 =	vmul.f32 v7, v8  }
0x6ea: {  	v7 =	vld [tilespmem:s4+$0xF0]  }
0x6eb: {  	v3 =	vadd.f32 v4, v3;
	v4 =	vmul.f32 v6, v10;
	_ =	sdelay $0x1  }
0x6ec: {  	v3 =	vadd.f32 v4, v3;
	v4 =	vmul.f32 v5, v12  }
0x6ed: {  	s10 =	simm.s32 $0x700  }
0x6ee: {  	v5 =	vmov s10;
	v3 =	vadd.f32 v4, v3;
	v4 =	vmul.f32 v7, v9  }
0x6ef: {  	v5 =	vshrl.u32 v5, $0x3  }
0x6f0: {  	v3 =	vadd.f32 v4, v3;
	v4 =	vshll.u32 v5, v2  }
0x6f1: {  	v5 =	vbroadcast v4, $0x0;
	v6 =	vadd.s32 $0x1, v4  }
0x6f2: {  	[tilespmem:s7+$0x0] =	vst v3;
	v3 =	vbroadcast v6, $0x0  }
0x6f3: {  	_ =	swait.ge [sflag:s24], $0x4000  }
0x6f4: {  	v6 =	vadd.s32 $0x2, v4;
	[sflag:s24] =	ssyncset.done $0x0  }
0x6f5: {  	s4 =	simm.s32 $0xB540;
	v6 =	vbroadcast v6, $0x0;
	[sflag:s24] =	ssyncadd.s32 $0xFFFFC000  }
0x6f6: {  	v7 =	vadd.s32 $0x3, v4;
	v8 =	vld [tilespmem:s4+$0xFFFFFF40]  }
0x6f7: {  	v7 =	vbroadcast v7, $0x0;
	v10 =	vld.idx.msk [tilespmem:v5+s29+$0x0], $0xffff  }
0x6f8: {  	v9 =	vadd.s32 $0x4, v4;
	v11 =	vld.idx.msk [tilespmem:v3+s29+$0x0], $0xffff  }
0x6f9: {  	v5 =	vadd.s32 $0x5, v4;
	v3 =	vbroadcast v9, $0x0;
	v9 =	vld [tilespmem:s4+$0xFFFFFF00]  }
0x6fa: {  	v13 =	vld [tilespmem:s4+$0xFFFFFF80];
	v5 =	vbroadcast v5, $0x0  }
0x6fb: {  	v12 =	vld.idx.msk [tilespmem:v6+s29+$0x0], $0xffff;
	v6 =	vadd.s32 $0x6, v4  }
0x6fc: {  	v15 =	vld [tilespmem:s4+$0xFFFFFFC0];
	v4 =	vadd.s32 $0x7, v4;
	v6 =	vbroadcast v6, $0x0  }
0x6fd: {  	v7 =	vld.idx.msk [tilespmem:v7+s29+$0x0], $0xffff;
	v14 =	vbroadcast v4, $0x0  }
0x6fe: {  	v16 =	vld [tilespmem:s4+$0x0];
	v9 =	vmul.f32 v9, v10;
	v8 =	vmul.f32 v8, v11  }
0x6ff: {  	v3 =	vld.idx.msk [tilespmem:v3+s29+$0x0], $0xffff  }
0x700: {  	v4 =	vld.idx.msk [tilespmem:v5+s29+$0x0], $0xffff;
	v8 =	vadd.f32 v8, v9;
	v9 =	vmul.f32 v13, v12  }
0x701: {  	v13 =	vld [tilespmem:s4+$0x40]  }
0x702: {  	v5 =	vld.idx.msk [tilespmem:v6+s29+$0x0], $0xffff;
	v8 =	vadd.f32 v9, v8;
	v9 =	vmul.f32 v15, v7  }
0x703: {  	v15 =	vld [tilespmem:s4+$0x80]  }
0x704: {  	v6 =	vld.idx.msk [tilespmem:v14+s29+$0x0], $0xffff;
	v8 =	vadd.f32 v9, v8;
	v9 =	vmul.f32 v16, v3  }
0x705: {  	v14 =	vld [tilespmem:s4+$0xC0]  }
0x706: {  	v8 =	vadd.f32 v9, v8;
	v9 =	vmul.f32 v13, v4;
	_ =	sdelay $0x1  }
0x707: {  	v8 =	vadd.f32 v9, v8;
	v9 =	vmul.f32 v15, v5;
	_ =	sdelay $0x1  }
0x708: {  	v8 =	vadd.f32 v9, v8;
	v9 =	vmul.f32 v14, v6;
	_ =	sdelay $0x1  }
0x709: {  	v8 =	vadd.f32 v9, v8  }
0x70a: {  	s7 =	simm.s32 $0x12C70  }
0x70b: {  	[tilespmem:s7+$0xFFFFFFD0] =	vst v8  }
0x70c: {  	v8 =	vld [tilespmem:s4+$0xFFFFFF10]  }
0x70d: {  	v9 =	vld [tilespmem:s4+$0xFFFFFF50];
	_ =	sdelay $0x1  }
0x70e: {  	v13 =	vld [tilespmem:s4+$0xFFFFFF90];
	_ =	sdelay $0x1  }
0x70f: {  	v14 =	vld [tilespmem:s4+$0xFFFFFFD0]  }
0x710: {  	v8 =	vmul.f32 v8, v10;
	v9 =	vmul.f32 v9, v11  }
0x711: {  	v15 =	vld [tilespmem:s4+$0x10]  }
0x712: {  	v8 =	vadd.f32 v9, v8;
	v9 =	vmul.f32 v13, v12  }
0x713: {  	v13 =	vld [tilespmem:s4+$0x50]  }
0x714: {  	v8 =	vadd.f32 v9, v8;
	v9 =	vmul.f32 v14, v7  }
0x715: {  	v14 =	vld [tilespmem:s4+$0x90]  }
0x716: {  	v8 =	vadd.f32 v9, v8;
	v9 =	vmul.f32 v15, v3  }
0x717: {  	v15 =	vld [tilespmem:s4+$0xD0]  }
0x718: {  	v8 =	vadd.f32 v9, v8;
	v9 =	vmul.f32 v13, v4;
	_ =	sdelay $0x1  }
0x719: {  	v8 =	vadd.f32 v9, v8;
	v9 =	vmul.f32 v14, v5;
	_ =	sdelay $0x1  }
0x71a: {  	v8 =	vadd.f32 v9, v8;
	v9 =	vmul.f32 v15, v6;
	_ =	sdelay $0x1  }
0x71b: {  	v8 =	vadd.f32 v9, v8;
	_ =	sdelay $0x1  }
0x71c: {  	[tilespmem:s7+$0xFFFFFFE0] =	vst v8  }
0x71d: {  	v8 =	vld [tilespmem:s4+$0xFFFFFF20]  }
0x71e: {  	v9 =	vld [tilespmem:s4+$0xFFFFFF60];
	_ =	sdelay $0x1  }
0x71f: {  	v13 =	vld [tilespmem:s4+$0xFFFFFFA0];
	_ =	sdelay $0x1  }
0x720: {  	v14 =	vld [tilespmem:s4+$0xFFFFFFE0]  }
0x721: {  	v8 =	vmul.f32 v8, v10;
	v9 =	vmul.f32 v9, v11  }
0x722: {  	v15 =	vld [tilespmem:s4+$0x20]  }
0x723: {  	v8 =	vadd.f32 v9, v8;
	v9 =	vmul.f32 v13, v12  }
0x724: {  	v13 =	vld [tilespmem:s4+$0x60]  }
0x725: {  	v8 =	vadd.f32 v9, v8;
	v9 =	vmul.f32 v14, v7  }
0x726: {  	v14 =	vld [tilespmem:s4+$0xA0]  }
0x727: {  	v8 =	vadd.f32 v9, v8;
	v9 =	vmul.f32 v15, v3  }
0x728: {  	v15 =	vld [tilespmem:s4+$0xE0]  }
0x729: {  	v8 =	vadd.f32 v9, v8;
	v9 =	vmul.f32 v13, v4;
	_ =	sdelay $0x1  }
0x72a: {  	v8 =	vadd.f32 v9, v8;
	v9 =	vmul.f32 v14, v5;
	_ =	sdelay $0x1  }
0x72b: {  	v8 =	vadd.f32 v9, v8;
	v9 =	vmul.f32 v15, v6;
	_ =	sdelay $0x1  }
0x72c: {  	v8 =	vadd.f32 v9, v8;
	_ =	sdelay $0x1  }
0x72d: {  	[tilespmem:s7+$0xFFFFFFF0] =	vst v8  }
0x72e: {  	v8 =	vld [tilespmem:s4+$0xFFFFFF30]  }
0x72f: {  	v9 =	vld [tilespmem:s4+$0xFFFFFF70];
	_ =	sdelay $0x1  }
0x730: {  	v14 =	vld [tilespmem:s4+$0xFFFFFFB0]  }
0x731: {  	v15 =	vld [tilespmem:s4+$0xFFFFFFF0];
	_ =	sdelay $0x1  }
0x732: {  	s11 =	simm.s32 $0x708;
	v8 =	vmul.f32 v8, v10;
	v9 =	vmul.f32 v9, v11  }
0x733: {  	v13 =	vld [tilespmem:s4+$0x30];
	v11 =	vmov s11  }
0x734: {  	v10 =	vld [tilespmem:s4+$0x70];
	v18 =	vmul.f32 v14, v12;
	v16 =	vshrl.u32 v11, $0x3;
	v17 =	vadd.f32 v9, v8  }
0x735: {  	v12 =	vld [tilespmem:s4+$0xF0];
	v9 =	vshll.u32 v16, v2;
	v8 =	vmul.f32 v15, v7  }
0x736: {  	s8 =	simm.s32 $0x12C70;
	s11 =	simm.s32 $0x710;
	v11 =	vld [tilespmem:s4+$0xB0];
	v7 =	vbroadcast v9, $0x0;
	v14 =	vadd.s32 $0x1, v9;
	v15 =	vadd.f32 v18, v17  }
.LBB2_20:
0x737: {  	s4 =	sadd.s32 $0x200, s4  }
0x738: {  	v14 =	vbroadcast v14, $0x0;
	v16 =	vadd.s32 $0x3, v9;
	v17 =	vadd.s32 $0x4, v9;
	s7 =	sadd.s32 $0x40, s7;
	s10 =	smov.u32 s11;
	s9 =	sadd.s32 $0x8, s11  }
0x739: {  	p0 =	sne.s32 s11, $0x7F8;
	v18 =	vadd.s32 $0x2, v9;
	v3 =	vmul.f32 v13, v3;
	v8 =	vadd.f32 v8, v15  }
0x73a: {  	v13 =	vbroadcast v18, $0x0;
	v15 =	vadd.s32 $0x5, v9;
	v18 =	vadd.s32 $0x6, v9  }
0x73b: {  	v19 =	vadd.s32 $0x7, v9;
	v4 =	vmul.f32 v10, v4;
	v3 =	vadd.f32 v3, v8;
	_ =	sdelay $0x1  }
0x73c: {  	v3 =	vadd.f32 v4, v3;
	v4 =	vmul.f32 v11, v5;
	_ =	sdelay $0x1  }
0x73d: {  	v3 =	vadd.f32 v4, v3;
	v4 =	vmul.f32 v12, v6;
	_ =	sdelay $0x1  }
0x73e: {  	v3 =	vadd.f32 v4, v3;
	_ =	sdelay $0x1  }
0x73f: {  	[tilespmem:s8+$0x0] =	vst v3;
	s8 =	smov.u32 s7  }
0x740: {  	v3 =	vbroadcast v16, $0x0;
	v4 =	vld [tilespmem:s4+$0xFFFFFF40]  }
0x741: {  	v10 =	vld.idx.msk [tilespmem:v7+s29+$0x0], $0xffff  }
0x742: {  	v5 =	vbroadcast v17, $0x0;
	v9 =	vld.idx.msk [tilespmem:v14+s29+$0x0], $0xffff  }
0x743: {  	v6 =	vld [tilespmem:s4+$0xFFFFFF00]  }
0x744: {  	v11 =	vbroadcast v15, $0x0;
	v7 =	vld.idx.msk [tilespmem:v13+s29+$0x0], $0xffff  }
0x745: {  	v12 =	vld [tilespmem:s4+$0xFFFFFF80]  }
0x746: {  	v13 =	vbroadcast v18, $0x0;
	v8 =	vld.idx.msk [tilespmem:v3+s29+$0x0], $0xffff  }
0x747: {  	v14 =	vbroadcast v19, $0x0;
	v15 =	vld [tilespmem:s4+$0xFFFFFFC0]  }
0x748: {  	v3 =	vld.idx.msk [tilespmem:v5+s29+$0x0], $0xffff;
	v5 =	vmul.f32 v6, v10;
	v6 =	vmul.f32 v4, v9  }
0x749: {  	v16 =	vld [tilespmem:s4+$0x0]  }
0x74a: {  	v4 =	vld.idx.msk [tilespmem:v11+s29+$0x0], $0xffff;
	v6 =	vadd.f32 v6, v5;
	v11 =	vmul.f32 v12, v7  }
0x74b: {  	v12 =	vld [tilespmem:s4+$0x40]  }
0x74c: {  	v5 =	vld.idx.msk [tilespmem:v13+s29+$0x0], $0xffff;
	v11 =	vadd.f32 v11, v6;
	v13 =	vmul.f32 v15, v8  }
0x74d: {  	v15 =	vld [tilespmem:s4+$0x80]  }
0x74e: {  	v6 =	vld.idx.msk [tilespmem:v14+s29+$0x0], $0xffff;
	v11 =	vadd.f32 v13, v11;
	v13 =	vmul.f32 v16, v3  }
0x74f: {  	v14 =	vld [tilespmem:s4+$0xC0]  }
0x750: {  	v11 =	vadd.f32 v13, v11;
	v12 =	vmul.f32 v12, v4;
	_ =	sdelay $0x1  }
0x751: {  	v11 =	vadd.f32 v12, v11;
	v12 =	vmul.f32 v15, v5;
	_ =	sdelay $0x1  }
0x752: {  	v11 =	vadd.f32 v12, v11;
	v12 =	vmul.f32 v14, v6;
	_ =	sdelay $0x1  }
0x753: {  	v11 =	vadd.f32 v12, v11;
	_ =	sdelay $0x1  }
0x754: {  	[tilespmem:s7+$0xFFFFFFD0] =	vst v11  }
0x755: {  	v11 =	vld [tilespmem:s4+$0xFFFFFF10]  }
0x756: {  	v12 =	vld [tilespmem:s4+$0xFFFFFF50];
	_ =	sdelay $0x1  }
0x757: {  	v13 =	vld [tilespmem:s4+$0xFFFFFF90];
	_ =	sdelay $0x1  }
0x758: {  	v11 =	vmul.f32 v11, v10;
	v14 =	vld [tilespmem:s4+$0xFFFFFFD0]  }
0x759: {  	v12 =	vmul.f32 v12, v9  }
0x75a: {  	v15 =	vld [tilespmem:s4+$0x10]  }
0x75b: {  	v11 =	vadd.f32 v12, v11;
	v12 =	vmul.f32 v13, v7  }
0x75c: {  	v13 =	vld [tilespmem:s4+$0x50]  }
0x75d: {  	v11 =	vadd.f32 v12, v11;
	v12 =	vmul.f32 v14, v8  }
0x75e: {  	v14 =	vld [tilespmem:s4+$0x90]  }
0x75f: {  	v11 =	vadd.f32 v12, v11;
	v12 =	vmul.f32 v15, v3  }
0x760: {  	v15 =	vld [tilespmem:s4+$0xD0]  }
0x761: {  	v11 =	vadd.f32 v12, v11;
	v12 =	vmul.f32 v13, v4;
	_ =	sdelay $0x1  }
0x762: {  	v11 =	vadd.f32 v12, v11;
	v12 =	vmul.f32 v14, v5;
	_ =	sdelay $0x1  }
0x763: {  	v11 =	vadd.f32 v12, v11;
	v12 =	vmul.f32 v15, v6;
	_ =	sdelay $0x1  }
0x764: {  	v11 =	vadd.f32 v12, v11;
	_ =	sdelay $0x1  }
0x765: {  	[tilespmem:s7+$0xFFFFFFE0] =	vst v11  }
0x766: {  	v11 =	vld [tilespmem:s4+$0xFFFFFF20]  }
0x767: {  	v12 =	vld [tilespmem:s4+$0xFFFFFF60];
	_ =	sdelay $0x1  }
0x768: {  	v13 =	vld [tilespmem:s4+$0xFFFFFFA0];
	_ =	sdelay $0x1  }
0x769: {  	v11 =	vmul.f32 v11, v10;
	v14 =	vld [tilespmem:s4+$0xFFFFFFE0]  }
0x76a: {  	v12 =	vmul.f32 v12, v9  }
0x76b: {  	v15 =	vld [tilespmem:s4+$0x20]  }
0x76c: {  	v11 =	vadd.f32 v12, v11;
	v12 =	vmul.f32 v13, v7  }
0x76d: {  	v13 =	vld [tilespmem:s4+$0x60]  }
0x76e: {  	v11 =	vadd.f32 v12, v11;
	v12 =	vmul.f32 v14, v8  }
0x76f: {  	v14 =	vld [tilespmem:s4+$0xA0]  }
0x770: {  	v11 =	vadd.f32 v12, v11;
	v12 =	vmul.f32 v15, v3  }
0x771: {  	v15 =	vld [tilespmem:s4+$0xE0]  }
0x772: {  	v11 =	vadd.f32 v12, v11;
	v12 =	vmul.f32 v13, v4;
	_ =	sdelay $0x1  }
0x773: {  	v11 =	vadd.f32 v12, v11;
	v12 =	vmul.f32 v14, v5;
	_ =	sdelay $0x1  }
0x774: {  	v11 =	vadd.f32 v12, v11;
	v12 =	vmul.f32 v15, v6;
	_ =	sdelay $0x1  }
0x775: {  	v11 =	vadd.f32 v12, v11;
	_ =	sdelay $0x1  }
0x776: {  	[tilespmem:s7+$0xFFFFFFF0] =	vst v11  }
0x777: {  	v11 =	vld [tilespmem:s4+$0xFFFFFF30]  }
0x778: {  	v12 =	vld [tilespmem:s4+$0xFFFFFF70]  }
0x779: {  	v14 =	vld [tilespmem:s4+$0xFFFFFFB0]  }
0x77a: {  	v15 =	vld [tilespmem:s4+$0xFFFFFFF0]  }
0x77b: {  	v13 =	vld [tilespmem:s4+$0x30]  }
0x77c: {  	v16 =	vmul.f32 v11, v10;
	v10 =	vld [tilespmem:s4+$0x70]  }
.Ltmp9:
0x77d: {  	v9 =	vmul.f32 v12, v9;
	v11 =	vld [tilespmem:s4+$0xB0];
	(pc) =	sbr.rel @p0 .LBB2_20-.Ltmp9, $4  }
0x77e: {  	v17 =	vmov s10;
	v12 =	vld [tilespmem:s4+$0xF0]  }
0x77f: {  	v17 =	vshrl.u32 v17, $0x3;
	v18 =	vmul.f32 v14, v7;
	v16 =	vadd.f32 v9, v16  }
0x780: {  	v9 =	vshll.u32 v17, v2;
	v8 =	vmul.f32 v15, v8  }
0x781: {  	s11 =	smov.u32 s9;
	v7 =	vbroadcast v9, $0x0;
	v14 =	vadd.s32 $0x1, v9;
	v15 =	vadd.f32 v18, v16  }
0x782: {  	_ = 	snop  }
0x783: {  	v3 =	vmul.f32 v13, v3;
	v8 =	vadd.f32 v8, v15;
	_ =	sdelay $0x1  }
0x784: {  	v4 =	vmul.f32 v10, v4;
	v3 =	vadd.f32 v3, v8;
	_ =	sdelay $0x1  }
0x785: {  	v49 =	vmul.f32 v11, v5;
	v3 =	vadd.f32 v4, v3;
	_ =	sdelay $0x1  }
0x786: {  	v50 =	vmul.f32 v12, v6;
	v3 =	vadd.f32 v49, v3  }
0x787: {  	v51 =	vbroadcast v14, $0x0  }
0x788: {  	v52 =	vadd.s32 $0x2, v9;
	v3 =	vadd.f32 v50, v3  }
0x789: {  	v53 =	vbroadcast v52, $0x0  }
0x78a: {  	s4 =	sadd.s32 $0x200, s4;
	[tilespmem:s8+$0x0] =	vst v3  }
0x78b: {  	v54 =	vadd.s32 $0x3, v9;
	v55 =	vld [tilespmem:s4+$0xFFFFFF40]  }
0x78c: {  	v56 =	vadd.s32 $0x4, v9;
	v3 =	vbroadcast v54, $0x0;
	v7 =	vld.idx.msk [tilespmem:v7+s29+$0x0], $0xffff  }
0x78d: {  	v8 =	vbroadcast v56, $0x0;
	v5 =	vld.idx.msk [tilespmem:v51+s29+$0x0], $0xffff  }
0x78e: {  	v57 =	vadd.s32 $0x5, v9;
	v58 =	vld [tilespmem:s4+$0xFFFFFF00]  }
0x78f: {  	v10 =	vbroadcast v57, $0x0;
	v4 =	vld.idx.msk [tilespmem:v53+s29+$0x0], $0xffff  }
0x790: {  	v59 =	vadd.s32 $0x6, v9;
	v60 =	vld [tilespmem:s4+$0xFFFFFF80]  }
0x791: {  	v61 =	vadd.s32 $0x7, v9;
	v12 =	vbroadcast v59, $0x0;
	v62 =	vld [tilespmem:s4+$0xFFFFFFC0]  }
0x792: {  	v9 =	vbroadcast v61, $0x0;
	v3 =	vld.idx.msk [tilespmem:v3+s29+$0x0], $0xffff  }
0x793: {  	v8 =	vld.idx.msk [tilespmem:v8+s29+$0x0], $0xffff;
	v11 =	vmul.f32 v58, v7;
	v6 =	vmul.f32 v55, v5  }
0x794: {  	v63 =	vld [tilespmem:s4+$0x0]  }
0x795: {  	v10 =	vld.idx.msk [tilespmem:v10+s29+$0x0], $0xffff;
	v18 =	vmul.f32 v60, v4;
	v6 =	vadd.f32 v6, v11  }
0x796: {  	v19 =	vld [tilespmem:s4+$0x40]  }
0x797: {  	v12 =	vld.idx.msk [tilespmem:v12+s29+$0x0], $0xffff;
	v6 =	vadd.f32 v18, v6;
	v20 =	vmul.f32 v62, v3  }
0x798: {  	v21 =	vld [tilespmem:s4+$0x80]  }
0x799: {  	v9 =	vld.idx.msk [tilespmem:v9+s29+$0x0], $0xffff;
	v22 =	vmul.f32 v63, v8;
	v6 =	vadd.f32 v20, v6  }
0x79a: {  	v23 =	vld [tilespmem:s4+$0xC0]  }
0x79b: {  	v24 =	vmul.f32 v19, v10;
	v6 =	vadd.f32 v22, v6;
	_ =	sdelay $0x1  }
0x79c: {  	v25 =	vmul.f32 v21, v12;
	v6 =	vadd.f32 v24, v6;
	_ =	sdelay $0x1  }
0x79d: {  	v26 =	vmul.f32 v23, v9;
	v6 =	vadd.f32 v25, v6;
	_ =	sdelay $0x1  }
0x79e: {  	v6 =	vadd.f32 v26, v6  }
0x79f: {  	s7 =	sadd.s32 $0x40, s7  }
0x7a0: {  	[tilespmem:s7+$0xFFFFFFD0] =	vst v6  }
0x7a1: {  	v6 =	vld [tilespmem:s4+$0xFFFFFF10]  }
0x7a2: {  	v27 =	vld [tilespmem:s4+$0xFFFFFF50];
	_ =	sdelay $0x1  }
0x7a3: {  	v28 =	vld [tilespmem:s4+$0xFFFFFF90];
	_ =	sdelay $0x1  }
0x7a4: {  	v29 =	vld [tilespmem:s4+$0xFFFFFFD0]  }
0x7a5: {  	v6 =	vmul.f32 v6, v7;
	v11 =	vmul.f32 v27, v5  }
0x7a6: {  	v30 =	vld [tilespmem:s4+$0x10]  }
0x7a7: {  	v31 =	vmul.f32 v28, v4;
	v6 =	vadd.f32 v11, v6  }
0x7a8: {  	v32 =	vld [tilespmem:s4+$0x50]  }
0x7a9: {  	v33 =	vmul.f32 v29, v3;
	v6 =	vadd.f32 v31, v6  }
0x7aa: {  	v34 =	vld [tilespmem:s4+$0x90]  }
0x7ab: {  	v35 =	vmul.f32 v30, v8;
	v6 =	vadd.f32 v33, v6  }
0x7ac: {  	v36 =	vld [tilespmem:s4+$0xD0]  }
0x7ad: {  	v37 =	vmul.f32 v32, v10;
	v6 =	vadd.f32 v35, v6;
	_ =	sdelay $0x1  }
0x7ae: {  	v38 =	vmul.f32 v34, v12;
	v6 =	vadd.f32 v37, v6;
	_ =	sdelay $0x1  }
0x7af: {  	v39 =	vmul.f32 v36, v9;
	v6 =	vadd.f32 v38, v6;
	_ =	sdelay $0x1  }
0x7b0: {  	v6 =	vadd.f32 v39, v6;
	_ =	sdelay $0x1  }
0x7b1: {  	[tilespmem:s7+$0xFFFFFFE0] =	vst v6  }
0x7b2: {  	v6 =	vld [tilespmem:s4+$0xFFFFFF20]  }
0x7b3: {  	v40 =	vld [tilespmem:s4+$0xFFFFFF60];
	_ =	sdelay $0x1  }
0x7b4: {  	v41 =	vld [tilespmem:s4+$0xFFFFFFA0];
	_ =	sdelay $0x1  }
0x7b5: {  	v42 =	vld [tilespmem:s4+$0xFFFFFFE0]  }
0x7b6: {  	v6 =	vmul.f32 v6, v7;
	v11 =	vmul.f32 v40, v5  }
0x7b7: {  	v43 =	vld [tilespmem:s4+$0x20]  }
0x7b8: {  	v44 =	vmul.f32 v41, v4;
	v6 =	vadd.f32 v11, v6  }
0x7b9: {  	v45 =	vld [tilespmem:s4+$0x60]  }
0x7ba: {  	v46 =	vmul.f32 v42, v3;
	v6 =	vadd.f32 v44, v6  }
0x7bb: {  	v47 =	vld [tilespmem:s4+$0xA0]  }
0x7bc: {  	v48 =	vmul.f32 v43, v8;
	v6 =	vadd.f32 v46, v6  }
0x7bd: {  	v49 =	vld [tilespmem:s4+$0xE0]  }
0x7be: {  	v50 =	vmul.f32 v45, v10;
	v6 =	vadd.f32 v48, v6;
	_ =	sdelay $0x1  }
0x7bf: {  	v51 =	vmul.f32 v47, v12;
	v6 =	vadd.f32 v50, v6;
	_ =	sdelay $0x1  }
0x7c0: {  	v52 =	vmul.f32 v49, v9;
	v6 =	vadd.f32 v51, v6;
	_ =	sdelay $0x1  }
0x7c1: {  	v6 =	vadd.f32 v52, v6;
	_ =	sdelay $0x1  }
0x7c2: {  	[tilespmem:s7+$0xFFFFFFF0] =	vst v6  }
0x7c3: {  	v6 =	vld [tilespmem:s4+$0xFFFFFF30]  }
0x7c4: {  	v53 =	vld [tilespmem:s4+$0xFFFFFF70];
	_ =	sdelay $0x1  }
0x7c5: {  	v54 =	vld [tilespmem:s4+$0xFFFFFFB0];
	_ =	sdelay $0x1  }
0x7c6: {  	v55 =	vld [tilespmem:s4+$0xFFFFFFF0]  }
0x7c7: {  	v6 =	vmul.f32 v6, v7;
	v5 =	vmul.f32 v53, v5  }
0x7c8: {  	v56 =	vld [tilespmem:s4+$0x30]  }
0x7c9: {  	v4 =	vmul.f32 v54, v4;
	v5 =	vadd.f32 v5, v6  }
0x7ca: {  	v57 =	vld [tilespmem:s4+$0x70]  }
0x7cb: {  	v3 =	vmul.f32 v55, v3;
	v4 =	vadd.f32 v4, v5  }
0x7cc: {  	v58 =	vld [tilespmem:s4+$0xB0]  }
0x7cd: {  	v59 =	vmul.f32 v56, v8;
	v3 =	vadd.f32 v3, v4  }
0x7ce: {  	v60 =	vld [tilespmem:s4+$0xF0]  }
0x7cf: {  	v61 =	vmul.f32 v57, v10;
	v3 =	vadd.f32 v59, v3;
	_ =	sdelay $0x1  }
0x7d0: {  	v62 =	vmul.f32 v58, v12;
	v3 =	vadd.f32 v61, v3;
	_ =	sdelay $0x1  }
0x7d1: {  	v63 =	vmul.f32 v60, v9;
	v3 =	vadd.f32 v62, v3;
	_ =	sdelay $0x1  }
0x7d2: {  	s28 =	sadd.s32 $0x1, s28;
	v3 =	vadd.f32 v63, v3  }
0x7d3: {  	p0 =	sne.s32 s28, s15  }
.Ltmp10:
0x7d4: {  	s11 =	simm.s32 $0xF440;
	[tilespmem:s7+$0x0] =	vst v3;
	(pc) =	sbr.rel @p0 .LBB2_1-.Ltmp10, $4  }
0x7d5: {  	[hbm4b:s14+s2] =	stream.linear.scatter [tilespmem:s11], [sflag:$0x6], $0x4000, $0x38;
	[tilespmem:$0x13440] =	vst v63  }
0x7d6: {  	_ =	swait.ge [sflag:s16], $0x4000  }
0x7d7: {  	s9 =	simm.s32 $0x40;
	[sflag:s16] =	ssyncset.done $0x0  }
0x7d8: {  	s10 =	simm.s32 $0x840;
	s11 =	simm.s32 $0x3440;
	[sflag:s16] =	ssyncadd.s32 $0xFFFFC000  }
0x7d9: {  	_ =	sfence.sel $0x180000  }
0x7da: {  	[bflag:$0x0] =	sbarrier.arrive $0xFFFF  }
0x7db: {  	_ =	strace $0x90000047  }
0x7dc: {  	s0 =	stileid.u32;
	[bflag:$0x2] =	sbarrier.arrive $0xFFFF  }
0x7dd: {  	p0 =	sne.s32 s0, $0x0;
	s0 =	rddreg [dreg:$0x2]  }
0x7de: {  	s0 =	sadd.s32 @!p0 $0x100000, s0  }
0x7df: {  	[sflag:s0] =	ssyncadd.tile.s32 @!p0 $0x1;
	_ =	shalt  }
.Lfunc_end2:
_tile_overlayer_lowered:
.L_overlay_start_2:
0x7e0: {  	(tag) =	ssettag $0x2  }
0x7e1: {  	s0 =	rddreg [dreg:$0x0];
	s2 =	stileid.u32  }
0x7e2: {  	s1 =	rddreg [dreg:$0x1];
	p0 =	sne.s32 s2, $0x0  }
0x7e3: {  	s3 =	rddreg [dreg:$0x2];
	[bflag:$0x3] =	sbarrier.arrive $0xFFFF;
	s2 =	simm.s32 @!p0 $0x1C06  }
0x7e4: {  	[timem:s3], [sflag:s2] =	dma.local @!p0 [hbm:s0], s1  }
0x7e5: {  	s0 =	simm.s32 @!p0 $0x6  }
0x7e6: {  	_ =	swait.ge @!p0 [sflag:s0], s1  }
0x7e7: {  	s1 =	ssub.s32 @!p0 $0x0, s1;
	[sflag:s0] =	ssyncset.done @!p0 $0x0  }
0x7e8: {  	[sflag:s0] =	ssyncadd.s32 @!p0 s1  }
0x7e9: {  	[bflag:$0x3] =	sbarrier.arrive $0xFFFF  }
0x7ea: {  	_ =	shalt  }

</sc_bundles>
